<compile_context>
chip_gen: v7x
topology: tpu7x:2x2x1
jax: 0.10.2.dev20260603
libtpu: 0.0.44.dev20260713+nightly
codegen_flags: <defaults>
</compile_context>

<pallas_src>
import functools

import jax
import jax.numpy as jnp
from jax import lax
from jax.experimental import pallas as pl
from jax.experimental.pallas import tpu as pltpu
from jax.experimental.pallas import tpu_sc as plsc

_N = 10000
_E = 160000
_ROWS = 10240
_NSUB = 16
_EPT = _E // _NSUB
_B = 32



def _lay1_body(x_ref, w_ref, bs_ref, bd_ref, ext_ref, adst_ref):
    t = jnp.dot(x_ref[...], w_ref[...], preferred_element_type=jnp.float32)
    asrc = jnp.dot(t, bs_ref[...], preferred_element_type=jnp.float32)
    ext_ref[...] = jnp.concatenate((t, asrc), axis=1)
    adst_ref[...] = jnp.dot(t, bd_ref[...], preferred_element_type=jnp.float32)


def _lay1(x, w, bsrc, bdst, bm=256):
    m, k = x.shape
    n = w.shape[1]
    return pl.pallas_call(
        _lay1_body,
        grid=(m // bm,),
        in_specs=[pl.BlockSpec((bm, k), lambda i: (i, 0)),
                  pl.BlockSpec((k, n), lambda i: (0, 0)),
                  pl.BlockSpec((n, 128), lambda i: (0, 0)),
                  pl.BlockSpec((n, 128), lambda i: (0, 0))],
        out_specs=[pl.BlockSpec((bm, n + 128), lambda i: (i, 0)),
                   pl.BlockSpec((bm, 128), lambda i: (i, 0))],
        out_shape=[jax.ShapeDtypeStruct((m, n + 128), jnp.float32),
                   jax.ShapeDtypeStruct((m, 128), jnp.float32)],
    )(x, w, bsrc, bdst)


def _lay2_body(acc_ref, s_ref, b_ref, w_ref, bs_ref, bd_ref,
               ext_ref, adst_ref):
    a = acc_ref[...]
    dr = jnp.dot(a[:, 1024:1040], s_ref[...],
                 preferred_element_type=jnp.float32) + 1e-16
    t = a[:, :1024] / dr + b_ref[...]
    t = jnp.where(t > 0, t, jnp.exp(jnp.minimum(t, 0.0)) - 1.0)
    h = jnp.dot(t, w_ref[...], preferred_element_type=jnp.float32)
    asrc = jnp.dot(h, bs_ref[...], preferred_element_type=jnp.float32)
    ext_ref[...] = jnp.concatenate((h, asrc), axis=1)
    adst_ref[...] = jnp.dot(h, bd_ref[...], preferred_element_type=jnp.float32)


def _lay2(acc, smat, bias, w, bsrc, bdst, bm=256):
    m = acc.shape[0]
    n = w.shape[1]
    return pl.pallas_call(
        _lay2_body,
        grid=(m // bm,),
        in_specs=[pl.BlockSpec((bm, 1152), lambda i: (i, 0)),
                  pl.BlockSpec((16, 1024), lambda i: (0, 0)),
                  pl.BlockSpec((1, 1024), lambda i: (0, 0)),
                  pl.BlockSpec((1024, n), lambda i: (0, 0)),
                  pl.BlockSpec((n, 128), lambda i: (0, 0)),
                  pl.BlockSpec((n, 128), lambda i: (0, 0))],
        out_specs=[pl.BlockSpec((bm, n + 128), lambda i: (i, 0)),
                   pl.BlockSpec((bm, 128), lambda i: (i, 0))],
        out_shape=[jax.ShapeDtypeStruct((m, n + 128), jnp.float32),
                   jax.ShapeDtypeStruct((m, 128), jnp.float32)],
    )(acc, smat, bias, w, bsrc, bdst)


def _fin_body(acc_ref, b_ref, o_ref):
    a = acc_ref[...]
    dr = a[:, 256:257] + 1e-16
    o_ref[...] = a[:, :256] / dr + b_ref[...]


def _fin(acc, bias, bm=256):
    m = acc.shape[0]
    return pl.pallas_call(
        _fin_body,
        grid=(m // bm,),
        in_specs=[pl.BlockSpec((bm, 384), lambda i: (i, 0)),
                  pl.BlockSpec((1, 256), lambda i: (0, 0))],
        out_specs=pl.BlockSpec((bm, 256), lambda i: (i, 0)),
        out_shape=jax.ShapeDtypeStruct((m, 256), jnp.float32),
    )(acc, bias)



def _make_sc_pass(F, H, CH, NCH):
    fph = F // H
    NS = F // 128 + 1
    mesh = plsc.VectorSubcoreMesh(core_axis_name="c", subcore_axis_name="s")
    wb = CH // _NSUB

    @functools.partial(
        pl.kernel, mesh=mesh,
        compiler_params=pltpu.CompilerParams(needs_layout_passes=False),
        out_type=tuple(jax.ShapeDtypeStruct((_ROWS, 128), jnp.float32)
                       for _ in range(NS)),
        scratch_types=[
            pltpu.VMEM((_EPT,), jnp.int32),
            pltpu.VMEM((_EPT,), jnp.int32),
            pltpu.VMEM((_EPT + 2 * _B,), jnp.int32),
            pltpu.VMEM((_B,), jnp.int32),
            pltpu.VMEM((_B,), jnp.int32),
            pltpu.VMEM((_B,), jnp.int32),
            pltpu.VMEM((_B, 128), jnp.float32),
        ] + [pltpu.VMEM((_B, 128), jnp.float32) for _ in range(NS)]
          + [pltpu.VMEM_SHARED((CH, 128), jnp.float32) for _ in range(NS)]
          + [
            pltpu.SemaphoreType.DMA,
            pltpu.SemaphoreType.DMA,
            pltpu.SemaphoreType.DMA,
        ])
    def sc_pass(src_hbm, dst_hbm, adst_hbm, z_hbm, *rest):
        ext_s = rest[:NS]
        acc_out = rest[NS:2 * NS]
        (src_vm, dst_vm, sel_vm, srci_vm, dsti_vm, dloc_vm,
         adst_vm) = rest[2 * NS:2 * NS + 7]
        rows_s = rest[2 * NS + 7:3 * NS + 7]
        acc_s = rest[3 * NS + 7:4 * NS + 7]
        sem0, sem1, sem2 = rest[4 * NS + 7:]
        cid = lax.axis_index("c")
        sid = lax.axis_index("s")
        ebase = sid * _EPT
        pltpu.sync_copy(src_hbm.at[pl.ds(ebase, _EPT)], src_vm)
        pltpu.sync_copy(dst_hbm.at[pl.ds(ebase, _EPT)], dst_vm)
        iota16 = lax.iota(jnp.int32, 16)
        r0 = sid * wb

        def chunk_body(k, _):
            c0 = (cid * NCH + k) * CH
            for c in range(NS):
                pltpu.sync_copy(z_hbm.at[pl.ds(r0, wb)],
                                acc_s[c].at[pl.ds(r0, wb)])
            plsc.subcore_barrier()

            def fbody(i, cnt):
                d = dst_vm[pl.ds(i * 16, 16)]
                m = (d >= c0) & (d < c0 + CH)
                mi = m.astype(jnp.int32)
                pos = cnt + plsc.cumsum(mi) - 1
                plsc.store_scatter(sel_vm, [pos], iota16 + i * 16, mask=m)
                return cnt + jnp.sum(mi)
            cnt = lax.fori_loop(0, _EPT // 16, fbody, jnp.int32(0))
            for t in range(_B // 16):
                plsc.store_scatter(sel_vm, [cnt + iota16 + t * 16],
                                   jnp.zeros((16,), jnp.int32))
            nb = (cnt + _B - 1) // _B

            def batch_body(j, _):
                base = j * _B
                for g in range(_B // 16):
                    lidx = sel_vm[pl.ds(base + g * 16, 16)]
                    s = plsc.load_gather(src_vm, [lidx])
                    d = plsc.load_gather(dst_vm, [lidx])
                    dl = jnp.minimum(jnp.maximum(d - c0, 0), CH - 1)
                    srci_vm[pl.ds(g * 16, 16)] = s
                    dsti_vm[pl.ds(g * 16, 16)] = d
                    dloc_vm[pl.ds(g * 16, 16)] = dl
                ca = pltpu.async_copy(adst_hbm.at[dsti_vm], adst_vm, sem0)
                gs = [pltpu.async_copy(ext_s[c].at[srci_vm], rows_s[c], sem1)
                      for c in range(NS)]
                ca.wait()
                for g in gs:
                    g.wait()
                wbuf = rows_s[NS - 1]
                for g in range(_B // 16):
                    rowi = iota16 + g * 16
                    valid = (base + rowi) < cnt
                    for hh in range(H):
                        a_s = plsc.load_gather(
                            wbuf, [rowi, jnp.full((16,), hh, jnp.int32)])
                        a_d = plsc.load_gather(
                            adst_vm, [rowi, jnp.full((16,), hh, jnp.int32)])
                        sc = a_s + a_d
                        sc = jnp.where(sc >= 0, sc, 0.2 * sc)
                        wv = jnp.where(valid, jnp.exp(sc), 0.0)
                        plsc.store_scatter(
                            wbuf, [rowi, jnp.full((16,), hh, jnp.int32)], wv)

                @plsc.parallel_loop(0, _B, 1, unroll=4)
                def _scale(b):
                    wrow = wbuf[b, pl.ds(0, 16)]
                    for c in range(NS - 1):
                        wsv = jnp.full((16,), wrow[(c * 128) // fph],
                                       jnp.float32)
                        for jv in range(8):
                            rows_s[c][b, pl.ds(jv * 16, 16)] = (
                                rows_s[c][b, pl.ds(jv * 16, 16)] * wsv)
                ss = [pltpu.async_copy(rows_s[c], acc_s[c].at[dloc_vm], sem2,
                                       add=True)
                      for c in range(NS)]
                for g in ss:
                    g.wait()
                return 0
            lax.fori_loop(0, nb, batch_body, 0)
            plsc.subcore_barrier()

            for c in range(NS):
                pltpu.sync_copy(acc_s[c].at[pl.ds(r0, wb)],
                                acc_out[c].at[pl.ds(c0 + r0, wb)])
            return 0
        lax.fori_loop(0, NCH, chunk_body, 0)

    return sc_pass


_sc_pass_1 = _make_sc_pass(1024, 8, 128, 40)
_sc_pass_2 = _make_sc_pass(256, 1, 512, 10)



def _logit_mats(a_src, a_dst, f_tot, heads):
    fph = f_tot // heads
    bs = jnp.zeros((f_tot, 128), jnp.float32)
    bd = jnp.zeros((f_tot, 128), jnp.float32)
    for h in range(heads):
        bs = bs.at[h * fph:(h + 1) * fph, h].set(a_src[h])
        bd = bd.at[h * fph:(h + 1) * fph, h].set(a_dst[h])
    return bs, bd


def _spread_mat(f_tot, heads):
    fph = f_tot // heads
    s = jnp.zeros((16, f_tot), jnp.float32)
    for h in range(heads):
        s = s.at[h, h * fph:(h + 1) * fph].set(1.0)
    return s


def kernel(x, adj, W1, a_src1, a_dst1, b1, W2, a_src2, a_dst2, b2):
    src = adj[0]
    dst = adj[1]
    bs1, bd1 = _logit_mats(a_src1, a_dst1, 1024, 8)
    bs2, bd2 = _logit_mats(a_src2, a_dst2, 256, 1)
    s1m = _spread_mat(1024, 8)
    z1 = jnp.zeros((128, 128), jnp.float32)
    z2 = jnp.zeros((512, 128), jnp.float32)

    xp = jnp.pad(x, ((0, 10240 - _N), (0, 0)))
    ext1, ad1 = _lay1(xp, W1, bs1, bd1)
    e1s = [ext1[:, c * 128:(c + 1) * 128] for c in range(9)]
    acc1 = jnp.concatenate(
        _sc_pass_1(src, dst, ad1, z1, *e1s), axis=1)
    ext2, ad2 = _lay2(acc1, s1m, b1.reshape(1, -1), W2, bs2, bd2)
    e2s = [ext2[:, c * 128:(c + 1) * 128] for c in range(3)]
    acc2 = jnp.concatenate(
        _sc_pass_2(src, dst, ad2, z2, *e2s), axis=1)
    out = _fin(acc2, b2.reshape(1, -1))
    return out[:_N]

# --- scband reference (transcript-rebuilt; emitter-appended) ---
"""Pipeline reference for scband-gat-2379411882410 (READ-ONLY COPY).

The authoritative reference and input builder live on the scoring server;
editing this copy changes nothing except your own understanding.
"""

import jax, jax.numpy as jnp
import numpy as np

N = 10000
E = 160000
IN_DIM = 256
HID = 128
HEADS = 8
OUT_DIM = 256


def setup_inputs(seed: int = 0) -> dict:
    key = jax.random.key(seed)
    ks = jax.random.split(key, 12)
    x = jax.random.normal(ks[0], (N, IN_DIM), dtype=jnp.float32)
    adj = jax.random.randint(ks[1], (2, E), 0, N, dtype=jnp.int32)
    s1 = 1.0 / np.sqrt(IN_DIM)
    W1 = jax.random.normal(ks[2], (IN_DIM, HEADS * HID), dtype=jnp.float32) * s1
    a_src1 = jax.random.normal(ks[3], (HEADS, HID), dtype=jnp.float32) * s1
    a_dst1 = jax.random.normal(ks[4], (HEADS, HID), dtype=jnp.float32) * s1
    b1 = jnp.zeros((HEADS * HID,), dtype=jnp.float32)
    s2 = 1.0 / np.sqrt(HEADS * HID)
    W2 = jax.random.normal(ks[5], (HEADS * HID, 1 * OUT_DIM), dtype=jnp.float32) * s2
    a_src2 = jax.random.normal(ks[6], (1, OUT_DIM), dtype=jnp.float32) * s2
    a_dst2 = jax.random.normal(ks[7], (1, OUT_DIM), dtype=jnp.float32) * s2
    b2 = jnp.zeros((OUT_DIM,), dtype=jnp.float32)
    return {"x": x, "adj": adj, "W1": W1, "a_src1": a_src1, "a_dst1": a_dst1, "b1": b1,
            "W2": W2, "a_src2": a_src2, "a_dst2": a_dst2, "b2": b2}


def gat_conv(x, adj, W, a_src, a_dst, b, heads):
    n = x.shape[0]
    f_out = W.shape[1] // heads
    h = (x @ W).reshape(n, heads, f_out)
    src, dst = adj[0], adj[1]
    alpha_src = jnp.sum(h * a_src[None, :, :], axis=-1)  # [N, H]
    alpha_dst = jnp.sum(h * a_dst[None, :, :], axis=-1)  # [N, H]
    e = alpha_src[src] + alpha_dst[dst]                   # [E, H]
    e = jax.nn.leaky_relu(e, negative_slope=0.2)
    e_max = jax.ops.segment_max(e, dst, num_segments=n)
    e_max = jax.lax.stop_gradient(jnp.where(jnp.isfinite(e_max), e_max, 0.0))
    e_exp = jnp.exp(e - e_max[dst])
    denom = jax.ops.segment_sum(e_exp, dst, num_segments=n)
    alpha = e_exp / (denom[dst] + 1e-16)                  # [E, H]
    msg = h[src] * alpha[:, :, None]                      # [E, H, F]
    out = jax.ops.segment_sum(msg, dst, num_segments=n)   # [N, H, F]
    out = out.reshape(n, heads * f_out)
    return out + b[None, :]


def reference(x, adj, W1, a_src1, a_dst1, b1, W2, a_src2, a_dst2, b2):
    # eval mode: dropout layers are identity
    h = gat_conv(x, adj, W1, a_src1, a_dst1, b1, HEADS)
    h = jax.nn.elu(h)
    out = gat_conv(h, adj, W2, a_src2, a_dst2, b2, 1)
    return out

if __name__ == "__main__":
    import jax
    _d = setup_inputs()
    print(jax.jit(kernel)(*tuple(_d.values())))

</pallas_src>

<mosaic_0001>
#map = affine_map<(d0, d1) -> (0)>
#map1 = affine_map<(d0, d1) -> (0, 0)>
module attributes {stable_mosaic.version = 14 : i64} {
  func.func @sc_pass(%arg0: i32, %arg1: i32, %arg2: memref<160000xi32, #tpu.memory_space<hbm>>, %arg3: memref<160000xi32, #tpu.memory_space<hbm>>, %arg4: memref<10240x128xf32, #tpu.memory_space<hbm>>, %arg5: memref<128x128xf32, #tpu.memory_space<hbm>>, %arg6: memref<10240x128xf32, #tpu.memory_space<hbm>>, %arg7: memref<10240x128xf32, #tpu.memory_space<hbm>>, %arg8: memref<10240x128xf32, #tpu.memory_space<hbm>>, %arg9: memref<10240x128xf32, #tpu.memory_space<hbm>>, %arg10: memref<10240x128xf32, #tpu.memory_space<hbm>>, %arg11: memref<10240x128xf32, #tpu.memory_space<hbm>>, %arg12: memref<10240x128xf32, #tpu.memory_space<hbm>>, %arg13: memref<10240x128xf32, #tpu.memory_space<hbm>>, %arg14: memref<10240x128xf32, #tpu.memory_space<hbm>>, %arg15: memref<10240x128xf32, #tpu.memory_space<hbm>>, %arg16: memref<10240x128xf32, #tpu.memory_space<hbm>>, %arg17: memref<10240x128xf32, #tpu.memory_space<hbm>>, %arg18: memref<10240x128xf32, #tpu.memory_space<hbm>>, %arg19: memref<10240x128xf32, #tpu.memory_space<hbm>>, %arg20: memref<10240x128xf32, #tpu.memory_space<hbm>>, %arg21: memref<10240x128xf32, #tpu.memory_space<hbm>>, %arg22: memref<10240x128xf32, #tpu.memory_space<hbm>>, %arg23: memref<10240x128xf32, #tpu.memory_space<hbm>>, %arg24: memref<10000xi32, #tpu.memory_space<vmem>>, %arg25: memref<10000xi32, #tpu.memory_space<vmem>>, %arg26: memref<10064xi32, #tpu.memory_space<vmem>>, %arg27: memref<32xi32, #tpu.memory_space<vmem>>, %arg28: memref<32xi32, #tpu.memory_space<vmem>>, %arg29: memref<32xi32, #tpu.memory_space<vmem>>, %arg30: memref<32x128xf32, #tpu.memory_space<vmem>>, %arg31: memref<32x128xf32, #tpu.memory_space<vmem>>, %arg32: memref<32x128xf32, #tpu.memory_space<vmem>>, %arg33: memref<32x128xf32, #tpu.memory_space<vmem>>, %arg34: memref<32x128xf32, #tpu.memory_space<vmem>>, %arg35: memref<32x128xf32, #tpu.memory_space<vmem>>, %arg36: memref<32x128xf32, #tpu.memory_space<vmem>>, %arg37: memref<32x128xf32, #tpu.memory_space<vmem>>, %arg38: memref<32x128xf32, #tpu.memory_space<vmem>>, %arg39: memref<32x128xf32, #tpu.memory_space<vmem>>, %arg40: memref<128x128xf32, #tpu.memory_space<vmem_shared>>, %arg41: memref<128x128xf32, #tpu.memory_space<vmem_shared>>, %arg42: memref<128x128xf32, #tpu.memory_space<vmem_shared>>, %arg43: memref<128x128xf32, #tpu.memory_space<vmem_shared>>, %arg44: memref<128x128xf32, #tpu.memory_space<vmem_shared>>, %arg45: memref<128x128xf32, #tpu.memory_space<vmem_shared>>, %arg46: memref<128x128xf32, #tpu.memory_space<vmem_shared>>, %arg47: memref<128x128xf32, #tpu.memory_space<vmem_shared>>, %arg48: memref<128x128xf32, #tpu.memory_space<vmem_shared>>, %arg49: memref<!tpu.dma_semaphore, #tpu.memory_space<semaphore_mem>>, %arg50: memref<!tpu.dma_semaphore, #tpu.memory_space<semaphore_mem>>, %arg51: memref<!tpu.dma_semaphore, #tpu.memory_space<semaphore_mem>>) attributes {dimension_semantics = [#tpu.dimension_semantics<core_parallel>, #tpu.dimension_semantics<subcore_parallel>], iteration_bounds = array<i64: 2, 16>, scalar_prefetch = 0 : i64, scratch_operands = 28 : i64, tpu.core_type = #tpu.core_type<sc_vector_subcore>, window_params = [{transform_indices = #map}, {transform_indices = #map}, {transform_indices = #map1}, {transform_indices = #map1}, {transform_indices = #map1}, {transform_indices = #map1}, {transform_indices = #map1}, {transform_indices = #map1}, {transform_indices = #map1}, {transform_indices = #map1}, {transform_indices = #map1}, {transform_indices = #map1}, {transform_indices = #map1}, {transform_indices = #map1}, {transform_indices = #map1}, {transform_indices = #map1}, {transform_indices = #map1}, {transform_indices = #map1}, {transform_indices = #map1}, {transform_indices = #map1}, {transform_indices = #map1}, {transform_indices = #map1}]} {
    %mul3A = arith.constant 10000 : i32
    %mul3A_0 = arith.muli %arg1, %mul3A : i32
    "tpu.region"() ({
      %run_scoped3A = tpu.sem_alloc : memref<!tpu.dma_semaphore, #tpu.memory_space<semaphore_mem>>
      %dma_start3A = tpu.memref_slice %arg2[%mul3A_0] : memref<160000xi32, #tpu.memory_space<hbm>> -> memref<10000xi32, #tpu.memory_space<hbm>>
      %dma_start3A_9 = tpu.memref_slice %arg2[%mul3A_0] : memref<160000xi32, #tpu.memory_space<hbm>> -> memref<10000xi32, #tpu.memory_space<hbm>>
      tpu.enqueue_dma source(%dma_start3A_9 : memref<10000xi32, #tpu.memory_space<hbm>>) target(%arg24 : memref<10000xi32, #tpu.memory_space<vmem>>) target_semaphore(%run_scoped3A : memref<!tpu.dma_semaphore, #tpu.memory_space<semaphore_mem>>)
      %dma_wait3A = tpu.memref_slice %arg2[%mul3A_0] : memref<160000xi32, #tpu.memory_space<hbm>> -> memref<10000xi32, #tpu.memory_space<hbm>>
      %dma_wait3A_10 = tpu.memref_slice %arg2[%mul3A_0] : memref<160000xi32, #tpu.memory_space<hbm>> -> memref<10000xi32, #tpu.memory_space<hbm>>
      tpu.wait_dma2 semaphore(%run_scoped3A : memref<!tpu.dma_semaphore, #tpu.memory_space<semaphore_mem>>) src(%dma_wait3A_10 : memref<10000xi32, #tpu.memory_space<hbm>>) dst(%arg24 : memref<10000xi32, #tpu.memory_space<vmem>>)
      tpu.yield
    }) : () -> ()
    "tpu.region"() ({
      %run_scoped3A = tpu.sem_alloc : memref<!tpu.dma_semaphore, #tpu.memory_space<semaphore_mem>>
      %dma_start3A = tpu.memref_slice %arg3[%mul3A_0] : memref<160000xi32, #tpu.memory_space<hbm>> -> memref<10000xi32, #tpu.memory_space<hbm>>
      %dma_start3A_9 = tpu.memref_slice %arg3[%mul3A_0] : memref<160000xi32, #tpu.memory_space<hbm>> -> memref<10000xi32, #tpu.memory_space<hbm>>
      tpu.enqueue_dma source(%dma_start3A_9 : memref<10000xi32, #tpu.memory_space<hbm>>) target(%arg25 : memref<10000xi32, #tpu.memory_space<vmem>>) target_semaphore(%run_scoped3A : memref<!tpu.dma_semaphore, #tpu.memory_space<semaphore_mem>>)
      %dma_wait3A = tpu.memref_slice %arg3[%mul3A_0] : memref<160000xi32, #tpu.memory_space<hbm>> -> memref<10000xi32, #tpu.memory_space<hbm>>
      %dma_wait3A_10 = tpu.memref_slice %arg3[%mul3A_0] : memref<160000xi32, #tpu.memory_space<hbm>> -> memref<10000xi32, #tpu.memory_space<hbm>>
      tpu.wait_dma2 semaphore(%run_scoped3A : memref<!tpu.dma_semaphore, #tpu.memory_space<semaphore_mem>>) src(%dma_wait3A_10 : memref<10000xi32, #tpu.memory_space<hbm>>) dst(%arg25 : memref<10000xi32, #tpu.memory_space<vmem>>)
      tpu.yield
    }) : () -> ()
    %iota3A = tpu.iota {dimensions = array<i32: 0>} : vector<16xi32>
    %mul3A_1 = arith.constant 8 : i32
    %mul3A_2 = arith.muli %arg1, %mul3A_1 : i32
    %scan3A = arith.constant 0 : i32
    %scan3A_3 = arith.constant 0 : i32
    %scan3A_4 = arith.constant 40 : i32
    %scan3A_5 = arith.addi %scan3A_3, %scan3A_4 : i32
    %scan3A_6 = arith.constant 1 : i32
    %scan3A_7 = scf.for %scan3A_9 = %scan3A_3 to %scan3A_5 step %scan3A_6 iter_args(%scan3A_10 = %scan3A) -> (i32)  : i32 {
      %mul3A_11 = arith.constant 40 : i32
      %mul3A_12 = arith.muli %arg0, %mul3A_11 : i32
      %add3A = arith.addi %mul3A_12, %scan3A_9 : i32
      %mul3A_13 = arith.constant 128 : i32
      %mul3A_14 = arith.muli %add3A, %mul3A_13 : i32
      "tpu.region"() ({
        %run_scoped3A = tpu.sem_alloc : memref<!tpu.dma_semaphore, #tpu.memory_space<semaphore_mem>>
        %dma_start3A = arith.constant 0 : i32
        %dma_start3A_77 = tpu.memref_slice %arg40[%mul3A_2, %dma_start3A] : memref<128x128xf32, #tpu.memory_space<vmem_shared>> -> memref<8x128xf32, #tpu.memory_space<vmem_shared>>
        %dma_start3A_78 = arith.constant 0 : i32
        %dma_start3A_79 = tpu.memref_slice %arg5[%mul3A_2, %dma_start3A_78] : memref<128x128xf32, #tpu.memory_space<hbm>> -> memref<8x128xf32, #tpu.memory_space<hbm>>
        tpu.enqueue_dma source(%dma_start3A_79 : memref<8x128xf32, #tpu.memory_space<hbm>>) target(%dma_start3A_77 : memref<8x128xf32, #tpu.memory_space<vmem_shared>>) target_semaphore(%run_scoped3A : memref<!tpu.dma_semaphore, #tpu.memory_space<semaphore_mem>>)
        %dma_wait3A = arith.constant 0 : i32
        %dma_wait3A_80 = tpu.memref_slice %arg40[%mul3A_2, %dma_wait3A] : memref<128x128xf32, #tpu.memory_space<vmem_shared>> -> memref<8x128xf32, #tpu.memory_space<vmem_shared>>
        %dma_wait3A_81 = arith.constant 0 : i32
        %dma_wait3A_82 = tpu.memref_slice %arg5[%mul3A_2, %dma_wait3A_81] : memref<128x128xf32, #tpu.memory_space<hbm>> -> memref<8x128xf32, #tpu.memory_space<hbm>>
        tpu.wait_dma2 semaphore(%run_scoped3A : memref<!tpu.dma_semaphore, #tpu.memory_space<semaphore_mem>>) src(%dma_wait3A_82 : memref<8x128xf32, #tpu.memory_space<hbm>>) dst(%dma_wait3A_80 : memref<8x128xf32, #tpu.memory_space<vmem_shared>>)
        tpu.yield
      }) : () -> ()
      "tpu.region"() ({
        %run_scoped3A = tpu.sem_alloc : memref<!tpu.dma_semaphore, #tpu.memory_space<semaphore_mem>>
        %dma_start3A = arith.constant 0 : i32
        %dma_start3A_77 = tpu.memref_slice %arg41[%mul3A_2, %dma_start3A] : memref<128x128xf32, #tpu.memory_space<vmem_shared>> -> memref<8x128xf32, #tpu.memory_space<vmem_shared>>
        %dma_start3A_78 = arith.constant 0 : i32
        %dma_start3A_79 = tpu.memref_slice %arg5[%mul3A_2, %dma_start3A_78] : memref<128x128xf32, #tpu.memory_space<hbm>> -> memref<8x128xf32, #tpu.memory_space<hbm>>
        tpu.enqueue_dma source(%dma_start3A_79 : memref<8x128xf32, #tpu.memory_space<hbm>>) target(%dma_start3A_77 : memref<8x128xf32, #tpu.memory_space<vmem_shared>>) target_semaphore(%run_scoped3A : memref<!tpu.dma_semaphore, #tpu.memory_space<semaphore_mem>>)
        %dma_wait3A = arith.constant 0 : i32
        %dma_wait3A_80 = tpu.memref_slice %arg41[%mul3A_2, %dma_wait3A] : memref<128x128xf32, #tpu.memory_space<vmem_shared>> -> memref<8x128xf32, #tpu.memory_space<vmem_shared>>
        %dma_wait3A_81 = arith.constant 0 : i32
        %dma_wait3A_82 = tpu.memref_slice %arg5[%mul3A_2, %dma_wait3A_81] : memref<128x128xf32, #tpu.memory_space<hbm>> -> memref<8x128xf32, #tpu.memory_space<hbm>>
        tpu.wait_dma2 semaphore(%run_scoped3A : memref<!tpu.dma_semaphore, #tpu.memory_space<semaphore_mem>>) src(%dma_wait3A_82 : memref<8x128xf32, #tpu.memory_space<hbm>>) dst(%dma_wait3A_80 : memref<8x128xf32, #tpu.memory_space<vmem_shared>>)
        tpu.yield
      }) : () -> ()
      "tpu.region"() ({
        %run_scoped3A = tpu.sem_alloc : memref<!tpu.dma_semaphore, #tpu.memory_space<semaphore_mem>>
        %dma_start3A = arith.constant 0 : i32
        %dma_start3A_77 = tpu.memref_slice %arg42[%mul3A_2, %dma_start3A] : memref<128x128xf32, #tpu.memory_space<vmem_shared>> -> memref<8x128xf32, #tpu.memory_space<vmem_shared>>
        %dma_start3A_78 = arith.constant 0 : i32
        %dma_start3A_79 = tpu.memref_slice %arg5[%mul3A_2, %dma_start3A_78] : memref<128x128xf32, #tpu.memory_space<hbm>> -> memref<8x128xf32, #tpu.memory_space<hbm>>
        tpu.enqueue_dma source(%dma_start3A_79 : memref<8x128xf32, #tpu.memory_space<hbm>>) target(%dma_start3A_77 : memref<8x128xf32, #tpu.memory_space<vmem_shared>>) target_semaphore(%run_scoped3A : memref<!tpu.dma_semaphore, #tpu.memory_space<semaphore_mem>>)
        %dma_wait3A = arith.constant 0 : i32
        %dma_wait3A_80 = tpu.memref_slice %arg42[%mul3A_2, %dma_wait3A] : memref<128x128xf32, #tpu.memory_space<vmem_shared>> -> memref<8x128xf32, #tpu.memory_space<vmem_shared>>
        %dma_wait3A_81 = arith.constant 0 : i32
        %dma_wait3A_82 = tpu.memref_slice %arg5[%mul3A_2, %dma_wait3A_81] : memref<128x128xf32, #tpu.memory_space<hbm>> -> memref<8x128xf32, #tpu.memory_space<hbm>>
        tpu.wait_dma2 semaphore(%run_scoped3A : memref<!tpu.dma_semaphore, #tpu.memory_space<semaphore_mem>>) src(%dma_wait3A_82 : memref<8x128xf32, #tpu.memory_space<hbm>>) dst(%dma_wait3A_80 : memref<8x128xf32, #tpu.memory_space<vmem_shared>>)
        tpu.yield
      }) : () -> ()
      "tpu.region"() ({
        %run_scoped3A = tpu.sem_alloc : memref<!tpu.dma_semaphore, #tpu.memory_space<semaphore_mem>>
        %dma_start3A = arith.constant 0 : i32
        %dma_start3A_77 = tpu.memref_slice %arg43[%mul3A_2, %dma_start3A] : memref<128x128xf32, #tpu.memory_space<vmem_shared>> -> memref<8x128xf32, #tpu.memory_space<vmem_shared>>
        %dma_start3A_78 = arith.constant 0 : i32
        %dma_start3A_79 = tpu.memref_slice %arg5[%mul3A_2, %dma_start3A_78] : memref<128x128xf32, #tpu.memory_space<hbm>> -> memref<8x128xf32, #tpu.memory_space<hbm>>
        tpu.enqueue_dma source(%dma_start3A_79 : memref<8x128xf32, #tpu.memory_space<hbm>>) target(%dma_start3A_77 : memref<8x128xf32, #tpu.memory_space<vmem_shared>>) target_semaphore(%run_scoped3A : memref<!tpu.dma_semaphore, #tpu.memory_space<semaphore_mem>>)
        %dma_wait3A = arith.constant 0 : i32
        %dma_wait3A_80 = tpu.memref_slice %arg43[%mul3A_2, %dma_wait3A] : memref<128x128xf32, #tpu.memory_space<vmem_shared>> -> memref<8x128xf32, #tpu.memory_space<vmem_shared>>
        %dma_wait3A_81 = arith.constant 0 : i32
        %dma_wait3A_82 = tpu.memref_slice %arg5[%mul3A_2, %dma_wait3A_81] : memref<128x128xf32, #tpu.memory_space<hbm>> -> memref<8x128xf32, #tpu.memory_space<hbm>>
        tpu.wait_dma2 semaphore(%run_scoped3A : memref<!tpu.dma_semaphore, #tpu.memory_space<semaphore_mem>>) src(%dma_wait3A_82 : memref<8x128xf32, #tpu.memory_space<hbm>>) dst(%dma_wait3A_80 : memref<8x128xf32, #tpu.memory_space<vmem_shared>>)
        tpu.yield
      }) : () -> ()
      "tpu.region"() ({
        %run_scoped3A = tpu.sem_alloc : memref<!tpu.dma_semaphore, #tpu.memory_space<semaphore_mem>>
        %dma_start3A = arith.constant 0 : i32
        %dma_start3A_77 = tpu.memref_slice %arg44[%mul3A_2, %dma_start3A] : memref<128x128xf32, #tpu.memory_space<vmem_shared>> -> memref<8x128xf32, #tpu.memory_space<vmem_shared>>
        %dma_start3A_78 = arith.constant 0 : i32
        %dma_start3A_79 = tpu.memref_slice %arg5[%mul3A_2, %dma_start3A_78] : memref<128x128xf32, #tpu.memory_space<hbm>> -> memref<8x128xf32, #tpu.memory_space<hbm>>
        tpu.enqueue_dma source(%dma_start3A_79 : memref<8x128xf32, #tpu.memory_space<hbm>>) target(%dma_start3A_77 : memref<8x128xf32, #tpu.memory_space<vmem_shared>>) target_semaphore(%run_scoped3A : memref<!tpu.dma_semaphore, #tpu.memory_space<semaphore_mem>>)
        %dma_wait3A = arith.constant 0 : i32
        %dma_wait3A_80 = tpu.memref_slice %arg44[%mul3A_2, %dma_wait3A] : memref<128x128xf32, #tpu.memory_space<vmem_shared>> -> memref<8x128xf32, #tpu.memory_space<vmem_shared>>
        %dma_wait3A_81 = arith.constant 0 : i32
        %dma_wait3A_82 = tpu.memref_slice %arg5[%mul3A_2, %dma_wait3A_81] : memref<128x128xf32, #tpu.memory_space<hbm>> -> memref<8x128xf32, #tpu.memory_space<hbm>>
        tpu.wait_dma2 semaphore(%run_scoped3A : memref<!tpu.dma_semaphore, #tpu.memory_space<semaphore_mem>>) src(%dma_wait3A_82 : memref<8x128xf32, #tpu.memory_space<hbm>>) dst(%dma_wait3A_80 : memref<8x128xf32, #tpu.memory_space<vmem_shared>>)
        tpu.yield
      }) : () -> ()
      "tpu.region"() ({
        %run_scoped3A = tpu.sem_alloc : memref<!tpu.dma_semaphore, #tpu.memory_space<semaphore_mem>>
        %dma_start3A = arith.constant 0 : i32
        %dma_start3A_77 = tpu.memref_slice %arg45[%mul3A_2, %dma_start3A] : memref<128x128xf32, #tpu.memory_space<vmem_shared>> -> memref<8x128xf32, #tpu.memory_space<vmem_shared>>
        %dma_start3A_78 = arith.constant 0 : i32
        %dma_start3A_79 = tpu.memref_slice %arg5[%mul3A_2, %dma_start3A_78] : memref<128x128xf32, #tpu.memory_space<hbm>> -> memref<8x128xf32, #tpu.memory_space<hbm>>
        tpu.enqueue_dma source(%dma_start3A_79 : memref<8x128xf32, #tpu.memory_space<hbm>>) target(%dma_start3A_77 : memref<8x128xf32, #tpu.memory_space<vmem_shared>>) target_semaphore(%run_scoped3A : memref<!tpu.dma_semaphore, #tpu.memory_space<semaphore_mem>>)
        %dma_wait3A = arith.constant 0 : i32
        %dma_wait3A_80 = tpu.memref_slice %arg45[%mul3A_2, %dma_wait3A] : memref<128x128xf32, #tpu.memory_space<vmem_shared>> -> memref<8x128xf32, #tpu.memory_space<vmem_shared>>
        %dma_wait3A_81 = arith.constant 0 : i32
        %dma_wait3A_82 = tpu.memref_slice %arg5[%mul3A_2, %dma_wait3A_81] : memref<128x128xf32, #tpu.memory_space<hbm>> -> memref<8x128xf32, #tpu.memory_space<hbm>>
        tpu.wait_dma2 semaphore(%run_scoped3A : memref<!tpu.dma_semaphore, #tpu.memory_space<semaphore_mem>>) src(%dma_wait3A_82 : memref<8x128xf32, #tpu.memory_space<hbm>>) dst(%dma_wait3A_80 : memref<8x128xf32, #tpu.memory_space<vmem_shared>>)
        tpu.yield
      }) : () -> ()
      "tpu.region"() ({
        %run_scoped3A = tpu.sem_alloc : memref<!tpu.dma_semaphore, #tpu.memory_space<semaphore_mem>>
        %dma_start3A = arith.constant 0 : i32
        %dma_start3A_77 = tpu.memref_slice %arg46[%mul3A_2, %dma_start3A] : memref<128x128xf32, #tpu.memory_space<vmem_shared>> -> memref<8x128xf32, #tpu.memory_space<vmem_shared>>
        %dma_start3A_78 = arith.constant 0 : i32
        %dma_start3A_79 = tpu.memref_slice %arg5[%mul3A_2, %dma_start3A_78] : memref<128x128xf32, #tpu.memory_space<hbm>> -> memref<8x128xf32, #tpu.memory_space<hbm>>
        tpu.enqueue_dma source(%dma_start3A_79 : memref<8x128xf32, #tpu.memory_space<hbm>>) target(%dma_start3A_77 : memref<8x128xf32, #tpu.memory_space<vmem_shared>>) target_semaphore(%run_scoped3A : memref<!tpu.dma_semaphore, #tpu.memory_space<semaphore_mem>>)
        %dma_wait3A = arith.constant 0 : i32
        %dma_wait3A_80 = tpu.memref_slice %arg46[%mul3A_2, %dma_wait3A] : memref<128x128xf32, #tpu.memory_space<vmem_shared>> -> memref<8x128xf32, #tpu.memory_space<vmem_shared>>
        %dma_wait3A_81 = arith.constant 0 : i32
        %dma_wait3A_82 = tpu.memref_slice %arg5[%mul3A_2, %dma_wait3A_81] : memref<128x128xf32, #tpu.memory_space<hbm>> -> memref<8x128xf32, #tpu.memory_space<hbm>>
        tpu.wait_dma2 semaphore(%run_scoped3A : memref<!tpu.dma_semaphore, #tpu.memory_space<semaphore_mem>>) src(%dma_wait3A_82 : memref<8x128xf32, #tpu.memory_space<hbm>>) dst(%dma_wait3A_80 : memref<8x128xf32, #tpu.memory_space<vmem_shared>>)
        tpu.yield
      }) : () -> ()
      "tpu.region"() ({
        %run_scoped3A = tpu.sem_alloc : memref<!tpu.dma_semaphore, #tpu.memory_space<semaphore_mem>>
        %dma_start3A = arith.constant 0 : i32
        %dma_start3A_77 = tpu.memref_slice %arg47[%mul3A_2, %dma_start3A] : memref<128x128xf32, #tpu.memory_space<vmem_shared>> -> memref<8x128xf32, #tpu.memory_space<vmem_shared>>
        %dma_start3A_78 = arith.constant 0 : i32
        %dma_start3A_79 = tpu.memref_slice %arg5[%mul3A_2, %dma_start3A_78] : memref<128x128xf32, #tpu.memory_space<hbm>> -> memref<8x128xf32, #tpu.memory_space<hbm>>
        tpu.enqueue_dma source(%dma_start3A_79 : memref<8x128xf32, #tpu.memory_space<hbm>>) target(%dma_start3A_77 : memref<8x128xf32, #tpu.memory_space<vmem_shared>>) target_semaphore(%run_scoped3A : memref<!tpu.dma_semaphore, #tpu.memory_space<semaphore_mem>>)
        %dma_wait3A = arith.constant 0 : i32
        %dma_wait3A_80 = tpu.memref_slice %arg47[%mul3A_2, %dma_wait3A] : memref<128x128xf32, #tpu.memory_space<vmem_shared>> -> memref<8x128xf32, #tpu.memory_space<vmem_shared>>
        %dma_wait3A_81 = arith.constant 0 : i32
        %dma_wait3A_82 = tpu.memref_slice %arg5[%mul3A_2, %dma_wait3A_81] : memref<128x128xf32, #tpu.memory_space<hbm>> -> memref<8x128xf32, #tpu.memory_space<hbm>>
        tpu.wait_dma2 semaphore(%run_scoped3A : memref<!tpu.dma_semaphore, #tpu.memory_space<semaphore_mem>>) src(%dma_wait3A_82 : memref<8x128xf32, #tpu.memory_space<hbm>>) dst(%dma_wait3A_80 : memref<8x128xf32, #tpu.memory_space<vmem_shared>>)
        tpu.yield
      }) : () -> ()
      "tpu.region"() ({
        %run_scoped3A = tpu.sem_alloc : memref<!tpu.dma_semaphore, #tpu.memory_space<semaphore_mem>>
        %dma_start3A = arith.constant 0 : i32
        %dma_start3A_77 = tpu.memref_slice %arg48[%mul3A_2, %dma_start3A] : memref<128x128xf32, #tpu.memory_space<vmem_shared>> -> memref<8x128xf32, #tpu.memory_space<vmem_shared>>
        %dma_start3A_78 = arith.constant 0 : i32
        %dma_start3A_79 = tpu.memref_slice %arg5[%mul3A_2, %dma_start3A_78] : memref<128x128xf32, #tpu.memory_space<hbm>> -> memref<8x128xf32, #tpu.memory_space<hbm>>
        tpu.enqueue_dma source(%dma_start3A_79 : memref<8x128xf32, #tpu.memory_space<hbm>>) target(%dma_start3A_77 : memref<8x128xf32, #tpu.memory_space<vmem_shared>>) target_semaphore(%run_scoped3A : memref<!tpu.dma_semaphore, #tpu.memory_space<semaphore_mem>>)
        %dma_wait3A = arith.constant 0 : i32
        %dma_wait3A_80 = tpu.memref_slice %arg48[%mul3A_2, %dma_wait3A] : memref<128x128xf32, #tpu.memory_space<vmem_shared>> -> memref<8x128xf32, #tpu.memory_space<vmem_shared>>
        %dma_wait3A_81 = arith.constant 0 : i32
        %dma_wait3A_82 = tpu.memref_slice %arg5[%mul3A_2, %dma_wait3A_81] : memref<128x128xf32, #tpu.memory_space<hbm>> -> memref<8x128xf32, #tpu.memory_space<hbm>>
        tpu.wait_dma2 semaphore(%run_scoped3A : memref<!tpu.dma_semaphore, #tpu.memory_space<semaphore_mem>>) src(%dma_wait3A_82 : memref<8x128xf32, #tpu.memory_space<hbm>>) dst(%dma_wait3A_80 : memref<8x128xf32, #tpu.memory_space<vmem_shared>>)
        tpu.yield
      }) : () -> ()
      %barrier3A = arith.constant 0 : index
      tpu.barrier barrier_id(%barrier3A)
      %scan3A_15 = arith.constant 0 : i32
      %scan3A_16 = arith.constant 0 : i32
      %scan3A_17 = arith.constant 625 : i32
      %scan3A_18 = arith.addi %scan3A_16, %scan3A_17 : i32
      %scan3A_19 = arith.constant 1 : i32
      %scan3A_20 = scf.for %scan3A_77 = %scan3A_16 to %scan3A_18 step %scan3A_19 iter_args(%scan3A_78 = %scan3A_15) -> (i32)  : i32 {
        %mul3A_79 = arith.constant 16 : i32
        %mul3A_80 = arith.muli %scan3A_77, %mul3A_79 : i32
        %get3A = arith.index_cast %mul3A_80 : i32 to index
        %get3A_81 = tpu.vector_load %arg25[%get3A] {strides = array<i32>} : memref<10000xi32, #tpu.memory_space<vmem>>, vector<16xi32>,
        %ge3A = vector.broadcast %mul3A_14 : i32 to vector<16xi32>
        %ge3A_82 = arith.cmpi sge, %get3A_81, %ge3A : vector<16xi32>
        %add3A_83 = arith.constant 128 : i32
        %add3A_84 = arith.addi %mul3A_14, %add3A_83 : i32
        %lt3A = vector.broadcast %add3A_84 : i32 to vector<16xi32>
        %lt3A_85 = arith.cmpi slt, %get3A_81, %lt3A : vector<16xi32>
        %and3A_86 = arith.andi %ge3A_82, %lt3A_85 : vector<16xi1>
        %convert_element_type3A = arith.extui %and3A_86 : vector<16xi1> to vector<16xi32>
        %broadcast_in_dim3A_87 = arith.constant true
        %broadcast_in_dim3A_88 = vector.broadcast %broadcast_in_dim3A_87 : i1 to vector<16xi1>
        %masked_cumsum3A = tpu.scan <sum>, %convert_element_type3A masked %broadcast_in_dim3A_88 : vector<16xi32>, vector<16xi1> -> vector<16xi32>
        %add3A_89 = vector.broadcast %scan3A_78 : i32 to vector<16xi32>
        %add3A_90 = arith.addi %add3A_89, %masked_cumsum3A : vector<16xi32>
        %sub3A_91 = arith.constant 1 : i32
        %sub3A_92 = vector.broadcast %sub3A_91 : i32 to vector<16xi32>
        %sub3A_93 = arith.subi %add3A_90, %sub3A_92 : vector<16xi32>
        %mul3A_94 = arith.constant 16 : i32
        %mul3A_95 = arith.muli %scan3A_77, %mul3A_94 : i32
        %add3A_96 = vector.broadcast %mul3A_95 : i32 to vector<16xi32>
        %add3A_97 = arith.addi %iota3A, %add3A_96 : vector<16xi32>
        tpu.vector_store_idx %arg26[%sub3A_93], %add3A_97 masked %and3A_86 : memref<10064xi32, #tpu.memory_space<vmem>>[vector<16xi32>], vector<16xi32>, vector<16xi1>
        %reduce_sum3A = arith.constant true
        %reduce_sum3A_98 = vector.broadcast %reduce_sum3A : i1 to vector<16xi1>
        %reduce_sum3A_99 = tpu.scan <sum>, %convert_element_type3A masked %reduce_sum3A_98 : vector<16xi32>, vector<16xi1> -> vector<16xi32>
        %reduce_sum3A_100 = vector.extract %reduce_sum3A_99[15] : i32 from vector<16xi32>
        %add3A_101 = arith.addi %scan3A_78, %reduce_sum3A_100 : i32
        scf.yield %add3A_101 : i32
      }
      %scan3A_21 = arith.constant 625 : i32
      %add3A_22 = vector.broadcast %scan3A_20 : i32 to vector<16xi32>
      %add3A_23 = arith.addi %add3A_22, %iota3A : vector<16xi32>
      %add3A_24 = arith.constant 0 : i32
      %add3A_25 = vector.broadcast %add3A_24 : i32 to vector<16xi32>
      %add3A_26 = arith.addi %add3A_23, %add3A_25 : vector<16xi32>
      %broadcast_in_dim3A = arith.constant 0 : i32
      %broadcast_in_dim3A_27 = vector.broadcast %broadcast_in_dim3A : i32 to vector<16xi32>
      tpu.vector_store_idx %arg26[%add3A_26], %broadcast_in_dim3A_27 : memref<10064xi32, #tpu.memory_space<vmem>>[vector<16xi32>], vector<16xi32>,
      %add3A_28 = vector.broadcast %scan3A_20 : i32 to vector<16xi32>
      %add3A_29 = arith.addi %add3A_28, %iota3A : vector<16xi32>
      %add3A_30 = arith.constant 16 : i32
      %add3A_31 = vector.broadcast %add3A_30 : i32 to vector<16xi32>
      %add3A_32 = arith.addi %add3A_29, %add3A_31 : vector<16xi32>
      %broadcast_in_dim3A_33 = arith.constant 0 : i32
      %broadcast_in_dim3A_34 = vector.broadcast %broadcast_in_dim3A_33 : i32 to vector<16xi32>
      tpu.vector_store_idx %arg26[%add3A_32], %broadcast_in_dim3A_34 : memref<10064xi32, #tpu.memory_space<vmem>>[vector<16xi32>], vector<16xi32>,
      %add3A_35 = arith.constant 32 : i32
      %add3A_36 = arith.addi %scan3A_20, %add3A_35 : i32
      %sub3A = arith.constant 1 : i32
      %sub3A_37 = arith.subi %add3A_36, %sub3A : i32
      %jit3A = arith.constant 32 : i32
      %div3A = arith.divsi %sub3A_37, %jit3A : i32
      %sign3A = arith.constant 0 : i32
      %sign3A_38 = arith.cmpi sgt, %sub3A_37, %sign3A : i32
      %sign3A_39 = arith.extui %sign3A_38 : i1 to i32
      %sign3A_40 = arith.constant 0 : i32
      %sign3A_41 = arith.cmpi slt, %sub3A_37, %sign3A_40 : i32
      %sign3A_42 = arith.extui %sign3A_41 : i1 to i32
      %sign3A_43 = arith.subi %sign3A_39, %sign3A_42 : i32
      %sign3A_44 = arith.constant 0 : i32
      %sign3A_45 = arith.cmpi sgt, %jit3A, %sign3A_44 : i32
      %sign3A_46 = arith.extui %sign3A_45 : i1 to i32
      %sign3A_47 = arith.constant 0 : i32
      %sign3A_48 = arith.cmpi slt, %jit3A, %sign3A_47 : i32
      %sign3A_49 = arith.extui %sign3A_48 : i1 to i32
      %sign3A_50 = arith.subi %sign3A_46, %sign3A_49 : i32
      %ne3A = arith.cmpi ne, %sign3A_43, %sign3A_50 : i32
      %rem3A = arith.remsi %sub3A_37, %jit3A : i32
      %ne3A_51 = arith.constant 0 : i32
      %ne3A_52 = arith.cmpi ne, %rem3A, %ne3A_51 : i32
      %and3A = arith.andi %ne3A, %ne3A_52 : i1
      %sub3A_53 = arith.constant 1 : i32
      %sub3A_54 = arith.subi %div3A, %sub3A_53 : i32
      %select_n3A = arith.select %and3A, %sub3A_54, %div3A : i32
      %while3A = arith.constant 0 : i32
      %while3A_55 = arith.constant 0 : i32
      %while3A_56 = arith.subi %select_n3A, %while3A : i32
      %while3A_57 = arith.addi %while3A, %while3A_56 : i32
      %while3A_58 = arith.constant 1 : i32
      %while3A_59 = arith.divsi %while3A_56, %while3A_58 : i32
      %while3A_60 = arith.muli %while3A_59, %while3A_58 : i32
      %while3A_61 = arith.addi %while3A, %while3A_60 : i32
      %while3A_62 = arith.constant 1 : i32
      %while3A_63 = scf.for %while3A_77 = %while3A to %while3A_61 step %while3A_62 iter_args(%while3A_78 = %while3A_55) -> (i32)  : i32 {
        %mul3A_79 = arith.constant 32 : i32
        %mul3A_80 = arith.muli %while3A_77, %mul3A_79 : i32
        %add3A_81 = arith.constant 0 : i32
        %add3A_82 = arith.addi %mul3A_80, %add3A_81 : i32
        %get3A = arith.index_cast %add3A_82 : i32 to index
        %get3A_83 = tpu.vector_load %arg26[%get3A] {strides = array<i32>} : memref<10064xi32, #tpu.memory_space<vmem>>, vector<16xi32>,
        %gather3A = tpu.vector_load_idx %arg24[%get3A_83] : memref<10000xi32, #tpu.memory_space<vmem>>[vector<16xi32>], vector<16xi32>,
        %gather3A_84 = tpu.vector_load_idx %arg25[%get3A_83] : memref<10000xi32, #tpu.memory_space<vmem>>[vector<16xi32>], vector<16xi32>,
        %sub3A_85 = vector.broadcast %mul3A_14 : i32 to vector<16xi32>
        %sub3A_86 = arith.subi %gather3A_84, %sub3A_85 : vector<16xi32>
        %max3A = arith.constant 0 : i32
        %max3A_87 = vector.broadcast %max3A : i32 to vector<16xi32>
        %max3A_88 = arith.maxsi %sub3A_86, %max3A_87 : vector<16xi32>
        %min3A = arith.constant 127 : i32
        %min3A_89 = vector.broadcast %min3A : i32 to vector<16xi32>
        %min3A_90 = arith.minsi %max3A_88, %min3A_89 : vector<16xi32>
        %swap3A = arith.constant 0 : index
        %swap3A_91 = tpu.vector_load %arg27[%swap3A] {strides = array<i32>} : memref<32xi32, #tpu.memory_space<vmem>>, vector<16xi32>,
        tpu.vector_store %arg27[%swap3A], %gather3A {strides = array<i32>} : memref<32xi32, #tpu.memory_space<vmem>>, vector<16xi32>,
        %swap3A_92 = arith.constant 0 : index
        %swap3A_93 = tpu.vector_load %arg28[%swap3A_92] {strides = array<i32>} : memref<32xi32, #tpu.memory_space<vmem>>, vector<16xi32>,
        tpu.vector_store %arg28[%swap3A_92], %gather3A_84 {strides = array<i32>} : memref<32xi32, #tpu.memory_space<vmem>>, vector<16xi32>,
        %swap3A_94 = arith.constant 0 : index
        %swap3A_95 = tpu.vector_load %arg29[%swap3A_94] {strides = array<i32>} : memref<32xi32, #tpu.memory_space<vmem>>, vector<16xi32>,
        tpu.vector_store %arg29[%swap3A_94], %min3A_90 {strides = array<i32>} : memref<32xi32, #tpu.memory_space<vmem>>, vector<16xi32>,
        %add3A_96 = arith.constant 16 : i32
        %add3A_97 = arith.addi %mul3A_80, %add3A_96 : i32
        %get3A_98 = arith.index_cast %add3A_97 : i32 to index
        %get3A_99 = tpu.vector_load %arg26[%get3A_98] {strides = array<i32>} : memref<10064xi32, #tpu.memory_space<vmem>>, vector<16xi32>,
        %gather3A_100 = tpu.vector_load_idx %arg24[%get3A_99] : memref<10000xi32, #tpu.memory_space<vmem>>[vector<16xi32>], vector<16xi32>,
        %gather3A_101 = tpu.vector_load_idx %arg25[%get3A_99] : memref<10000xi32, #tpu.memory_space<vmem>>[vector<16xi32>], vector<16xi32>,
        %sub3A_102 = vector.broadcast %mul3A_14 : i32 to vector<16xi32>
        %sub3A_103 = arith.subi %gather3A_101, %sub3A_102 : vector<16xi32>
        %max3A_104 = arith.constant 0 : i32
        %max3A_105 = vector.broadcast %max3A_104 : i32 to vector<16xi32>
        %max3A_106 = arith.maxsi %sub3A_103, %max3A_105 : vector<16xi32>
        %min3A_107 = arith.constant 127 : i32
        %min3A_108 = vector.broadcast %min3A_107 : i32 to vector<16xi32>
        %min3A_109 = arith.minsi %max3A_106, %min3A_108 : vector<16xi32>
        %swap3A_110 = arith.constant 16 : index
        %swap3A_111 = tpu.vector_load %arg27[%swap3A_110] {strides = array<i32>} : memref<32xi32, #tpu.memory_space<vmem>>, vector<16xi32>,
        tpu.vector_store %arg27[%swap3A_110], %gather3A_100 {strides = array<i32>} : memref<32xi32, #tpu.memory_space<vmem>>, vector<16xi32>,
        %swap3A_112 = arith.constant 16 : index
        %swap3A_113 = tpu.vector_load %arg28[%swap3A_112] {strides = array<i32>} : memref<32xi32, #tpu.memory_space<vmem>>, vector<16xi32>,
        tpu.vector_store %arg28[%swap3A_112], %gather3A_101 {strides = array<i32>} : memref<32xi32, #tpu.memory_space<vmem>>, vector<16xi32>,
        %swap3A_114 = arith.constant 16 : index
        %swap3A_115 = tpu.vector_load %arg29[%swap3A_114] {strides = array<i32>} : memref<32xi32, #tpu.memory_space<vmem>>, vector<16xi32>,
        tpu.vector_store %arg29[%swap3A_114], %min3A_109 {strides = array<i32>} : memref<32xi32, #tpu.memory_space<vmem>>, vector<16xi32>,
        %dma_start3A = arith.constant 0 : i32
        %dma_start3A_116 = arith.constant 0 : i32
        %dma_start3A_117 = tpu.memref_slice %arg4[%dma_start3A, %dma_start3A_116] : memref<10240x128xf32, #tpu.memory_space<hbm>> -> memref<10240x128xf32, #tpu.memory_space<hbm>>
        tpu.enqueue_indirect_dma source(%dma_start3A_117 : memref<10240x128xf32, #tpu.memory_space<hbm>>) target(%arg30 : memref<32x128xf32, #tpu.memory_space<vmem>>) offsets(%arg28 : memref<32xi32, #tpu.memory_space<vmem>>) semaphore(%arg49 : memref<!tpu.dma_semaphore, #tpu.memory_space<semaphore_mem>>)
        %dma_start3A_118 = arith.constant 0 : i32
        %dma_start3A_119 = arith.constant 0 : i32
        %dma_start3A_120 = tpu.memref_slice %arg6[%dma_start3A_118, %dma_start3A_119] : memref<10240x128xf32, #tpu.memory_space<hbm>> -> memref<10240x128xf32, #tpu.memory_space<hbm>>
        tpu.enqueue_indirect_dma source(%dma_start3A_120 : memref<10240x128xf32, #tpu.memory_space<hbm>>) target(%arg31 : memref<32x128xf32, #tpu.memory_space<vmem>>) offsets(%arg27 : memref<32xi32, #tpu.memory_space<vmem>>) semaphore(%arg50 : memref<!tpu.dma_semaphore, #tpu.memory_space<semaphore_mem>>)
        %dma_start3A_121 = arith.constant 0 : i32
        %dma_start3A_122 = arith.constant 0 : i32
        %dma_start3A_123 = tpu.memref_slice %arg7[%dma_start3A_121, %dma_start3A_122] : memref<10240x128xf32, #tpu.memory_space<hbm>> -> memref<10240x128xf32, #tpu.memory_space<hbm>>
        tpu.enqueue_indirect_dma source(%dma_start3A_123 : memref<10240x128xf32, #tpu.memory_space<hbm>>) target(%arg32 : memref<32x128xf32, #tpu.memory_space<vmem>>) offsets(%arg27 : memref<32xi32, #tpu.memory_space<vmem>>) semaphore(%arg50 : memref<!tpu.dma_semaphore, #tpu.memory_space<semaphore_mem>>)
        %dma_start3A_124 = arith.constant 0 : i32
        %dma_start3A_125 = arith.constant 0 : i32
        %dma_start3A_126 = tpu.memref_slice %arg8[%dma_start3A_124, %dma_start3A_125] : memref<10240x128xf32, #tpu.memory_space<hbm>> -> memref<10240x128xf32, #tpu.memory_space<hbm>>
        tpu.enqueue_indirect_dma source(%dma_start3A_126 : memref<10240x128xf32, #tpu.memory_space<hbm>>) target(%arg33 : memref<32x128xf32, #tpu.memory_space<vmem>>) offsets(%arg27 : memref<32xi32, #tpu.memory_space<vmem>>) semaphore(%arg50 : memref<!tpu.dma_semaphore, #tpu.memory_space<semaphore_mem>>)
        %dma_start3A_127 = arith.constant 0 : i32
        %dma_start3A_128 = arith.constant 0 : i32
        %dma_start3A_129 = tpu.memref_slice %arg9[%dma_start3A_127, %dma_start3A_128] : memref<10240x128xf32, #tpu.memory_space<hbm>> -> memref<10240x128xf32, #tpu.memory_space<hbm>>
        tpu.enqueue_indirect_dma source(%dma_start3A_129 : memref<10240x128xf32, #tpu.memory_space<hbm>>) target(%arg34 : memref<32x128xf32, #tpu.memory_space<vmem>>) offsets(%arg27 : memref<32xi32, #tpu.memory_space<vmem>>) semaphore(%arg50 : memref<!tpu.dma_semaphore, #tpu.memory_space<semaphore_mem>>)
        %dma_start3A_130 = arith.constant 0 : i32
        %dma_start3A_131 = arith.constant 0 : i32
        %dma_start3A_132 = tpu.memref_slice %arg10[%dma_start3A_130, %dma_start3A_131] : memref<10240x128xf32, #tpu.memory_space<hbm>> -> memref<10240x128xf32, #tpu.memory_space<hbm>>
        tpu.enqueue_indirect_dma source(%dma_start3A_132 : memref<10240x128xf32, #tpu.memory_space<hbm>>) target(%arg35 : memref<32x128xf32, #tpu.memory_space<vmem>>) offsets(%arg27 : memref<32xi32, #tpu.memory_space<vmem>>) semaphore(%arg50 : memref<!tpu.dma_semaphore, #tpu.memory_space<semaphore_mem>>)
        %dma_start3A_133 = arith.constant 0 : i32
        %dma_start3A_134 = arith.constant 0 : i32
        %dma_start3A_135 = tpu.memref_slice %arg11[%dma_start3A_133, %dma_start3A_134] : memref<10240x128xf32, #tpu.memory_space<hbm>> -> memref<10240x128xf32, #tpu.memory_space<hbm>>
        tpu.enqueue_indirect_dma source(%dma_start3A_135 : memref<10240x128xf32, #tpu.memory_space<hbm>>) target(%arg36 : memref<32x128xf32, #tpu.memory_space<vmem>>) offsets(%arg27 : memref<32xi32, #tpu.memory_space<vmem>>) semaphore(%arg50 : memref<!tpu.dma_semaphore, #tpu.memory_space<semaphore_mem>>)
        %dma_start3A_136 = arith.constant 0 : i32
        %dma_start3A_137 = arith.constant 0 : i32
        %dma_start3A_138 = tpu.memref_slice %arg12[%dma_start3A_136, %dma_start3A_137] : memref<10240x128xf32, #tpu.memory_space<hbm>> -> memref<10240x128xf32, #tpu.memory_space<hbm>>
        tpu.enqueue_indirect_dma source(%dma_start3A_138 : memref<10240x128xf32, #tpu.memory_space<hbm>>) target(%arg37 : memref<32x128xf32, #tpu.memory_space<vmem>>) offsets(%arg27 : memref<32xi32, #tpu.memory_space<vmem>>) semaphore(%arg50 : memref<!tpu.dma_semaphore, #tpu.memory_space<semaphore_mem>>)
        %dma_start3A_139 = arith.constant 0 : i32
        %dma_start3A_140 = arith.constant 0 : i32
        %dma_start3A_141 = tpu.memref_slice %arg13[%dma_start3A_139, %dma_start3A_140] : memref<10240x128xf32, #tpu.memory_space<hbm>> -> memref<10240x128xf32, #tpu.memory_space<hbm>>
        tpu.enqueue_indirect_dma source(%dma_start3A_141 : memref<10240x128xf32, #tpu.memory_space<hbm>>) target(%arg38 : memref<32x128xf32, #tpu.memory_space<vmem>>) offsets(%arg27 : memref<32xi32, #tpu.memory_space<vmem>>) semaphore(%arg50 : memref<!tpu.dma_semaphore, #tpu.memory_space<semaphore_mem>>)
        %dma_start3A_142 = arith.constant 0 : i32
        %dma_start3A_143 = arith.constant 0 : i32
        %dma_start3A_144 = tpu.memref_slice %arg14[%dma_start3A_142, %dma_start3A_143] : memref<10240x128xf32, #tpu.memory_space<hbm>> -> memref<10240x128xf32, #tpu.memory_space<hbm>>
        tpu.enqueue_indirect_dma source(%dma_start3A_144 : memref<10240x128xf32, #tpu.memory_space<hbm>>) target(%arg39 : memref<32x128xf32, #tpu.memory_space<vmem>>) offsets(%arg27 : memref<32xi32, #tpu.memory_space<vmem>>) semaphore(%arg50 : memref<!tpu.dma_semaphore, #tpu.memory_space<semaphore_mem>>)
        %dma_wait3A = arith.constant 0 : i32
        %dma_wait3A_145 = arith.constant 0 : i32
        %dma_wait3A_146 = tpu.memref_slice %arg4[%dma_wait3A, %dma_wait3A_145] : memref<10240x128xf32, #tpu.memory_space<hbm>> -> memref<10240x128xf32, #tpu.memory_space<hbm>>
        tpu.wait_indirect_dma semaphore(%arg49 : memref<!tpu.dma_semaphore, #tpu.memory_space<semaphore_mem>>) src(%dma_wait3A_146 : memref<10240x128xf32, #tpu.memory_space<hbm>>) dst(%arg30 : memref<32x128xf32, #tpu.memory_space<vmem>>)
        %dma_wait3A_147 = arith.constant 0 : i32
        %dma_wait3A_148 = arith.constant 0 : i32
        %dma_wait3A_149 = tpu.memref_slice %arg6[%dma_wait3A_147, %dma_wait3A_148] : memref<10240x128xf32, #tpu.memory_space<hbm>> -> memref<10240x128xf32, #tpu.memory_space<hbm>>
        tpu.wait_indirect_dma semaphore(%arg50 : memref<!tpu.dma_semaphore, #tpu.memory_space<semaphore_mem>>) src(%dma_wait3A_149 : memref<10240x128xf32, #tpu.memory_space<hbm>>) dst(%arg31 : memref<32x128xf32, #tpu.memory_space<vmem>>)
        %dma_wait3A_150 = arith.constant 0 : i32
        %dma_wait3A_151 = arith.constant 0 : i32
        %dma_wait3A_152 = tpu.memref_slice %arg7[%dma_wait3A_150, %dma_wait3A_151] : memref<10240x128xf32, #tpu.memory_space<hbm>> -> memref<10240x128xf32, #tpu.memory_space<hbm>>
        tpu.wait_indirect_dma semaphore(%arg50 : memref<!tpu.dma_semaphore, #tpu.memory_space<semaphore_mem>>) src(%dma_wait3A_152 : memref<10240x128xf32, #tpu.memory_space<hbm>>) dst(%arg32 : memref<32x128xf32, #tpu.memory_space<vmem>>)
        %dma_wait3A_153 = arith.constant 0 : i32
        %dma_wait3A_154 = arith.constant 0 : i32
        %dma_wait3A_155 = tpu.memref_slice %arg8[%dma_wait3A_153, %dma_wait3A_154] : memref<10240x128xf32, #tpu.memory_space<hbm>> -> memref<10240x128xf32, #tpu.memory_space<hbm>>
        tpu.wait_indirect_dma semaphore(%arg50 : memref<!tpu.dma_semaphore, #tpu.memory_space<semaphore_mem>>) src(%dma_wait3A_155 : memref<10240x128xf32, #tpu.memory_space<hbm>>) dst(%arg33 : memref<32x128xf32, #tpu.memory_space<vmem>>)
        %dma_wait3A_156 = arith.constant 0 : i32
        %dma_wait3A_157 = arith.constant 0 : i32
        %dma_wait3A_158 = tpu.memref_slice %arg9[%dma_wait3A_156, %dma_wait3A_157] : memref<10240x128xf32, #tpu.memory_space<hbm>> -> memref<10240x128xf32, #tpu.memory_space<hbm>>
        tpu.wait_indirect_dma semaphore(%arg50 : memref<!tpu.dma_semaphore, #tpu.memory_space<semaphore_mem>>) src(%dma_wait3A_158 : memref<10240x128xf32, #tpu.memory_space<hbm>>) dst(%arg34 : memref<32x128xf32, #tpu.memory_space<vmem>>)
        %dma_wait3A_159 = arith.constant 0 : i32
        %dma_wait3A_160 = arith.constant 0 : i32
        %dma_wait3A_161 = tpu.memref_slice %arg10[%dma_wait3A_159, %dma_wait3A_160] : memref<10240x128xf32, #tpu.memory_space<hbm>> -> memref<10240x128xf32, #tpu.memory_space<hbm>>
        tpu.wait_indirect_dma semaphore(%arg50 : memref<!tpu.dma_semaphore, #tpu.memory_space<semaphore_mem>>) src(%dma_wait3A_161 : memref<10240x128xf32, #tpu.memory_space<hbm>>) dst(%arg35 : memref<32x128xf32, #tpu.memory_space<vmem>>)
        %dma_wait3A_162 = arith.constant 0 : i32
        %dma_wait3A_163 = arith.constant 0 : i32
        %dma_wait3A_164 = tpu.memref_slice %arg11[%dma_wait3A_162, %dma_wait3A_163] : memref<10240x128xf32, #tpu.memory_space<hbm>> -> memref<10240x128xf32, #tpu.memory_space<hbm>>
        tpu.wait_indirect_dma semaphore(%arg50 : memref<!tpu.dma_semaphore, #tpu.memory_space<semaphore_mem>>) src(%dma_wait3A_164 : memref<10240x128xf32, #tpu.memory_space<hbm>>) dst(%arg36 : memref<32x128xf32, #tpu.memory_space<vmem>>)
        %dma_wait3A_165 = arith.constant 0 : i32
        %dma_wait3A_166 = arith.constant 0 : i32
        %dma_wait3A_167 = tpu.memref_slice %arg12[%dma_wait3A_165, %dma_wait3A_166] : memref<10240x128xf32, #tpu.memory_space<hbm>> -> memref<10240x128xf32, #tpu.memory_space<hbm>>
        tpu.wait_indirect_dma semaphore(%arg50 : memref<!tpu.dma_semaphore, #tpu.memory_space<semaphore_mem>>) src(%dma_wait3A_167 : memref<10240x128xf32, #tpu.memory_space<hbm>>) dst(%arg37 : memref<32x128xf32, #tpu.memory_space<vmem>>)
        %dma_wait3A_168 = arith.constant 0 : i32
        %dma_wait3A_169 = arith.constant 0 : i32
        %dma_wait3A_170 = tpu.memref_slice %arg13[%dma_wait3A_168, %dma_wait3A_169] : memref<10240x128xf32, #tpu.memory_space<hbm>> -> memref<10240x128xf32, #tpu.memory_space<hbm>>
        tpu.wait_indirect_dma semaphore(%arg50 : memref<!tpu.dma_semaphore, #tpu.memory_space<semaphore_mem>>) src(%dma_wait3A_170 : memref<10240x128xf32, #tpu.memory_space<hbm>>) dst(%arg38 : memref<32x128xf32, #tpu.memory_space<vmem>>)
        %dma_wait3A_171 = arith.constant 0 : i32
        %dma_wait3A_172 = arith.constant 0 : i32
        %dma_wait3A_173 = tpu.memref_slice %arg14[%dma_wait3A_171, %dma_wait3A_172] : memref<10240x128xf32, #tpu.memory_space<hbm>> -> memref<10240x128xf32, #tpu.memory_space<hbm>>
        tpu.wait_indirect_dma semaphore(%arg50 : memref<!tpu.dma_semaphore, #tpu.memory_space<semaphore_mem>>) src(%dma_wait3A_173 : memref<10240x128xf32, #tpu.memory_space<hbm>>) dst(%arg39 : memref<32x128xf32, #tpu.memory_space<vmem>>)
        %add3A_174 = arith.constant 0 : i32
        %add3A_175 = vector.broadcast %add3A_174 : i32 to vector<16xi32>
        %add3A_176 = arith.addi %iota3A, %add3A_175 : vector<16xi32>
        %add3A_177 = vector.broadcast %mul3A_80 : i32 to vector<16xi32>
        %add3A_178 = arith.addi %add3A_177, %add3A_176 : vector<16xi32>
        %lt3A = vector.broadcast %scan3A_20 : i32 to vector<16xi32>
        %lt3A_179 = arith.cmpi slt, %add3A_178, %lt3A : vector<16xi32>
        %broadcast_in_dim3A_180 = arith.constant 0 : i32
        %broadcast_in_dim3A_181 = vector.broadcast %broadcast_in_dim3A_180 : i32 to vector<16xi32>
        %gather3A_182 = tpu.vector_load_idx %arg39[%add3A_176, %broadcast_in_dim3A_181] : memref<32x128xf32, #tpu.memory_space<vmem>>[vector<16xi32>, vector<16xi32>], vector<16xf32>,
        %broadcast_in_dim3A_183 = arith.constant 0 : i32
        %broadcast_in_dim3A_184 = vector.broadcast %broadcast_in_dim3A_183 : i32 to vector<16xi32>
        %gather3A_185 = tpu.vector_load_idx %arg30[%add3A_176, %broadcast_in_dim3A_184] : memref<32x128xf32, #tpu.memory_space<vmem>>[vector<16xi32>, vector<16xi32>], vector<16xf32>,
        %add3A_186 = arith.addf %gather3A_182, %gather3A_185 : vector<16xf32>
        %ge3A = arith.constant 0.000000e+00 : f32
        %ge3A_187 = vector.broadcast %ge3A : f32 to vector<16xf32>
        %ge3A_188 = arith.cmpf oge, %add3A_186, %ge3A_187 : vector<16xf32>
        %mul3A_189 = arith.constant 2.000000e-01 : f32
        %mul3A_190 = vector.broadcast %mul3A_189 : f32 to vector<16xf32>
        %mul3A_191 = arith.mulf %mul3A_190, %add3A_186 : vector<16xf32>
        %select_n3A_192 = arith.select %ge3A_188, %add3A_186, %mul3A_191 : vector<16xi1>, vector<16xf32>
        %exp3A = math.exp %select_n3A_192 : vector<16xf32>
        %jit3A_193 = arith.constant 0.000000e+00 : f32
        %broadcast_in_dim3A_194 = vector.broadcast %jit3A_193 : f32 to vector<16xf32>
        %select_n3A_195 = arith.select %lt3A_179, %exp3A, %broadcast_in_dim3A_194 : vector<16xi1>, vector<16xf32>
        %broadcast_in_dim3A_196 = arith.constant 0 : i32
        %broadcast_in_dim3A_197 = vector.broadcast %broadcast_in_dim3A_196 : i32 to vector<16xi32>
        tpu.vector_store_idx %arg39[%add3A_176, %broadcast_in_dim3A_197], %select_n3A_195 : memref<32x128xf32, #tpu.memory_space<vmem>>[vector<16xi32>, vector<16xi32>], vector<16xf32>,
        %broadcast_in_dim3A_198 = arith.constant 1 : i32
        %broadcast_in_dim3A_199 = vector.broadcast %broadcast_in_dim3A_198 : i32 to vector<16xi32>
        %gather3A_200 = tpu.vector_load_idx %arg39[%add3A_176, %broadcast_in_dim3A_199] : memref<32x128xf32, #tpu.memory_space<vmem>>[vector<16xi32>, vector<16xi32>], vector<16xf32>,
        %broadcast_in_dim3A_201 = arith.constant 1 : i32
        %broadcast_in_dim3A_202 = vector.broadcast %broadcast_in_dim3A_201 : i32 to vector<16xi32>
        %gather3A_203 = tpu.vector_load_idx %arg30[%add3A_176, %broadcast_in_dim3A_202] : memref<32x128xf32, #tpu.memory_space<vmem>>[vector<16xi32>, vector<16xi32>], vector<16xf32>,
        %add3A_204 = arith.addf %gather3A_200, %gather3A_203 : vector<16xf32>
        %ge3A_205 = arith.constant 0.000000e+00 : f32
        %ge3A_206 = vector.broadcast %ge3A_205 : f32 to vector<16xf32>
        %ge3A_207 = arith.cmpf oge, %add3A_204, %ge3A_206 : vector<16xf32>
        %mul3A_208 = arith.constant 2.000000e-01 : f32
        %mul3A_209 = vector.broadcast %mul3A_208 : f32 to vector<16xf32>
        %mul3A_210 = arith.mulf %mul3A_209, %add3A_204 : vector<16xf32>
        %select_n3A_211 = arith.select %ge3A_207, %add3A_204, %mul3A_210 : vector<16xi1>, vector<16xf32>
        %exp3A_212 = math.exp %select_n3A_211 : vector<16xf32>
        %jit3A_213 = arith.constant 0.000000e+00 : f32
        %broadcast_in_dim3A_214 = vector.broadcast %jit3A_213 : f32 to vector<16xf32>
        %select_n3A_215 = arith.select %lt3A_179, %exp3A_212, %broadcast_in_dim3A_214 : vector<16xi1>, vector<16xf32>
        %broadcast_in_dim3A_216 = arith.constant 1 : i32
        %broadcast_in_dim3A_217 = vector.broadcast %broadcast_in_dim3A_216 : i32 to vector<16xi32>
        tpu.vector_store_idx %arg39[%add3A_176, %broadcast_in_dim3A_217], %select_n3A_215 : memref<32x128xf32, #tpu.memory_space<vmem>>[vector<16xi32>, vector<16xi32>], vector<16xf32>,
        %broadcast_in_dim3A_218 = arith.constant 2 : i32
        %broadcast_in_dim3A_219 = vector.broadcast %broadcast_in_dim3A_218 : i32 to vector<16xi32>
        %gather3A_220 = tpu.vector_load_idx %arg39[%add3A_176, %broadcast_in_dim3A_219] : memref<32x128xf32, #tpu.memory_space<vmem>>[vector<16xi32>, vector<16xi32>], vector<16xf32>,
        %broadcast_in_dim3A_221 = arith.constant 2 : i32
        %broadcast_in_dim3A_222 = vector.broadcast %broadcast_in_dim3A_221 : i32 to vector<16xi32>
        %gather3A_223 = tpu.vector_load_idx %arg30[%add3A_176, %broadcast_in_dim3A_222] : memref<32x128xf32, #tpu.memory_space<vmem>>[vector<16xi32>, vector<16xi32>], vector<16xf32>,
        %add3A_224 = arith.addf %gather3A_220, %gather3A_223 : vector<16xf32>
        %ge3A_225 = arith.constant 0.000000e+00 : f32
        %ge3A_226 = vector.broadcast %ge3A_225 : f32 to vector<16xf32>
        %ge3A_227 = arith.cmpf oge, %add3A_224, %ge3A_226 : vector<16xf32>
        %mul3A_228 = arith.constant 2.000000e-01 : f32
        %mul3A_229 = vector.broadcast %mul3A_228 : f32 to vector<16xf32>
        %mul3A_230 = arith.mulf %mul3A_229, %add3A_224 : vector<16xf32>
        %select_n3A_231 = arith.select %ge3A_227, %add3A_224, %mul3A_230 : vector<16xi1>, vector<16xf32>
        %exp3A_232 = math.exp %select_n3A_231 : vector<16xf32>
        %jit3A_233 = arith.constant 0.000000e+00 : f32
        %broadcast_in_dim3A_234 = vector.broadcast %jit3A_233 : f32 to vector<16xf32>
        %select_n3A_235 = arith.select %lt3A_179, %exp3A_232, %broadcast_in_dim3A_234 : vector<16xi1>, vector<16xf32>
        %broadcast_in_dim3A_236 = arith.constant 2 : i32
        %broadcast_in_dim3A_237 = vector.broadcast %broadcast_in_dim3A_236 : i32 to vector<16xi32>
        tpu.vector_store_idx %arg39[%add3A_176, %broadcast_in_dim3A_237], %select_n3A_235 : memref<32x128xf32, #tpu.memory_space<vmem>>[vector<16xi32>, vector<16xi32>], vector<16xf32>,
        %broadcast_in_dim3A_238 = arith.constant 3 : i32
        %broadcast_in_dim3A_239 = vector.broadcast %broadcast_in_dim3A_238 : i32 to vector<16xi32>
        %gather3A_240 = tpu.vector_load_idx %arg39[%add3A_176, %broadcast_in_dim3A_239] : memref<32x128xf32, #tpu.memory_space<vmem>>[vector<16xi32>, vector<16xi32>], vector<16xf32>,
        %broadcast_in_dim3A_241 = arith.constant 3 : i32
        %broadcast_in_dim3A_242 = vector.broadcast %broadcast_in_dim3A_241 : i32 to vector<16xi32>
        %gather3A_243 = tpu.vector_load_idx %arg30[%add3A_176, %broadcast_in_dim3A_242] : memref<32x128xf32, #tpu.memory_space<vmem>>[vector<16xi32>, vector<16xi32>], vector<16xf32>,
        %add3A_244 = arith.addf %gather3A_240, %gather3A_243 : vector<16xf32>
        %ge3A_245 = arith.constant 0.000000e+00 : f32
        %ge3A_246 = vector.broadcast %ge3A_245 : f32 to vector<16xf32>
        %ge3A_247 = arith.cmpf oge, %add3A_244, %ge3A_246 : vector<16xf32>
        %mul3A_248 = arith.constant 2.000000e-01 : f32
        %mul3A_249 = vector.broadcast %mul3A_248 : f32 to vector<16xf32>
        %mul3A_250 = arith.mulf %mul3A_249, %add3A_244 : vector<16xf32>
        %select_n3A_251 = arith.select %ge3A_247, %add3A_244, %mul3A_250 : vector<16xi1>, vector<16xf32>
        %exp3A_252 = math.exp %select_n3A_251 : vector<16xf32>
        %jit3A_253 = arith.constant 0.000000e+00 : f32
        %broadcast_in_dim3A_254 = vector.broadcast %jit3A_253 : f32 to vector<16xf32>
        %select_n3A_255 = arith.select %lt3A_179, %exp3A_252, %broadcast_in_dim3A_254 : vector<16xi1>, vector<16xf32>
        %broadcast_in_dim3A_256 = arith.constant 3 : i32
        %broadcast_in_dim3A_257 = vector.broadcast %broadcast_in_dim3A_256 : i32 to vector<16xi32>
        tpu.vector_store_idx %arg39[%add3A_176, %broadcast_in_dim3A_257], %select_n3A_255 : memref<32x128xf32, #tpu.memory_space<vmem>>[vector<16xi32>, vector<16xi32>], vector<16xf32>,
        %broadcast_in_dim3A_258 = arith.constant 4 : i32
        %broadcast_in_dim3A_259 = vector.broadcast %broadcast_in_dim3A_258 : i32 to vector<16xi32>
        %gather3A_260 = tpu.vector_load_idx %arg39[%add3A_176, %broadcast_in_dim3A_259] : memref<32x128xf32, #tpu.memory_space<vmem>>[vector<16xi32>, vector<16xi32>], vector<16xf32>,
        %broadcast_in_dim3A_261 = arith.constant 4 : i32
        %broadcast_in_dim3A_262 = vector.broadcast %broadcast_in_dim3A_261 : i32 to vector<16xi32>
        %gather3A_263 = tpu.vector_load_idx %arg30[%add3A_176, %broadcast_in_dim3A_262] : memref<32x128xf32, #tpu.memory_space<vmem>>[vector<16xi32>, vector<16xi32>], vector<16xf32>,
        %add3A_264 = arith.addf %gather3A_260, %gather3A_263 : vector<16xf32>
        %ge3A_265 = arith.constant 0.000000e+00 : f32
        %ge3A_266 = vector.broadcast %ge3A_265 : f32 to vector<16xf32>
        %ge3A_267 = arith.cmpf oge, %add3A_264, %ge3A_266 : vector<16xf32>
        %mul3A_268 = arith.constant 2.000000e-01 : f32
        %mul3A_269 = vector.broadcast %mul3A_268 : f32 to vector<16xf32>
        %mul3A_270 = arith.mulf %mul3A_269, %add3A_264 : vector<16xf32>
        %select_n3A_271 = arith.select %ge3A_267, %add3A_264, %mul3A_270 : vector<16xi1>, vector<16xf32>
        %exp3A_272 = math.exp %select_n3A_271 : vector<16xf32>
        %jit3A_273 = arith.constant 0.000000e+00 : f32
        %broadcast_in_dim3A_274 = vector.broadcast %jit3A_273 : f32 to vector<16xf32>
        %select_n3A_275 = arith.select %lt3A_179, %exp3A_272, %broadcast_in_dim3A_274 : vector<16xi1>, vector<16xf32>
        %broadcast_in_dim3A_276 = arith.constant 4 : i32
        %broadcast_in_dim3A_277 = vector.broadcast %broadcast_in_dim3A_276 : i32 to vector<16xi32>
        tpu.vector_store_idx %arg39[%add3A_176, %broadcast_in_dim3A_277], %select_n3A_275 : memref<32x128xf32, #tpu.memory_space<vmem>>[vector<16xi32>, vector<16xi32>], vector<16xf32>,
        %broadcast_in_dim3A_278 = arith.constant 5 : i32
        %broadcast_in_dim3A_279 = vector.broadcast %broadcast_in_dim3A_278 : i32 to vector<16xi32>
        %gather3A_280 = tpu.vector_load_idx %arg39[%add3A_176, %broadcast_in_dim3A_279] : memref<32x128xf32, #tpu.memory_space<vmem>>[vector<16xi32>, vector<16xi32>], vector<16xf32>,
        %broadcast_in_dim3A_281 = arith.constant 5 : i32
        %broadcast_in_dim3A_282 = vector.broadcast %broadcast_in_dim3A_281 : i32 to vector<16xi32>
        %gather3A_283 = tpu.vector_load_idx %arg30[%add3A_176, %broadcast_in_dim3A_282] : memref<32x128xf32, #tpu.memory_space<vmem>>[vector<16xi32>, vector<16xi32>], vector<16xf32>,
        %add3A_284 = arith.addf %gather3A_280, %gather3A_283 : vector<16xf32>
        %ge3A_285 = arith.constant 0.000000e+00 : f32
        %ge3A_286 = vector.broadcast %ge3A_285 : f32 to vector<16xf32>
        %ge3A_287 = arith.cmpf oge, %add3A_284, %ge3A_286 : vector<16xf32>
        %mul3A_288 = arith.constant 2.000000e-01 : f32
        %mul3A_289 = vector.broadcast %mul3A_288 : f32 to vector<16xf32>
        %mul3A_290 = arith.mulf %mul3A_289, %add3A_284 : vector<16xf32>
        %select_n3A_291 = arith.select %ge3A_287, %add3A_284, %mul3A_290 : vector<16xi1>, vector<16xf32>
        %exp3A_292 = math.exp %select_n3A_291 : vector<16xf32>
        %jit3A_293 = arith.constant 0.000000e+00 : f32
        %broadcast_in_dim3A_294 = vector.broadcast %jit3A_293 : f32 to vector<16xf32>
        %select_n3A_295 = arith.select %lt3A_179, %exp3A_292, %broadcast_in_dim3A_294 : vector<16xi1>, vector<16xf32>
        %broadcast_in_dim3A_296 = arith.constant 5 : i32
        %broadcast_in_dim3A_297 = vector.broadcast %broadcast_in_dim3A_296 : i32 to vector<16xi32>
        tpu.vector_store_idx %arg39[%add3A_176, %broadcast_in_dim3A_297], %select_n3A_295 : memref<32x128xf32, #tpu.memory_space<vmem>>[vector<16xi32>, vector<16xi32>], vector<16xf32>,
        %broadcast_in_dim3A_298 = arith.constant 6 : i32
        %broadcast_in_dim3A_299 = vector.broadcast %broadcast_in_dim3A_298 : i32 to vector<16xi32>
        %gather3A_300 = tpu.vector_load_idx %arg39[%add3A_176, %broadcast_in_dim3A_299] : memref<32x128xf32, #tpu.memory_space<vmem>>[vector<16xi32>, vector<16xi32>], vector<16xf32>,
        %broadcast_in_dim3A_301 = arith.constant 6 : i32
        %broadcast_in_dim3A_302 = vector.broadcast %broadcast_in_dim3A_301 : i32 to vector<16xi32>
        %gather3A_303 = tpu.vector_load_idx %arg30[%add3A_176, %broadcast_in_dim3A_302] : memref<32x128xf32, #tpu.memory_space<vmem>>[vector<16xi32>, vector<16xi32>], vector<16xf32>,
        %add3A_304 = arith.addf %gather3A_300, %gather3A_303 : vector<16xf32>
        %ge3A_305 = arith.constant 0.000000e+00 : f32
        %ge3A_306 = vector.broadcast %ge3A_305 : f32 to vector<16xf32>
        %ge3A_307 = arith.cmpf oge, %add3A_304, %ge3A_306 : vector<16xf32>
        %mul3A_308 = arith.constant 2.000000e-01 : f32
        %mul3A_309 = vector.broadcast %mul3A_308 : f32 to vector<16xf32>
        %mul3A_310 = arith.mulf %mul3A_309, %add3A_304 : vector<16xf32>
        %select_n3A_311 = arith.select %ge3A_307, %add3A_304, %mul3A_310 : vector<16xi1>, vector<16xf32>
        %exp3A_312 = math.exp %select_n3A_311 : vector<16xf32>
        %jit3A_313 = arith.constant 0.000000e+00 : f32
        %broadcast_in_dim3A_314 = vector.broadcast %jit3A_313 : f32 to vector<16xf32>
        %select_n3A_315 = arith.select %lt3A_179, %exp3A_312, %broadcast_in_dim3A_314 : vector<16xi1>, vector<16xf32>
        %broadcast_in_dim3A_316 = arith.constant 6 : i32
        %broadcast_in_dim3A_317 = vector.broadcast %broadcast_in_dim3A_316 : i32 to vector<16xi32>
        tpu.vector_store_idx %arg39[%add3A_176, %broadcast_in_dim3A_317], %select_n3A_315 : memref<32x128xf32, #tpu.memory_space<vmem>>[vector<16xi32>, vector<16xi32>], vector<16xf32>,
        %broadcast_in_dim3A_318 = arith.constant 7 : i32
        %broadcast_in_dim3A_319 = vector.broadcast %broadcast_in_dim3A_318 : i32 to vector<16xi32>
        %gather3A_320 = tpu.vector_load_idx %arg39[%add3A_176, %broadcast_in_dim3A_319] : memref<32x128xf32, #tpu.memory_space<vmem>>[vector<16xi32>, vector<16xi32>], vector<16xf32>,
        %broadcast_in_dim3A_321 = arith.constant 7 : i32
        %broadcast_in_dim3A_322 = vector.broadcast %broadcast_in_dim3A_321 : i32 to vector<16xi32>
        %gather3A_323 = tpu.vector_load_idx %arg30[%add3A_176, %broadcast_in_dim3A_322] : memref<32x128xf32, #tpu.memory_space<vmem>>[vector<16xi32>, vector<16xi32>], vector<16xf32>,
        %add3A_324 = arith.addf %gather3A_320, %gather3A_323 : vector<16xf32>
        %ge3A_325 = arith.constant 0.000000e+00 : f32
        %ge3A_326 = vector.broadcast %ge3A_325 : f32 to vector<16xf32>
        %ge3A_327 = arith.cmpf oge, %add3A_324, %ge3A_326 : vector<16xf32>
        %mul3A_328 = arith.constant 2.000000e-01 : f32
        %mul3A_329 = vector.broadcast %mul3A_328 : f32 to vector<16xf32>
        %mul3A_330 = arith.mulf %mul3A_329, %add3A_324 : vector<16xf32>
        %select_n3A_331 = arith.select %ge3A_327, %add3A_324, %mul3A_330 : vector<16xi1>, vector<16xf32>
        %exp3A_332 = math.exp %select_n3A_331 : vector<16xf32>
        %jit3A_333 = arith.constant 0.000000e+00 : f32
        %broadcast_in_dim3A_334 = vector.broadcast %jit3A_333 : f32 to vector<16xf32>
        %select_n3A_335 = arith.select %lt3A_179, %exp3A_332, %broadcast_in_dim3A_334 : vector<16xi1>, vector<16xf32>
        %broadcast_in_dim3A_336 = arith.constant 7 : i32
        %broadcast_in_dim3A_337 = vector.broadcast %broadcast_in_dim3A_336 : i32 to vector<16xi32>
        tpu.vector_store_idx %arg39[%add3A_176, %broadcast_in_dim3A_337], %select_n3A_335 : memref<32x128xf32, #tpu.memory_space<vmem>>[vector<16xi32>, vector<16xi32>], vector<16xf32>,
        %add3A_338 = arith.constant 16 : i32
        %add3A_339 = vector.broadcast %add3A_338 : i32 to vector<16xi32>
        %add3A_340 = arith.addi %iota3A, %add3A_339 : vector<16xi32>
        %add3A_341 = vector.broadcast %mul3A_80 : i32 to vector<16xi32>
        %add3A_342 = arith.addi %add3A_341, %add3A_340 : vector<16xi32>
        %lt3A_343 = vector.broadcast %scan3A_20 : i32 to vector<16xi32>
        %lt3A_344 = arith.cmpi slt, %add3A_342, %lt3A_343 : vector<16xi32>
        %broadcast_in_dim3A_345 = arith.constant 0 : i32
        %broadcast_in_dim3A_346 = vector.broadcast %broadcast_in_dim3A_345 : i32 to vector<16xi32>
        %gather3A_347 = tpu.vector_load_idx %arg39[%add3A_340, %broadcast_in_dim3A_346] : memref<32x128xf32, #tpu.memory_space<vmem>>[vector<16xi32>, vector<16xi32>], vector<16xf32>,
        %broadcast_in_dim3A_348 = arith.constant 0 : i32
        %broadcast_in_dim3A_349 = vector.broadcast %broadcast_in_dim3A_348 : i32 to vector<16xi32>
        %gather3A_350 = tpu.vector_load_idx %arg30[%add3A_340, %broadcast_in_dim3A_349] : memref<32x128xf32, #tpu.memory_space<vmem>>[vector<16xi32>, vector<16xi32>], vector<16xf32>,
        %add3A_351 = arith.addf %gather3A_347, %gather3A_350 : vector<16xf32>
        %ge3A_352 = arith.constant 0.000000e+00 : f32
        %ge3A_353 = vector.broadcast %ge3A_352 : f32 to vector<16xf32>
        %ge3A_354 = arith.cmpf oge, %add3A_351, %ge3A_353 : vector<16xf32>
        %mul3A_355 = arith.constant 2.000000e-01 : f32
        %mul3A_356 = vector.broadcast %mul3A_355 : f32 to vector<16xf32>
        %mul3A_357 = arith.mulf %mul3A_356, %add3A_351 : vector<16xf32>
        %select_n3A_358 = arith.select %ge3A_354, %add3A_351, %mul3A_357 : vector<16xi1>, vector<16xf32>
        %exp3A_359 = math.exp %select_n3A_358 : vector<16xf32>
        %jit3A_360 = arith.constant 0.000000e+00 : f32
        %broadcast_in_dim3A_361 = vector.broadcast %jit3A_360 : f32 to vector<16xf32>
        %select_n3A_362 = arith.select %lt3A_344, %exp3A_359, %broadcast_in_dim3A_361 : vector<16xi1>, vector<16xf32>
        %broadcast_in_dim3A_363 = arith.constant 0 : i32
        %broadcast_in_dim3A_364 = vector.broadcast %broadcast_in_dim3A_363 : i32 to vector<16xi32>
        tpu.vector_store_idx %arg39[%add3A_340, %broadcast_in_dim3A_364], %select_n3A_362 : memref<32x128xf32, #tpu.memory_space<vmem>>[vector<16xi32>, vector<16xi32>], vector<16xf32>,
        %broadcast_in_dim3A_365 = arith.constant 1 : i32
        %broadcast_in_dim3A_366 = vector.broadcast %broadcast_in_dim3A_365 : i32 to vector<16xi32>
        %gather3A_367 = tpu.vector_load_idx %arg39[%add3A_340, %broadcast_in_dim3A_366] : memref<32x128xf32, #tpu.memory_space<vmem>>[vector<16xi32>, vector<16xi32>], vector<16xf32>,
        %broadcast_in_dim3A_368 = arith.constant 1 : i32
        %broadcast_in_dim3A_369 = vector.broadcast %broadcast_in_dim3A_368 : i32 to vector<16xi32>
        %gather3A_370 = tpu.vector_load_idx %arg30[%add3A_340, %broadcast_in_dim3A_369] : memref<32x128xf32, #tpu.memory_space<vmem>>[vector<16xi32>, vector<16xi32>], vector<16xf32>,
        %add3A_371 = arith.addf %gather3A_367, %gather3A_370 : vector<16xf32>
        %ge3A_372 = arith.constant 0.000000e+00 : f32
        %ge3A_373 = vector.broadcast %ge3A_372 : f32 to vector<16xf32>
        %ge3A_374 = arith.cmpf oge, %add3A_371, %ge3A_373 : vector<16xf32>
        %mul3A_375 = arith.constant 2.000000e-01 : f32
        %mul3A_376 = vector.broadcast %mul3A_375 : f32 to vector<16xf32>
        %mul3A_377 = arith.mulf %mul3A_376, %add3A_371 : vector<16xf32>
        %select_n3A_378 = arith.select %ge3A_374, %add3A_371, %mul3A_377 : vector<16xi1>, vector<16xf32>
        %exp3A_379 = math.exp %select_n3A_378 : vector<16xf32>
        %jit3A_380 = arith.constant 0.000000e+00 : f32
        %broadcast_in_dim3A_381 = vector.broadcast %jit3A_380 : f32 to vector<16xf32>
        %select_n3A_382 = arith.select %lt3A_344, %exp3A_379, %broadcast_in_dim3A_381 : vector<16xi1>, vector<16xf32>
        %broadcast_in_dim3A_383 = arith.constant 1 : i32
        %broadcast_in_dim3A_384 = vector.broadcast %broadcast_in_dim3A_383 : i32 to vector<16xi32>
        tpu.vector_store_idx %arg39[%add3A_340, %broadcast_in_dim3A_384], %select_n3A_382 : memref<32x128xf32, #tpu.memory_space<vmem>>[vector<16xi32>, vector<16xi32>], vector<16xf32>,
        %broadcast_in_dim3A_385 = arith.constant 2 : i32
        %broadcast_in_dim3A_386 = vector.broadcast %broadcast_in_dim3A_385 : i32 to vector<16xi32>
        %gather3A_387 = tpu.vector_load_idx %arg39[%add3A_340, %broadcast_in_dim3A_386] : memref<32x128xf32, #tpu.memory_space<vmem>>[vector<16xi32>, vector<16xi32>], vector<16xf32>,
        %broadcast_in_dim3A_388 = arith.constant 2 : i32
        %broadcast_in_dim3A_389 = vector.broadcast %broadcast_in_dim3A_388 : i32 to vector<16xi32>
        %gather3A_390 = tpu.vector_load_idx %arg30[%add3A_340, %broadcast_in_dim3A_389] : memref<32x128xf32, #tpu.memory_space<vmem>>[vector<16xi32>, vector<16xi32>], vector<16xf32>,
        %add3A_391 = arith.addf %gather3A_387, %gather3A_390 : vector<16xf32>
        %ge3A_392 = arith.constant 0.000000e+00 : f32
        %ge3A_393 = vector.broadcast %ge3A_392 : f32 to vector<16xf32>
        %ge3A_394 = arith.cmpf oge, %add3A_391, %ge3A_393 : vector<16xf32>
        %mul3A_395 = arith.constant 2.000000e-01 : f32
        %mul3A_396 = vector.broadcast %mul3A_395 : f32 to vector<16xf32>
        %mul3A_397 = arith.mulf %mul3A_396, %add3A_391 : vector<16xf32>
        %select_n3A_398 = arith.select %ge3A_394, %add3A_391, %mul3A_397 : vector<16xi1>, vector<16xf32>
        %exp3A_399 = math.exp %select_n3A_398 : vector<16xf32>
        %jit3A_400 = arith.constant 0.000000e+00 : f32
        %broadcast_in_dim3A_401 = vector.broadcast %jit3A_400 : f32 to vector<16xf32>
        %select_n3A_402 = arith.select %lt3A_344, %exp3A_399, %broadcast_in_dim3A_401 : vector<16xi1>, vector<16xf32>
        %broadcast_in_dim3A_403 = arith.constant 2 : i32
        %broadcast_in_dim3A_404 = vector.broadcast %broadcast_in_dim3A_403 : i32 to vector<16xi32>
        tpu.vector_store_idx %arg39[%add3A_340, %broadcast_in_dim3A_404], %select_n3A_402 : memref<32x128xf32, #tpu.memory_space<vmem>>[vector<16xi32>, vector<16xi32>], vector<16xf32>,
        %broadcast_in_dim3A_405 = arith.constant 3 : i32
        %broadcast_in_dim3A_406 = vector.broadcast %broadcast_in_dim3A_405 : i32 to vector<16xi32>
        %gather3A_407 = tpu.vector_load_idx %arg39[%add3A_340, %broadcast_in_dim3A_406] : memref<32x128xf32, #tpu.memory_space<vmem>>[vector<16xi32>, vector<16xi32>], vector<16xf32>,
        %broadcast_in_dim3A_408 = arith.constant 3 : i32
        %broadcast_in_dim3A_409 = vector.broadcast %broadcast_in_dim3A_408 : i32 to vector<16xi32>
        %gather3A_410 = tpu.vector_load_idx %arg30[%add3A_340, %broadcast_in_dim3A_409] : memref<32x128xf32, #tpu.memory_space<vmem>>[vector<16xi32>, vector<16xi32>], vector<16xf32>,
        %add3A_411 = arith.addf %gather3A_407, %gather3A_410 : vector<16xf32>
        %ge3A_412 = arith.constant 0.000000e+00 : f32
        %ge3A_413 = vector.broadcast %ge3A_412 : f32 to vector<16xf32>
        %ge3A_414 = arith.cmpf oge, %add3A_411, %ge3A_413 : vector<16xf32>
        %mul3A_415 = arith.constant 2.000000e-01 : f32
        %mul3A_416 = vector.broadcast %mul3A_415 : f32 to vector<16xf32>
        %mul3A_417 = arith.mulf %mul3A_416, %add3A_411 : vector<16xf32>
        %select_n3A_418 = arith.select %ge3A_414, %add3A_411, %mul3A_417 : vector<16xi1>, vector<16xf32>
        %exp3A_419 = math.exp %select_n3A_418 : vector<16xf32>
        %jit3A_420 = arith.constant 0.000000e+00 : f32
        %broadcast_in_dim3A_421 = vector.broadcast %jit3A_420 : f32 to vector<16xf32>
        %select_n3A_422 = arith.select %lt3A_344, %exp3A_419, %broadcast_in_dim3A_421 : vector<16xi1>, vector<16xf32>
        %broadcast_in_dim3A_423 = arith.constant 3 : i32
        %broadcast_in_dim3A_424 = vector.broadcast %broadcast_in_dim3A_423 : i32 to vector<16xi32>
        tpu.vector_store_idx %arg39[%add3A_340, %broadcast_in_dim3A_424], %select_n3A_422 : memref<32x128xf32, #tpu.memory_space<vmem>>[vector<16xi32>, vector<16xi32>], vector<16xf32>,
        %broadcast_in_dim3A_425 = arith.constant 4 : i32
        %broadcast_in_dim3A_426 = vector.broadcast %broadcast_in_dim3A_425 : i32 to vector<16xi32>
        %gather3A_427 = tpu.vector_load_idx %arg39[%add3A_340, %broadcast_in_dim3A_426] : memref<32x128xf32, #tpu.memory_space<vmem>>[vector<16xi32>, vector<16xi32>], vector<16xf32>,
        %broadcast_in_dim3A_428 = arith.constant 4 : i32
        %broadcast_in_dim3A_429 = vector.broadcast %broadcast_in_dim3A_428 : i32 to vector<16xi32>
        %gather3A_430 = tpu.vector_load_idx %arg30[%add3A_340, %broadcast_in_dim3A_429] : memref<32x128xf32, #tpu.memory_space<vmem>>[vector<16xi32>, vector<16xi32>], vector<16xf32>,
        %add3A_431 = arith.addf %gather3A_427, %gather3A_430 : vector<16xf32>
        %ge3A_432 = arith.constant 0.000000e+00 : f32
        %ge3A_433 = vector.broadcast %ge3A_432 : f32 to vector<16xf32>
        %ge3A_434 = arith.cmpf oge, %add3A_431, %ge3A_433 : vector<16xf32>
        %mul3A_435 = arith.constant 2.000000e-01 : f32
        %mul3A_436 = vector.broadcast %mul3A_435 : f32 to vector<16xf32>
        %mul3A_437 = arith.mulf %mul3A_436, %add3A_431 : vector<16xf32>
        %select_n3A_438 = arith.select %ge3A_434, %add3A_431, %mul3A_437 : vector<16xi1>, vector<16xf32>
        %exp3A_439 = math.exp %select_n3A_438 : vector<16xf32>
        %jit3A_440 = arith.constant 0.000000e+00 : f32
        %broadcast_in_dim3A_441 = vector.broadcast %jit3A_440 : f32 to vector<16xf32>
        %select_n3A_442 = arith.select %lt3A_344, %exp3A_439, %broadcast_in_dim3A_441 : vector<16xi1>, vector<16xf32>
        %broadcast_in_dim3A_443 = arith.constant 4 : i32
        %broadcast_in_dim3A_444 = vector.broadcast %broadcast_in_dim3A_443 : i32 to vector<16xi32>
        tpu.vector_store_idx %arg39[%add3A_340, %broadcast_in_dim3A_444], %select_n3A_442 : memref<32x128xf32, #tpu.memory_space<vmem>>[vector<16xi32>, vector<16xi32>], vector<16xf32>,
        %broadcast_in_dim3A_445 = arith.constant 5 : i32
        %broadcast_in_dim3A_446 = vector.broadcast %broadcast_in_dim3A_445 : i32 to vector<16xi32>
        %gather3A_447 = tpu.vector_load_idx %arg39[%add3A_340, %broadcast_in_dim3A_446] : memref<32x128xf32, #tpu.memory_space<vmem>>[vector<16xi32>, vector<16xi32>], vector<16xf32>,
        %broadcast_in_dim3A_448 = arith.constant 5 : i32
        %broadcast_in_dim3A_449 = vector.broadcast %broadcast_in_dim3A_448 : i32 to vector<16xi32>
        %gather3A_450 = tpu.vector_load_idx %arg30[%add3A_340, %broadcast_in_dim3A_449] : memref<32x128xf32, #tpu.memory_space<vmem>>[vector<16xi32>, vector<16xi32>], vector<16xf32>,
        %add3A_451 = arith.addf %gather3A_447, %gather3A_450 : vector<16xf32>
        %ge3A_452 = arith.constant 0.000000e+00 : f32
        %ge3A_453 = vector.broadcast %ge3A_452 : f32 to vector<16xf32>
        %ge3A_454 = arith.cmpf oge, %add3A_451, %ge3A_453 : vector<16xf32>
        %mul3A_455 = arith.constant 2.000000e-01 : f32
        %mul3A_456 = vector.broadcast %mul3A_455 : f32 to vector<16xf32>
        %mul3A_457 = arith.mulf %mul3A_456, %add3A_451 : vector<16xf32>
        %select_n3A_458 = arith.select %ge3A_454, %add3A_451, %mul3A_457 : vector<16xi1>, vector<16xf32>
        %exp3A_459 = math.exp %select_n3A_458 : vector<16xf32>
        %jit3A_460 = arith.constant 0.000000e+00 : f32
        %broadcast_in_dim3A_461 = vector.broadcast %jit3A_460 : f32 to vector<16xf32>
        %select_n3A_462 = arith.select %lt3A_344, %exp3A_459, %broadcast_in_dim3A_461 : vector<16xi1>, vector<16xf32>
        %broadcast_in_dim3A_463 = arith.constant 5 : i32
        %broadcast_in_dim3A_464 = vector.broadcast %broadcast_in_dim3A_463 : i32 to vector<16xi32>
        tpu.vector_store_idx %arg39[%add3A_340, %broadcast_in_dim3A_464], %select_n3A_462 : memref<32x128xf32, #tpu.memory_space<vmem>>[vector<16xi32>, vector<16xi32>], vector<16xf32>,
        %broadcast_in_dim3A_465 = arith.constant 6 : i32
        %broadcast_in_dim3A_466 = vector.broadcast %broadcast_in_dim3A_465 : i32 to vector<16xi32>
        %gather3A_467 = tpu.vector_load_idx %arg39[%add3A_340, %broadcast_in_dim3A_466] : memref<32x128xf32, #tpu.memory_space<vmem>>[vector<16xi32>, vector<16xi32>], vector<16xf32>,
        %broadcast_in_dim3A_468 = arith.constant 6 : i32
        %broadcast_in_dim3A_469 = vector.broadcast %broadcast_in_dim3A_468 : i32 to vector<16xi32>
        %gather3A_470 = tpu.vector_load_idx %arg30[%add3A_340, %broadcast_in_dim3A_469] : memref<32x128xf32, #tpu.memory_space<vmem>>[vector<16xi32>, vector<16xi32>], vector<16xf32>,
        %add3A_471 = arith.addf %gather3A_467, %gather3A_470 : vector<16xf32>
        %ge3A_472 = arith.constant 0.000000e+00 : f32
        %ge3A_473 = vector.broadcast %ge3A_472 : f32 to vector<16xf32>
        %ge3A_474 = arith.cmpf oge, %add3A_471, %ge3A_473 : vector<16xf32>
        %mul3A_475 = arith.constant 2.000000e-01 : f32
        %mul3A_476 = vector.broadcast %mul3A_475 : f32 to vector<16xf32>
        %mul3A_477 = arith.mulf %mul3A_476, %add3A_471 : vector<16xf32>
        %select_n3A_478 = arith.select %ge3A_474, %add3A_471, %mul3A_477 : vector<16xi1>, vector<16xf32>
        %exp3A_479 = math.exp %select_n3A_478 : vector<16xf32>
        %jit3A_480 = arith.constant 0.000000e+00 : f32
        %broadcast_in_dim3A_481 = vector.broadcast %jit3A_480 : f32 to vector<16xf32>
        %select_n3A_482 = arith.select %lt3A_344, %exp3A_479, %broadcast_in_dim3A_481 : vector<16xi1>, vector<16xf32>
        %broadcast_in_dim3A_483 = arith.constant 6 : i32
        %broadcast_in_dim3A_484 = vector.broadcast %broadcast_in_dim3A_483 : i32 to vector<16xi32>
        tpu.vector_store_idx %arg39[%add3A_340, %broadcast_in_dim3A_484], %select_n3A_482 : memref<32x128xf32, #tpu.memory_space<vmem>>[vector<16xi32>, vector<16xi32>], vector<16xf32>,
        %broadcast_in_dim3A_485 = arith.constant 7 : i32
        %broadcast_in_dim3A_486 = vector.broadcast %broadcast_in_dim3A_485 : i32 to vector<16xi32>
        %gather3A_487 = tpu.vector_load_idx %arg39[%add3A_340, %broadcast_in_dim3A_486] : memref<32x128xf32, #tpu.memory_space<vmem>>[vector<16xi32>, vector<16xi32>], vector<16xf32>,
        %broadcast_in_dim3A_488 = arith.constant 7 : i32
        %broadcast_in_dim3A_489 = vector.broadcast %broadcast_in_dim3A_488 : i32 to vector<16xi32>
        %gather3A_490 = tpu.vector_load_idx %arg30[%add3A_340, %broadcast_in_dim3A_489] : memref<32x128xf32, #tpu.memory_space<vmem>>[vector<16xi32>, vector<16xi32>], vector<16xf32>,
        %add3A_491 = arith.addf %gather3A_487, %gather3A_490 : vector<16xf32>
        %ge3A_492 = arith.constant 0.000000e+00 : f32
        %ge3A_493 = vector.broadcast %ge3A_492 : f32 to vector<16xf32>
        %ge3A_494 = arith.cmpf oge, %add3A_491, %ge3A_493 : vector<16xf32>
        %mul3A_495 = arith.constant 2.000000e-01 : f32
        %mul3A_496 = vector.broadcast %mul3A_495 : f32 to vector<16xf32>
        %mul3A_497 = arith.mulf %mul3A_496, %add3A_491 : vector<16xf32>
        %select_n3A_498 = arith.select %ge3A_494, %add3A_491, %mul3A_497 : vector<16xi1>, vector<16xf32>
        %exp3A_499 = math.exp %select_n3A_498 : vector<16xf32>
        %jit3A_500 = arith.constant 0.000000e+00 : f32
        %broadcast_in_dim3A_501 = vector.broadcast %jit3A_500 : f32 to vector<16xf32>
        %select_n3A_502 = arith.select %lt3A_344, %exp3A_499, %broadcast_in_dim3A_501 : vector<16xi1>, vector<16xf32>
        %broadcast_in_dim3A_503 = arith.constant 7 : i32
        %broadcast_in_dim3A_504 = vector.broadcast %broadcast_in_dim3A_503 : i32 to vector<16xi32>
        tpu.vector_store_idx %arg39[%add3A_340, %broadcast_in_dim3A_504], %select_n3A_502 : memref<32x128xf32, #tpu.memory_space<vmem>>[vector<16xi32>, vector<16xi32>], vector<16xf32>,
        %parallel_loop3A = arith.constant 0 : i32
        %parallel_loop3A_505 = arith.constant 32 : i32
        %parallel_loop3A_506 = arith.constant 1 : i32
        scf.for %parallel_loop3A_562 = %parallel_loop3A to %parallel_loop3A_505 step %parallel_loop3A_506  : i32 {
          %parallel_loop3A_563 = arith.index_cast %parallel_loop3A_562 : i32 to index
          %parallel_loop3A_564 = arith.constant 0 : index
          %parallel_loop3A_565 = tpu.vector_load %arg39[%parallel_loop3A_563, %parallel_loop3A_564] {strides = array<i32>} : memref<32x128xf32, #tpu.memory_space<vmem>>, vector<16xf32>,
          %parallel_loop3A_566 = vector.extract_strided_slice %parallel_loop3A_565 {offsets = [0], sizes = [1], strides = [1]} : vector<16xf32> to vector<1xf32>
          %parallel_loop3A_567 = vector.extract %parallel_loop3A_566[0] : f32 from vector<1xf32>
          %parallel_loop3A_568 = vector.broadcast %parallel_loop3A_567 : f32 to vector<16xf32>
          %parallel_loop3A_569 = arith.index_cast %parallel_loop3A_562 : i32 to index
          %parallel_loop3A_570 = arith.constant 0 : index
          %parallel_loop3A_571 = tpu.vector_load %arg31[%parallel_loop3A_569, %parallel_loop3A_570] {strides = array<i32>} : memref<32x128xf32, #tpu.memory_space<vmem>>, vector<16xf32>,
          %parallel_loop3A_572 = arith.mulf %parallel_loop3A_571, %parallel_loop3A_568 : vector<16xf32>
          %parallel_loop3A_573 = arith.index_cast %parallel_loop3A_562 : i32 to index
          %parallel_loop3A_574 = arith.constant 0 : index
          %parallel_loop3A_575 = tpu.vector_load %arg31[%parallel_loop3A_573, %parallel_loop3A_574] {strides = array<i32>} : memref<32x128xf32, #tpu.memory_space<vmem>>, vector<16xf32>,
          tpu.vector_store %arg31[%parallel_loop3A_573, %parallel_loop3A_574], %parallel_loop3A_572 {strides = array<i32>} : memref<32x128xf32, #tpu.memory_space<vmem>>, vector<16xf32>,
          %parallel_loop3A_576 = arith.index_cast %parallel_loop3A_562 : i32 to index
          %parallel_loop3A_577 = arith.constant 16 : index
          %parallel_loop3A_578 = tpu.vector_load %arg31[%parallel_loop3A_576, %parallel_loop3A_577] {strides = array<i32>} : memref<32x128xf32, #tpu.memory_space<vmem>>, vector<16xf32>,
          %parallel_loop3A_579 = arith.mulf %parallel_loop3A_578, %parallel_loop3A_568 : vector<16xf32>
          %parallel_loop3A_580 = arith.index_cast %parallel_loop3A_562 : i32 to index
          %parallel_loop3A_581 = arith.constant 16 : index
          %parallel_loop3A_582 = tpu.vector_load %arg31[%parallel_loop3A_580, %parallel_loop3A_581] {strides = array<i32>} : memref<32x128xf32, #tpu.memory_space<vmem>>, vector<16xf32>,
          tpu.vector_store %arg31[%parallel_loop3A_580, %parallel_loop3A_581], %parallel_loop3A_579 {strides = array<i32>} : memref<32x128xf32, #tpu.memory_space<vmem>>, vector<16xf32>,
          %parallel_loop3A_583 = arith.index_cast %parallel_loop3A_562 : i32 to index
          %parallel_loop3A_584 = arith.constant 32 : index
          %parallel_loop3A_585 = tpu.vector_load %arg31[%parallel_loop3A_583, %parallel_loop3A_584] {strides = array<i32>} : memref<32x128xf32, #tpu.memory_space<vmem>>, vector<16xf32>,
          %parallel_loop3A_586 = arith.mulf %parallel_loop3A_585, %parallel_loop3A_568 : vector<16xf32>
          %parallel_loop3A_587 = arith.index_cast %parallel_loop3A_562 : i32 to index
          %parallel_loop3A_588 = arith.constant 32 : index
          %parallel_loop3A_589 = tpu.vector_load %arg31[%parallel_loop3A_587, %parallel_loop3A_588] {strides = array<i32>} : memref<32x128xf32, #tpu.memory_space<vmem>>, vector<16xf32>,
          tpu.vector_store %arg31[%parallel_loop3A_587, %parallel_loop3A_588], %parallel_loop3A_586 {strides = array<i32>} : memref<32x128xf32, #tpu.memory_space<vmem>>, vector<16xf32>,
          %parallel_loop3A_590 = arith.index_cast %parallel_loop3A_562 : i32 to index
          %parallel_loop3A_591 = arith.constant 48 : index
          %parallel_loop3A_592 = tpu.vector_load %arg31[%parallel_loop3A_590, %parallel_loop3A_591] {strides = array<i32>} : memref<32x128xf32, #tpu.memory_space<vmem>>, vector<16xf32>,
          %parallel_loop3A_593 = arith.mulf %parallel_loop3A_592, %parallel_loop3A_568 : vector<16xf32>
          %parallel_loop3A_594 = arith.index_cast %parallel_loop3A_562 : i32 to index
          %parallel_loop3A_595 = arith.constant 48 : index
          %parallel_loop3A_596 = tpu.vector_load %arg31[%parallel_loop3A_594, %parallel_loop3A_595] {strides = array<i32>} : memref<32x128xf32, #tpu.memory_space<vmem>>, vector<16xf32>,
          tpu.vector_store %arg31[%parallel_loop3A_594, %parallel_loop3A_595], %parallel_loop3A_593 {strides = array<i32>} : memref<32x128xf32, #tpu.memory_space<vmem>>, vector<16xf32>,
          %parallel_loop3A_597 = arith.index_cast %parallel_loop3A_562 : i32 to index
          %parallel_loop3A_598 = arith.constant 64 : index
          %parallel_loop3A_599 = tpu.vector_load %arg31[%parallel_loop3A_597, %parallel_loop3A_598] {strides = array<i32>} : memref<32x128xf32, #tpu.memory_space<vmem>>, vector<16xf32>,
          %parallel_loop3A_600 = arith.mulf %parallel_loop3A_599, %parallel_loop3A_568 : vector<16xf32>
          %parallel_loop3A_601 = arith.index_cast %parallel_loop3A_562 : i32 to index
          %parallel_loop3A_602 = arith.constant 64 : index
          %parallel_loop3A_603 = tpu.vector_load %arg31[%parallel_loop3A_601, %parallel_loop3A_602] {strides = array<i32>} : memref<32x128xf32, #tpu.memory_space<vmem>>, vector<16xf32>,
          tpu.vector_store %arg31[%parallel_loop3A_601, %parallel_loop3A_602], %parallel_loop3A_600 {strides = array<i32>} : memref<32x128xf32, #tpu.memory_space<vmem>>, vector<16xf32>,
          %parallel_loop3A_604 = arith.index_cast %parallel_loop3A_562 : i32 to index
          %parallel_loop3A_605 = arith.constant 80 : index
          %parallel_loop3A_606 = tpu.vector_load %arg31[%parallel_loop3A_604, %parallel_loop3A_605] {strides = array<i32>} : memref<32x128xf32, #tpu.memory_space<vmem>>, vector<16xf32>,
          %parallel_loop3A_607 = arith.mulf %parallel_loop3A_606, %parallel_loop3A_568 : vector<16xf32>
          %parallel_loop3A_608 = arith.index_cast %parallel_loop3A_562 : i32 to index
          %parallel_loop3A_609 = arith.constant 80 : index
          %parallel_loop3A_610 = tpu.vector_load %arg31[%parallel_loop3A_608, %parallel_loop3A_609] {strides = array<i32>} : memref<32x128xf32, #tpu.memory_space<vmem>>, vector<16xf32>,
          tpu.vector_store %arg31[%parallel_loop3A_608, %parallel_loop3A_609], %parallel_loop3A_607 {strides = array<i32>} : memref<32x128xf32, #tpu.memory_space<vmem>>, vector<16xf32>,
          %parallel_loop3A_611 = arith.index_cast %parallel_loop3A_562 : i32 to index
          %parallel_loop3A_612 = arith.constant 96 : index
          %parallel_loop3A_613 = tpu.vector_load %arg31[%parallel_loop3A_611, %parallel_loop3A_612] {strides = array<i32>} : memref<32x128xf32, #tpu.memory_space<vmem>>, vector<16xf32>,
          %parallel_loop3A_614 = arith.mulf %parallel_loop3A_613, %parallel_loop3A_568 : vector<16xf32>
          %parallel_loop3A_615 = arith.index_cast %parallel_loop3A_562 : i32 to index
          %parallel_loop3A_616 = arith.constant 96 : index
          %parallel_loop3A_617 = tpu.vector_load %arg31[%parallel_loop3A_615, %parallel_loop3A_616] {strides = array<i32>} : memref<32x128xf32, #tpu.memory_space<vmem>>, vector<16xf32>,
          tpu.vector_store %arg31[%parallel_loop3A_615, %parallel_loop3A_616], %parallel_loop3A_614 {strides = array<i32>} : memref<32x128xf32, #tpu.memory_space<vmem>>, vector<16xf32>,
          %parallel_loop3A_618 = arith.index_cast %parallel_loop3A_562 : i32 to index
          %parallel_loop3A_619 = arith.constant 112 : index
          %parallel_loop3A_620 = tpu.vector_load %arg31[%parallel_loop3A_618, %parallel_loop3A_619] {strides = array<i32>} : memref<32x128xf32, #tpu.memory_space<vmem>>, vector<16xf32>,
          %parallel_loop3A_621 = arith.mulf %parallel_loop3A_620, %parallel_loop3A_568 : vector<16xf32>
          %parallel_loop3A_622 = arith.index_cast %parallel_loop3A_562 : i32 to index
          %parallel_loop3A_623 = arith.constant 112 : index
          %parallel_loop3A_624 = tpu.vector_load %arg31[%parallel_loop3A_622, %parallel_loop3A_623] {strides = array<i32>} : memref<32x128xf32, #tpu.memory_space<vmem>>, vector<16xf32>,
          tpu.vector_store %arg31[%parallel_loop3A_622, %parallel_loop3A_623], %parallel_loop3A_621 {strides = array<i32>} : memref<32x128xf32, #tpu.memory_space<vmem>>, vector<16xf32>,
          %parallel_loop3A_625 = vector.extract_strided_slice %parallel_loop3A_565 {offsets = [1], sizes = [1], strides = [1]} : vector<16xf32> to vector<1xf32>
          %parallel_loop3A_626 = vector.extract %parallel_loop3A_625[0] : f32 from vector<1xf32>
          %parallel_loop3A_627 = vector.broadcast %parallel_loop3A_626 : f32 to vector<16xf32>
          %parallel_loop3A_628 = arith.index_cast %parallel_loop3A_562 : i32 to index
          %parallel_loop3A_629 = arith.constant 0 : index
          %parallel_loop3A_630 = tpu.vector_load %arg32[%parallel_loop3A_628, %parallel_loop3A_629] {strides = array<i32>} : memref<32x128xf32, #tpu.memory_space<vmem>>, vector<16xf32>,
          %parallel_loop3A_631 = arith.mulf %parallel_loop3A_630, %parallel_loop3A_627 : vector<16xf32>
          %parallel_loop3A_632 = arith.index_cast %parallel_loop3A_562 : i32 to index
          %parallel_loop3A_633 = arith.constant 0 : index
          %parallel_loop3A_634 = tpu.vector_load %arg32[%parallel_loop3A_632, %parallel_loop3A_633] {strides = array<i32>} : memref<32x128xf32, #tpu.memory_space<vmem>>, vector<16xf32>,
          tpu.vector_store %arg32[%parallel_loop3A_632, %parallel_loop3A_633], %parallel_loop3A_631 {strides = array<i32>} : memref<32x128xf32, #tpu.memory_space<vmem>>, vector<16xf32>,
          %parallel_loop3A_635 = arith.index_cast %parallel_loop3A_562 : i32 to index
          %parallel_loop3A_636 = arith.constant 16 : index
          %parallel_loop3A_637 = tpu.vector_load %arg32[%parallel_loop3A_635, %parallel_loop3A_636] {strides = array<i32>} : memref<32x128xf32, #tpu.memory_space<vmem>>, vector<16xf32>,
          %parallel_loop3A_638 = arith.mulf %parallel_loop3A_637, %parallel_loop3A_627 : vector<16xf32>
          %parallel_loop3A_639 = arith.index_cast %parallel_loop3A_562 : i32 to index
          %parallel_loop3A_640 = arith.constant 16 : index
          %parallel_loop3A_641 = tpu.vector_load %arg32[%parallel_loop3A_639, %parallel_loop3A_640] {strides = array<i32>} : memref<32x128xf32, #tpu.memory_space<vmem>>, vector<16xf32>,
          tpu.vector_store %arg32[%parallel_loop3A_639, %parallel_loop3A_640], %parallel_loop3A_638 {strides = array<i32>} : memref<32x128xf32, #tpu.memory_space<vmem>>, vector<16xf32>,
          %parallel_loop3A_642 = arith.index_cast %parallel_loop3A_562 : i32 to index
          %parallel_loop3A_643 = arith.constant 32 : index
          %parallel_loop3A_644 = tpu.vector_load %arg32[%parallel_loop3A_642, %parallel_loop3A_643] {strides = array<i32>} : memref<32x128xf32, #tpu.memory_space<vmem>>, vector<16xf32>,
          %parallel_loop3A_645 = arith.mulf %parallel_loop3A_644, %parallel_loop3A_627 : vector<16xf32>
          %parallel_loop3A_646 = arith.index_cast %parallel_loop3A_562 : i32 to index
          %parallel_loop3A_647 = arith.constant 32 : index
          %parallel_loop3A_648 = tpu.vector_load %arg32[%parallel_loop3A_646, %parallel_loop3A_647] {strides = array<i32>} : memref<32x128xf32, #tpu.memory_space<vmem>>, vector<16xf32>,
          tpu.vector_store %arg32[%parallel_loop3A_646, %parallel_loop3A_647], %parallel_loop3A_645 {strides = array<i32>} : memref<32x128xf32, #tpu.memory_space<vmem>>, vector<16xf32>,
          %parallel_loop3A_649 = arith.index_cast %parallel_loop3A_562 : i32 to index
          %parallel_loop3A_650 = arith.constant 48 : index
          %parallel_loop3A_651 = tpu.vector_load %arg32[%parallel_loop3A_649, %parallel_loop3A_650] {strides = array<i32>} : memref<32x128xf32, #tpu.memory_space<vmem>>, vector<16xf32>,
          %parallel_loop3A_652 = arith.mulf %parallel_loop3A_651, %parallel_loop3A_627 : vector<16xf32>
          %parallel_loop3A_653 = arith.index_cast %parallel_loop3A_562 : i32 to index
          %parallel_loop3A_654 = arith.constant 48 : index
          %parallel_loop3A_655 = tpu.vector_load %arg32[%parallel_loop3A_653, %parallel_loop3A_654] {strides = array<i32>} : memref<32x128xf32, #tpu.memory_space<vmem>>, vector<16xf32>,
          tpu.vector_store %arg32[%parallel_loop3A_653, %parallel_loop3A_654], %parallel_loop3A_652 {strides = array<i32>} : memref<32x128xf32, #tpu.memory_space<vmem>>, vector<16xf32>,
          %parallel_loop3A_656 = arith.index_cast %parallel_loop3A_562 : i32 to index
          %parallel_loop3A_657 = arith.constant 64 : index
          %parallel_loop3A_658 = tpu.vector_load %arg32[%parallel_loop3A_656, %parallel_loop3A_657] {strides = array<i32>} : memref<32x128xf32, #tpu.memory_space<vmem>>, vector<16xf32>,
          %parallel_loop3A_659 = arith.mulf %parallel_loop3A_658, %parallel_loop3A_627 : vector<16xf32>
          %parallel_loop3A_660 = arith.index_cast %parallel_loop3A_562 : i32 to index
          %parallel_loop3A_661 = arith.constant 64 : index
          %parallel_loop3A_662 = tpu.vector_load %arg32[%parallel_loop3A_660, %parallel_loop3A_661] {strides = array<i32>} : memref<32x128xf32, #tpu.memory_space<vmem>>, vector<16xf32>,
          tpu.vector_store %arg32[%parallel_loop3A_660, %parallel_loop3A_661], %parallel_loop3A_659 {strides = array<i32>} : memref<32x128xf32, #tpu.memory_space<vmem>>, vector<16xf32>,
          %parallel_loop3A_663 = arith.index_cast %parallel_loop3A_562 : i32 to index
          %parallel_loop3A_664 = arith.constant 80 : index
          %parallel_loop3A_665 = tpu.vector_load %arg32[%parallel_loop3A_663, %parallel_loop3A_664] {strides = array<i32>} : memref<32x128xf32, #tpu.memory_space<vmem>>, vector<16xf32>,
          %parallel_loop3A_666 = arith.mulf %parallel_loop3A_665, %parallel_loop3A_627 : vector<16xf32>
          %parallel_loop3A_667 = arith.index_cast %parallel_loop3A_562 : i32 to index
          %parallel_loop3A_668 = arith.constant 80 : index
          %parallel_loop3A_669 = tpu.vector_load %arg32[%parallel_loop3A_667, %parallel_loop3A_668] {strides = array<i32>} : memref<32x128xf32, #tpu.memory_space<vmem>>, vector<16xf32>,
          tpu.vector_store %arg32[%parallel_loop3A_667, %parallel_loop3A_668], %parallel_loop3A_666 {strides = array<i32>} : memref<32x128xf32, #tpu.memory_space<vmem>>, vector<16xf32>,
          %parallel_loop3A_670 = arith.index_cast %parallel_loop3A_562 : i32 to index
          %parallel_loop3A_671 = arith.constant 96 : index
          %parallel_loop3A_672 = tpu.vector_load %arg32[%parallel_loop3A_670, %parallel_loop3A_671] {strides = array<i32>} : memref<32x128xf32, #tpu.memory_space<vmem>>, vector<16xf32>,
          %parallel_loop3A_673 = arith.mulf %parallel_loop3A_672, %parallel_loop3A_627 : vector<16xf32>
          %parallel_loop3A_674 = arith.index_cast %parallel_loop3A_562 : i32 to index
          %parallel_loop3A_675 = arith.constant 96 : index
          %parallel_loop3A_676 = tpu.vector_load %arg32[%parallel_loop3A_674, %parallel_loop3A_675] {strides = array<i32>} : memref<32x128xf32, #tpu.memory_space<vmem>>, vector<16xf32>,
          tpu.vector_store %arg32[%parallel_loop3A_674, %parallel_loop3A_675], %parallel_loop3A_673 {strides = array<i32>} : memref<32x128xf32, #tpu.memory_space<vmem>>, vector<16xf32>,
          %parallel_loop3A_677 = arith.index_cast %parallel_loop3A_562 : i32 to index
          %parallel_loop3A_678 = arith.constant 112 : index
          %parallel_loop3A_679 = tpu.vector_load %arg32[%parallel_loop3A_677, %parallel_loop3A_678] {strides = array<i32>} : memref<32x128xf32, #tpu.memory_space<vmem>>, vector<16xf32>,
          %parallel_loop3A_680 = arith.mulf %parallel_loop3A_679, %parallel_loop3A_627 : vector<16xf32>
          %parallel_loop3A_681 = arith.index_cast %parallel_loop3A_562 : i32 to index
          %parallel_loop3A_682 = arith.constant 112 : index
          %parallel_loop3A_683 = tpu.vector_load %arg32[%parallel_loop3A_681, %parallel_loop3A_682] {strides = array<i32>} : memref<32x128xf32, #tpu.memory_space<vmem>>, vector<16xf32>,
          tpu.vector_store %arg32[%parallel_loop3A_681, %parallel_loop3A_682], %parallel_loop3A_680 {strides = array<i32>} : memref<32x128xf32, #tpu.memory_space<vmem>>, vector<16xf32>,
          %parallel_loop3A_684 = vector.extract_strided_slice %parallel_loop3A_565 {offsets = [2], sizes = [1], strides = [1]} : vector<16xf32> to vector<1xf32>
          %parallel_loop3A_685 = vector.extract %parallel_loop3A_684[0] : f32 from vector<1xf32>
          %parallel_loop3A_686 = vector.broadcast %parallel_loop3A_685 : f32 to vector<16xf32>
          %parallel_loop3A_687 = arith.index_cast %parallel_loop3A_562 : i32 to index
          %parallel_loop3A_688 = arith.constant 0 : index
          %parallel_loop3A_689 = tpu.vector_load %arg33[%parallel_loop3A_687, %parallel_loop3A_688] {strides = array<i32>} : memref<32x128xf32, #tpu.memory_space<vmem>>, vector<16xf32>,
          %parallel_loop3A_690 = arith.mulf %parallel_loop3A_689, %parallel_loop3A_686 : vector<16xf32>
          %parallel_loop3A_691 = arith.index_cast %parallel_loop3A_562 : i32 to index
          %parallel_loop3A_692 = arith.constant 0 : index
          %parallel_loop3A_693 = tpu.vector_load %arg33[%parallel_loop3A_691, %parallel_loop3A_692] {strides = array<i32>} : memref<32x128xf32, #tpu.memory_space<vmem>>, vector<16xf32>,
          tpu.vector_store %arg33[%parallel_loop3A_691, %parallel_loop3A_692], %parallel_loop3A_690 {strides = array<i32>} : memref<32x128xf32, #tpu.memory_space<vmem>>, vector<16xf32>,
          %parallel_loop3A_694 = arith.index_cast %parallel_loop3A_562 : i32 to index
          %parallel_loop3A_695 = arith.constant 16 : index
          %parallel_loop3A_696 = tpu.vector_load %arg33[%parallel_loop3A_694, %parallel_loop3A_695] {strides = array<i32>} : memref<32x128xf32, #tpu.memory_space<vmem>>, vector<16xf32>,
          %parallel_loop3A_697 = arith.mulf %parallel_loop3A_696, %parallel_loop3A_686 : vector<16xf32>
          %parallel_loop3A_698 = arith.index_cast %parallel_loop3A_562 : i32 to index
          %parallel_loop3A_699 = arith.constant 16 : index
          %parallel_loop3A_700 = tpu.vector_load %arg33[%parallel_loop3A_698, %parallel_loop3A_699] {strides = array<i32>} : memref<32x128xf32, #tpu.memory_space<vmem>>, vector<16xf32>,
          tpu.vector_store %arg33[%parallel_loop3A_698, %parallel_loop3A_699], %parallel_loop3A_697 {strides = array<i32>} : memref<32x128xf32, #tpu.memory_space<vmem>>, vector<16xf32>,
          %parallel_loop3A_701 = arith.index_cast %parallel_loop3A_562 : i32 to index
          %parallel_loop3A_702 = arith.constant 32 : index
          %parallel_loop3A_703 = tpu.vector_load %arg33[%parallel_loop3A_701, %parallel_loop3A_702] {strides = array<i32>} : memref<32x128xf32, #tpu.memory_space<vmem>>, vector<16xf32>,
          %parallel_loop3A_704 = arith.mulf %parallel_loop3A_703, %parallel_loop3A_686 : vector<16xf32>
          %parallel_loop3A_705 = arith.index_cast %parallel_loop3A_562 : i32 to index
          %parallel_loop3A_706 = arith.constant 32 : index
          %parallel_loop3A_707 = tpu.vector_load %arg33[%parallel_loop3A_705, %parallel_loop3A_706] {strides = array<i32>} : memref<32x128xf32, #tpu.memory_space<vmem>>, vector<16xf32>,
          tpu.vector_store %arg33[%parallel_loop3A_705, %parallel_loop3A_706], %parallel_loop3A_704 {strides = array<i32>} : memref<32x128xf32, #tpu.memory_space<vmem>>, vector<16xf32>,
          %parallel_loop3A_708 = arith.index_cast %parallel_loop3A_562 : i32 to index
          %parallel_loop3A_709 = arith.constant 48 : index
          %parallel_loop3A_710 = tpu.vector_load %arg33[%parallel_loop3A_708, %parallel_loop3A_709] {strides = array<i32>} : memref<32x128xf32, #tpu.memory_space<vmem>>, vector<16xf32>,
          %parallel_loop3A_711 = arith.mulf %parallel_loop3A_710, %parallel_loop3A_686 : vector<16xf32>
          %parallel_loop3A_712 = arith.index_cast %parallel_loop3A_562 : i32 to index
          %parallel_loop3A_713 = arith.constant 48 : index
          %parallel_loop3A_714 = tpu.vector_load %arg33[%parallel_loop3A_712, %parallel_loop3A_713] {strides = array<i32>} : memref<32x128xf32, #tpu.memory_space<vmem>>, vector<16xf32>,
          tpu.vector_store %arg33[%parallel_loop3A_712, %parallel_loop3A_713], %parallel_loop3A_711 {strides = array<i32>} : memref<32x128xf32, #tpu.memory_space<vmem>>, vector<16xf32>,
          %parallel_loop3A_715 = arith.index_cast %parallel_loop3A_562 : i32 to index
          %parallel_loop3A_716 = arith.constant 64 : index
          %parallel_loop3A_717 = tpu.vector_load %arg33[%parallel_loop3A_715, %parallel_loop3A_716] {strides = array<i32>} : memref<32x128xf32, #tpu.memory_space<vmem>>, vector<16xf32>,
          %parallel_loop3A_718 = arith.mulf %parallel_loop3A_717, %parallel_loop3A_686 : vector<16xf32>
          %parallel_loop3A_719 = arith.index_cast %parallel_loop3A_562 : i32 to index
          %parallel_loop3A_720 = arith.constant 64 : index
          %parallel_loop3A_721 = tpu.vector_load %arg33[%parallel_loop3A_719, %parallel_loop3A_720] {strides = array<i32>} : memref<32x128xf32, #tpu.memory_space<vmem>>, vector<16xf32>,
          tpu.vector_store %arg33[%parallel_loop3A_719, %parallel_loop3A_720], %parallel_loop3A_718 {strides = array<i32>} : memref<32x128xf32, #tpu.memory_space<vmem>>, vector<16xf32>,
          %parallel_loop3A_722 = arith.index_cast %parallel_loop3A_562 : i32 to index
          %parallel_loop3A_723 = arith.constant 80 : index
          %parallel_loop3A_724 = tpu.vector_load %arg33[%parallel_loop3A_722, %parallel_loop3A_723] {strides = array<i32>} : memref<32x128xf32, #tpu.memory_space<vmem>>, vector<16xf32>,
          %parallel_loop3A_725 = arith.mulf %parallel_loop3A_724, %parallel_loop3A_686 : vector<16xf32>
          %parallel_loop3A_726 = arith.index_cast %parallel_loop3A_562 : i32 to index
          %parallel_loop3A_727 = arith.constant 80 : index
          %parallel_loop3A_728 = tpu.vector_load %arg33[%parallel_loop3A_726, %parallel_loop3A_727] {strides = array<i32>} : memref<32x128xf32, #tpu.memory_space<vmem>>, vector<16xf32>,
          tpu.vector_store %arg33[%parallel_loop3A_726, %parallel_loop3A_727], %parallel_loop3A_725 {strides = array<i32>} : memref<32x128xf32, #tpu.memory_space<vmem>>, vector<16xf32>,
          %parallel_loop3A_729 = arith.index_cast %parallel_loop3A_562 : i32 to index
          %parallel_loop3A_730 = arith.constant 96 : index
          %parallel_loop3A_731 = tpu.vector_load %arg33[%parallel_loop3A_729, %parallel_loop3A_730] {strides = array<i32>} : memref<32x128xf32, #tpu.memory_space<vmem>>, vector<16xf32>,
          %parallel_loop3A_732 = arith.mulf %parallel_loop3A_731, %parallel_loop3A_686 : vector<16xf32>
          %parallel_loop3A_733 = arith.index_cast %parallel_loop3A_562 : i32 to index
          %parallel_loop3A_734 = arith.constant 96 : index
          %parallel_loop3A_735 = tpu.vector_load %arg33[%parallel_loop3A_733, %parallel_loop3A_734] {strides = array<i32>} : memref<32x128xf32, #tpu.memory_space<vmem>>, vector<16xf32>,
          tpu.vector_store %arg33[%parallel_loop3A_733, %parallel_loop3A_734], %parallel_loop3A_732 {strides = array<i32>} : memref<32x128xf32, #tpu.memory_space<vmem>>, vector<16xf32>,
          %parallel_loop3A_736 = arith.index_cast %parallel_loop3A_562 : i32 to index
          %parallel_loop3A_737 = arith.constant 112 : index
          %parallel_loop3A_738 = tpu.vector_load %arg33[%parallel_loop3A_736, %parallel_loop3A_737] {strides = array<i32>} : memref<32x128xf32, #tpu.memory_space<vmem>>, vector<16xf32>,
          %parallel_loop3A_739 = arith.mulf %parallel_loop3A_738, %parallel_loop3A_686 : vector<16xf32>
          %parallel_loop3A_740 = arith.index_cast %parallel_loop3A_562 : i32 to index
          %parallel_loop3A_741 = arith.constant 112 : index
          %parallel_loop3A_742 = tpu.vector_load %arg33[%parallel_loop3A_740, %parallel_loop3A_741] {strides = array<i32>} : memref<32x128xf32, #tpu.memory_space<vmem>>, vector<16xf32>,
          tpu.vector_store %arg33[%parallel_loop3A_740, %parallel_loop3A_741], %parallel_loop3A_739 {strides = array<i32>} : memref<32x128xf32, #tpu.memory_space<vmem>>, vector<16xf32>,
          %parallel_loop3A_743 = vector.extract_strided_slice %parallel_loop3A_565 {offsets = [3], sizes = [1], strides = [1]} : vector<16xf32> to vector<1xf32>
          %parallel_loop3A_744 = vector.extract %parallel_loop3A_743[0] : f32 from vector<1xf32>
          %parallel_loop3A_745 = vector.broadcast %parallel_loop3A_744 : f32 to vector<16xf32>
          %parallel_loop3A_746 = arith.index_cast %parallel_loop3A_562 : i32 to index
          %parallel_loop3A_747 = arith.constant 0 : index
          %parallel_loop3A_748 = tpu.vector_load %arg34[%parallel_loop3A_746, %parallel_loop3A_747] {strides = array<i32>} : memref<32x128xf32, #tpu.memory_space<vmem>>, vector<16xf32>,
          %parallel_loop3A_749 = arith.mulf %parallel_loop3A_748, %parallel_loop3A_745 : vector<16xf32>
          %parallel_loop3A_750 = arith.index_cast %parallel_loop3A_562 : i32 to index
          %parallel_loop3A_751 = arith.constant 0 : index
          %parallel_loop3A_752 = tpu.vector_load %arg34[%parallel_loop3A_750, %parallel_loop3A_751] {strides = array<i32>} : memref<32x128xf32, #tpu.memory_space<vmem>>, vector<16xf32>,
          tpu.vector_store %arg34[%parallel_loop3A_750, %parallel_loop3A_751], %parallel_loop3A_749 {strides = array<i32>} : memref<32x128xf32, #tpu.memory_space<vmem>>, vector<16xf32>,
          %parallel_loop3A_753 = arith.index_cast %parallel_loop3A_562 : i32 to index
          %parallel_loop3A_754 = arith.constant 16 : index
          %parallel_loop3A_755 = tpu.vector_load %arg34[%parallel_loop3A_753, %parallel_loop3A_754] {strides = array<i32>} : memref<32x128xf32, #tpu.memory_space<vmem>>, vector<16xf32>,
          %parallel_loop3A_756 = arith.mulf %parallel_loop3A_755, %parallel_loop3A_745 : vector<16xf32>
          %parallel_loop3A_757 = arith.index_cast %parallel_loop3A_562 : i32 to index
          %parallel_loop3A_758 = arith.constant 16 : index
          %parallel_loop3A_759 = tpu.vector_load %arg34[%parallel_loop3A_757, %parallel_loop3A_758] {strides = array<i32>} : memref<32x128xf32, #tpu.memory_space<vmem>>, vector<16xf32>,
          tpu.vector_store %arg34[%parallel_loop3A_757, %parallel_loop3A_758], %parallel_loop3A_756 {strides = array<i32>} : memref<32x128xf32, #tpu.memory_space<vmem>>, vector<16xf32>,
          %parallel_loop3A_760 = arith.index_cast %parallel_loop3A_562 : i32 to index
          %parallel_loop3A_761 = arith.constant 32 : index
          %parallel_loop3A_762 = tpu.vector_load %arg34[%parallel_loop3A_760, %parallel_loop3A_761] {strides = array<i32>} : memref<32x128xf32, #tpu.memory_space<vmem>>, vector<16xf32>,
          %parallel_loop3A_763 = arith.mulf %parallel_loop3A_762, %parallel_loop3A_745 : vector<16xf32>
          %parallel_loop3A_764 = arith.index_cast %parallel_loop3A_562 : i32 to index
          %parallel_loop3A_765 = arith.constant 32 : index
          %parallel_loop3A_766 = tpu.vector_load %arg34[%parallel_loop3A_764, %parallel_loop3A_765] {strides = array<i32>} : memref<32x128xf32, #tpu.memory_space<vmem>>, vector<16xf32>,
          tpu.vector_store %arg34[%parallel_loop3A_764, %parallel_loop3A_765], %parallel_loop3A_763 {strides = array<i32>} : memref<32x128xf32, #tpu.memory_space<vmem>>, vector<16xf32>,
          %parallel_loop3A_767 = arith.index_cast %parallel_loop3A_562 : i32 to index
          %parallel_loop3A_768 = arith.constant 48 : index
          %parallel_loop3A_769 = tpu.vector_load %arg34[%parallel_loop3A_767, %parallel_loop3A_768] {strides = array<i32>} : memref<32x128xf32, #tpu.memory_space<vmem>>, vector<16xf32>,
          %parallel_loop3A_770 = arith.mulf %parallel_loop3A_769, %parallel_loop3A_745 : vector<16xf32>
          %parallel_loop3A_771 = arith.index_cast %parallel_loop3A_562 : i32 to index
          %parallel_loop3A_772 = arith.constant 48 : index
          %parallel_loop3A_773 = tpu.vector_load %arg34[%parallel_loop3A_771, %parallel_loop3A_772] {strides = array<i32>} : memref<32x128xf32, #tpu.memory_space<vmem>>, vector<16xf32>,
          tpu.vector_store %arg34[%parallel_loop3A_771, %parallel_loop3A_772], %parallel_loop3A_770 {strides = array<i32>} : memref<32x128xf32, #tpu.memory_space<vmem>>, vector<16xf32>,
          %parallel_loop3A_774 = arith.index_cast %parallel_loop3A_562 : i32 to index
          %parallel_loop3A_775 = arith.constant 64 : index
          %parallel_loop3A_776 = tpu.vector_load %arg34[%parallel_loop3A_774, %parallel_loop3A_775] {strides = array<i32>} : memref<32x128xf32, #tpu.memory_space<vmem>>, vector<16xf32>,
          %parallel_loop3A_777 = arith.mulf %parallel_loop3A_776, %parallel_loop3A_745 : vector<16xf32>
          %parallel_loop3A_778 = arith.index_cast %parallel_loop3A_562 : i32 to index
          %parallel_loop3A_779 = arith.constant 64 : index
          %parallel_loop3A_780 = tpu.vector_load %arg34[%parallel_loop3A_778, %parallel_loop3A_779] {strides = array<i32>} : memref<32x128xf32, #tpu.memory_space<vmem>>, vector<16xf32>,
          tpu.vector_store %arg34[%parallel_loop3A_778, %parallel_loop3A_779], %parallel_loop3A_777 {strides = array<i32>} : memref<32x128xf32, #tpu.memory_space<vmem>>, vector<16xf32>,
          %parallel_loop3A_781 = arith.index_cast %parallel_loop3A_562 : i32 to index
          %parallel_loop3A_782 = arith.constant 80 : index
          %parallel_loop3A_783 = tpu.vector_load %arg34[%parallel_loop3A_781, %parallel_loop3A_782] {strides = array<i32>} : memref<32x128xf32, #tpu.memory_space<vmem>>, vector<16xf32>,
          %parallel_loop3A_784 = arith.mulf %parallel_loop3A_783, %parallel_loop3A_745 : vector<16xf32>
          %parallel_loop3A_785 = arith.index_cast %parallel_loop3A_562 : i32 to index
          %parallel_loop3A_786 = arith.constant 80 : index
          %parallel_loop3A_787 = tpu.vector_load %arg34[%parallel_loop3A_785, %parallel_loop3A_786] {strides = array<i32>} : memref<32x128xf32, #tpu.memory_space<vmem>>, vector<16xf32>,
          tpu.vector_store %arg34[%parallel_loop3A_785, %parallel_loop3A_786], %parallel_loop3A_784 {strides = array<i32>} : memref<32x128xf32, #tpu.memory_space<vmem>>, vector<16xf32>,
          %parallel_loop3A_788 = arith.index_cast %parallel_loop3A_562 : i32 to index
          %parallel_loop3A_789 = arith.constant 96 : index
          %parallel_loop3A_790 = tpu.vector_load %arg34[%parallel_loop3A_788, %parallel_loop3A_789] {strides = array<i32>} : memref<32x128xf32, #tpu.memory_space<vmem>>, vector<16xf32>,
          %parallel_loop3A_791 = arith.mulf %parallel_loop3A_790, %parallel_loop3A_745 : vector<16xf32>
          %parallel_loop3A_792 = arith.index_cast %parallel_loop3A_562 : i32 to index
          %parallel_loop3A_793 = arith.constant 96 : index
          %parallel_loop3A_794 = tpu.vector_load %arg34[%parallel_loop3A_792, %parallel_loop3A_793] {strides = array<i32>} : memref<32x128xf32, #tpu.memory_space<vmem>>, vector<16xf32>,
          tpu.vector_store %arg34[%parallel_loop3A_792, %parallel_loop3A_793], %parallel_loop3A_791 {strides = array<i32>} : memref<32x128xf32, #tpu.memory_space<vmem>>, vector<16xf32>,
          %parallel_loop3A_795 = arith.index_cast %parallel_loop3A_562 : i32 to index
          %parallel_loop3A_796 = arith.constant 112 : index
          %parallel_loop3A_797 = tpu.vector_load %arg34[%parallel_loop3A_795, %parallel_loop3A_796] {strides = array<i32>} : memref<32x128xf32, #tpu.memory_space<vmem>>, vector<16xf32>,
          %parallel_loop3A_798 = arith.mulf %parallel_loop3A_797, %parallel_loop3A_745 : vector<16xf32>
          %parallel_loop3A_799 = arith.index_cast %parallel_loop3A_562 : i32 to index
          %parallel_loop3A_800 = arith.constant 112 : index
          %parallel_loop3A_801 = tpu.vector_load %arg34[%parallel_loop3A_799, %parallel_loop3A_800] {strides = array<i32>} : memref<32x128xf32, #tpu.memory_space<vmem>>, vector<16xf32>,
          tpu.vector_store %arg34[%parallel_loop3A_799, %parallel_loop3A_800], %parallel_loop3A_798 {strides = array<i32>} : memref<32x128xf32, #tpu.memory_space<vmem>>, vector<16xf32>,
          %parallel_loop3A_802 = vector.extract_strided_slice %parallel_loop3A_565 {offsets = [4], sizes = [1], strides = [1]} : vector<16xf32> to vector<1xf32>
          %parallel_loop3A_803 = vector.extract %parallel_loop3A_802[0] : f32 from vector<1xf32>
          %parallel_loop3A_804 = vector.broadcast %parallel_loop3A_803 : f32 to vector<16xf32>
          %parallel_loop3A_805 = arith.index_cast %parallel_loop3A_562 : i32 to index
          %parallel_loop3A_806 = arith.constant 0 : index
          %parallel_loop3A_807 = tpu.vector_load %arg35[%parallel_loop3A_805, %parallel_loop3A_806] {strides = array<i32>} : memref<32x128xf32, #tpu.memory_space<vmem>>, vector<16xf32>,
          %parallel_loop3A_808 = arith.mulf %parallel_loop3A_807, %parallel_loop3A_804 : vector<16xf32>
          %parallel_loop3A_809 = arith.index_cast %parallel_loop3A_562 : i32 to index
          %parallel_loop3A_810 = arith.constant 0 : index
          %parallel_loop3A_811 = tpu.vector_load %arg35[%parallel_loop3A_809, %parallel_loop3A_810] {strides = array<i32>} : memref<32x128xf32, #tpu.memory_space<vmem>>, vector<16xf32>,
          tpu.vector_store %arg35[%parallel_loop3A_809, %parallel_loop3A_810], %parallel_loop3A_808 {strides = array<i32>} : memref<32x128xf32, #tpu.memory_space<vmem>>, vector<16xf32>,
          %parallel_loop3A_812 = arith.index_cast %parallel_loop3A_562 : i32 to index
          %parallel_loop3A_813 = arith.constant 16 : index
          %parallel_loop3A_814 = tpu.vector_load %arg35[%parallel_loop3A_812, %parallel_loop3A_813] {strides = array<i32>} : memref<32x128xf32, #tpu.memory_space<vmem>>, vector<16xf32>,
          %parallel_loop3A_815 = arith.mulf %parallel_loop3A_814, %parallel_loop3A_804 : vector<16xf32>
          %parallel_loop3A_816 = arith.index_cast %parallel_loop3A_562 : i32 to index
          %parallel_loop3A_817 = arith.constant 16 : index
          %parallel_loop3A_818 = tpu.vector_load %arg35[%parallel_loop3A_816, %parallel_loop3A_817] {strides = array<i32>} : memref<32x128xf32, #tpu.memory_space<vmem>>, vector<16xf32>,
          tpu.vector_store %arg35[%parallel_loop3A_816, %parallel_loop3A_817], %parallel_loop3A_815 {strides = array<i32>} : memref<32x128xf32, #tpu.memory_space<vmem>>, vector<16xf32>,
          %parallel_loop3A_819 = arith.index_cast %parallel_loop3A_562 : i32 to index
          %parallel_loop3A_820 = arith.constant 32 : index
          %parallel_loop3A_821 = tpu.vector_load %arg35[%parallel_loop3A_819, %parallel_loop3A_820] {strides = array<i32>} : memref<32x128xf32, #tpu.memory_space<vmem>>, vector<16xf32>,
          %parallel_loop3A_822 = arith.mulf %parallel_loop3A_821, %parallel_loop3A_804 : vector<16xf32>
          %parallel_loop3A_823 = arith.index_cast %parallel_loop3A_562 : i32 to index
          %parallel_loop3A_824 = arith.constant 32 : index
          %parallel_loop3A_825 = tpu.vector_load %arg35[%parallel_loop3A_823, %parallel_loop3A_824] {strides = array<i32>} : memref<32x128xf32, #tpu.memory_space<vmem>>, vector<16xf32>,
          tpu.vector_store %arg35[%parallel_loop3A_823, %parallel_loop3A_824], %parallel_loop3A_822 {strides = array<i32>} : memref<32x128xf32, #tpu.memory_space<vmem>>, vector<16xf32>,
          %parallel_loop3A_826 = arith.index_cast %parallel_loop3A_562 : i32 to index
          %parallel_loop3A_827 = arith.constant 48 : index
          %parallel_loop3A_828 = tpu.vector_load %arg35[%parallel_loop3A_826, %parallel_loop3A_827] {strides = array<i32>} : memref<32x128xf32, #tpu.memory_space<vmem>>, vector<16xf32>,
          %parallel_loop3A_829 = arith.mulf %parallel_loop3A_828, %parallel_loop3A_804 : vector<16xf32>
          %parallel_loop3A_830 = arith.index_cast %parallel_loop3A_562 : i32 to index
          %parallel_loop3A_831 = arith.constant 48 : index
          %parallel_loop3A_832 = tpu.vector_load %arg35[%parallel_loop3A_830, %parallel_loop3A_831] {strides = array<i32>} : memref<32x128xf32, #tpu.memory_space<vmem>>, vector<16xf32>,
          tpu.vector_store %arg35[%parallel_loop3A_830, %parallel_loop3A_831], %parallel_loop3A_829 {strides = array<i32>} : memref<32x128xf32, #tpu.memory_space<vmem>>, vector<16xf32>,
          %parallel_loop3A_833 = arith.index_cast %parallel_loop3A_562 : i32 to index
          %parallel_loop3A_834 = arith.constant 64 : index
          %parallel_loop3A_835 = tpu.vector_load %arg35[%parallel_loop3A_833, %parallel_loop3A_834] {strides = array<i32>} : memref<32x128xf32, #tpu.memory_space<vmem>>, vector<16xf32>,
          %parallel_loop3A_836 = arith.mulf %parallel_loop3A_835, %parallel_loop3A_804 : vector<16xf32>
          %parallel_loop3A_837 = arith.index_cast %parallel_loop3A_562 : i32 to index
          %parallel_loop3A_838 = arith.constant 64 : index
          %parallel_loop3A_839 = tpu.vector_load %arg35[%parallel_loop3A_837, %parallel_loop3A_838] {strides = array<i32>} : memref<32x128xf32, #tpu.memory_space<vmem>>, vector<16xf32>,
          tpu.vector_store %arg35[%parallel_loop3A_837, %parallel_loop3A_838], %parallel_loop3A_836 {strides = array<i32>} : memref<32x128xf32, #tpu.memory_space<vmem>>, vector<16xf32>,
          %parallel_loop3A_840 = arith.index_cast %parallel_loop3A_562 : i32 to index
          %parallel_loop3A_841 = arith.constant 80 : index
          %parallel_loop3A_842 = tpu.vector_load %arg35[%parallel_loop3A_840, %parallel_loop3A_841] {strides = array<i32>} : memref<32x128xf32, #tpu.memory_space<vmem>>, vector<16xf32>,
          %parallel_loop3A_843 = arith.mulf %parallel_loop3A_842, %parallel_loop3A_804 : vector<16xf32>
          %parallel_loop3A_844 = arith.index_cast %parallel_loop3A_562 : i32 to index
          %parallel_loop3A_845 = arith.constant 80 : index
          %parallel_loop3A_846 = tpu.vector_load %arg35[%parallel_loop3A_844, %parallel_loop3A_845] {strides = array<i32>} : memref<32x128xf32, #tpu.memory_space<vmem>>, vector<16xf32>,
          tpu.vector_store %arg35[%parallel_loop3A_844, %parallel_loop3A_845], %parallel_loop3A_843 {strides = array<i32>} : memref<32x128xf32, #tpu.memory_space<vmem>>, vector<16xf32>,
          %parallel_loop3A_847 = arith.index_cast %parallel_loop3A_562 : i32 to index
          %parallel_loop3A_848 = arith.constant 96 : index
          %parallel_loop3A_849 = tpu.vector_load %arg35[%parallel_loop3A_847, %parallel_loop3A_848] {strides = array<i32>} : memref<32x128xf32, #tpu.memory_space<vmem>>, vector<16xf32>,
          %parallel_loop3A_850 = arith.mulf %parallel_loop3A_849, %parallel_loop3A_804 : vector<16xf32>
          %parallel_loop3A_851 = arith.index_cast %parallel_loop3A_562 : i32 to index
          %parallel_loop3A_852 = arith.constant 96 : index
          %parallel_loop3A_853 = tpu.vector_load %arg35[%parallel_loop3A_851, %parallel_loop3A_852] {strides = array<i32>} : memref<32x128xf32, #tpu.memory_space<vmem>>, vector<16xf32>,
          tpu.vector_store %arg35[%parallel_loop3A_851, %parallel_loop3A_852], %parallel_loop3A_850 {strides = array<i32>} : memref<32x128xf32, #tpu.memory_space<vmem>>, vector<16xf32>,
          %parallel_loop3A_854 = arith.index_cast %parallel_loop3A_562 : i32 to index
          %parallel_loop3A_855 = arith.constant 112 : index
          %parallel_loop3A_856 = tpu.vector_load %arg35[%parallel_loop3A_854, %parallel_loop3A_855] {strides = array<i32>} : memref<32x128xf32, #tpu.memory_space<vmem>>, vector<16xf32>,
          %parallel_loop3A_857 = arith.mulf %parallel_loop3A_856, %parallel_loop3A_804 : vector<16xf32>
          %parallel_loop3A_858 = arith.index_cast %parallel_loop3A_562 : i32 to index
          %parallel_loop3A_859 = arith.constant 112 : index
          %parallel_loop3A_860 = tpu.vector_load %arg35[%parallel_loop3A_858, %parallel_loop3A_859] {strides = array<i32>} : memref<32x128xf32, #tpu.memory_space<vmem>>, vector<16xf32>,
          tpu.vector_store %arg35[%parallel_loop3A_858, %parallel_loop3A_859], %parallel_loop3A_857 {strides = array<i32>} : memref<32x128xf32, #tpu.memory_space<vmem>>, vector<16xf32>,
          %parallel_loop3A_861 = vector.extract_strided_slice %parallel_loop3A_565 {offsets = [5], sizes = [1], strides = [1]} : vector<16xf32> to vector<1xf32>
          %parallel_loop3A_862 = vector.extract %parallel_loop3A_861[0] : f32 from vector<1xf32>
          %parallel_loop3A_863 = vector.broadcast %parallel_loop3A_862 : f32 to vector<16xf32>
          %parallel_loop3A_864 = arith.index_cast %parallel_loop3A_562 : i32 to index
          %parallel_loop3A_865 = arith.constant 0 : index
          %parallel_loop3A_866 = tpu.vector_load %arg36[%parallel_loop3A_864, %parallel_loop3A_865] {strides = array<i32>} : memref<32x128xf32, #tpu.memory_space<vmem>>, vector<16xf32>,
          %parallel_loop3A_867 = arith.mulf %parallel_loop3A_866, %parallel_loop3A_863 : vector<16xf32>
          %parallel_loop3A_868 = arith.index_cast %parallel_loop3A_562 : i32 to index
          %parallel_loop3A_869 = arith.constant 0 : index
          %parallel_loop3A_870 = tpu.vector_load %arg36[%parallel_loop3A_868, %parallel_loop3A_869] {strides = array<i32>} : memref<32x128xf32, #tpu.memory_space<vmem>>, vector<16xf32>,
          tpu.vector_store %arg36[%parallel_loop3A_868, %parallel_loop3A_869], %parallel_loop3A_867 {strides = array<i32>} : memref<32x128xf32, #tpu.memory_space<vmem>>, vector<16xf32>,
          %parallel_loop3A_871 = arith.index_cast %parallel_loop3A_562 : i32 to index
          %parallel_loop3A_872 = arith.constant 16 : index
          %parallel_loop3A_873 = tpu.vector_load %arg36[%parallel_loop3A_871, %parallel_loop3A_872] {strides = array<i32>} : memref<32x128xf32, #tpu.memory_space<vmem>>, vector<16xf32>,
          %parallel_loop3A_874 = arith.mulf %parallel_loop3A_873, %parallel_loop3A_863 : vector<16xf32>
          %parallel_loop3A_875 = arith.index_cast %parallel_loop3A_562 : i32 to index
          %parallel_loop3A_876 = arith.constant 16 : index
          %parallel_loop3A_877 = tpu.vector_load %arg36[%parallel_loop3A_875, %parallel_loop3A_876] {strides = array<i32>} : memref<32x128xf32, #tpu.memory_space<vmem>>, vector<16xf32>,
          tpu.vector_store %arg36[%parallel_loop3A_875, %parallel_loop3A_876], %parallel_loop3A_874 {strides = array<i32>} : memref<32x128xf32, #tpu.memory_space<vmem>>, vector<16xf32>,
          %parallel_loop3A_878 = arith.index_cast %parallel_loop3A_562 : i32 to index
          %parallel_loop3A_879 = arith.constant 32 : index
          %parallel_loop3A_880 = tpu.vector_load %arg36[%parallel_loop3A_878, %parallel_loop3A_879] {strides = array<i32>} : memref<32x128xf32, #tpu.memory_space<vmem>>, vector<16xf32>,
          %parallel_loop3A_881 = arith.mulf %parallel_loop3A_880, %parallel_loop3A_863 : vector<16xf32>
          %parallel_loop3A_882 = arith.index_cast %parallel_loop3A_562 : i32 to index
          %parallel_loop3A_883 = arith.constant 32 : index
          %parallel_loop3A_884 = tpu.vector_load %arg36[%parallel_loop3A_882, %parallel_loop3A_883] {strides = array<i32>} : memref<32x128xf32, #tpu.memory_space<vmem>>, vector<16xf32>,
          tpu.vector_store %arg36[%parallel_loop3A_882, %parallel_loop3A_883], %parallel_loop3A_881 {strides = array<i32>} : memref<32x128xf32, #tpu.memory_space<vmem>>, vector<16xf32>,
          %parallel_loop3A_885 = arith.index_cast %parallel_loop3A_562 : i32 to index
          %parallel_loop3A_886 = arith.constant 48 : index
          %parallel_loop3A_887 = tpu.vector_load %arg36[%parallel_loop3A_885, %parallel_loop3A_886] {strides = array<i32>} : memref<32x128xf32, #tpu.memory_space<vmem>>, vector<16xf32>,
          %parallel_loop3A_888 = arith.mulf %parallel_loop3A_887, %parallel_loop3A_863 : vector<16xf32>
          %parallel_loop3A_889 = arith.index_cast %parallel_loop3A_562 : i32 to index
          %parallel_loop3A_890 = arith.constant 48 : index
          %parallel_loop3A_891 = tpu.vector_load %arg36[%parallel_loop3A_889, %parallel_loop3A_890] {strides = array<i32>} : memref<32x128xf32, #tpu.memory_space<vmem>>, vector<16xf32>,
          tpu.vector_store %arg36[%parallel_loop3A_889, %parallel_loop3A_890], %parallel_loop3A_888 {strides = array<i32>} : memref<32x128xf32, #tpu.memory_space<vmem>>, vector<16xf32>,
          %parallel_loop3A_892 = arith.index_cast %parallel_loop3A_562 : i32 to index
          %parallel_loop3A_893 = arith.constant 64 : index
          %parallel_loop3A_894 = tpu.vector_load %arg36[%parallel_loop3A_892, %parallel_loop3A_893] {strides = array<i32>} : memref<32x128xf32, #tpu.memory_space<vmem>>, vector<16xf32>,
          %parallel_loop3A_895 = arith.mulf %parallel_loop3A_894, %parallel_loop3A_863 : vector<16xf32>
          %parallel_loop3A_896 = arith.index_cast %parallel_loop3A_562 : i32 to index
          %parallel_loop3A_897 = arith.constant 64 : index
          %parallel_loop3A_898 = tpu.vector_load %arg36[%parallel_loop3A_896, %parallel_loop3A_897] {strides = array<i32>} : memref<32x128xf32, #tpu.memory_space<vmem>>, vector<16xf32>,
          tpu.vector_store %arg36[%parallel_loop3A_896, %parallel_loop3A_897], %parallel_loop3A_895 {strides = array<i32>} : memref<32x128xf32, #tpu.memory_space<vmem>>, vector<16xf32>,
          %parallel_loop3A_899 = arith.index_cast %parallel_loop3A_562 : i32 to index
          %parallel_loop3A_900 = arith.constant 80 : index
          %parallel_loop3A_901 = tpu.vector_load %arg36[%parallel_loop3A_899, %parallel_loop3A_900] {strides = array<i32>} : memref<32x128xf32, #tpu.memory_space<vmem>>, vector<16xf32>,
          %parallel_loop3A_902 = arith.mulf %parallel_loop3A_901, %parallel_loop3A_863 : vector<16xf32>
          %parallel_loop3A_903 = arith.index_cast %parallel_loop3A_562 : i32 to index
          %parallel_loop3A_904 = arith.constant 80 : index
          %parallel_loop3A_905 = tpu.vector_load %arg36[%parallel_loop3A_903, %parallel_loop3A_904] {strides = array<i32>} : memref<32x128xf32, #tpu.memory_space<vmem>>, vector<16xf32>,
          tpu.vector_store %arg36[%parallel_loop3A_903, %parallel_loop3A_904], %parallel_loop3A_902 {strides = array<i32>} : memref<32x128xf32, #tpu.memory_space<vmem>>, vector<16xf32>,
          %parallel_loop3A_906 = arith.index_cast %parallel_loop3A_562 : i32 to index
          %parallel_loop3A_907 = arith.constant 96 : index
          %parallel_loop3A_908 = tpu.vector_load %arg36[%parallel_loop3A_906, %parallel_loop3A_907] {strides = array<i32>} : memref<32x128xf32, #tpu.memory_space<vmem>>, vector<16xf32>,
          %parallel_loop3A_909 = arith.mulf %parallel_loop3A_908, %parallel_loop3A_863 : vector<16xf32>
          %parallel_loop3A_910 = arith.index_cast %parallel_loop3A_562 : i32 to index
          %parallel_loop3A_911 = arith.constant 96 : index
          %parallel_loop3A_912 = tpu.vector_load %arg36[%parallel_loop3A_910, %parallel_loop3A_911] {strides = array<i32>} : memref<32x128xf32, #tpu.memory_space<vmem>>, vector<16xf32>,
          tpu.vector_store %arg36[%parallel_loop3A_910, %parallel_loop3A_911], %parallel_loop3A_909 {strides = array<i32>} : memref<32x128xf32, #tpu.memory_space<vmem>>, vector<16xf32>,
          %parallel_loop3A_913 = arith.index_cast %parallel_loop3A_562 : i32 to index
          %parallel_loop3A_914 = arith.constant 112 : index
          %parallel_loop3A_915 = tpu.vector_load %arg36[%parallel_loop3A_913, %parallel_loop3A_914] {strides = array<i32>} : memref<32x128xf32, #tpu.memory_space<vmem>>, vector<16xf32>,
          %parallel_loop3A_916 = arith.mulf %parallel_loop3A_915, %parallel_loop3A_863 : vector<16xf32>
          %parallel_loop3A_917 = arith.index_cast %parallel_loop3A_562 : i32 to index
          %parallel_loop3A_918 = arith.constant 112 : index
          %parallel_loop3A_919 = tpu.vector_load %arg36[%parallel_loop3A_917, %parallel_loop3A_918] {strides = array<i32>} : memref<32x128xf32, #tpu.memory_space<vmem>>, vector<16xf32>,
          tpu.vector_store %arg36[%parallel_loop3A_917, %parallel_loop3A_918], %parallel_loop3A_916 {strides = array<i32>} : memref<32x128xf32, #tpu.memory_space<vmem>>, vector<16xf32>,
          %parallel_loop3A_920 = vector.extract_strided_slice %parallel_loop3A_565 {offsets = [6], sizes = [1], strides = [1]} : vector<16xf32> to vector<1xf32>
          %parallel_loop3A_921 = vector.extract %parallel_loop3A_920[0] : f32 from vector<1xf32>
          %parallel_loop3A_922 = vector.broadcast %parallel_loop3A_921 : f32 to vector<16xf32>
          %parallel_loop3A_923 = arith.index_cast %parallel_loop3A_562 : i32 to index
          %parallel_loop3A_924 = arith.constant 0 : index
          %parallel_loop3A_925 = tpu.vector_load %arg37[%parallel_loop3A_923, %parallel_loop3A_924] {strides = array<i32>} : memref<32x128xf32, #tpu.memory_space<vmem>>, vector<16xf32>,
          %parallel_loop3A_926 = arith.mulf %parallel_loop3A_925, %parallel_loop3A_922 : vector<16xf32>
          %parallel_loop3A_927 = arith.index_cast %parallel_loop3A_562 : i32 to index
          %parallel_loop3A_928 = arith.constant 0 : index
          %parallel_loop3A_929 = tpu.vector_load %arg37[%parallel_loop3A_927, %parallel_loop3A_928] {strides = array<i32>} : memref<32x128xf32, #tpu.memory_space<vmem>>, vector<16xf32>,
          tpu.vector_store %arg37[%parallel_loop3A_927, %parallel_loop3A_928], %parallel_loop3A_926 {strides = array<i32>} : memref<32x128xf32, #tpu.memory_space<vmem>>, vector<16xf32>,
          %parallel_loop3A_930 = arith.index_cast %parallel_loop3A_562 : i32 to index
          %parallel_loop3A_931 = arith.constant 16 : index
          %parallel_loop3A_932 = tpu.vector_load %arg37[%parallel_loop3A_930, %parallel_loop3A_931] {strides = array<i32>} : memref<32x128xf32, #tpu.memory_space<vmem>>, vector<16xf32>,
          %parallel_loop3A_933 = arith.mulf %parallel_loop3A_932, %parallel_loop3A_922 : vector<16xf32>
          %parallel_loop3A_934 = arith.index_cast %parallel_loop3A_562 : i32 to index
          %parallel_loop3A_935 = arith.constant 16 : index
          %parallel_loop3A_936 = tpu.vector_load %arg37[%parallel_loop3A_934, %parallel_loop3A_935] {strides = array<i32>} : memref<32x128xf32, #tpu.memory_space<vmem>>, vector<16xf32>,
          tpu.vector_store %arg37[%parallel_loop3A_934, %parallel_loop3A_935], %parallel_loop3A_933 {strides = array<i32>} : memref<32x128xf32, #tpu.memory_space<vmem>>, vector<16xf32>,
          %parallel_loop3A_937 = arith.index_cast %parallel_loop3A_562 : i32 to index
          %parallel_loop3A_938 = arith.constant 32 : index
          %parallel_loop3A_939 = tpu.vector_load %arg37[%parallel_loop3A_937, %parallel_loop3A_938] {strides = array<i32>} : memref<32x128xf32, #tpu.memory_space<vmem>>, vector<16xf32>,
          %parallel_loop3A_940 = arith.mulf %parallel_loop3A_939, %parallel_loop3A_922 : vector<16xf32>
          %parallel_loop3A_941 = arith.index_cast %parallel_loop3A_562 : i32 to index
          %parallel_loop3A_942 = arith.constant 32 : index
          %parallel_loop3A_943 = tpu.vector_load %arg37[%parallel_loop3A_941, %parallel_loop3A_942] {strides = array<i32>} : memref<32x128xf32, #tpu.memory_space<vmem>>, vector<16xf32>,
          tpu.vector_store %arg37[%parallel_loop3A_941, %parallel_loop3A_942], %parallel_loop3A_940 {strides = array<i32>} : memref<32x128xf32, #tpu.memory_space<vmem>>, vector<16xf32>,
          %parallel_loop3A_944 = arith.index_cast %parallel_loop3A_562 : i32 to index
          %parallel_loop3A_945 = arith.constant 48 : index
          %parallel_loop3A_946 = tpu.vector_load %arg37[%parallel_loop3A_944, %parallel_loop3A_945] {strides = array<i32>} : memref<32x128xf32, #tpu.memory_space<vmem>>, vector<16xf32>,
          %parallel_loop3A_947 = arith.mulf %parallel_loop3A_946, %parallel_loop3A_922 : vector<16xf32>
          %parallel_loop3A_948 = arith.index_cast %parallel_loop3A_562 : i32 to index
          %parallel_loop3A_949 = arith.constant 48 : index
          %parallel_loop3A_950 = tpu.vector_load %arg37[%parallel_loop3A_948, %parallel_loop3A_949] {strides = array<i32>} : memref<32x128xf32, #tpu.memory_space<vmem>>, vector<16xf32>,
          tpu.vector_store %arg37[%parallel_loop3A_948, %parallel_loop3A_949], %parallel_loop3A_947 {strides = array<i32>} : memref<32x128xf32, #tpu.memory_space<vmem>>, vector<16xf32>,
          %parallel_loop3A_951 = arith.index_cast %parallel_loop3A_562 : i32 to index
          %parallel_loop3A_952 = arith.constant 64 : index
          %parallel_loop3A_953 = tpu.vector_load %arg37[%parallel_loop3A_951, %parallel_loop3A_952] {strides = array<i32>} : memref<32x128xf32, #tpu.memory_space<vmem>>, vector<16xf32>,
          %parallel_loop3A_954 = arith.mulf %parallel_loop3A_953, %parallel_loop3A_922 : vector<16xf32>
          %parallel_loop3A_955 = arith.index_cast %parallel_loop3A_562 : i32 to index
          %parallel_loop3A_956 = arith.constant 64 : index
          %parallel_loop3A_957 = tpu.vector_load %arg37[%parallel_loop3A_955, %parallel_loop3A_956] {strides = array<i32>} : memref<32x128xf32, #tpu.memory_space<vmem>>, vector<16xf32>,
          tpu.vector_store %arg37[%parallel_loop3A_955, %parallel_loop3A_956], %parallel_loop3A_954 {strides = array<i32>} : memref<32x128xf32, #tpu.memory_space<vmem>>, vector<16xf32>,
          %parallel_loop3A_958 = arith.index_cast %parallel_loop3A_562 : i32 to index
          %parallel_loop3A_959 = arith.constant 80 : index
          %parallel_loop3A_960 = tpu.vector_load %arg37[%parallel_loop3A_958, %parallel_loop3A_959] {strides = array<i32>} : memref<32x128xf32, #tpu.memory_space<vmem>>, vector<16xf32>,
          %parallel_loop3A_961 = arith.mulf %parallel_loop3A_960, %parallel_loop3A_922 : vector<16xf32>
          %parallel_loop3A_962 = arith.index_cast %parallel_loop3A_562 : i32 to index
          %parallel_loop3A_963 = arith.constant 80 : index
          %parallel_loop3A_964 = tpu.vector_load %arg37[%parallel_loop3A_962, %parallel_loop3A_963] {strides = array<i32>} : memref<32x128xf32, #tpu.memory_space<vmem>>, vector<16xf32>,
          tpu.vector_store %arg37[%parallel_loop3A_962, %parallel_loop3A_963], %parallel_loop3A_961 {strides = array<i32>} : memref<32x128xf32, #tpu.memory_space<vmem>>, vector<16xf32>,
          %parallel_loop3A_965 = arith.index_cast %parallel_loop3A_562 : i32 to index
          %parallel_loop3A_966 = arith.constant 96 : index
          %parallel_loop3A_967 = tpu.vector_load %arg37[%parallel_loop3A_965, %parallel_loop3A_966] {strides = array<i32>} : memref<32x128xf32, #tpu.memory_space<vmem>>, vector<16xf32>,
          %parallel_loop3A_968 = arith.mulf %parallel_loop3A_967, %parallel_loop3A_922 : vector<16xf32>
          %parallel_loop3A_969 = arith.index_cast %parallel_loop3A_562 : i32 to index
          %parallel_loop3A_970 = arith.constant 96 : index
          %parallel_loop3A_971 = tpu.vector_load %arg37[%parallel_loop3A_969, %parallel_loop3A_970] {strides = array<i32>} : memref<32x128xf32, #tpu.memory_space<vmem>>, vector<16xf32>,
          tpu.vector_store %arg37[%parallel_loop3A_969, %parallel_loop3A_970], %parallel_loop3A_968 {strides = array<i32>} : memref<32x128xf32, #tpu.memory_space<vmem>>, vector<16xf32>,
          %parallel_loop3A_972 = arith.index_cast %parallel_loop3A_562 : i32 to index
          %parallel_loop3A_973 = arith.constant 112 : index
          %parallel_loop3A_974 = tpu.vector_load %arg37[%parallel_loop3A_972, %parallel_loop3A_973] {strides = array<i32>} : memref<32x128xf32, #tpu.memory_space<vmem>>, vector<16xf32>,
          %parallel_loop3A_975 = arith.mulf %parallel_loop3A_974, %parallel_loop3A_922 : vector<16xf32>
          %parallel_loop3A_976 = arith.index_cast %parallel_loop3A_562 : i32 to index
          %parallel_loop3A_977 = arith.constant 112 : index
          %parallel_loop3A_978 = tpu.vector_load %arg37[%parallel_loop3A_976, %parallel_loop3A_977] {strides = array<i32>} : memref<32x128xf32, #tpu.memory_space<vmem>>, vector<16xf32>,
          tpu.vector_store %arg37[%parallel_loop3A_976, %parallel_loop3A_977], %parallel_loop3A_975 {strides = array<i32>} : memref<32x128xf32, #tpu.memory_space<vmem>>, vector<16xf32>,
          %parallel_loop3A_979 = vector.extract_strided_slice %parallel_loop3A_565 {offsets = [7], sizes = [1], strides = [1]} : vector<16xf32> to vector<1xf32>
          %parallel_loop3A_980 = vector.extract %parallel_loop3A_979[0] : f32 from vector<1xf32>
          %parallel_loop3A_981 = vector.broadcast %parallel_loop3A_980 : f32 to vector<16xf32>
          %parallel_loop3A_982 = arith.index_cast %parallel_loop3A_562 : i32 to index
          %parallel_loop3A_983 = arith.constant 0 : index
          %parallel_loop3A_984 = tpu.vector_load %arg38[%parallel_loop3A_982, %parallel_loop3A_983] {strides = array<i32>} : memref<32x128xf32, #tpu.memory_space<vmem>>, vector<16xf32>,
          %parallel_loop3A_985 = arith.mulf %parallel_loop3A_984, %parallel_loop3A_981 : vector<16xf32>
          %parallel_loop3A_986 = arith.index_cast %parallel_loop3A_562 : i32 to index
          %parallel_loop3A_987 = arith.constant 0 : index
          %parallel_loop3A_988 = tpu.vector_load %arg38[%parallel_loop3A_986, %parallel_loop3A_987] {strides = array<i32>} : memref<32x128xf32, #tpu.memory_space<vmem>>, vector<16xf32>,
          tpu.vector_store %arg38[%parallel_loop3A_986, %parallel_loop3A_987], %parallel_loop3A_985 {strides = array<i32>} : memref<32x128xf32, #tpu.memory_space<vmem>>, vector<16xf32>,
          %parallel_loop3A_989 = arith.index_cast %parallel_loop3A_562 : i32 to index
          %parallel_loop3A_990 = arith.constant 16 : index
          %parallel_loop3A_991 = tpu.vector_load %arg38[%parallel_loop3A_989, %parallel_loop3A_990] {strides = array<i32>} : memref<32x128xf32, #tpu.memory_space<vmem>>, vector<16xf32>,
          %parallel_loop3A_992 = arith.mulf %parallel_loop3A_991, %parallel_loop3A_981 : vector<16xf32>
          %parallel_loop3A_993 = arith.index_cast %parallel_loop3A_562 : i32 to index
          %parallel_loop3A_994 = arith.constant 16 : index
          %parallel_loop3A_995 = tpu.vector_load %arg38[%parallel_loop3A_993, %parallel_loop3A_994] {strides = array<i32>} : memref<32x128xf32, #tpu.memory_space<vmem>>, vector<16xf32>,
          tpu.vector_store %arg38[%parallel_loop3A_993, %parallel_loop3A_994], %parallel_loop3A_992 {strides = array<i32>} : memref<32x128xf32, #tpu.memory_space<vmem>>, vector<16xf32>,
          %parallel_loop3A_996 = arith.index_cast %parallel_loop3A_562 : i32 to index
          %parallel_loop3A_997 = arith.constant 32 : index
          %parallel_loop3A_998 = tpu.vector_load %arg38[%parallel_loop3A_996, %parallel_loop3A_997] {strides = array<i32>} : memref<32x128xf32, #tpu.memory_space<vmem>>, vector<16xf32>,
          %parallel_loop3A_999 = arith.mulf %parallel_loop3A_998, %parallel_loop3A_981 : vector<16xf32>
          %parallel_loop3A_1000 = arith.index_cast %parallel_loop3A_562 : i32 to index
          %parallel_loop3A_1001 = arith.constant 32 : index
          %parallel_loop3A_1002 = tpu.vector_load %arg38[%parallel_loop3A_1000, %parallel_loop3A_1001] {strides = array<i32>} : memref<32x128xf32, #tpu.memory_space<vmem>>, vector<16xf32>,
          tpu.vector_store %arg38[%parallel_loop3A_1000, %parallel_loop3A_1001], %parallel_loop3A_999 {strides = array<i32>} : memref<32x128xf32, #tpu.memory_space<vmem>>, vector<16xf32>,
          %parallel_loop3A_1003 = arith.index_cast %parallel_loop3A_562 : i32 to index
          %parallel_loop3A_1004 = arith.constant 48 : index
          %parallel_loop3A_1005 = tpu.vector_load %arg38[%parallel_loop3A_1003, %parallel_loop3A_1004] {strides = array<i32>} : memref<32x128xf32, #tpu.memory_space<vmem>>, vector<16xf32>,
          %parallel_loop3A_1006 = arith.mulf %parallel_loop3A_1005, %parallel_loop3A_981 : vector<16xf32>
          %parallel_loop3A_1007 = arith.index_cast %parallel_loop3A_562 : i32 to index
          %parallel_loop3A_1008 = arith.constant 48 : index
          %parallel_loop3A_1009 = tpu.vector_load %arg38[%parallel_loop3A_1007, %parallel_loop3A_1008] {strides = array<i32>} : memref<32x128xf32, #tpu.memory_space<vmem>>, vector<16xf32>,
          tpu.vector_store %arg38[%parallel_loop3A_1007, %parallel_loop3A_1008], %parallel_loop3A_1006 {strides = array<i32>} : memref<32x128xf32, #tpu.memory_space<vmem>>, vector<16xf32>,
          %parallel_loop3A_1010 = arith.index_cast %parallel_loop3A_562 : i32 to index
          %parallel_loop3A_1011 = arith.constant 64 : index
          %parallel_loop3A_1012 = tpu.vector_load %arg38[%parallel_loop3A_1010, %parallel_loop3A_1011] {strides = array<i32>} : memref<32x128xf32, #tpu.memory_space<vmem>>, vector<16xf32>,
          %parallel_loop3A_1013 = arith.mulf %parallel_loop3A_1012, %parallel_loop3A_981 : vector<16xf32>
          %parallel_loop3A_1014 = arith.index_cast %parallel_loop3A_562 : i32 to index
          %parallel_loop3A_1015 = arith.constant 64 : index
          %parallel_loop3A_1016 = tpu.vector_load %arg38[%parallel_loop3A_1014, %parallel_loop3A_1015] {strides = array<i32>} : memref<32x128xf32, #tpu.memory_space<vmem>>, vector<16xf32>,
          tpu.vector_store %arg38[%parallel_loop3A_1014, %parallel_loop3A_1015], %parallel_loop3A_1013 {strides = array<i32>} : memref<32x128xf32, #tpu.memory_space<vmem>>, vector<16xf32>,
          %parallel_loop3A_1017 = arith.index_cast %parallel_loop3A_562 : i32 to index
          %parallel_loop3A_1018 = arith.constant 80 : index
          %parallel_loop3A_1019 = tpu.vector_load %arg38[%parallel_loop3A_1017, %parallel_loop3A_1018] {strides = array<i32>} : memref<32x128xf32, #tpu.memory_space<vmem>>, vector<16xf32>,
          %parallel_loop3A_1020 = arith.mulf %parallel_loop3A_1019, %parallel_loop3A_981 : vector<16xf32>
          %parallel_loop3A_1021 = arith.index_cast %parallel_loop3A_562 : i32 to index
          %parallel_loop3A_1022 = arith.constant 80 : index
          %parallel_loop3A_1023 = tpu.vector_load %arg38[%parallel_loop3A_1021, %parallel_loop3A_1022] {strides = array<i32>} : memref<32x128xf32, #tpu.memory_space<vmem>>, vector<16xf32>,
          tpu.vector_store %arg38[%parallel_loop3A_1021, %parallel_loop3A_1022], %parallel_loop3A_1020 {strides = array<i32>} : memref<32x128xf32, #tpu.memory_space<vmem>>, vector<16xf32>,
          %parallel_loop3A_1024 = arith.index_cast %parallel_loop3A_562 : i32 to index
          %parallel_loop3A_1025 = arith.constant 96 : index
          %parallel_loop3A_1026 = tpu.vector_load %arg38[%parallel_loop3A_1024, %parallel_loop3A_1025] {strides = array<i32>} : memref<32x128xf32, #tpu.memory_space<vmem>>, vector<16xf32>,
          %parallel_loop3A_1027 = arith.mulf %parallel_loop3A_1026, %parallel_loop3A_981 : vector<16xf32>
          %parallel_loop3A_1028 = arith.index_cast %parallel_loop3A_562 : i32 to index
          %parallel_loop3A_1029 = arith.constant 96 : index
          %parallel_loop3A_1030 = tpu.vector_load %arg38[%parallel_loop3A_1028, %parallel_loop3A_1029] {strides = array<i32>} : memref<32x128xf32, #tpu.memory_space<vmem>>, vector<16xf32>,
          tpu.vector_store %arg38[%parallel_loop3A_1028, %parallel_loop3A_1029], %parallel_loop3A_1027 {strides = array<i32>} : memref<32x128xf32, #tpu.memory_space<vmem>>, vector<16xf32>,
          %parallel_loop3A_1031 = arith.index_cast %parallel_loop3A_562 : i32 to index
          %parallel_loop3A_1032 = arith.constant 112 : index
          %parallel_loop3A_1033 = tpu.vector_load %arg38[%parallel_loop3A_1031, %parallel_loop3A_1032] {strides = array<i32>} : memref<32x128xf32, #tpu.memory_space<vmem>>, vector<16xf32>,
          %parallel_loop3A_1034 = arith.mulf %parallel_loop3A_1033, %parallel_loop3A_981 : vector<16xf32>
          %parallel_loop3A_1035 = arith.index_cast %parallel_loop3A_562 : i32 to index
          %parallel_loop3A_1036 = arith.constant 112 : index
          %parallel_loop3A_1037 = tpu.vector_load %arg38[%parallel_loop3A_1035, %parallel_loop3A_1036] {strides = array<i32>} : memref<32x128xf32, #tpu.memory_space<vmem>>, vector<16xf32>,
          tpu.vector_store %arg38[%parallel_loop3A_1035, %parallel_loop3A_1036], %parallel_loop3A_1034 {strides = array<i32>} : memref<32x128xf32, #tpu.memory_space<vmem>>, vector<16xf32>,
        } {sc.loop_unroll_factor = 4 : i64, sc.parallel_access}
        %dma_start3A_507 = arith.constant 0 : i32
        %dma_start3A_508 = arith.constant 0 : i32
        %dma_start3A_509 = tpu.memref_slice %arg40[%dma_start3A_507, %dma_start3A_508] : memref<128x128xf32, #tpu.memory_space<vmem_shared>> -> memref<128x128xf32, #tpu.memory_space<vmem_shared>>
        tpu.enqueue_indirect_dma source(%arg31 : memref<32x128xf32, #tpu.memory_space<vmem>>) target(%dma_start3A_509 : memref<128x128xf32, #tpu.memory_space<vmem_shared>>) offsets(%arg29 : memref<32xi32, #tpu.memory_space<vmem>>) semaphore(%arg51 : memref<!tpu.dma_semaphore, #tpu.memory_space<semaphore_mem>>) {add = true}
        %dma_start3A_510 = arith.constant 0 : i32
        %dma_start3A_511 = arith.constant 0 : i32
        %dma_start3A_512 = tpu.memref_slice %arg41[%dma_start3A_510, %dma_start3A_511] : memref<128x128xf32, #tpu.memory_space<vmem_shared>> -> memref<128x128xf32, #tpu.memory_space<vmem_shared>>
        tpu.enqueue_indirect_dma source(%arg32 : memref<32x128xf32, #tpu.memory_space<vmem>>) target(%dma_start3A_512 : memref<128x128xf32, #tpu.memory_space<vmem_shared>>) offsets(%arg29 : memref<32xi32, #tpu.memory_space<vmem>>) semaphore(%arg51 : memref<!tpu.dma_semaphore, #tpu.memory_space<semaphore_mem>>) {add = true}
        %dma_start3A_513 = arith.constant 0 : i32
        %dma_start3A_514 = arith.constant 0 : i32
        %dma_start3A_515 = tpu.memref_slice %arg42[%dma_start3A_513, %dma_start3A_514] : memref<128x128xf32, #tpu.memory_space<vmem_shared>> -> memref<128x128xf32, #tpu.memory_space<vmem_shared>>
        tpu.enqueue_indirect_dma source(%arg33 : memref<32x128xf32, #tpu.memory_space<vmem>>) target(%dma_start3A_515 : memref<128x128xf32, #tpu.memory_space<vmem_shared>>) offsets(%arg29 : memref<32xi32, #tpu.memory_space<vmem>>) semaphore(%arg51 : memref<!tpu.dma_semaphore, #tpu.memory_space<semaphore_mem>>) {add = true}
        %dma_start3A_516 = arith.constant 0 : i32
        %dma_start3A_517 = arith.constant 0 : i32
        %dma_start3A_518 = tpu.memref_slice %arg43[%dma_start3A_516, %dma_start3A_517] : memref<128x128xf32, #tpu.memory_space<vmem_shared>> -> memref<128x128xf32, #tpu.memory_space<vmem_shared>>
        tpu.enqueue_indirect_dma source(%arg34 : memref<32x128xf32, #tpu.memory_space<vmem>>) target(%dma_start3A_518 : memref<128x128xf32, #tpu.memory_space<vmem_shared>>) offsets(%arg29 : memref<32xi32, #tpu.memory_space<vmem>>) semaphore(%arg51 : memref<!tpu.dma_semaphore, #tpu.memory_space<semaphore_mem>>) {add = true}
        %dma_start3A_519 = arith.constant 0 : i32
        %dma_start3A_520 = arith.constant 0 : i32
        %dma_start3A_521 = tpu.memref_slice %arg44[%dma_start3A_519, %dma_start3A_520] : memref<128x128xf32, #tpu.memory_space<vmem_shared>> -> memref<128x128xf32, #tpu.memory_space<vmem_shared>>
        tpu.enqueue_indirect_dma source(%arg35 : memref<32x128xf32, #tpu.memory_space<vmem>>) target(%dma_start3A_521 : memref<128x128xf32, #tpu.memory_space<vmem_shared>>) offsets(%arg29 : memref<32xi32, #tpu.memory_space<vmem>>) semaphore(%arg51 : memref<!tpu.dma_semaphore, #tpu.memory_space<semaphore_mem>>) {add = true}
        %dma_start3A_522 = arith.constant 0 : i32
        %dma_start3A_523 = arith.constant 0 : i32
        %dma_start3A_524 = tpu.memref_slice %arg45[%dma_start3A_522, %dma_start3A_523] : memref<128x128xf32, #tpu.memory_space<vmem_shared>> -> memref<128x128xf32, #tpu.memory_space<vmem_shared>>
        tpu.enqueue_indirect_dma source(%arg36 : memref<32x128xf32, #tpu.memory_space<vmem>>) target(%dma_start3A_524 : memref<128x128xf32, #tpu.memory_space<vmem_shared>>) offsets(%arg29 : memref<32xi32, #tpu.memory_space<vmem>>) semaphore(%arg51 : memref<!tpu.dma_semaphore, #tpu.memory_space<semaphore_mem>>) {add = true}
        %dma_start3A_525 = arith.constant 0 : i32
        %dma_start3A_526 = arith.constant 0 : i32
        %dma_start3A_527 = tpu.memref_slice %arg46[%dma_start3A_525, %dma_start3A_526] : memref<128x128xf32, #tpu.memory_space<vmem_shared>> -> memref<128x128xf32, #tpu.memory_space<vmem_shared>>
        tpu.enqueue_indirect_dma source(%arg37 : memref<32x128xf32, #tpu.memory_space<vmem>>) target(%dma_start3A_527 : memref<128x128xf32, #tpu.memory_space<vmem_shared>>) offsets(%arg29 : memref<32xi32, #tpu.memory_space<vmem>>) semaphore(%arg51 : memref<!tpu.dma_semaphore, #tpu.memory_space<semaphore_mem>>) {add = true}
        %dma_start3A_528 = arith.constant 0 : i32
        %dma_start3A_529 = arith.constant 0 : i32
        %dma_start3A_530 = tpu.memref_slice %arg47[%dma_start3A_528, %dma_start3A_529] : memref<128x128xf32, #tpu.memory_space<vmem_shared>> -> memref<128x128xf32, #tpu.memory_space<vmem_shared>>
        tpu.enqueue_indirect_dma source(%arg38 : memref<32x128xf32, #tpu.memory_space<vmem>>) target(%dma_start3A_530 : memref<128x128xf32, #tpu.memory_space<vmem_shared>>) offsets(%arg29 : memref<32xi32, #tpu.memory_space<vmem>>) semaphore(%arg51 : memref<!tpu.dma_semaphore, #tpu.memory_space<semaphore_mem>>) {add = true}
        %dma_start3A_531 = arith.constant 0 : i32
        %dma_start3A_532 = arith.constant 0 : i32
        %dma_start3A_533 = tpu.memref_slice %arg48[%dma_start3A_531, %dma_start3A_532] : memref<128x128xf32, #tpu.memory_space<vmem_shared>> -> memref<128x128xf32, #tpu.memory_space<vmem_shared>>
        tpu.enqueue_indirect_dma source(%arg39 : memref<32x128xf32, #tpu.memory_space<vmem>>) target(%dma_start3A_533 : memref<128x128xf32, #tpu.memory_space<vmem_shared>>) offsets(%arg29 : memref<32xi32, #tpu.memory_space<vmem>>) semaphore(%arg51 : memref<!tpu.dma_semaphore, #tpu.memory_space<semaphore_mem>>) {add = true}
        %dma_wait3A_534 = arith.constant 0 : i32
        %dma_wait3A_535 = arith.constant 0 : i32
        %dma_wait3A_536 = tpu.memref_slice %arg40[%dma_wait3A_534, %dma_wait3A_535] : memref<128x128xf32, #tpu.memory_space<vmem_shared>> -> memref<128x128xf32, #tpu.memory_space<vmem_shared>>
        tpu.wait_indirect_dma semaphore(%arg51 : memref<!tpu.dma_semaphore, #tpu.memory_space<semaphore_mem>>) src(%arg31 : memref<32x128xf32, #tpu.memory_space<vmem>>) dst(%dma_wait3A_536 : memref<128x128xf32, #tpu.memory_space<vmem_shared>>)
        %dma_wait3A_537 = arith.constant 0 : i32
        %dma_wait3A_538 = arith.constant 0 : i32
        %dma_wait3A_539 = tpu.memref_slice %arg41[%dma_wait3A_537, %dma_wait3A_538] : memref<128x128xf32, #tpu.memory_space<vmem_shared>> -> memref<128x128xf32, #tpu.memory_space<vmem_shared>>
        tpu.wait_indirect_dma semaphore(%arg51 : memref<!tpu.dma_semaphore, #tpu.memory_space<semaphore_mem>>) src(%arg32 : memref<32x128xf32, #tpu.memory_space<vmem>>) dst(%dma_wait3A_539 : memref<128x128xf32, #tpu.memory_space<vmem_shared>>)
        %dma_wait3A_540 = arith.constant 0 : i32
        %dma_wait3A_541 = arith.constant 0 : i32
        %dma_wait3A_542 = tpu.memref_slice %arg42[%dma_wait3A_540, %dma_wait3A_541] : memref<128x128xf32, #tpu.memory_space<vmem_shared>> -> memref<128x128xf32, #tpu.memory_space<vmem_shared>>
        tpu.wait_indirect_dma semaphore(%arg51 : memref<!tpu.dma_semaphore, #tpu.memory_space<semaphore_mem>>) src(%arg33 : memref<32x128xf32, #tpu.memory_space<vmem>>) dst(%dma_wait3A_542 : memref<128x128xf32, #tpu.memory_space<vmem_shared>>)
        %dma_wait3A_543 = arith.constant 0 : i32
        %dma_wait3A_544 = arith.constant 0 : i32
        %dma_wait3A_545 = tpu.memref_slice %arg43[%dma_wait3A_543, %dma_wait3A_544] : memref<128x128xf32, #tpu.memory_space<vmem_shared>> -> memref<128x128xf32, #tpu.memory_space<vmem_shared>>
        tpu.wait_indirect_dma semaphore(%arg51 : memref<!tpu.dma_semaphore, #tpu.memory_space<semaphore_mem>>) src(%arg34 : memref<32x128xf32, #tpu.memory_space<vmem>>) dst(%dma_wait3A_545 : memref<128x128xf32, #tpu.memory_space<vmem_shared>>)
        %dma_wait3A_546 = arith.constant 0 : i32
        %dma_wait3A_547 = arith.constant 0 : i32
        %dma_wait3A_548 = tpu.memref_slice %arg44[%dma_wait3A_546, %dma_wait3A_547] : memref<128x128xf32, #tpu.memory_space<vmem_shared>> -> memref<128x128xf32, #tpu.memory_space<vmem_shared>>
        tpu.wait_indirect_dma semaphore(%arg51 : memref<!tpu.dma_semaphore, #tpu.memory_space<semaphore_mem>>) src(%arg35 : memref<32x128xf32, #tpu.memory_space<vmem>>) dst(%dma_wait3A_548 : memref<128x128xf32, #tpu.memory_space<vmem_shared>>)
        %dma_wait3A_549 = arith.constant 0 : i32
        %dma_wait3A_550 = arith.constant 0 : i32
        %dma_wait3A_551 = tpu.memref_slice %arg45[%dma_wait3A_549, %dma_wait3A_550] : memref<128x128xf32, #tpu.memory_space<vmem_shared>> -> memref<128x128xf32, #tpu.memory_space<vmem_shared>>
        tpu.wait_indirect_dma semaphore(%arg51 : memref<!tpu.dma_semaphore, #tpu.memory_space<semaphore_mem>>) src(%arg36 : memref<32x128xf32, #tpu.memory_space<vmem>>) dst(%dma_wait3A_551 : memref<128x128xf32, #tpu.memory_space<vmem_shared>>)
        %dma_wait3A_552 = arith.constant 0 : i32
        %dma_wait3A_553 = arith.constant 0 : i32
        %dma_wait3A_554 = tpu.memref_slice %arg46[%dma_wait3A_552, %dma_wait3A_553] : memref<128x128xf32, #tpu.memory_space<vmem_shared>> -> memref<128x128xf32, #tpu.memory_space<vmem_shared>>
        tpu.wait_indirect_dma semaphore(%arg51 : memref<!tpu.dma_semaphore, #tpu.memory_space<semaphore_mem>>) src(%arg37 : memref<32x128xf32, #tpu.memory_space<vmem>>) dst(%dma_wait3A_554 : memref<128x128xf32, #tpu.memory_space<vmem_shared>>)
        %dma_wait3A_555 = arith.constant 0 : i32
        %dma_wait3A_556 = arith.constant 0 : i32
        %dma_wait3A_557 = tpu.memref_slice %arg47[%dma_wait3A_555, %dma_wait3A_556] : memref<128x128xf32, #tpu.memory_space<vmem_shared>> -> memref<128x128xf32, #tpu.memory_space<vmem_shared>>
        tpu.wait_indirect_dma semaphore(%arg51 : memref<!tpu.dma_semaphore, #tpu.memory_space<semaphore_mem>>) src(%arg38 : memref<32x128xf32, #tpu.memory_space<vmem>>) dst(%dma_wait3A_557 : memref<128x128xf32, #tpu.memory_space<vmem_shared>>)
        %dma_wait3A_558 = arith.constant 0 : i32
        %dma_wait3A_559 = arith.constant 0 : i32
        %dma_wait3A_560 = tpu.memref_slice %arg48[%dma_wait3A_558, %dma_wait3A_559] : memref<128x128xf32, #tpu.memory_space<vmem_shared>> -> memref<128x128xf32, #tpu.memory_space<vmem_shared>>
        tpu.wait_indirect_dma semaphore(%arg51 : memref<!tpu.dma_semaphore, #tpu.memory_space<semaphore_mem>>) src(%arg39 : memref<32x128xf32, #tpu.memory_space<vmem>>) dst(%dma_wait3A_560 : memref<128x128xf32, #tpu.memory_space<vmem_shared>>)
        %while3A_561 = arith.constant 0 : i32
        scf.yield %while3A_561 : i32
      }
      %while3A_64 = arith.constant 1 : i32
      %while3A_65 = scf.for %while3A_77 = %while3A_61 to %while3A_57 step %while3A_64 iter_args(%while3A_78 = %while3A_63) -> (i32)  : i32 {
        %mul3A_79 = arith.constant 32 : i32
        %mul3A_80 = arith.muli %while3A_77, %mul3A_79 : i32
        %add3A_81 = arith.constant 0 : i32
        %add3A_82 = arith.addi %mul3A_80, %add3A_81 : i32
        %get3A = arith.index_cast %add3A_82 : i32 to index
        %get3A_83 = tpu.vector_load %arg26[%get3A] {strides = array<i32>} : memref<10064xi32, #tpu.memory_space<vmem>>, vector<16xi32>,
        %gather3A = tpu.vector_load_idx %arg24[%get3A_83] : memref<10000xi32, #tpu.memory_space<vmem>>[vector<16xi32>], vector<16xi32>,
        %gather3A_84 = tpu.vector_load_idx %arg25[%get3A_83] : memref<10000xi32, #tpu.memory_space<vmem>>[vector<16xi32>], vector<16xi32>,
        %sub3A_85 = vector.broadcast %mul3A_14 : i32 to vector<16xi32>
        %sub3A_86 = arith.subi %gather3A_84, %sub3A_85 : vector<16xi32>
        %max3A = arith.constant 0 : i32
        %max3A_87 = vector.broadcast %max3A : i32 to vector<16xi32>
        %max3A_88 = arith.maxsi %sub3A_86, %max3A_87 : vector<16xi32>
        %min3A = arith.constant 127 : i32
        %min3A_89 = vector.broadcast %min3A : i32 to vector<16xi32>
        %min3A_90 = arith.minsi %max3A_88, %min3A_89 : vector<16xi32>
        %swap3A = arith.constant 0 : index
        %swap3A_91 = tpu.vector_load %arg27[%swap3A] {strides = array<i32>} : memref<32xi32, #tpu.memory_space<vmem>>, vector<16xi32>,
        tpu.vector_store %arg27[%swap3A], %gather3A {strides = array<i32>} : memref<32xi32, #tpu.memory_space<vmem>>, vector<16xi32>,
        %swap3A_92 = arith.constant 0 : index
        %swap3A_93 = tpu.vector_load %arg28[%swap3A_92] {strides = array<i32>} : memref<32xi32, #tpu.memory_space<vmem>>, vector<16xi32>,
        tpu.vector_store %arg28[%swap3A_92], %gather3A_84 {strides = array<i32>} : memref<32xi32, #tpu.memory_space<vmem>>, vector<16xi32>,
        %swap3A_94 = arith.constant 0 : index
        %swap3A_95 = tpu.vector_load %arg29[%swap3A_94] {strides = array<i32>} : memref<32xi32, #tpu.memory_space<vmem>>, vector<16xi32>,
        tpu.vector_store %arg29[%swap3A_94], %min3A_90 {strides = array<i32>} : memref<32xi32, #tpu.memory_space<vmem>>, vector<16xi32>,
        %add3A_96 = arith.constant 16 : i32
        %add3A_97 = arith.addi %mul3A_80, %add3A_96 : i32
        %get3A_98 = arith.index_cast %add3A_97 : i32 to index
        %get3A_99 = tpu.vector_load %arg26[%get3A_98] {strides = array<i32>} : memref<10064xi32, #tpu.memory_space<vmem>>, vector<16xi32>,
        %gather3A_100 = tpu.vector_load_idx %arg24[%get3A_99] : memref<10000xi32, #tpu.memory_space<vmem>>[vector<16xi32>], vector<16xi32>,
        %gather3A_101 = tpu.vector_load_idx %arg25[%get3A_99] : memref<10000xi32, #tpu.memory_space<vmem>>[vector<16xi32>], vector<16xi32>,
        %sub3A_102 = vector.broadcast %mul3A_14 : i32 to vector<16xi32>
        %sub3A_103 = arith.subi %gather3A_101, %sub3A_102 : vector<16xi32>
        %max3A_104 = arith.constant 0 : i32
        %max3A_105 = vector.broadcast %max3A_104 : i32 to vector<16xi32>
        %max3A_106 = arith.maxsi %sub3A_103, %max3A_105 : vector<16xi32>
        %min3A_107 = arith.constant 127 : i32
        %min3A_108 = vector.broadcast %min3A_107 : i32 to vector<16xi32>
        %min3A_109 = arith.minsi %max3A_106, %min3A_108 : vector<16xi32>
        %swap3A_110 = arith.constant 16 : index
        %swap3A_111 = tpu.vector_load %arg27[%swap3A_110] {strides = array<i32>} : memref<32xi32, #tpu.memory_space<vmem>>, vector<16xi32>,
        tpu.vector_store %arg27[%swap3A_110], %gather3A_100 {strides = array<i32>} : memref<32xi32, #tpu.memory_space<vmem>>, vector<16xi32>,
        %swap3A_112 = arith.constant 16 : index
        %swap3A_113 = tpu.vector_load %arg28[%swap3A_112] {strides = array<i32>} : memref<32xi32, #tpu.memory_space<vmem>>, vector<16xi32>,
        tpu.vector_store %arg28[%swap3A_112], %gather3A_101 {strides = array<i32>} : memref<32xi32, #tpu.memory_space<vmem>>, vector<16xi32>,
        %swap3A_114 = arith.constant 16 : index
        %swap3A_115 = tpu.vector_load %arg29[%swap3A_114] {strides = array<i32>} : memref<32xi32, #tpu.memory_space<vmem>>, vector<16xi32>,
        tpu.vector_store %arg29[%swap3A_114], %min3A_109 {strides = array<i32>} : memref<32xi32, #tpu.memory_space<vmem>>, vector<16xi32>,
        %dma_start3A = arith.constant 0 : i32
        %dma_start3A_116 = arith.constant 0 : i32
        %dma_start3A_117 = tpu.memref_slice %arg4[%dma_start3A, %dma_start3A_116] : memref<10240x128xf32, #tpu.memory_space<hbm>> -> memref<10240x128xf32, #tpu.memory_space<hbm>>
        tpu.enqueue_indirect_dma source(%dma_start3A_117 : memref<10240x128xf32, #tpu.memory_space<hbm>>) target(%arg30 : memref<32x128xf32, #tpu.memory_space<vmem>>) offsets(%arg28 : memref<32xi32, #tpu.memory_space<vmem>>) semaphore(%arg49 : memref<!tpu.dma_semaphore, #tpu.memory_space<semaphore_mem>>)
        %dma_start3A_118 = arith.constant 0 : i32
        %dma_start3A_119 = arith.constant 0 : i32
        %dma_start3A_120 = tpu.memref_slice %arg6[%dma_start3A_118, %dma_start3A_119] : memref<10240x128xf32, #tpu.memory_space<hbm>> -> memref<10240x128xf32, #tpu.memory_space<hbm>>
        tpu.enqueue_indirect_dma source(%dma_start3A_120 : memref<10240x128xf32, #tpu.memory_space<hbm>>) target(%arg31 : memref<32x128xf32, #tpu.memory_space<vmem>>) offsets(%arg27 : memref<32xi32, #tpu.memory_space<vmem>>) semaphore(%arg50 : memref<!tpu.dma_semaphore, #tpu.memory_space<semaphore_mem>>)
        %dma_start3A_121 = arith.constant 0 : i32
        %dma_start3A_122 = arith.constant 0 : i32
        %dma_start3A_123 = tpu.memref_slice %arg7[%dma_start3A_121, %dma_start3A_122] : memref<10240x128xf32, #tpu.memory_space<hbm>> -> memref<10240x128xf32, #tpu.memory_space<hbm>>
        tpu.enqueue_indirect_dma source(%dma_start3A_123 : memref<10240x128xf32, #tpu.memory_space<hbm>>) target(%arg32 : memref<32x128xf32, #tpu.memory_space<vmem>>) offsets(%arg27 : memref<32xi32, #tpu.memory_space<vmem>>) semaphore(%arg50 : memref<!tpu.dma_semaphore, #tpu.memory_space<semaphore_mem>>)
        %dma_start3A_124 = arith.constant 0 : i32
        %dma_start3A_125 = arith.constant 0 : i32
        %dma_start3A_126 = tpu.memref_slice %arg8[%dma_start3A_124, %dma_start3A_125] : memref<10240x128xf32, #tpu.memory_space<hbm>> -> memref<10240x128xf32, #tpu.memory_space<hbm>>
        tpu.enqueue_indirect_dma source(%dma_start3A_126 : memref<10240x128xf32, #tpu.memory_space<hbm>>) target(%arg33 : memref<32x128xf32, #tpu.memory_space<vmem>>) offsets(%arg27 : memref<32xi32, #tpu.memory_space<vmem>>) semaphore(%arg50 : memref<!tpu.dma_semaphore, #tpu.memory_space<semaphore_mem>>)
        %dma_start3A_127 = arith.constant 0 : i32
        %dma_start3A_128 = arith.constant 0 : i32
        %dma_start3A_129 = tpu.memref_slice %arg9[%dma_start3A_127, %dma_start3A_128] : memref<10240x128xf32, #tpu.memory_space<hbm>> -> memref<10240x128xf32, #tpu.memory_space<hbm>>
        tpu.enqueue_indirect_dma source(%dma_start3A_129 : memref<10240x128xf32, #tpu.memory_space<hbm>>) target(%arg34 : memref<32x128xf32, #tpu.memory_space<vmem>>) offsets(%arg27 : memref<32xi32, #tpu.memory_space<vmem>>) semaphore(%arg50 : memref<!tpu.dma_semaphore, #tpu.memory_space<semaphore_mem>>)
        %dma_start3A_130 = arith.constant 0 : i32
        %dma_start3A_131 = arith.constant 0 : i32
        %dma_start3A_132 = tpu.memref_slice %arg10[%dma_start3A_130, %dma_start3A_131] : memref<10240x128xf32, #tpu.memory_space<hbm>> -> memref<10240x128xf32, #tpu.memory_space<hbm>>
        tpu.enqueue_indirect_dma source(%dma_start3A_132 : memref<10240x128xf32, #tpu.memory_space<hbm>>) target(%arg35 : memref<32x128xf32, #tpu.memory_space<vmem>>) offsets(%arg27 : memref<32xi32, #tpu.memory_space<vmem>>) semaphore(%arg50 : memref<!tpu.dma_semaphore, #tpu.memory_space<semaphore_mem>>)
        %dma_start3A_133 = arith.constant 0 : i32
        %dma_start3A_134 = arith.constant 0 : i32
        %dma_start3A_135 = tpu.memref_slice %arg11[%dma_start3A_133, %dma_start3A_134] : memref<10240x128xf32, #tpu.memory_space<hbm>> -> memref<10240x128xf32, #tpu.memory_space<hbm>>
        tpu.enqueue_indirect_dma source(%dma_start3A_135 : memref<10240x128xf32, #tpu.memory_space<hbm>>) target(%arg36 : memref<32x128xf32, #tpu.memory_space<vmem>>) offsets(%arg27 : memref<32xi32, #tpu.memory_space<vmem>>) semaphore(%arg50 : memref<!tpu.dma_semaphore, #tpu.memory_space<semaphore_mem>>)
        %dma_start3A_136 = arith.constant 0 : i32
        %dma_start3A_137 = arith.constant 0 : i32
        %dma_start3A_138 = tpu.memref_slice %arg12[%dma_start3A_136, %dma_start3A_137] : memref<10240x128xf32, #tpu.memory_space<hbm>> -> memref<10240x128xf32, #tpu.memory_space<hbm>>
        tpu.enqueue_indirect_dma source(%dma_start3A_138 : memref<10240x128xf32, #tpu.memory_space<hbm>>) target(%arg37 : memref<32x128xf32, #tpu.memory_space<vmem>>) offsets(%arg27 : memref<32xi32, #tpu.memory_space<vmem>>) semaphore(%arg50 : memref<!tpu.dma_semaphore, #tpu.memory_space<semaphore_mem>>)
        %dma_start3A_139 = arith.constant 0 : i32
        %dma_start3A_140 = arith.constant 0 : i32
        %dma_start3A_141 = tpu.memref_slice %arg13[%dma_start3A_139, %dma_start3A_140] : memref<10240x128xf32, #tpu.memory_space<hbm>> -> memref<10240x128xf32, #tpu.memory_space<hbm>>
        tpu.enqueue_indirect_dma source(%dma_start3A_141 : memref<10240x128xf32, #tpu.memory_space<hbm>>) target(%arg38 : memref<32x128xf32, #tpu.memory_space<vmem>>) offsets(%arg27 : memref<32xi32, #tpu.memory_space<vmem>>) semaphore(%arg50 : memref<!tpu.dma_semaphore, #tpu.memory_space<semaphore_mem>>)
        %dma_start3A_142 = arith.constant 0 : i32
        %dma_start3A_143 = arith.constant 0 : i32
        %dma_start3A_144 = tpu.memref_slice %arg14[%dma_start3A_142, %dma_start3A_143] : memref<10240x128xf32, #tpu.memory_space<hbm>> -> memref<10240x128xf32, #tpu.memory_space<hbm>>
        tpu.enqueue_indirect_dma source(%dma_start3A_144 : memref<10240x128xf32, #tpu.memory_space<hbm>>) target(%arg39 : memref<32x128xf32, #tpu.memory_space<vmem>>) offsets(%arg27 : memref<32xi32, #tpu.memory_space<vmem>>) semaphore(%arg50 : memref<!tpu.dma_semaphore, #tpu.memory_space<semaphore_mem>>)
        %dma_wait3A = arith.constant 0 : i32
        %dma_wait3A_145 = arith.constant 0 : i32
        %dma_wait3A_146 = tpu.memref_slice %arg4[%dma_wait3A, %dma_wait3A_145] : memref<10240x128xf32, #tpu.memory_space<hbm>> -> memref<10240x128xf32, #tpu.memory_space<hbm>>
        tpu.wait_indirect_dma semaphore(%arg49 : memref<!tpu.dma_semaphore, #tpu.memory_space<semaphore_mem>>) src(%dma_wait3A_146 : memref<10240x128xf32, #tpu.memory_space<hbm>>) dst(%arg30 : memref<32x128xf32, #tpu.memory_space<vmem>>)
        %dma_wait3A_147 = arith.constant 0 : i32
        %dma_wait3A_148 = arith.constant 0 : i32
        %dma_wait3A_149 = tpu.memref_slice %arg6[%dma_wait3A_147, %dma_wait3A_148] : memref<10240x128xf32, #tpu.memory_space<hbm>> -> memref<10240x128xf32, #tpu.memory_space<hbm>>
        tpu.wait_indirect_dma semaphore(%arg50 : memref<!tpu.dma_semaphore, #tpu.memory_space<semaphore_mem>>) src(%dma_wait3A_149 : memref<10240x128xf32, #tpu.memory_space<hbm>>) dst(%arg31 : memref<32x128xf32, #tpu.memory_space<vmem>>)
        %dma_wait3A_150 = arith.constant 0 : i32
        %dma_wait3A_151 = arith.constant 0 : i32
        %dma_wait3A_152 = tpu.memref_slice %arg7[%dma_wait3A_150, %dma_wait3A_151] : memref<10240x128xf32, #tpu.memory_space<hbm>> -> memref<10240x128xf32, #tpu.memory_space<hbm>>
        tpu.wait_indirect_dma semaphore(%arg50 : memref<!tpu.dma_semaphore, #tpu.memory_space<semaphore_mem>>) src(%dma_wait3A_152 : memref<10240x128xf32, #tpu.memory_space<hbm>>) dst(%arg32 : memref<32x128xf32, #tpu.memory_space<vmem>>)
        %dma_wait3A_153 = arith.constant 0 : i32
        %dma_wait3A_154 = arith.constant 0 : i32
        %dma_wait3A_155 = tpu.memref_slice %arg8[%dma_wait3A_153, %dma_wait3A_154] : memref<10240x128xf32, #tpu.memory_space<hbm>> -> memref<10240x128xf32, #tpu.memory_space<hbm>>
        tpu.wait_indirect_dma semaphore(%arg50 : memref<!tpu.dma_semaphore, #tpu.memory_space<semaphore_mem>>) src(%dma_wait3A_155 : memref<10240x128xf32, #tpu.memory_space<hbm>>) dst(%arg33 : memref<32x128xf32, #tpu.memory_space<vmem>>)
        %dma_wait3A_156 = arith.constant 0 : i32
        %dma_wait3A_157 = arith.constant 0 : i32
        %dma_wait3A_158 = tpu.memref_slice %arg9[%dma_wait3A_156, %dma_wait3A_157] : memref<10240x128xf32, #tpu.memory_space<hbm>> -> memref<10240x128xf32, #tpu.memory_space<hbm>>
        tpu.wait_indirect_dma semaphore(%arg50 : memref<!tpu.dma_semaphore, #tpu.memory_space<semaphore_mem>>) src(%dma_wait3A_158 : memref<10240x128xf32, #tpu.memory_space<hbm>>) dst(%arg34 : memref<32x128xf32, #tpu.memory_space<vmem>>)
        %dma_wait3A_159 = arith.constant 0 : i32
        %dma_wait3A_160 = arith.constant 0 : i32
        %dma_wait3A_161 = tpu.memref_slice %arg10[%dma_wait3A_159, %dma_wait3A_160] : memref<10240x128xf32, #tpu.memory_space<hbm>> -> memref<10240x128xf32, #tpu.memory_space<hbm>>
        tpu.wait_indirect_dma semaphore(%arg50 : memref<!tpu.dma_semaphore, #tpu.memory_space<semaphore_mem>>) src(%dma_wait3A_161 : memref<10240x128xf32, #tpu.memory_space<hbm>>) dst(%arg35 : memref<32x128xf32, #tpu.memory_space<vmem>>)
        %dma_wait3A_162 = arith.constant 0 : i32
        %dma_wait3A_163 = arith.constant 0 : i32
        %dma_wait3A_164 = tpu.memref_slice %arg11[%dma_wait3A_162, %dma_wait3A_163] : memref<10240x128xf32, #tpu.memory_space<hbm>> -> memref<10240x128xf32, #tpu.memory_space<hbm>>
        tpu.wait_indirect_dma semaphore(%arg50 : memref<!tpu.dma_semaphore, #tpu.memory_space<semaphore_mem>>) src(%dma_wait3A_164 : memref<10240x128xf32, #tpu.memory_space<hbm>>) dst(%arg36 : memref<32x128xf32, #tpu.memory_space<vmem>>)
        %dma_wait3A_165 = arith.constant 0 : i32
        %dma_wait3A_166 = arith.constant 0 : i32
        %dma_wait3A_167 = tpu.memref_slice %arg12[%dma_wait3A_165, %dma_wait3A_166] : memref<10240x128xf32, #tpu.memory_space<hbm>> -> memref<10240x128xf32, #tpu.memory_space<hbm>>
        tpu.wait_indirect_dma semaphore(%arg50 : memref<!tpu.dma_semaphore, #tpu.memory_space<semaphore_mem>>) src(%dma_wait3A_167 : memref<10240x128xf32, #tpu.memory_space<hbm>>) dst(%arg37 : memref<32x128xf32, #tpu.memory_space<vmem>>)
        %dma_wait3A_168 = arith.constant 0 : i32
        %dma_wait3A_169 = arith.constant 0 : i32
        %dma_wait3A_170 = tpu.memref_slice %arg13[%dma_wait3A_168, %dma_wait3A_169] : memref<10240x128xf32, #tpu.memory_space<hbm>> -> memref<10240x128xf32, #tpu.memory_space<hbm>>
        tpu.wait_indirect_dma semaphore(%arg50 : memref<!tpu.dma_semaphore, #tpu.memory_space<semaphore_mem>>) src(%dma_wait3A_170 : memref<10240x128xf32, #tpu.memory_space<hbm>>) dst(%arg38 : memref<32x128xf32, #tpu.memory_space<vmem>>)
        %dma_wait3A_171 = arith.constant 0 : i32
        %dma_wait3A_172 = arith.constant 0 : i32
        %dma_wait3A_173 = tpu.memref_slice %arg14[%dma_wait3A_171, %dma_wait3A_172] : memref<10240x128xf32, #tpu.memory_space<hbm>> -> memref<10240x128xf32, #tpu.memory_space<hbm>>
        tpu.wait_indirect_dma semaphore(%arg50 : memref<!tpu.dma_semaphore, #tpu.memory_space<semaphore_mem>>) src(%dma_wait3A_173 : memref<10240x128xf32, #tpu.memory_space<hbm>>) dst(%arg39 : memref<32x128xf32, #tpu.memory_space<vmem>>)
        %add3A_174 = arith.constant 0 : i32
        %add3A_175 = vector.broadcast %add3A_174 : i32 to vector<16xi32>
        %add3A_176 = arith.addi %iota3A, %add3A_175 : vector<16xi32>
        %add3A_177 = vector.broadcast %mul3A_80 : i32 to vector<16xi32>
        %add3A_178 = arith.addi %add3A_177, %add3A_176 : vector<16xi32>
        %lt3A = vector.broadcast %scan3A_20 : i32 to vector<16xi32>
        %lt3A_179 = arith.cmpi slt, %add3A_178, %lt3A : vector<16xi32>
        %broadcast_in_dim3A_180 = arith.constant 0 : i32
        %broadcast_in_dim3A_181 = vector.broadcast %broadcast_in_dim3A_180 : i32 to vector<16xi32>
        %gather3A_182 = tpu.vector_load_idx %arg39[%add3A_176, %broadcast_in_dim3A_181] : memref<32x128xf32, #tpu.memory_space<vmem>>[vector<16xi32>, vector<16xi32>], vector<16xf32>,
        %broadcast_in_dim3A_183 = arith.constant 0 : i32
        %broadcast_in_dim3A_184 = vector.broadcast %broadcast_in_dim3A_183 : i32 to vector<16xi32>
        %gather3A_185 = tpu.vector_load_idx %arg30[%add3A_176, %broadcast_in_dim3A_184] : memref<32x128xf32, #tpu.memory_space<vmem>>[vector<16xi32>, vector<16xi32>], vector<16xf32>,
        %add3A_186 = arith.addf %gather3A_182, %gather3A_185 : vector<16xf32>
        %ge3A = arith.constant 0.000000e+00 : f32
        %ge3A_187 = vector.broadcast %ge3A : f32 to vector<16xf32>
        %ge3A_188 = arith.cmpf oge, %add3A_186, %ge3A_187 : vector<16xf32>
        %mul3A_189 = arith.constant 2.000000e-01 : f32
        %mul3A_190 = vector.broadcast %mul3A_189 : f32 to vector<16xf32>
        %mul3A_191 = arith.mulf %mul3A_190, %add3A_186 : vector<16xf32>
        %select_n3A_192 = arith.select %ge3A_188, %add3A_186, %mul3A_191 : vector<16xi1>, vector<16xf32>
        %exp3A = math.exp %select_n3A_192 : vector<16xf32>
        %jit3A_193 = arith.constant 0.000000e+00 : f32
        %broadcast_in_dim3A_194 = vector.broadcast %jit3A_193 : f32 to vector<16xf32>
        %select_n3A_195 = arith.select %lt3A_179, %exp3A, %broadcast_in_dim3A_194 : vector<16xi1>, vector<16xf32>
        %broadcast_in_dim3A_196 = arith.constant 0 : i32
        %broadcast_in_dim3A_197 = vector.broadcast %broadcast_in_dim3A_196 : i32 to vector<16xi32>
        tpu.vector_store_idx %arg39[%add3A_176, %broadcast_in_dim3A_197], %select_n3A_195 : memref<32x128xf32, #tpu.memory_space<vmem>>[vector<16xi32>, vector<16xi32>], vector<16xf32>,
        %broadcast_in_dim3A_198 = arith.constant 1 : i32
        %broadcast_in_dim3A_199 = vector.broadcast %broadcast_in_dim3A_198 : i32 to vector<16xi32>
        %gather3A_200 = tpu.vector_load_idx %arg39[%add3A_176, %broadcast_in_dim3A_199] : memref<32x128xf32, #tpu.memory_space<vmem>>[vector<16xi32>, vector<16xi32>], vector<16xf32>,
        %broadcast_in_dim3A_201 = arith.constant 1 : i32
        %broadcast_in_dim3A_202 = vector.broadcast %broadcast_in_dim3A_201 : i32 to vector<16xi32>
        %gather3A_203 = tpu.vector_load_idx %arg30[%add3A_176, %broadcast_in_dim3A_202] : memref<32x128xf32, #tpu.memory_space<vmem>>[vector<16xi32>, vector<16xi32>], vector<16xf32>,
        %add3A_204 = arith.addf %gather3A_200, %gather3A_203 : vector<16xf32>
        %ge3A_205 = arith.constant 0.000000e+00 : f32
        %ge3A_206 = vector.broadcast %ge3A_205 : f32 to vector<16xf32>
        %ge3A_207 = arith.cmpf oge, %add3A_204, %ge3A_206 : vector<16xf32>
        %mul3A_208 = arith.constant 2.000000e-01 : f32
        %mul3A_209 = vector.broadcast %mul3A_208 : f32 to vector<16xf32>
        %mul3A_210 = arith.mulf %mul3A_209, %add3A_204 : vector<16xf32>
        %select_n3A_211 = arith.select %ge3A_207, %add3A_204, %mul3A_210 : vector<16xi1>, vector<16xf32>
        %exp3A_212 = math.exp %select_n3A_211 : vector<16xf32>
        %jit3A_213 = arith.constant 0.000000e+00 : f32
        %broadcast_in_dim3A_214 = vector.broadcast %jit3A_213 : f32 to vector<16xf32>
        %select_n3A_215 = arith.select %lt3A_179, %exp3A_212, %broadcast_in_dim3A_214 : vector<16xi1>, vector<16xf32>
        %broadcast_in_dim3A_216 = arith.constant 1 : i32
        %broadcast_in_dim3A_217 = vector.broadcast %broadcast_in_dim3A_216 : i32 to vector<16xi32>
        tpu.vector_store_idx %arg39[%add3A_176, %broadcast_in_dim3A_217], %select_n3A_215 : memref<32x128xf32, #tpu.memory_space<vmem>>[vector<16xi32>, vector<16xi32>], vector<16xf32>,
        %broadcast_in_dim3A_218 = arith.constant 2 : i32
        %broadcast_in_dim3A_219 = vector.broadcast %broadcast_in_dim3A_218 : i32 to vector<16xi32>
        %gather3A_220 = tpu.vector_load_idx %arg39[%add3A_176, %broadcast_in_dim3A_219] : memref<32x128xf32, #tpu.memory_space<vmem>>[vector<16xi32>, vector<16xi32>], vector<16xf32>,
        %broadcast_in_dim3A_221 = arith.constant 2 : i32
        %broadcast_in_dim3A_222 = vector.broadcast %broadcast_in_dim3A_221 : i32 to vector<16xi32>
        %gather3A_223 = tpu.vector_load_idx %arg30[%add3A_176, %broadcast_in_dim3A_222] : memref<32x128xf32, #tpu.memory_space<vmem>>[vector<16xi32>, vector<16xi32>], vector<16xf32>,
        %add3A_224 = arith.addf %gather3A_220, %gather3A_223 : vector<16xf32>
        %ge3A_225 = arith.constant 0.000000e+00 : f32
        %ge3A_226 = vector.broadcast %ge3A_225 : f32 to vector<16xf32>
        %ge3A_227 = arith.cmpf oge, %add3A_224, %ge3A_226 : vector<16xf32>
        %mul3A_228 = arith.constant 2.000000e-01 : f32
        %mul3A_229 = vector.broadcast %mul3A_228 : f32 to vector<16xf32>
        %mul3A_230 = arith.mulf %mul3A_229, %add3A_224 : vector<16xf32>
        %select_n3A_231 = arith.select %ge3A_227, %add3A_224, %mul3A_230 : vector<16xi1>, vector<16xf32>
        %exp3A_232 = math.exp %select_n3A_231 : vector<16xf32>
        %jit3A_233 = arith.constant 0.000000e+00 : f32
        %broadcast_in_dim3A_234 = vector.broadcast %jit3A_233 : f32 to vector<16xf32>
        %select_n3A_235 = arith.select %lt3A_179, %exp3A_232, %broadcast_in_dim3A_234 : vector<16xi1>, vector<16xf32>
        %broadcast_in_dim3A_236 = arith.constant 2 : i32
        %broadcast_in_dim3A_237 = vector.broadcast %broadcast_in_dim3A_236 : i32 to vector<16xi32>
        tpu.vector_store_idx %arg39[%add3A_176, %broadcast_in_dim3A_237], %select_n3A_235 : memref<32x128xf32, #tpu.memory_space<vmem>>[vector<16xi32>, vector<16xi32>], vector<16xf32>,
        %broadcast_in_dim3A_238 = arith.constant 3 : i32
        %broadcast_in_dim3A_239 = vector.broadcast %broadcast_in_dim3A_238 : i32 to vector<16xi32>
        %gather3A_240 = tpu.vector_load_idx %arg39[%add3A_176, %broadcast_in_dim3A_239] : memref<32x128xf32, #tpu.memory_space<vmem>>[vector<16xi32>, vector<16xi32>], vector<16xf32>,
        %broadcast_in_dim3A_241 = arith.constant 3 : i32
        %broadcast_in_dim3A_242 = vector.broadcast %broadcast_in_dim3A_241 : i32 to vector<16xi32>
        %gather3A_243 = tpu.vector_load_idx %arg30[%add3A_176, %broadcast_in_dim3A_242] : memref<32x128xf32, #tpu.memory_space<vmem>>[vector<16xi32>, vector<16xi32>], vector<16xf32>,
        %add3A_244 = arith.addf %gather3A_240, %gather3A_243 : vector<16xf32>
        %ge3A_245 = arith.constant 0.000000e+00 : f32
        %ge3A_246 = vector.broadcast %ge3A_245 : f32 to vector<16xf32>
        %ge3A_247 = arith.cmpf oge, %add3A_244, %ge3A_246 : vector<16xf32>
        %mul3A_248 = arith.constant 2.000000e-01 : f32
        %mul3A_249 = vector.broadcast %mul3A_248 : f32 to vector<16xf32>
        %mul3A_250 = arith.mulf %mul3A_249, %add3A_244 : vector<16xf32>
        %select_n3A_251 = arith.select %ge3A_247, %add3A_244, %mul3A_250 : vector<16xi1>, vector<16xf32>
        %exp3A_252 = math.exp %select_n3A_251 : vector<16xf32>
        %jit3A_253 = arith.constant 0.000000e+00 : f32
        %broadcast_in_dim3A_254 = vector.broadcast %jit3A_253 : f32 to vector<16xf32>
        %select_n3A_255 = arith.select %lt3A_179, %exp3A_252, %broadcast_in_dim3A_254 : vector<16xi1>, vector<16xf32>
        %broadcast_in_dim3A_256 = arith.constant 3 : i32
        %broadcast_in_dim3A_257 = vector.broadcast %broadcast_in_dim3A_256 : i32 to vector<16xi32>
        tpu.vector_store_idx %arg39[%add3A_176, %broadcast_in_dim3A_257], %select_n3A_255 : memref<32x128xf32, #tpu.memory_space<vmem>>[vector<16xi32>, vector<16xi32>], vector<16xf32>,
        %broadcast_in_dim3A_258 = arith.constant 4 : i32
        %broadcast_in_dim3A_259 = vector.broadcast %broadcast_in_dim3A_258 : i32 to vector<16xi32>
        %gather3A_260 = tpu.vector_load_idx %arg39[%add3A_176, %broadcast_in_dim3A_259] : memref<32x128xf32, #tpu.memory_space<vmem>>[vector<16xi32>, vector<16xi32>], vector<16xf32>,
        %broadcast_in_dim3A_261 = arith.constant 4 : i32
        %broadcast_in_dim3A_262 = vector.broadcast %broadcast_in_dim3A_261 : i32 to vector<16xi32>
        %gather3A_263 = tpu.vector_load_idx %arg30[%add3A_176, %broadcast_in_dim3A_262] : memref<32x128xf32, #tpu.memory_space<vmem>>[vector<16xi32>, vector<16xi32>], vector<16xf32>,
        %add3A_264 = arith.addf %gather3A_260, %gather3A_263 : vector<16xf32>
        %ge3A_265 = arith.constant 0.000000e+00 : f32
        %ge3A_266 = vector.broadcast %ge3A_265 : f32 to vector<16xf32>
        %ge3A_267 = arith.cmpf oge, %add3A_264, %ge3A_266 : vector<16xf32>
        %mul3A_268 = arith.constant 2.000000e-01 : f32
        %mul3A_269 = vector.broadcast %mul3A_268 : f32 to vector<16xf32>
        %mul3A_270 = arith.mulf %mul3A_269, %add3A_264 : vector<16xf32>
        %select_n3A_271 = arith.select %ge3A_267, %add3A_264, %mul3A_270 : vector<16xi1>, vector<16xf32>
        %exp3A_272 = math.exp %select_n3A_271 : vector<16xf32>
        %jit3A_273 = arith.constant 0.000000e+00 : f32
        %broadcast_in_dim3A_274 = vector.broadcast %jit3A_273 : f32 to vector<16xf32>
        %select_n3A_275 = arith.select %lt3A_179, %exp3A_272, %broadcast_in_dim3A_274 : vector<16xi1>, vector<16xf32>
        %broadcast_in_dim3A_276 = arith.constant 4 : i32
        %broadcast_in_dim3A_277 = vector.broadcast %broadcast_in_dim3A_276 : i32 to vector<16xi32>
        tpu.vector_store_idx %arg39[%add3A_176, %broadcast_in_dim3A_277], %select_n3A_275 : memref<32x128xf32, #tpu.memory_space<vmem>>[vector<16xi32>, vector<16xi32>], vector<16xf32>,
        %broadcast_in_dim3A_278 = arith.constant 5 : i32
        %broadcast_in_dim3A_279 = vector.broadcast %broadcast_in_dim3A_278 : i32 to vector<16xi32>
        %gather3A_280 = tpu.vector_load_idx %arg39[%add3A_176, %broadcast_in_dim3A_279] : memref<32x128xf32, #tpu.memory_space<vmem>>[vector<16xi32>, vector<16xi32>], vector<16xf32>,
        %broadcast_in_dim3A_281 = arith.constant 5 : i32
        %broadcast_in_dim3A_282 = vector.broadcast %broadcast_in_dim3A_281 : i32 to vector<16xi32>
        %gather3A_283 = tpu.vector_load_idx %arg30[%add3A_176, %broadcast_in_dim3A_282] : memref<32x128xf32, #tpu.memory_space<vmem>>[vector<16xi32>, vector<16xi32>], vector<16xf32>,
        %add3A_284 = arith.addf %gather3A_280, %gather3A_283 : vector<16xf32>
        %ge3A_285 = arith.constant 0.000000e+00 : f32
        %ge3A_286 = vector.broadcast %ge3A_285 : f32 to vector<16xf32>
        %ge3A_287 = arith.cmpf oge, %add3A_284, %ge3A_286 : vector<16xf32>
        %mul3A_288 = arith.constant 2.000000e-01 : f32
        %mul3A_289 = vector.broadcast %mul3A_288 : f32 to vector<16xf32>
        %mul3A_290 = arith.mulf %mul3A_289, %add3A_284 : vector<16xf32>
        %select_n3A_291 = arith.select %ge3A_287, %add3A_284, %mul3A_290 : vector<16xi1>, vector<16xf32>
        %exp3A_292 = math.exp %select_n3A_291 : vector<16xf32>
        %jit3A_293 = arith.constant 0.000000e+00 : f32
        %broadcast_in_dim3A_294 = vector.broadcast %jit3A_293 : f32 to vector<16xf32>
        %select_n3A_295 = arith.select %lt3A_179, %exp3A_292, %broadcast_in_dim3A_294 : vector<16xi1>, vector<16xf32>
        %broadcast_in_dim3A_296 = arith.constant 5 : i32
        %broadcast_in_dim3A_297 = vector.broadcast %broadcast_in_dim3A_296 : i32 to vector<16xi32>
        tpu.vector_store_idx %arg39[%add3A_176, %broadcast_in_dim3A_297], %select_n3A_295 : memref<32x128xf32, #tpu.memory_space<vmem>>[vector<16xi32>, vector<16xi32>], vector<16xf32>,
        %broadcast_in_dim3A_298 = arith.constant 6 : i32
        %broadcast_in_dim3A_299 = vector.broadcast %broadcast_in_dim3A_298 : i32 to vector<16xi32>
        %gather3A_300 = tpu.vector_load_idx %arg39[%add3A_176, %broadcast_in_dim3A_299] : memref<32x128xf32, #tpu.memory_space<vmem>>[vector<16xi32>, vector<16xi32>], vector<16xf32>,
        %broadcast_in_dim3A_301 = arith.constant 6 : i32
        %broadcast_in_dim3A_302 = vector.broadcast %broadcast_in_dim3A_301 : i32 to vector<16xi32>
        %gather3A_303 = tpu.vector_load_idx %arg30[%add3A_176, %broadcast_in_dim3A_302] : memref<32x128xf32, #tpu.memory_space<vmem>>[vector<16xi32>, vector<16xi32>], vector<16xf32>,
        %add3A_304 = arith.addf %gather3A_300, %gather3A_303 : vector<16xf32>
        %ge3A_305 = arith.constant 0.000000e+00 : f32
        %ge3A_306 = vector.broadcast %ge3A_305 : f32 to vector<16xf32>
        %ge3A_307 = arith.cmpf oge, %add3A_304, %ge3A_306 : vector<16xf32>
        %mul3A_308 = arith.constant 2.000000e-01 : f32
        %mul3A_309 = vector.broadcast %mul3A_308 : f32 to vector<16xf32>
        %mul3A_310 = arith.mulf %mul3A_309, %add3A_304 : vector<16xf32>
        %select_n3A_311 = arith.select %ge3A_307, %add3A_304, %mul3A_310 : vector<16xi1>, vector<16xf32>
        %exp3A_312 = math.exp %select_n3A_311 : vector<16xf32>
        %jit3A_313 = arith.constant 0.000000e+00 : f32
        %broadcast_in_dim3A_314 = vector.broadcast %jit3A_313 : f32 to vector<16xf32>
        %select_n3A_315 = arith.select %lt3A_179, %exp3A_312, %broadcast_in_dim3A_314 : vector<16xi1>, vector<16xf32>
        %broadcast_in_dim3A_316 = arith.constant 6 : i32
        %broadcast_in_dim3A_317 = vector.broadcast %broadcast_in_dim3A_316 : i32 to vector<16xi32>
        tpu.vector_store_idx %arg39[%add3A_176, %broadcast_in_dim3A_317], %select_n3A_315 : memref<32x128xf32, #tpu.memory_space<vmem>>[vector<16xi32>, vector<16xi32>], vector<16xf32>,
        %broadcast_in_dim3A_318 = arith.constant 7 : i32
        %broadcast_in_dim3A_319 = vector.broadcast %broadcast_in_dim3A_318 : i32 to vector<16xi32>
        %gather3A_320 = tpu.vector_load_idx %arg39[%add3A_176, %broadcast_in_dim3A_319] : memref<32x128xf32, #tpu.memory_space<vmem>>[vector<16xi32>, vector<16xi32>], vector<16xf32>,
        %broadcast_in_dim3A_321 = arith.constant 7 : i32
        %broadcast_in_dim3A_322 = vector.broadcast %broadcast_in_dim3A_321 : i32 to vector<16xi32>
        %gather3A_323 = tpu.vector_load_idx %arg30[%add3A_176, %broadcast_in_dim3A_322] : memref<32x128xf32, #tpu.memory_space<vmem>>[vector<16xi32>, vector<16xi32>], vector<16xf32>,
        %add3A_324 = arith.addf %gather3A_320, %gather3A_323 : vector<16xf32>
        %ge3A_325 = arith.constant 0.000000e+00 : f32
        %ge3A_326 = vector.broadcast %ge3A_325 : f32 to vector<16xf32>
        %ge3A_327 = arith.cmpf oge, %add3A_324, %ge3A_326 : vector<16xf32>
        %mul3A_328 = arith.constant 2.000000e-01 : f32
        %mul3A_329 = vector.broadcast %mul3A_328 : f32 to vector<16xf32>
        %mul3A_330 = arith.mulf %mul3A_329, %add3A_324 : vector<16xf32>
        %select_n3A_331 = arith.select %ge3A_327, %add3A_324, %mul3A_330 : vector<16xi1>, vector<16xf32>
        %exp3A_332 = math.exp %select_n3A_331 : vector<16xf32>
        %jit3A_333 = arith.constant 0.000000e+00 : f32
        %broadcast_in_dim3A_334 = vector.broadcast %jit3A_333 : f32 to vector<16xf32>
        %select_n3A_335 = arith.select %lt3A_179, %exp3A_332, %broadcast_in_dim3A_334 : vector<16xi1>, vector<16xf32>
        %broadcast_in_dim3A_336 = arith.constant 7 : i32
        %broadcast_in_dim3A_337 = vector.broadcast %broadcast_in_dim3A_336 : i32 to vector<16xi32>
        tpu.vector_store_idx %arg39[%add3A_176, %broadcast_in_dim3A_337], %select_n3A_335 : memref<32x128xf32, #tpu.memory_space<vmem>>[vector<16xi32>, vector<16xi32>], vector<16xf32>,
        %add3A_338 = arith.constant 16 : i32
        %add3A_339 = vector.broadcast %add3A_338 : i32 to vector<16xi32>
        %add3A_340 = arith.addi %iota3A, %add3A_339 : vector<16xi32>
        %add3A_341 = vector.broadcast %mul3A_80 : i32 to vector<16xi32>
        %add3A_342 = arith.addi %add3A_341, %add3A_340 : vector<16xi32>
        %lt3A_343 = vector.broadcast %scan3A_20 : i32 to vector<16xi32>
        %lt3A_344 = arith.cmpi slt, %add3A_342, %lt3A_343 : vector<16xi32>
        %broadcast_in_dim3A_345 = arith.constant 0 : i32
        %broadcast_in_dim3A_346 = vector.broadcast %broadcast_in_dim3A_345 : i32 to vector<16xi32>
        %gather3A_347 = tpu.vector_load_idx %arg39[%add3A_340, %broadcast_in_dim3A_346] : memref<32x128xf32, #tpu.memory_space<vmem>>[vector<16xi32>, vector<16xi32>], vector<16xf32>,
        %broadcast_in_dim3A_348 = arith.constant 0 : i32
        %broadcast_in_dim3A_349 = vector.broadcast %broadcast_in_dim3A_348 : i32 to vector<16xi32>
        %gather3A_350 = tpu.vector_load_idx %arg30[%add3A_340, %broadcast_in_dim3A_349] : memref<32x128xf32, #tpu.memory_space<vmem>>[vector<16xi32>, vector<16xi32>], vector<16xf32>,
        %add3A_351 = arith.addf %gather3A_347, %gather3A_350 : vector<16xf32>
        %ge3A_352 = arith.constant 0.000000e+00 : f32
        %ge3A_353 = vector.broadcast %ge3A_352 : f32 to vector<16xf32>
        %ge3A_354 = arith.cmpf oge, %add3A_351, %ge3A_353 : vector<16xf32>
        %mul3A_355 = arith.constant 2.000000e-01 : f32
        %mul3A_356 = vector.broadcast %mul3A_355 : f32 to vector<16xf32>
        %mul3A_357 = arith.mulf %mul3A_356, %add3A_351 : vector<16xf32>
        %select_n3A_358 = arith.select %ge3A_354, %add3A_351, %mul3A_357 : vector<16xi1>, vector<16xf32>
        %exp3A_359 = math.exp %select_n3A_358 : vector<16xf32>
        %jit3A_360 = arith.constant 0.000000e+00 : f32
        %broadcast_in_dim3A_361 = vector.broadcast %jit3A_360 : f32 to vector<16xf32>
        %select_n3A_362 = arith.select %lt3A_344, %exp3A_359, %broadcast_in_dim3A_361 : vector<16xi1>, vector<16xf32>
        %broadcast_in_dim3A_363 = arith.constant 0 : i32
        %broadcast_in_dim3A_364 = vector.broadcast %broadcast_in_dim3A_363 : i32 to vector<16xi32>
        tpu.vector_store_idx %arg39[%add3A_340, %broadcast_in_dim3A_364], %select_n3A_362 : memref<32x128xf32, #tpu.memory_space<vmem>>[vector<16xi32>, vector<16xi32>], vector<16xf32>,
        %broadcast_in_dim3A_365 = arith.constant 1 : i32
        %broadcast_in_dim3A_366 = vector.broadcast %broadcast_in_dim3A_365 : i32 to vector<16xi32>
        %gather3A_367 = tpu.vector_load_idx %arg39[%add3A_340, %broadcast_in_dim3A_366] : memref<32x128xf32, #tpu.memory_space<vmem>>[vector<16xi32>, vector<16xi32>], vector<16xf32>,
        %broadcast_in_dim3A_368 = arith.constant 1 : i32
        %broadcast_in_dim3A_369 = vector.broadcast %broadcast_in_dim3A_368 : i32 to vector<16xi32>
        %gather3A_370 = tpu.vector_load_idx %arg30[%add3A_340, %broadcast_in_dim3A_369] : memref<32x128xf32, #tpu.memory_space<vmem>>[vector<16xi32>, vector<16xi32>], vector<16xf32>,
        %add3A_371 = arith.addf %gather3A_367, %gather3A_370 : vector<16xf32>
        %ge3A_372 = arith.constant 0.000000e+00 : f32
        %ge3A_373 = vector.broadcast %ge3A_372 : f32 to vector<16xf32>
        %ge3A_374 = arith.cmpf oge, %add3A_371, %ge3A_373 : vector<16xf32>
        %mul3A_375 = arith.constant 2.000000e-01 : f32
        %mul3A_376 = vector.broadcast %mul3A_375 : f32 to vector<16xf32>
        %mul3A_377 = arith.mulf %mul3A_376, %add3A_371 : vector<16xf32>
        %select_n3A_378 = arith.select %ge3A_374, %add3A_371, %mul3A_377 : vector<16xi1>, vector<16xf32>
        %exp3A_379 = math.exp %select_n3A_378 : vector<16xf32>
        %jit3A_380 = arith.constant 0.000000e+00 : f32
        %broadcast_in_dim3A_381 = vector.broadcast %jit3A_380 : f32 to vector<16xf32>
        %select_n3A_382 = arith.select %lt3A_344, %exp3A_379, %broadcast_in_dim3A_381 : vector<16xi1>, vector<16xf32>
        %broadcast_in_dim3A_383 = arith.constant 1 : i32
        %broadcast_in_dim3A_384 = vector.broadcast %broadcast_in_dim3A_383 : i32 to vector<16xi32>
        tpu.vector_store_idx %arg39[%add3A_340, %broadcast_in_dim3A_384], %select_n3A_382 : memref<32x128xf32, #tpu.memory_space<vmem>>[vector<16xi32>, vector<16xi32>], vector<16xf32>,
        %broadcast_in_dim3A_385 = arith.constant 2 : i32
        %broadcast_in_dim3A_386 = vector.broadcast %broadcast_in_dim3A_385 : i32 to vector<16xi32>
        %gather3A_387 = tpu.vector_load_idx %arg39[%add3A_340, %broadcast_in_dim3A_386] : memref<32x128xf32, #tpu.memory_space<vmem>>[vector<16xi32>, vector<16xi32>], vector<16xf32>,
        %broadcast_in_dim3A_388 = arith.constant 2 : i32
        %broadcast_in_dim3A_389 = vector.broadcast %broadcast_in_dim3A_388 : i32 to vector<16xi32>
        %gather3A_390 = tpu.vector_load_idx %arg30[%add3A_340, %broadcast_in_dim3A_389] : memref<32x128xf32, #tpu.memory_space<vmem>>[vector<16xi32>, vector<16xi32>], vector<16xf32>,
        %add3A_391 = arith.addf %gather3A_387, %gather3A_390 : vector<16xf32>
        %ge3A_392 = arith.constant 0.000000e+00 : f32
        %ge3A_393 = vector.broadcast %ge3A_392 : f32 to vector<16xf32>
        %ge3A_394 = arith.cmpf oge, %add3A_391, %ge3A_393 : vector<16xf32>
        %mul3A_395 = arith.constant 2.000000e-01 : f32
        %mul3A_396 = vector.broadcast %mul3A_395 : f32 to vector<16xf32>
        %mul3A_397 = arith.mulf %mul3A_396, %add3A_391 : vector<16xf32>
        %select_n3A_398 = arith.select %ge3A_394, %add3A_391, %mul3A_397 : vector<16xi1>, vector<16xf32>
        %exp3A_399 = math.exp %select_n3A_398 : vector<16xf32>
        %jit3A_400 = arith.constant 0.000000e+00 : f32
        %broadcast_in_dim3A_401 = vector.broadcast %jit3A_400 : f32 to vector<16xf32>
        %select_n3A_402 = arith.select %lt3A_344, %exp3A_399, %broadcast_in_dim3A_401 : vector<16xi1>, vector<16xf32>
        %broadcast_in_dim3A_403 = arith.constant 2 : i32
        %broadcast_in_dim3A_404 = vector.broadcast %broadcast_in_dim3A_403 : i32 to vector<16xi32>
        tpu.vector_store_idx %arg39[%add3A_340, %broadcast_in_dim3A_404], %select_n3A_402 : memref<32x128xf32, #tpu.memory_space<vmem>>[vector<16xi32>, vector<16xi32>], vector<16xf32>,
        %broadcast_in_dim3A_405 = arith.constant 3 : i32
        %broadcast_in_dim3A_406 = vector.broadcast %broadcast_in_dim3A_405 : i32 to vector<16xi32>
        %gather3A_407 = tpu.vector_load_idx %arg39[%add3A_340, %broadcast_in_dim3A_406] : memref<32x128xf32, #tpu.memory_space<vmem>>[vector<16xi32>, vector<16xi32>], vector<16xf32>,
        %broadcast_in_dim3A_408 = arith.constant 3 : i32
        %broadcast_in_dim3A_409 = vector.broadcast %broadcast_in_dim3A_408 : i32 to vector<16xi32>
        %gather3A_410 = tpu.vector_load_idx %arg30[%add3A_340, %broadcast_in_dim3A_409] : memref<32x128xf32, #tpu.memory_space<vmem>>[vector<16xi32>, vector<16xi32>], vector<16xf32>,
        %add3A_411 = arith.addf %gather3A_407, %gather3A_410 : vector<16xf32>
        %ge3A_412 = arith.constant 0.000000e+00 : f32
        %ge3A_413 = vector.broadcast %ge3A_412 : f32 to vector<16xf32>
        %ge3A_414 = arith.cmpf oge, %add3A_411, %ge3A_413 : vector<16xf32>
        %mul3A_415 = arith.constant 2.000000e-01 : f32
        %mul3A_416 = vector.broadcast %mul3A_415 : f32 to vector<16xf32>
        %mul3A_417 = arith.mulf %mul3A_416, %add3A_411 : vector<16xf32>
        %select_n3A_418 = arith.select %ge3A_414, %add3A_411, %mul3A_417 : vector<16xi1>, vector<16xf32>
        %exp3A_419 = math.exp %select_n3A_418 : vector<16xf32>
        %jit3A_420 = arith.constant 0.000000e+00 : f32
        %broadcast_in_dim3A_421 = vector.broadcast %jit3A_420 : f32 to vector<16xf32>
        %select_n3A_422 = arith.select %lt3A_344, %exp3A_419, %broadcast_in_dim3A_421 : vector<16xi1>, vector<16xf32>
        %broadcast_in_dim3A_423 = arith.constant 3 : i32
        %broadcast_in_dim3A_424 = vector.broadcast %broadcast_in_dim3A_423 : i32 to vector<16xi32>
        tpu.vector_store_idx %arg39[%add3A_340, %broadcast_in_dim3A_424], %select_n3A_422 : memref<32x128xf32, #tpu.memory_space<vmem>>[vector<16xi32>, vector<16xi32>], vector<16xf32>,
        %broadcast_in_dim3A_425 = arith.constant 4 : i32
        %broadcast_in_dim3A_426 = vector.broadcast %broadcast_in_dim3A_425 : i32 to vector<16xi32>
        %gather3A_427 = tpu.vector_load_idx %arg39[%add3A_340, %broadcast_in_dim3A_426] : memref<32x128xf32, #tpu.memory_space<vmem>>[vector<16xi32>, vector<16xi32>], vector<16xf32>,
        %broadcast_in_dim3A_428 = arith.constant 4 : i32
        %broadcast_in_dim3A_429 = vector.broadcast %broadcast_in_dim3A_428 : i32 to vector<16xi32>
        %gather3A_430 = tpu.vector_load_idx %arg30[%add3A_340, %broadcast_in_dim3A_429] : memref<32x128xf32, #tpu.memory_space<vmem>>[vector<16xi32>, vector<16xi32>], vector<16xf32>,
        %add3A_431 = arith.addf %gather3A_427, %gather3A_430 : vector<16xf32>
        %ge3A_432 = arith.constant 0.000000e+00 : f32
        %ge3A_433 = vector.broadcast %ge3A_432 : f32 to vector<16xf32>
        %ge3A_434 = arith.cmpf oge, %add3A_431, %ge3A_433 : vector<16xf32>
        %mul3A_435 = arith.constant 2.000000e-01 : f32
        %mul3A_436 = vector.broadcast %mul3A_435 : f32 to vector<16xf32>
        %mul3A_437 = arith.mulf %mul3A_436, %add3A_431 : vector<16xf32>
        %select_n3A_438 = arith.select %ge3A_434, %add3A_431, %mul3A_437 : vector<16xi1>, vector<16xf32>
        %exp3A_439 = math.exp %select_n3A_438 : vector<16xf32>
        %jit3A_440 = arith.constant 0.000000e+00 : f32
        %broadcast_in_dim3A_441 = vector.broadcast %jit3A_440 : f32 to vector<16xf32>
        %select_n3A_442 = arith.select %lt3A_344, %exp3A_439, %broadcast_in_dim3A_441 : vector<16xi1>, vector<16xf32>
        %broadcast_in_dim3A_443 = arith.constant 4 : i32
        %broadcast_in_dim3A_444 = vector.broadcast %broadcast_in_dim3A_443 : i32 to vector<16xi32>
        tpu.vector_store_idx %arg39[%add3A_340, %broadcast_in_dim3A_444], %select_n3A_442 : memref<32x128xf32, #tpu.memory_space<vmem>>[vector<16xi32>, vector<16xi32>], vector<16xf32>,
        %broadcast_in_dim3A_445 = arith.constant 5 : i32
        %broadcast_in_dim3A_446 = vector.broadcast %broadcast_in_dim3A_445 : i32 to vector<16xi32>
        %gather3A_447 = tpu.vector_load_idx %arg39[%add3A_340, %broadcast_in_dim3A_446] : memref<32x128xf32, #tpu.memory_space<vmem>>[vector<16xi32>, vector<16xi32>], vector<16xf32>,
        %broadcast_in_dim3A_448 = arith.constant 5 : i32
        %broadcast_in_dim3A_449 = vector.broadcast %broadcast_in_dim3A_448 : i32 to vector<16xi32>
        %gather3A_450 = tpu.vector_load_idx %arg30[%add3A_340, %broadcast_in_dim3A_449] : memref<32x128xf32, #tpu.memory_space<vmem>>[vector<16xi32>, vector<16xi32>], vector<16xf32>,
        %add3A_451 = arith.addf %gather3A_447, %gather3A_450 : vector<16xf32>
        %ge3A_452 = arith.constant 0.000000e+00 : f32
        %ge3A_453 = vector.broadcast %ge3A_452 : f32 to vector<16xf32>
        %ge3A_454 = arith.cmpf oge, %add3A_451, %ge3A_453 : vector<16xf32>
        %mul3A_455 = arith.constant 2.000000e-01 : f32
        %mul3A_456 = vector.broadcast %mul3A_455 : f32 to vector<16xf32>
        %mul3A_457 = arith.mulf %mul3A_456, %add3A_451 : vector<16xf32>
        %select_n3A_458 = arith.select %ge3A_454, %add3A_451, %mul3A_457 : vector<16xi1>, vector<16xf32>
        %exp3A_459 = math.exp %select_n3A_458 : vector<16xf32>
        %jit3A_460 = arith.constant 0.000000e+00 : f32
        %broadcast_in_dim3A_461 = vector.broadcast %jit3A_460 : f32 to vector<16xf32>
        %select_n3A_462 = arith.select %lt3A_344, %exp3A_459, %broadcast_in_dim3A_461 : vector<16xi1>, vector<16xf32>
        %broadcast_in_dim3A_463 = arith.constant 5 : i32
        %broadcast_in_dim3A_464 = vector.broadcast %broadcast_in_dim3A_463 : i32 to vector<16xi32>
        tpu.vector_store_idx %arg39[%add3A_340, %broadcast_in_dim3A_464], %select_n3A_462 : memref<32x128xf32, #tpu.memory_space<vmem>>[vector<16xi32>, vector<16xi32>], vector<16xf32>,
        %broadcast_in_dim3A_465 = arith.constant 6 : i32
        %broadcast_in_dim3A_466 = vector.broadcast %broadcast_in_dim3A_465 : i32 to vector<16xi32>
        %gather3A_467 = tpu.vector_load_idx %arg39[%add3A_340, %broadcast_in_dim3A_466] : memref<32x128xf32, #tpu.memory_space<vmem>>[vector<16xi32>, vector<16xi32>], vector<16xf32>,
        %broadcast_in_dim3A_468 = arith.constant 6 : i32
        %broadcast_in_dim3A_469 = vector.broadcast %broadcast_in_dim3A_468 : i32 to vector<16xi32>
        %gather3A_470 = tpu.vector_load_idx %arg30[%add3A_340, %broadcast_in_dim3A_469] : memref<32x128xf32, #tpu.memory_space<vmem>>[vector<16xi32>, vector<16xi32>], vector<16xf32>,
        %add3A_471 = arith.addf %gather3A_467, %gather3A_470 : vector<16xf32>
        %ge3A_472 = arith.constant 0.000000e+00 : f32
        %ge3A_473 = vector.broadcast %ge3A_472 : f32 to vector<16xf32>
        %ge3A_474 = arith.cmpf oge, %add3A_471, %ge3A_473 : vector<16xf32>
        %mul3A_475 = arith.constant 2.000000e-01 : f32
        %mul3A_476 = vector.broadcast %mul3A_475 : f32 to vector<16xf32>
        %mul3A_477 = arith.mulf %mul3A_476, %add3A_471 : vector<16xf32>
        %select_n3A_478 = arith.select %ge3A_474, %add3A_471, %mul3A_477 : vector<16xi1>, vector<16xf32>
        %exp3A_479 = math.exp %select_n3A_478 : vector<16xf32>
        %jit3A_480 = arith.constant 0.000000e+00 : f32
        %broadcast_in_dim3A_481 = vector.broadcast %jit3A_480 : f32 to vector<16xf32>
        %select_n3A_482 = arith.select %lt3A_344, %exp3A_479, %broadcast_in_dim3A_481 : vector<16xi1>, vector<16xf32>
        %broadcast_in_dim3A_483 = arith.constant 6 : i32
        %broadcast_in_dim3A_484 = vector.broadcast %broadcast_in_dim3A_483 : i32 to vector<16xi32>
        tpu.vector_store_idx %arg39[%add3A_340, %broadcast_in_dim3A_484], %select_n3A_482 : memref<32x128xf32, #tpu.memory_space<vmem>>[vector<16xi32>, vector<16xi32>], vector<16xf32>,
        %broadcast_in_dim3A_485 = arith.constant 7 : i32
        %broadcast_in_dim3A_486 = vector.broadcast %broadcast_in_dim3A_485 : i32 to vector<16xi32>
        %gather3A_487 = tpu.vector_load_idx %arg39[%add3A_340, %broadcast_in_dim3A_486] : memref<32x128xf32, #tpu.memory_space<vmem>>[vector<16xi32>, vector<16xi32>], vector<16xf32>,
        %broadcast_in_dim3A_488 = arith.constant 7 : i32
        %broadcast_in_dim3A_489 = vector.broadcast %broadcast_in_dim3A_488 : i32 to vector<16xi32>
        %gather3A_490 = tpu.vector_load_idx %arg30[%add3A_340, %broadcast_in_dim3A_489] : memref<32x128xf32, #tpu.memory_space<vmem>>[vector<16xi32>, vector<16xi32>], vector<16xf32>,
        %add3A_491 = arith.addf %gather3A_487, %gather3A_490 : vector<16xf32>
        %ge3A_492 = arith.constant 0.000000e+00 : f32
        %ge3A_493 = vector.broadcast %ge3A_492 : f32 to vector<16xf32>
        %ge3A_494 = arith.cmpf oge, %add3A_491, %ge3A_493 : vector<16xf32>
        %mul3A_495 = arith.constant 2.000000e-01 : f32
        %mul3A_496 = vector.broadcast %mul3A_495 : f32 to vector<16xf32>
        %mul3A_497 = arith.mulf %mul3A_496, %add3A_491 : vector<16xf32>
        %select_n3A_498 = arith.select %ge3A_494, %add3A_491, %mul3A_497 : vector<16xi1>, vector<16xf32>
        %exp3A_499 = math.exp %select_n3A_498 : vector<16xf32>
        %jit3A_500 = arith.constant 0.000000e+00 : f32
        %broadcast_in_dim3A_501 = vector.broadcast %jit3A_500 : f32 to vector<16xf32>
        %select_n3A_502 = arith.select %lt3A_344, %exp3A_499, %broadcast_in_dim3A_501 : vector<16xi1>, vector<16xf32>
        %broadcast_in_dim3A_503 = arith.constant 7 : i32
        %broadcast_in_dim3A_504 = vector.broadcast %broadcast_in_dim3A_503 : i32 to vector<16xi32>
        tpu.vector_store_idx %arg39[%add3A_340, %broadcast_in_dim3A_504], %select_n3A_502 : memref<32x128xf32, #tpu.memory_space<vmem>>[vector<16xi32>, vector<16xi32>], vector<16xf32>,
        %parallel_loop3A = arith.constant 0 : i32
        %parallel_loop3A_505 = arith.constant 32 : i32
        %parallel_loop3A_506 = arith.constant 1 : i32
        scf.for %parallel_loop3A_562 = %parallel_loop3A to %parallel_loop3A_505 step %parallel_loop3A_506  : i32 {
          %parallel_loop3A_563 = arith.index_cast %parallel_loop3A_562 : i32 to index
          %parallel_loop3A_564 = arith.constant 0 : index
          %parallel_loop3A_565 = tpu.vector_load %arg39[%parallel_loop3A_563, %parallel_loop3A_564] {strides = array<i32>} : memref<32x128xf32, #tpu.memory_space<vmem>>, vector<16xf32>,
          %parallel_loop3A_566 = vector.extract_strided_slice %parallel_loop3A_565 {offsets = [0], sizes = [1], strides = [1]} : vector<16xf32> to vector<1xf32>
          %parallel_loop3A_567 = vector.extract %parallel_loop3A_566[0] : f32 from vector<1xf32>
          %parallel_loop3A_568 = vector.broadcast %parallel_loop3A_567 : f32 to vector<16xf32>
          %parallel_loop3A_569 = arith.index_cast %parallel_loop3A_562 : i32 to index
          %parallel_loop3A_570 = arith.constant 0 : index
          %parallel_loop3A_571 = tpu.vector_load %arg31[%parallel_loop3A_569, %parallel_loop3A_570] {strides = array<i32>} : memref<32x128xf32, #tpu.memory_space<vmem>>, vector<16xf32>,
          %parallel_loop3A_572 = arith.mulf %parallel_loop3A_571, %parallel_loop3A_568 : vector<16xf32>
          %parallel_loop3A_573 = arith.index_cast %parallel_loop3A_562 : i32 to index
          %parallel_loop3A_574 = arith.constant 0 : index
          %parallel_loop3A_575 = tpu.vector_load %arg31[%parallel_loop3A_573, %parallel_loop3A_574] {strides = array<i32>} : memref<32x128xf32, #tpu.memory_space<vmem>>, vector<16xf32>,
          tpu.vector_store %arg31[%parallel_loop3A_573, %parallel_loop3A_574], %parallel_loop3A_572 {strides = array<i32>} : memref<32x128xf32, #tpu.memory_space<vmem>>, vector<16xf32>,
          %parallel_loop3A_576 = arith.index_cast %parallel_loop3A_562 : i32 to index
          %parallel_loop3A_577 = arith.constant 16 : index
          %parallel_loop3A_578 = tpu.vector_load %arg31[%parallel_loop3A_576, %parallel_loop3A_577] {strides = array<i32>} : memref<32x128xf32, #tpu.memory_space<vmem>>, vector<16xf32>,
          %parallel_loop3A_579 = arith.mulf %parallel_loop3A_578, %parallel_loop3A_568 : vector<16xf32>
          %parallel_loop3A_580 = arith.index_cast %parallel_loop3A_562 : i32 to index
          %parallel_loop3A_581 = arith.constant 16 : index
          %parallel_loop3A_582 = tpu.vector_load %arg31[%parallel_loop3A_580, %parallel_loop3A_581] {strides = array<i32>} : memref<32x128xf32, #tpu.memory_space<vmem>>, vector<16xf32>,
          tpu.vector_store %arg31[%parallel_loop3A_580, %parallel_loop3A_581], %parallel_loop3A_579 {strides = array<i32>} : memref<32x128xf32, #tpu.memory_space<vmem>>, vector<16xf32>,
          %parallel_loop3A_583 = arith.index_cast %parallel_loop3A_562 : i32 to index
          %parallel_loop3A_584 = arith.constant 32 : index
          %parallel_loop3A_585 = tpu.vector_load %arg31[%parallel_loop3A_583, %parallel_loop3A_584] {strides = array<i32>} : memref<32x128xf32, #tpu.memory_space<vmem>>, vector<16xf32>,
          %parallel_loop3A_586 = arith.mulf %parallel_loop3A_585, %parallel_loop3A_568 : vector<16xf32>
          %parallel_loop3A_587 = arith.index_cast %parallel_loop3A_562 : i32 to index
          %parallel_loop3A_588 = arith.constant 32 : index
          %parallel_loop3A_589 = tpu.vector_load %arg31[%parallel_loop3A_587, %parallel_loop3A_588] {strides = array<i32>} : memref<32x128xf32, #tpu.memory_space<vmem>>, vector<16xf32>,
          tpu.vector_store %arg31[%parallel_loop3A_587, %parallel_loop3A_588], %parallel_loop3A_586 {strides = array<i32>} : memref<32x128xf32, #tpu.memory_space<vmem>>, vector<16xf32>,
          %parallel_loop3A_590 = arith.index_cast %parallel_loop3A_562 : i32 to index
          %parallel_loop3A_591 = arith.constant 48 : index
          %parallel_loop3A_592 = tpu.vector_load %arg31[%parallel_loop3A_590, %parallel_loop3A_591] {strides = array<i32>} : memref<32x128xf32, #tpu.memory_space<vmem>>, vector<16xf32>,
          %parallel_loop3A_593 = arith.mulf %parallel_loop3A_592, %parallel_loop3A_568 : vector<16xf32>
          %parallel_loop3A_594 = arith.index_cast %parallel_loop3A_562 : i32 to index
          %parallel_loop3A_595 = arith.constant 48 : index
          %parallel_loop3A_596 = tpu.vector_load %arg31[%parallel_loop3A_594, %parallel_loop3A_595] {strides = array<i32>} : memref<32x128xf32, #tpu.memory_space<vmem>>, vector<16xf32>,
          tpu.vector_store %arg31[%parallel_loop3A_594, %parallel_loop3A_595], %parallel_loop3A_593 {strides = array<i32>} : memref<32x128xf32, #tpu.memory_space<vmem>>, vector<16xf32>,
          %parallel_loop3A_597 = arith.index_cast %parallel_loop3A_562 : i32 to index
          %parallel_loop3A_598 = arith.constant 64 : index
          %parallel_loop3A_599 = tpu.vector_load %arg31[%parallel_loop3A_597, %parallel_loop3A_598] {strides = array<i32>} : memref<32x128xf32, #tpu.memory_space<vmem>>, vector<16xf32>,
          %parallel_loop3A_600 = arith.mulf %parallel_loop3A_599, %parallel_loop3A_568 : vector<16xf32>
          %parallel_loop3A_601 = arith.index_cast %parallel_loop3A_562 : i32 to index
          %parallel_loop3A_602 = arith.constant 64 : index
          %parallel_loop3A_603 = tpu.vector_load %arg31[%parallel_loop3A_601, %parallel_loop3A_602] {strides = array<i32>} : memref<32x128xf32, #tpu.memory_space<vmem>>, vector<16xf32>,
          tpu.vector_store %arg31[%parallel_loop3A_601, %parallel_loop3A_602], %parallel_loop3A_600 {strides = array<i32>} : memref<32x128xf32, #tpu.memory_space<vmem>>, vector<16xf32>,
          %parallel_loop3A_604 = arith.index_cast %parallel_loop3A_562 : i32 to index
          %parallel_loop3A_605 = arith.constant 80 : index
          %parallel_loop3A_606 = tpu.vector_load %arg31[%parallel_loop3A_604, %parallel_loop3A_605] {strides = array<i32>} : memref<32x128xf32, #tpu.memory_space<vmem>>, vector<16xf32>,
          %parallel_loop3A_607 = arith.mulf %parallel_loop3A_606, %parallel_loop3A_568 : vector<16xf32>
          %parallel_loop3A_608 = arith.index_cast %parallel_loop3A_562 : i32 to index
          %parallel_loop3A_609 = arith.constant 80 : index
          %parallel_loop3A_610 = tpu.vector_load %arg31[%parallel_loop3A_608, %parallel_loop3A_609] {strides = array<i32>} : memref<32x128xf32, #tpu.memory_space<vmem>>, vector<16xf32>,
          tpu.vector_store %arg31[%parallel_loop3A_608, %parallel_loop3A_609], %parallel_loop3A_607 {strides = array<i32>} : memref<32x128xf32, #tpu.memory_space<vmem>>, vector<16xf32>,
          %parallel_loop3A_611 = arith.index_cast %parallel_loop3A_562 : i32 to index
          %parallel_loop3A_612 = arith.constant 96 : index
          %parallel_loop3A_613 = tpu.vector_load %arg31[%parallel_loop3A_611, %parallel_loop3A_612] {strides = array<i32>} : memref<32x128xf32, #tpu.memory_space<vmem>>, vector<16xf32>,
          %parallel_loop3A_614 = arith.mulf %parallel_loop3A_613, %parallel_loop3A_568 : vector<16xf32>
          %parallel_loop3A_615 = arith.index_cast %parallel_loop3A_562 : i32 to index
          %parallel_loop3A_616 = arith.constant 96 : index
          %parallel_loop3A_617 = tpu.vector_load %arg31[%parallel_loop3A_615, %parallel_loop3A_616] {strides = array<i32>} : memref<32x128xf32, #tpu.memory_space<vmem>>, vector<16xf32>,
          tpu.vector_store %arg31[%parallel_loop3A_615, %parallel_loop3A_616], %parallel_loop3A_614 {strides = array<i32>} : memref<32x128xf32, #tpu.memory_space<vmem>>, vector<16xf32>,
          %parallel_loop3A_618 = arith.index_cast %parallel_loop3A_562 : i32 to index
          %parallel_loop3A_619 = arith.constant 112 : index
          %parallel_loop3A_620 = tpu.vector_load %arg31[%parallel_loop3A_618, %parallel_loop3A_619] {strides = array<i32>} : memref<32x128xf32, #tpu.memory_space<vmem>>, vector<16xf32>,
          %parallel_loop3A_621 = arith.mulf %parallel_loop3A_620, %parallel_loop3A_568 : vector<16xf32>
          %parallel_loop3A_622 = arith.index_cast %parallel_loop3A_562 : i32 to index
          %parallel_loop3A_623 = arith.constant 112 : index
          %parallel_loop3A_624 = tpu.vector_load %arg31[%parallel_loop3A_622, %parallel_loop3A_623] {strides = array<i32>} : memref<32x128xf32, #tpu.memory_space<vmem>>, vector<16xf32>,
          tpu.vector_store %arg31[%parallel_loop3A_622, %parallel_loop3A_623], %parallel_loop3A_621 {strides = array<i32>} : memref<32x128xf32, #tpu.memory_space<vmem>>, vector<16xf32>,
          %parallel_loop3A_625 = vector.extract_strided_slice %parallel_loop3A_565 {offsets = [1], sizes = [1], strides = [1]} : vector<16xf32> to vector<1xf32>
          %parallel_loop3A_626 = vector.extract %parallel_loop3A_625[0] : f32 from vector<1xf32>
          %parallel_loop3A_627 = vector.broadcast %parallel_loop3A_626 : f32 to vector<16xf32>
          %parallel_loop3A_628 = arith.index_cast %parallel_loop3A_562 : i32 to index
          %parallel_loop3A_629 = arith.constant 0 : index
          %parallel_loop3A_630 = tpu.vector_load %arg32[%parallel_loop3A_628, %parallel_loop3A_629] {strides = array<i32>} : memref<32x128xf32, #tpu.memory_space<vmem>>, vector<16xf32>,
          %parallel_loop3A_631 = arith.mulf %parallel_loop3A_630, %parallel_loop3A_627 : vector<16xf32>
          %parallel_loop3A_632 = arith.index_cast %parallel_loop3A_562 : i32 to index
          %parallel_loop3A_633 = arith.constant 0 : index
          %parallel_loop3A_634 = tpu.vector_load %arg32[%parallel_loop3A_632, %parallel_loop3A_633] {strides = array<i32>} : memref<32x128xf32, #tpu.memory_space<vmem>>, vector<16xf32>,
          tpu.vector_store %arg32[%parallel_loop3A_632, %parallel_loop3A_633], %parallel_loop3A_631 {strides = array<i32>} : memref<32x128xf32, #tpu.memory_space<vmem>>, vector<16xf32>,
          %parallel_loop3A_635 = arith.index_cast %parallel_loop3A_562 : i32 to index
          %parallel_loop3A_636 = arith.constant 16 : index
          %parallel_loop3A_637 = tpu.vector_load %arg32[%parallel_loop3A_635, %parallel_loop3A_636] {strides = array<i32>} : memref<32x128xf32, #tpu.memory_space<vmem>>, vector<16xf32>,
          %parallel_loop3A_638 = arith.mulf %parallel_loop3A_637, %parallel_loop3A_627 : vector<16xf32>
          %parallel_loop3A_639 = arith.index_cast %parallel_loop3A_562 : i32 to index
          %parallel_loop3A_640 = arith.constant 16 : index
          %parallel_loop3A_641 = tpu.vector_load %arg32[%parallel_loop3A_639, %parallel_loop3A_640] {strides = array<i32>} : memref<32x128xf32, #tpu.memory_space<vmem>>, vector<16xf32>,
          tpu.vector_store %arg32[%parallel_loop3A_639, %parallel_loop3A_640], %parallel_loop3A_638 {strides = array<i32>} : memref<32x128xf32, #tpu.memory_space<vmem>>, vector<16xf32>,
          %parallel_loop3A_642 = arith.index_cast %parallel_loop3A_562 : i32 to index
          %parallel_loop3A_643 = arith.constant 32 : index
          %parallel_loop3A_644 = tpu.vector_load %arg32[%parallel_loop3A_642, %parallel_loop3A_643] {strides = array<i32>} : memref<32x128xf32, #tpu.memory_space<vmem>>, vector<16xf32>,
          %parallel_loop3A_645 = arith.mulf %parallel_loop3A_644, %parallel_loop3A_627 : vector<16xf32>
          %parallel_loop3A_646 = arith.index_cast %parallel_loop3A_562 : i32 to index
          %parallel_loop3A_647 = arith.constant 32 : index
          %parallel_loop3A_648 = tpu.vector_load %arg32[%parallel_loop3A_646, %parallel_loop3A_647] {strides = array<i32>} : memref<32x128xf32, #tpu.memory_space<vmem>>, vector<16xf32>,
          tpu.vector_store %arg32[%parallel_loop3A_646, %parallel_loop3A_647], %parallel_loop3A_645 {strides = array<i32>} : memref<32x128xf32, #tpu.memory_space<vmem>>, vector<16xf32>,
          %parallel_loop3A_649 = arith.index_cast %parallel_loop3A_562 : i32 to index
          %parallel_loop3A_650 = arith.constant 48 : index
          %parallel_loop3A_651 = tpu.vector_load %arg32[%parallel_loop3A_649, %parallel_loop3A_650] {strides = array<i32>} : memref<32x128xf32, #tpu.memory_space<vmem>>, vector<16xf32>,
          %parallel_loop3A_652 = arith.mulf %parallel_loop3A_651, %parallel_loop3A_627 : vector<16xf32>
          %parallel_loop3A_653 = arith.index_cast %parallel_loop3A_562 : i32 to index
          %parallel_loop3A_654 = arith.constant 48 : index
          %parallel_loop3A_655 = tpu.vector_load %arg32[%parallel_loop3A_653, %parallel_loop3A_654] {strides = array<i32>} : memref<32x128xf32, #tpu.memory_space<vmem>>, vector<16xf32>,
          tpu.vector_store %arg32[%parallel_loop3A_653, %parallel_loop3A_654], %parallel_loop3A_652 {strides = array<i32>} : memref<32x128xf32, #tpu.memory_space<vmem>>, vector<16xf32>,
          %parallel_loop3A_656 = arith.index_cast %parallel_loop3A_562 : i32 to index
          %parallel_loop3A_657 = arith.constant 64 : index
          %parallel_loop3A_658 = tpu.vector_load %arg32[%parallel_loop3A_656, %parallel_loop3A_657] {strides = array<i32>} : memref<32x128xf32, #tpu.memory_space<vmem>>, vector<16xf32>,
          %parallel_loop3A_659 = arith.mulf %parallel_loop3A_658, %parallel_loop3A_627 : vector<16xf32>
          %parallel_loop3A_660 = arith.index_cast %parallel_loop3A_562 : i32 to index
          %parallel_loop3A_661 = arith.constant 64 : index
          %parallel_loop3A_662 = tpu.vector_load %arg32[%parallel_loop3A_660, %parallel_loop3A_661] {strides = array<i32>} : memref<32x128xf32, #tpu.memory_space<vmem>>, vector<16xf32>,
          tpu.vector_store %arg32[%parallel_loop3A_660, %parallel_loop3A_661], %parallel_loop3A_659 {strides = array<i32>} : memref<32x128xf32, #tpu.memory_space<vmem>>, vector<16xf32>,
          %parallel_loop3A_663 = arith.index_cast %parallel_loop3A_562 : i32 to index
          %parallel_loop3A_664 = arith.constant 80 : index
          %parallel_loop3A_665 = tpu.vector_load %arg32[%parallel_loop3A_663, %parallel_loop3A_664] {strides = array<i32>} : memref<32x128xf32, #tpu.memory_space<vmem>>, vector<16xf32>,
          %parallel_loop3A_666 = arith.mulf %parallel_loop3A_665, %parallel_loop3A_627 : vector<16xf32>
          %parallel_loop3A_667 = arith.index_cast %parallel_loop3A_562 : i32 to index
          %parallel_loop3A_668 = arith.constant 80 : index
          %parallel_loop3A_669 = tpu.vector_load %arg32[%parallel_loop3A_667, %parallel_loop3A_668] {strides = array<i32>} : memref<32x128xf32, #tpu.memory_space<vmem>>, vector<16xf32>,
          tpu.vector_store %arg32[%parallel_loop3A_667, %parallel_loop3A_668], %parallel_loop3A_666 {strides = array<i32>} : memref<32x128xf32, #tpu.memory_space<vmem>>, vector<16xf32>,
          %parallel_loop3A_670 = arith.index_cast %parallel_loop3A_562 : i32 to index
          %parallel_loop3A_671 = arith.constant 96 : index
          %parallel_loop3A_672 = tpu.vector_load %arg32[%parallel_loop3A_670, %parallel_loop3A_671] {strides = array<i32>} : memref<32x128xf32, #tpu.memory_space<vmem>>, vector<16xf32>,
          %parallel_loop3A_673 = arith.mulf %parallel_loop3A_672, %parallel_loop3A_627 : vector<16xf32>
          %parallel_loop3A_674 = arith.index_cast %parallel_loop3A_562 : i32 to index
          %parallel_loop3A_675 = arith.constant 96 : index
          %parallel_loop3A_676 = tpu.vector_load %arg32[%parallel_loop3A_674, %parallel_loop3A_675] {strides = array<i32>} : memref<32x128xf32, #tpu.memory_space<vmem>>, vector<16xf32>,
          tpu.vector_store %arg32[%parallel_loop3A_674, %parallel_loop3A_675], %parallel_loop3A_673 {strides = array<i32>} : memref<32x128xf32, #tpu.memory_space<vmem>>, vector<16xf32>,
          %parallel_loop3A_677 = arith.index_cast %parallel_loop3A_562 : i32 to index
          %parallel_loop3A_678 = arith.constant 112 : index
          %parallel_loop3A_679 = tpu.vector_load %arg32[%parallel_loop3A_677, %parallel_loop3A_678] {strides = array<i32>} : memref<32x128xf32, #tpu.memory_space<vmem>>, vector<16xf32>,
          %parallel_loop3A_680 = arith.mulf %parallel_loop3A_679, %parallel_loop3A_627 : vector<16xf32>
          %parallel_loop3A_681 = arith.index_cast %parallel_loop3A_562 : i32 to index
          %parallel_loop3A_682 = arith.constant 112 : index
          %parallel_loop3A_683 = tpu.vector_load %arg32[%parallel_loop3A_681, %parallel_loop3A_682] {strides = array<i32>} : memref<32x128xf32, #tpu.memory_space<vmem>>, vector<16xf32>,
          tpu.vector_store %arg32[%parallel_loop3A_681, %parallel_loop3A_682], %parallel_loop3A_680 {strides = array<i32>} : memref<32x128xf32, #tpu.memory_space<vmem>>, vector<16xf32>,
          %parallel_loop3A_684 = vector.extract_strided_slice %parallel_loop3A_565 {offsets = [2], sizes = [1], strides = [1]} : vector<16xf32> to vector<1xf32>
          %parallel_loop3A_685 = vector.extract %parallel_loop3A_684[0] : f32 from vector<1xf32>
          %parallel_loop3A_686 = vector.broadcast %parallel_loop3A_685 : f32 to vector<16xf32>
          %parallel_loop3A_687 = arith.index_cast %parallel_loop3A_562 : i32 to index
          %parallel_loop3A_688 = arith.constant 0 : index
          %parallel_loop3A_689 = tpu.vector_load %arg33[%parallel_loop3A_687, %parallel_loop3A_688] {strides = array<i32>} : memref<32x128xf32, #tpu.memory_space<vmem>>, vector<16xf32>,
          %parallel_loop3A_690 = arith.mulf %parallel_loop3A_689, %parallel_loop3A_686 : vector<16xf32>
          %parallel_loop3A_691 = arith.index_cast %parallel_loop3A_562 : i32 to index
          %parallel_loop3A_692 = arith.constant 0 : index
          %parallel_loop3A_693 = tpu.vector_load %arg33[%parallel_loop3A_691, %parallel_loop3A_692] {strides = array<i32>} : memref<32x128xf32, #tpu.memory_space<vmem>>, vector<16xf32>,
          tpu.vector_store %arg33[%parallel_loop3A_691, %parallel_loop3A_692], %parallel_loop3A_690 {strides = array<i32>} : memref<32x128xf32, #tpu.memory_space<vmem>>, vector<16xf32>,
          %parallel_loop3A_694 = arith.index_cast %parallel_loop3A_562 : i32 to index
          %parallel_loop3A_695 = arith.constant 16 : index
          %parallel_loop3A_696 = tpu.vector_load %arg33[%parallel_loop3A_694, %parallel_loop3A_695] {strides = array<i32>} : memref<32x128xf32, #tpu.memory_space<vmem>>, vector<16xf32>,
          %parallel_loop3A_697 = arith.mulf %parallel_loop3A_696, %parallel_loop3A_686 : vector<16xf32>
          %parallel_loop3A_698 = arith.index_cast %parallel_loop3A_562 : i32 to index
          %parallel_loop3A_699 = arith.constant 16 : index
          %parallel_loop3A_700 = tpu.vector_load %arg33[%parallel_loop3A_698, %parallel_loop3A_699] {strides = array<i32>} : memref<32x128xf32, #tpu.memory_space<vmem>>, vector<16xf32>,
          tpu.vector_store %arg33[%parallel_loop3A_698, %parallel_loop3A_699], %parallel_loop3A_697 {strides = array<i32>} : memref<32x128xf32, #tpu.memory_space<vmem>>, vector<16xf32>,
          %parallel_loop3A_701 = arith.index_cast %parallel_loop3A_562 : i32 to index
          %parallel_loop3A_702 = arith.constant 32 : index
          %parallel_loop3A_703 = tpu.vector_load %arg33[%parallel_loop3A_701, %parallel_loop3A_702] {strides = array<i32>} : memref<32x128xf32, #tpu.memory_space<vmem>>, vector<16xf32>,
          %parallel_loop3A_704 = arith.mulf %parallel_loop3A_703, %parallel_loop3A_686 : vector<16xf32>
          %parallel_loop3A_705 = arith.index_cast %parallel_loop3A_562 : i32 to index
          %parallel_loop3A_706 = arith.constant 32 : index
          %parallel_loop3A_707 = tpu.vector_load %arg33[%parallel_loop3A_705, %parallel_loop3A_706] {strides = array<i32>} : memref<32x128xf32, #tpu.memory_space<vmem>>, vector<16xf32>,
          tpu.vector_store %arg33[%parallel_loop3A_705, %parallel_loop3A_706], %parallel_loop3A_704 {strides = array<i32>} : memref<32x128xf32, #tpu.memory_space<vmem>>, vector<16xf32>,
          %parallel_loop3A_708 = arith.index_cast %parallel_loop3A_562 : i32 to index
          %parallel_loop3A_709 = arith.constant 48 : index
          %parallel_loop3A_710 = tpu.vector_load %arg33[%parallel_loop3A_708, %parallel_loop3A_709] {strides = array<i32>} : memref<32x128xf32, #tpu.memory_space<vmem>>, vector<16xf32>,
          %parallel_loop3A_711 = arith.mulf %parallel_loop3A_710, %parallel_loop3A_686 : vector<16xf32>
          %parallel_loop3A_712 = arith.index_cast %parallel_loop3A_562 : i32 to index
          %parallel_loop3A_713 = arith.constant 48 : index
          %parallel_loop3A_714 = tpu.vector_load %arg33[%parallel_loop3A_712, %parallel_loop3A_713] {strides = array<i32>} : memref<32x128xf32, #tpu.memory_space<vmem>>, vector<16xf32>,
          tpu.vector_store %arg33[%parallel_loop3A_712, %parallel_loop3A_713], %parallel_loop3A_711 {strides = array<i32>} : memref<32x128xf32, #tpu.memory_space<vmem>>, vector<16xf32>,
          %parallel_loop3A_715 = arith.index_cast %parallel_loop3A_562 : i32 to index
          %parallel_loop3A_716 = arith.constant 64 : index
          %parallel_loop3A_717 = tpu.vector_load %arg33[%parallel_loop3A_715, %parallel_loop3A_716] {strides = array<i32>} : memref<32x128xf32, #tpu.memory_space<vmem>>, vector<16xf32>,
          %parallel_loop3A_718 = arith.mulf %parallel_loop3A_717, %parallel_loop3A_686 : vector<16xf32>
          %parallel_loop3A_719 = arith.index_cast %parallel_loop3A_562 : i32 to index
          %parallel_loop3A_720 = arith.constant 64 : index
          %parallel_loop3A_721 = tpu.vector_load %arg33[%parallel_loop3A_719, %parallel_loop3A_720] {strides = array<i32>} : memref<32x128xf32, #tpu.memory_space<vmem>>, vector<16xf32>,
          tpu.vector_store %arg33[%parallel_loop3A_719, %parallel_loop3A_720], %parallel_loop3A_718 {strides = array<i32>} : memref<32x128xf32, #tpu.memory_space<vmem>>, vector<16xf32>,
          %parallel_loop3A_722 = arith.index_cast %parallel_loop3A_562 : i32 to index
          %parallel_loop3A_723 = arith.constant 80 : index
          %parallel_loop3A_724 = tpu.vector_load %arg33[%parallel_loop3A_722, %parallel_loop3A_723] {strides = array<i32>} : memref<32x128xf32, #tpu.memory_space<vmem>>, vector<16xf32>,
          %parallel_loop3A_725 = arith.mulf %parallel_loop3A_724, %parallel_loop3A_686 : vector<16xf32>
          %parallel_loop3A_726 = arith.index_cast %parallel_loop3A_562 : i32 to index
          %parallel_loop3A_727 = arith.constant 80 : index
          %parallel_loop3A_728 = tpu.vector_load %arg33[%parallel_loop3A_726, %parallel_loop3A_727] {strides = array<i32>} : memref<32x128xf32, #tpu.memory_space<vmem>>, vector<16xf32>,
          tpu.vector_store %arg33[%parallel_loop3A_726, %parallel_loop3A_727], %parallel_loop3A_725 {strides = array<i32>} : memref<32x128xf32, #tpu.memory_space<vmem>>, vector<16xf32>,
          %parallel_loop3A_729 = arith.index_cast %parallel_loop3A_562 : i32 to index
          %parallel_loop3A_730 = arith.constant 96 : index
          %parallel_loop3A_731 = tpu.vector_load %arg33[%parallel_loop3A_729, %parallel_loop3A_730] {strides = array<i32>} : memref<32x128xf32, #tpu.memory_space<vmem>>, vector<16xf32>,
          %parallel_loop3A_732 = arith.mulf %parallel_loop3A_731, %parallel_loop3A_686 : vector<16xf32>
          %parallel_loop3A_733 = arith.index_cast %parallel_loop3A_562 : i32 to index
          %parallel_loop3A_734 = arith.constant 96 : index
          %parallel_loop3A_735 = tpu.vector_load %arg33[%parallel_loop3A_733, %parallel_loop3A_734] {strides = array<i32>} : memref<32x128xf32, #tpu.memory_space<vmem>>, vector<16xf32>,
          tpu.vector_store %arg33[%parallel_loop3A_733, %parallel_loop3A_734], %parallel_loop3A_732 {strides = array<i32>} : memref<32x128xf32, #tpu.memory_space<vmem>>, vector<16xf32>,
          %parallel_loop3A_736 = arith.index_cast %parallel_loop3A_562 : i32 to index
          %parallel_loop3A_737 = arith.constant 112 : index
          %parallel_loop3A_738 = tpu.vector_load %arg33[%parallel_loop3A_736, %parallel_loop3A_737] {strides = array<i32>} : memref<32x128xf32, #tpu.memory_space<vmem>>, vector<16xf32>,
          %parallel_loop3A_739 = arith.mulf %parallel_loop3A_738, %parallel_loop3A_686 : vector<16xf32>
          %parallel_loop3A_740 = arith.index_cast %parallel_loop3A_562 : i32 to index
          %parallel_loop3A_741 = arith.constant 112 : index
          %parallel_loop3A_742 = tpu.vector_load %arg33[%parallel_loop3A_740, %parallel_loop3A_741] {strides = array<i32>} : memref<32x128xf32, #tpu.memory_space<vmem>>, vector<16xf32>,
          tpu.vector_store %arg33[%parallel_loop3A_740, %parallel_loop3A_741], %parallel_loop3A_739 {strides = array<i32>} : memref<32x128xf32, #tpu.memory_space<vmem>>, vector<16xf32>,
          %parallel_loop3A_743 = vector.extract_strided_slice %parallel_loop3A_565 {offsets = [3], sizes = [1], strides = [1]} : vector<16xf32> to vector<1xf32>
          %parallel_loop3A_744 = vector.extract %parallel_loop3A_743[0] : f32 from vector<1xf32>
          %parallel_loop3A_745 = vector.broadcast %parallel_loop3A_744 : f32 to vector<16xf32>
          %parallel_loop3A_746 = arith.index_cast %parallel_loop3A_562 : i32 to index
          %parallel_loop3A_747 = arith.constant 0 : index
          %parallel_loop3A_748 = tpu.vector_load %arg34[%parallel_loop3A_746, %parallel_loop3A_747] {strides = array<i32>} : memref<32x128xf32, #tpu.memory_space<vmem>>, vector<16xf32>,
          %parallel_loop3A_749 = arith.mulf %parallel_loop3A_748, %parallel_loop3A_745 : vector<16xf32>
          %parallel_loop3A_750 = arith.index_cast %parallel_loop3A_562 : i32 to index
          %parallel_loop3A_751 = arith.constant 0 : index
          %parallel_loop3A_752 = tpu.vector_load %arg34[%parallel_loop3A_750, %parallel_loop3A_751] {strides = array<i32>} : memref<32x128xf32, #tpu.memory_space<vmem>>, vector<16xf32>,
          tpu.vector_store %arg34[%parallel_loop3A_750, %parallel_loop3A_751], %parallel_loop3A_749 {strides = array<i32>} : memref<32x128xf32, #tpu.memory_space<vmem>>, vector<16xf32>,
          %parallel_loop3A_753 = arith.index_cast %parallel_loop3A_562 : i32 to index
          %parallel_loop3A_754 = arith.constant 16 : index
          %parallel_loop3A_755 = tpu.vector_load %arg34[%parallel_loop3A_753, %parallel_loop3A_754] {strides = array<i32>} : memref<32x128xf32, #tpu.memory_space<vmem>>, vector<16xf32>,
          %parallel_loop3A_756 = arith.mulf %parallel_loop3A_755, %parallel_loop3A_745 : vector<16xf32>
          %parallel_loop3A_757 = arith.index_cast %parallel_loop3A_562 : i32 to index
          %parallel_loop3A_758 = arith.constant 16 : index
          %parallel_loop3A_759 = tpu.vector_load %arg34[%parallel_loop3A_757, %parallel_loop3A_758] {strides = array<i32>} : memref<32x128xf32, #tpu.memory_space<vmem>>, vector<16xf32>,
          tpu.vector_store %arg34[%parallel_loop3A_757, %parallel_loop3A_758], %parallel_loop3A_756 {strides = array<i32>} : memref<32x128xf32, #tpu.memory_space<vmem>>, vector<16xf32>,
          %parallel_loop3A_760 = arith.index_cast %parallel_loop3A_562 : i32 to index
          %parallel_loop3A_761 = arith.constant 32 : index
          %parallel_loop3A_762 = tpu.vector_load %arg34[%parallel_loop3A_760, %parallel_loop3A_761] {strides = array<i32>} : memref<32x128xf32, #tpu.memory_space<vmem>>, vector<16xf32>,
          %parallel_loop3A_763 = arith.mulf %parallel_loop3A_762, %parallel_loop3A_745 : vector<16xf32>
          %parallel_loop3A_764 = arith.index_cast %parallel_loop3A_562 : i32 to index
          %parallel_loop3A_765 = arith.constant 32 : index
          %parallel_loop3A_766 = tpu.vector_load %arg34[%parallel_loop3A_764, %parallel_loop3A_765] {strides = array<i32>} : memref<32x128xf32, #tpu.memory_space<vmem>>, vector<16xf32>,
          tpu.vector_store %arg34[%parallel_loop3A_764, %parallel_loop3A_765], %parallel_loop3A_763 {strides = array<i32>} : memref<32x128xf32, #tpu.memory_space<vmem>>, vector<16xf32>,
          %parallel_loop3A_767 = arith.index_cast %parallel_loop3A_562 : i32 to index
          %parallel_loop3A_768 = arith.constant 48 : index
          %parallel_loop3A_769 = tpu.vector_load %arg34[%parallel_loop3A_767, %parallel_loop3A_768] {strides = array<i32>} : memref<32x128xf32, #tpu.memory_space<vmem>>, vector<16xf32>,
          %parallel_loop3A_770 = arith.mulf %parallel_loop3A_769, %parallel_loop3A_745 : vector<16xf32>
          %parallel_loop3A_771 = arith.index_cast %parallel_loop3A_562 : i32 to index
          %parallel_loop3A_772 = arith.constant 48 : index
          %parallel_loop3A_773 = tpu.vector_load %arg34[%parallel_loop3A_771, %parallel_loop3A_772] {strides = array<i32>} : memref<32x128xf32, #tpu.memory_space<vmem>>, vector<16xf32>,
          tpu.vector_store %arg34[%parallel_loop3A_771, %parallel_loop3A_772], %parallel_loop3A_770 {strides = array<i32>} : memref<32x128xf32, #tpu.memory_space<vmem>>, vector<16xf32>,
          %parallel_loop3A_774 = arith.index_cast %parallel_loop3A_562 : i32 to index
          %parallel_loop3A_775 = arith.constant 64 : index
          %parallel_loop3A_776 = tpu.vector_load %arg34[%parallel_loop3A_774, %parallel_loop3A_775] {strides = array<i32>} : memref<32x128xf32, #tpu.memory_space<vmem>>, vector<16xf32>,
          %parallel_loop3A_777 = arith.mulf %parallel_loop3A_776, %parallel_loop3A_745 : vector<16xf32>
          %parallel_loop3A_778 = arith.index_cast %parallel_loop3A_562 : i32 to index
          %parallel_loop3A_779 = arith.constant 64 : index
          %parallel_loop3A_780 = tpu.vector_load %arg34[%parallel_loop3A_778, %parallel_loop3A_779] {strides = array<i32>} : memref<32x128xf32, #tpu.memory_space<vmem>>, vector<16xf32>,
          tpu.vector_store %arg34[%parallel_loop3A_778, %parallel_loop3A_779], %parallel_loop3A_777 {strides = array<i32>} : memref<32x128xf32, #tpu.memory_space<vmem>>, vector<16xf32>,
          %parallel_loop3A_781 = arith.index_cast %parallel_loop3A_562 : i32 to index
          %parallel_loop3A_782 = arith.constant 80 : index
          %parallel_loop3A_783 = tpu.vector_load %arg34[%parallel_loop3A_781, %parallel_loop3A_782] {strides = array<i32>} : memref<32x128xf32, #tpu.memory_space<vmem>>, vector<16xf32>,
          %parallel_loop3A_784 = arith.mulf %parallel_loop3A_783, %parallel_loop3A_745 : vector<16xf32>
          %parallel_loop3A_785 = arith.index_cast %parallel_loop3A_562 : i32 to index
          %parallel_loop3A_786 = arith.constant 80 : index
          %parallel_loop3A_787 = tpu.vector_load %arg34[%parallel_loop3A_785, %parallel_loop3A_786] {strides = array<i32>} : memref<32x128xf32, #tpu.memory_space<vmem>>, vector<16xf32>,
          tpu.vector_store %arg34[%parallel_loop3A_785, %parallel_loop3A_786], %parallel_loop3A_784 {strides = array<i32>} : memref<32x128xf32, #tpu.memory_space<vmem>>, vector<16xf32>,
          %parallel_loop3A_788 = arith.index_cast %parallel_loop3A_562 : i32 to index
          %parallel_loop3A_789 = arith.constant 96 : index
          %parallel_loop3A_790 = tpu.vector_load %arg34[%parallel_loop3A_788, %parallel_loop3A_789] {strides = array<i32>} : memref<32x128xf32, #tpu.memory_space<vmem>>, vector<16xf32>,
          %parallel_loop3A_791 = arith.mulf %parallel_loop3A_790, %parallel_loop3A_745 : vector<16xf32>
          %parallel_loop3A_792 = arith.index_cast %parallel_loop3A_562 : i32 to index
          %parallel_loop3A_793 = arith.constant 96 : index
          %parallel_loop3A_794 = tpu.vector_load %arg34[%parallel_loop3A_792, %parallel_loop3A_793] {strides = array<i32>} : memref<32x128xf32, #tpu.memory_space<vmem>>, vector<16xf32>,
          tpu.vector_store %arg34[%parallel_loop3A_792, %parallel_loop3A_793], %parallel_loop3A_791 {strides = array<i32>} : memref<32x128xf32, #tpu.memory_space<vmem>>, vector<16xf32>,
          %parallel_loop3A_795 = arith.index_cast %parallel_loop3A_562 : i32 to index
          %parallel_loop3A_796 = arith.constant 112 : index
          %parallel_loop3A_797 = tpu.vector_load %arg34[%parallel_loop3A_795, %parallel_loop3A_796] {strides = array<i32>} : memref<32x128xf32, #tpu.memory_space<vmem>>, vector<16xf32>,
          %parallel_loop3A_798 = arith.mulf %parallel_loop3A_797, %parallel_loop3A_745 : vector<16xf32>
          %parallel_loop3A_799 = arith.index_cast %parallel_loop3A_562 : i32 to index
          %parallel_loop3A_800 = arith.constant 112 : index
          %parallel_loop3A_801 = tpu.vector_load %arg34[%parallel_loop3A_799, %parallel_loop3A_800] {strides = array<i32>} : memref<32x128xf32, #tpu.memory_space<vmem>>, vector<16xf32>,
          tpu.vector_store %arg34[%parallel_loop3A_799, %parallel_loop3A_800], %parallel_loop3A_798 {strides = array<i32>} : memref<32x128xf32, #tpu.memory_space<vmem>>, vector<16xf32>,
          %parallel_loop3A_802 = vector.extract_strided_slice %parallel_loop3A_565 {offsets = [4], sizes = [1], strides = [1]} : vector<16xf32> to vector<1xf32>
          %parallel_loop3A_803 = vector.extract %parallel_loop3A_802[0] : f32 from vector<1xf32>
          %parallel_loop3A_804 = vector.broadcast %parallel_loop3A_803 : f32 to vector<16xf32>
          %parallel_loop3A_805 = arith.index_cast %parallel_loop3A_562 : i32 to index
          %parallel_loop3A_806 = arith.constant 0 : index
          %parallel_loop3A_807 = tpu.vector_load %arg35[%parallel_loop3A_805, %parallel_loop3A_806] {strides = array<i32>} : memref<32x128xf32, #tpu.memory_space<vmem>>, vector<16xf32>,
          %parallel_loop3A_808 = arith.mulf %parallel_loop3A_807, %parallel_loop3A_804 : vector<16xf32>
          %parallel_loop3A_809 = arith.index_cast %parallel_loop3A_562 : i32 to index
          %parallel_loop3A_810 = arith.constant 0 : index
          %parallel_loop3A_811 = tpu.vector_load %arg35[%parallel_loop3A_809, %parallel_loop3A_810] {strides = array<i32>} : memref<32x128xf32, #tpu.memory_space<vmem>>, vector<16xf32>,
          tpu.vector_store %arg35[%parallel_loop3A_809, %parallel_loop3A_810], %parallel_loop3A_808 {strides = array<i32>} : memref<32x128xf32, #tpu.memory_space<vmem>>, vector<16xf32>,
          %parallel_loop3A_812 = arith.index_cast %parallel_loop3A_562 : i32 to index
          %parallel_loop3A_813 = arith.constant 16 : index
          %parallel_loop3A_814 = tpu.vector_load %arg35[%parallel_loop3A_812, %parallel_loop3A_813] {strides = array<i32>} : memref<32x128xf32, #tpu.memory_space<vmem>>, vector<16xf32>,
          %parallel_loop3A_815 = arith.mulf %parallel_loop3A_814, %parallel_loop3A_804 : vector<16xf32>
          %parallel_loop3A_816 = arith.index_cast %parallel_loop3A_562 : i32 to index
          %parallel_loop3A_817 = arith.constant 16 : index
          %parallel_loop3A_818 = tpu.vector_load %arg35[%parallel_loop3A_816, %parallel_loop3A_817] {strides = array<i32>} : memref<32x128xf32, #tpu.memory_space<vmem>>, vector<16xf32>,
          tpu.vector_store %arg35[%parallel_loop3A_816, %parallel_loop3A_817], %parallel_loop3A_815 {strides = array<i32>} : memref<32x128xf32, #tpu.memory_space<vmem>>, vector<16xf32>,
          %parallel_loop3A_819 = arith.index_cast %parallel_loop3A_562 : i32 to index
          %parallel_loop3A_820 = arith.constant 32 : index
          %parallel_loop3A_821 = tpu.vector_load %arg35[%parallel_loop3A_819, %parallel_loop3A_820] {strides = array<i32>} : memref<32x128xf32, #tpu.memory_space<vmem>>, vector<16xf32>,
          %parallel_loop3A_822 = arith.mulf %parallel_loop3A_821, %parallel_loop3A_804 : vector<16xf32>
          %parallel_loop3A_823 = arith.index_cast %parallel_loop3A_562 : i32 to index
          %parallel_loop3A_824 = arith.constant 32 : index
          %parallel_loop3A_825 = tpu.vector_load %arg35[%parallel_loop3A_823, %parallel_loop3A_824] {strides = array<i32>} : memref<32x128xf32, #tpu.memory_space<vmem>>, vector<16xf32>,
          tpu.vector_store %arg35[%parallel_loop3A_823, %parallel_loop3A_824], %parallel_loop3A_822 {strides = array<i32>} : memref<32x128xf32, #tpu.memory_space<vmem>>, vector<16xf32>,
          %parallel_loop3A_826 = arith.index_cast %parallel_loop3A_562 : i32 to index
          %parallel_loop3A_827 = arith.constant 48 : index
          %parallel_loop3A_828 = tpu.vector_load %arg35[%parallel_loop3A_826, %parallel_loop3A_827] {strides = array<i32>} : memref<32x128xf32, #tpu.memory_space<vmem>>, vector<16xf32>,
          %parallel_loop3A_829 = arith.mulf %parallel_loop3A_828, %parallel_loop3A_804 : vector<16xf32>
          %parallel_loop3A_830 = arith.index_cast %parallel_loop3A_562 : i32 to index
          %parallel_loop3A_831 = arith.constant 48 : index
          %parallel_loop3A_832 = tpu.vector_load %arg35[%parallel_loop3A_830, %parallel_loop3A_831] {strides = array<i32>} : memref<32x128xf32, #tpu.memory_space<vmem>>, vector<16xf32>,
          tpu.vector_store %arg35[%parallel_loop3A_830, %parallel_loop3A_831], %parallel_loop3A_829 {strides = array<i32>} : memref<32x128xf32, #tpu.memory_space<vmem>>, vector<16xf32>,
          %parallel_loop3A_833 = arith.index_cast %parallel_loop3A_562 : i32 to index
          %parallel_loop3A_834 = arith.constant 64 : index
          %parallel_loop3A_835 = tpu.vector_load %arg35[%parallel_loop3A_833, %parallel_loop3A_834] {strides = array<i32>} : memref<32x128xf32, #tpu.memory_space<vmem>>, vector<16xf32>,
          %parallel_loop3A_836 = arith.mulf %parallel_loop3A_835, %parallel_loop3A_804 : vector<16xf32>
          %parallel_loop3A_837 = arith.index_cast %parallel_loop3A_562 : i32 to index
          %parallel_loop3A_838 = arith.constant 64 : index
          %parallel_loop3A_839 = tpu.vector_load %arg35[%parallel_loop3A_837, %parallel_loop3A_838] {strides = array<i32>} : memref<32x128xf32, #tpu.memory_space<vmem>>, vector<16xf32>,
          tpu.vector_store %arg35[%parallel_loop3A_837, %parallel_loop3A_838], %parallel_loop3A_836 {strides = array<i32>} : memref<32x128xf32, #tpu.memory_space<vmem>>, vector<16xf32>,
          %parallel_loop3A_840 = arith.index_cast %parallel_loop3A_562 : i32 to index
          %parallel_loop3A_841 = arith.constant 80 : index
          %parallel_loop3A_842 = tpu.vector_load %arg35[%parallel_loop3A_840, %parallel_loop3A_841] {strides = array<i32>} : memref<32x128xf32, #tpu.memory_space<vmem>>, vector<16xf32>,
          %parallel_loop3A_843 = arith.mulf %parallel_loop3A_842, %parallel_loop3A_804 : vector<16xf32>
          %parallel_loop3A_844 = arith.index_cast %parallel_loop3A_562 : i32 to index
          %parallel_loop3A_845 = arith.constant 80 : index
          %parallel_loop3A_846 = tpu.vector_load %arg35[%parallel_loop3A_844, %parallel_loop3A_845] {strides = array<i32>} : memref<32x128xf32, #tpu.memory_space<vmem>>, vector<16xf32>,
          tpu.vector_store %arg35[%parallel_loop3A_844, %parallel_loop3A_845], %parallel_loop3A_843 {strides = array<i32>} : memref<32x128xf32, #tpu.memory_space<vmem>>, vector<16xf32>,
          %parallel_loop3A_847 = arith.index_cast %parallel_loop3A_562 : i32 to index
          %parallel_loop3A_848 = arith.constant 96 : index
          %parallel_loop3A_849 = tpu.vector_load %arg35[%parallel_loop3A_847, %parallel_loop3A_848] {strides = array<i32>} : memref<32x128xf32, #tpu.memory_space<vmem>>, vector<16xf32>,
          %parallel_loop3A_850 = arith.mulf %parallel_loop3A_849, %parallel_loop3A_804 : vector<16xf32>
          %parallel_loop3A_851 = arith.index_cast %parallel_loop3A_562 : i32 to index
          %parallel_loop3A_852 = arith.constant 96 : index
          %parallel_loop3A_853 = tpu.vector_load %arg35[%parallel_loop3A_851, %parallel_loop3A_852] {strides = array<i32>} : memref<32x128xf32, #tpu.memory_space<vmem>>, vector<16xf32>,
          tpu.vector_store %arg35[%parallel_loop3A_851, %parallel_loop3A_852], %parallel_loop3A_850 {strides = array<i32>} : memref<32x128xf32, #tpu.memory_space<vmem>>, vector<16xf32>,
          %parallel_loop3A_854 = arith.index_cast %parallel_loop3A_562 : i32 to index
          %parallel_loop3A_855 = arith.constant 112 : index
          %parallel_loop3A_856 = tpu.vector_load %arg35[%parallel_loop3A_854, %parallel_loop3A_855] {strides = array<i32>} : memref<32x128xf32, #tpu.memory_space<vmem>>, vector<16xf32>,
          %parallel_loop3A_857 = arith.mulf %parallel_loop3A_856, %parallel_loop3A_804 : vector<16xf32>
          %parallel_loop3A_858 = arith.index_cast %parallel_loop3A_562 : i32 to index
          %parallel_loop3A_859 = arith.constant 112 : index
          %parallel_loop3A_860 = tpu.vector_load %arg35[%parallel_loop3A_858, %parallel_loop3A_859] {strides = array<i32>} : memref<32x128xf32, #tpu.memory_space<vmem>>, vector<16xf32>,
          tpu.vector_store %arg35[%parallel_loop3A_858, %parallel_loop3A_859], %parallel_loop3A_857 {strides = array<i32>} : memref<32x128xf32, #tpu.memory_space<vmem>>, vector<16xf32>,
          %parallel_loop3A_861 = vector.extract_strided_slice %parallel_loop3A_565 {offsets = [5], sizes = [1], strides = [1]} : vector<16xf32> to vector<1xf32>
          %parallel_loop3A_862 = vector.extract %parallel_loop3A_861[0] : f32 from vector<1xf32>
          %parallel_loop3A_863 = vector.broadcast %parallel_loop3A_862 : f32 to vector<16xf32>
          %parallel_loop3A_864 = arith.index_cast %parallel_loop3A_562 : i32 to index
          %parallel_loop3A_865 = arith.constant 0 : index
          %parallel_loop3A_866 = tpu.vector_load %arg36[%parallel_loop3A_864, %parallel_loop3A_865] {strides = array<i32>} : memref<32x128xf32, #tpu.memory_space<vmem>>, vector<16xf32>,
          %parallel_loop3A_867 = arith.mulf %parallel_loop3A_866, %parallel_loop3A_863 : vector<16xf32>
          %parallel_loop3A_868 = arith.index_cast %parallel_loop3A_562 : i32 to index
          %parallel_loop3A_869 = arith.constant 0 : index
          %parallel_loop3A_870 = tpu.vector_load %arg36[%parallel_loop3A_868, %parallel_loop3A_869] {strides = array<i32>} : memref<32x128xf32, #tpu.memory_space<vmem>>, vector<16xf32>,
          tpu.vector_store %arg36[%parallel_loop3A_868, %parallel_loop3A_869], %parallel_loop3A_867 {strides = array<i32>} : memref<32x128xf32, #tpu.memory_space<vmem>>, vector<16xf32>,
          %parallel_loop3A_871 = arith.index_cast %parallel_loop3A_562 : i32 to index
          %parallel_loop3A_872 = arith.constant 16 : index
          %parallel_loop3A_873 = tpu.vector_load %arg36[%parallel_loop3A_871, %parallel_loop3A_872] {strides = array<i32>} : memref<32x128xf32, #tpu.memory_space<vmem>>, vector<16xf32>,
          %parallel_loop3A_874 = arith.mulf %parallel_loop3A_873, %parallel_loop3A_863 : vector<16xf32>
          %parallel_loop3A_875 = arith.index_cast %parallel_loop3A_562 : i32 to index
          %parallel_loop3A_876 = arith.constant 16 : index
          %parallel_loop3A_877 = tpu.vector_load %arg36[%parallel_loop3A_875, %parallel_loop3A_876] {strides = array<i32>} : memref<32x128xf32, #tpu.memory_space<vmem>>, vector<16xf32>,
          tpu.vector_store %arg36[%parallel_loop3A_875, %parallel_loop3A_876], %parallel_loop3A_874 {strides = array<i32>} : memref<32x128xf32, #tpu.memory_space<vmem>>, vector<16xf32>,
          %parallel_loop3A_878 = arith.index_cast %parallel_loop3A_562 : i32 to index
          %parallel_loop3A_879 = arith.constant 32 : index
          %parallel_loop3A_880 = tpu.vector_load %arg36[%parallel_loop3A_878, %parallel_loop3A_879] {strides = array<i32>} : memref<32x128xf32, #tpu.memory_space<vmem>>, vector<16xf32>,
          %parallel_loop3A_881 = arith.mulf %parallel_loop3A_880, %parallel_loop3A_863 : vector<16xf32>
          %parallel_loop3A_882 = arith.index_cast %parallel_loop3A_562 : i32 to index
          %parallel_loop3A_883 = arith.constant 32 : index
          %parallel_loop3A_884 = tpu.vector_load %arg36[%parallel_loop3A_882, %parallel_loop3A_883] {strides = array<i32>} : memref<32x128xf32, #tpu.memory_space<vmem>>, vector<16xf32>,
          tpu.vector_store %arg36[%parallel_loop3A_882, %parallel_loop3A_883], %parallel_loop3A_881 {strides = array<i32>} : memref<32x128xf32, #tpu.memory_space<vmem>>, vector<16xf32>,
          %parallel_loop3A_885 = arith.index_cast %parallel_loop3A_562 : i32 to index
          %parallel_loop3A_886 = arith.constant 48 : index
          %parallel_loop3A_887 = tpu.vector_load %arg36[%parallel_loop3A_885, %parallel_loop3A_886] {strides = array<i32>} : memref<32x128xf32, #tpu.memory_space<vmem>>, vector<16xf32>,
          %parallel_loop3A_888 = arith.mulf %parallel_loop3A_887, %parallel_loop3A_863 : vector<16xf32>
          %parallel_loop3A_889 = arith.index_cast %parallel_loop3A_562 : i32 to index
          %parallel_loop3A_890 = arith.constant 48 : index
          %parallel_loop3A_891 = tpu.vector_load %arg36[%parallel_loop3A_889, %parallel_loop3A_890] {strides = array<i32>} : memref<32x128xf32, #tpu.memory_space<vmem>>, vector<16xf32>,
          tpu.vector_store %arg36[%parallel_loop3A_889, %parallel_loop3A_890], %parallel_loop3A_888 {strides = array<i32>} : memref<32x128xf32, #tpu.memory_space<vmem>>, vector<16xf32>,
          %parallel_loop3A_892 = arith.index_cast %parallel_loop3A_562 : i32 to index
          %parallel_loop3A_893 = arith.constant 64 : index
          %parallel_loop3A_894 = tpu.vector_load %arg36[%parallel_loop3A_892, %parallel_loop3A_893] {strides = array<i32>} : memref<32x128xf32, #tpu.memory_space<vmem>>, vector<16xf32>,
          %parallel_loop3A_895 = arith.mulf %parallel_loop3A_894, %parallel_loop3A_863 : vector<16xf32>
          %parallel_loop3A_896 = arith.index_cast %parallel_loop3A_562 : i32 to index
          %parallel_loop3A_897 = arith.constant 64 : index
          %parallel_loop3A_898 = tpu.vector_load %arg36[%parallel_loop3A_896, %parallel_loop3A_897] {strides = array<i32>} : memref<32x128xf32, #tpu.memory_space<vmem>>, vector<16xf32>,
          tpu.vector_store %arg36[%parallel_loop3A_896, %parallel_loop3A_897], %parallel_loop3A_895 {strides = array<i32>} : memref<32x128xf32, #tpu.memory_space<vmem>>, vector<16xf32>,
          %parallel_loop3A_899 = arith.index_cast %parallel_loop3A_562 : i32 to index
          %parallel_loop3A_900 = arith.constant 80 : index
          %parallel_loop3A_901 = tpu.vector_load %arg36[%parallel_loop3A_899, %parallel_loop3A_900] {strides = array<i32>} : memref<32x128xf32, #tpu.memory_space<vmem>>, vector<16xf32>,
          %parallel_loop3A_902 = arith.mulf %parallel_loop3A_901, %parallel_loop3A_863 : vector<16xf32>
          %parallel_loop3A_903 = arith.index_cast %parallel_loop3A_562 : i32 to index
          %parallel_loop3A_904 = arith.constant 80 : index
          %parallel_loop3A_905 = tpu.vector_load %arg36[%parallel_loop3A_903, %parallel_loop3A_904] {strides = array<i32>} : memref<32x128xf32, #tpu.memory_space<vmem>>, vector<16xf32>,
          tpu.vector_store %arg36[%parallel_loop3A_903, %parallel_loop3A_904], %parallel_loop3A_902 {strides = array<i32>} : memref<32x128xf32, #tpu.memory_space<vmem>>, vector<16xf32>,
          %parallel_loop3A_906 = arith.index_cast %parallel_loop3A_562 : i32 to index
          %parallel_loop3A_907 = arith.constant 96 : index
          %parallel_loop3A_908 = tpu.vector_load %arg36[%parallel_loop3A_906, %parallel_loop3A_907] {strides = array<i32>} : memref<32x128xf32, #tpu.memory_space<vmem>>, vector<16xf32>,
          %parallel_loop3A_909 = arith.mulf %parallel_loop3A_908, %parallel_loop3A_863 : vector<16xf32>
          %parallel_loop3A_910 = arith.index_cast %parallel_loop3A_562 : i32 to index
          %parallel_loop3A_911 = arith.constant 96 : index
          %parallel_loop3A_912 = tpu.vector_load %arg36[%parallel_loop3A_910, %parallel_loop3A_911] {strides = array<i32>} : memref<32x128xf32, #tpu.memory_space<vmem>>, vector<16xf32>,
          tpu.vector_store %arg36[%parallel_loop3A_910, %parallel_loop3A_911], %parallel_loop3A_909 {strides = array<i32>} : memref<32x128xf32, #tpu.memory_space<vmem>>, vector<16xf32>,
          %parallel_loop3A_913 = arith.index_cast %parallel_loop3A_562 : i32 to index
          %parallel_loop3A_914 = arith.constant 112 : index
          %parallel_loop3A_915 = tpu.vector_load %arg36[%parallel_loop3A_913, %parallel_loop3A_914] {strides = array<i32>} : memref<32x128xf32, #tpu.memory_space<vmem>>, vector<16xf32>,
          %parallel_loop3A_916 = arith.mulf %parallel_loop3A_915, %parallel_loop3A_863 : vector<16xf32>
          %parallel_loop3A_917 = arith.index_cast %parallel_loop3A_562 : i32 to index
          %parallel_loop3A_918 = arith.constant 112 : index
          %parallel_loop3A_919 = tpu.vector_load %arg36[%parallel_loop3A_917, %parallel_loop3A_918] {strides = array<i32>} : memref<32x128xf32, #tpu.memory_space<vmem>>, vector<16xf32>,
          tpu.vector_store %arg36[%parallel_loop3A_917, %parallel_loop3A_918], %parallel_loop3A_916 {strides = array<i32>} : memref<32x128xf32, #tpu.memory_space<vmem>>, vector<16xf32>,
          %parallel_loop3A_920 = vector.extract_strided_slice %parallel_loop3A_565 {offsets = [6], sizes = [1], strides = [1]} : vector<16xf32> to vector<1xf32>
          %parallel_loop3A_921 = vector.extract %parallel_loop3A_920[0] : f32 from vector<1xf32>
          %parallel_loop3A_922 = vector.broadcast %parallel_loop3A_921 : f32 to vector<16xf32>
          %parallel_loop3A_923 = arith.index_cast %parallel_loop3A_562 : i32 to index
          %parallel_loop3A_924 = arith.constant 0 : index
          %parallel_loop3A_925 = tpu.vector_load %arg37[%parallel_loop3A_923, %parallel_loop3A_924] {strides = array<i32>} : memref<32x128xf32, #tpu.memory_space<vmem>>, vector<16xf32>,
          %parallel_loop3A_926 = arith.mulf %parallel_loop3A_925, %parallel_loop3A_922 : vector<16xf32>
          %parallel_loop3A_927 = arith.index_cast %parallel_loop3A_562 : i32 to index
          %parallel_loop3A_928 = arith.constant 0 : index
          %parallel_loop3A_929 = tpu.vector_load %arg37[%parallel_loop3A_927, %parallel_loop3A_928] {strides = array<i32>} : memref<32x128xf32, #tpu.memory_space<vmem>>, vector<16xf32>,
          tpu.vector_store %arg37[%parallel_loop3A_927, %parallel_loop3A_928], %parallel_loop3A_926 {strides = array<i32>} : memref<32x128xf32, #tpu.memory_space<vmem>>, vector<16xf32>,
          %parallel_loop3A_930 = arith.index_cast %parallel_loop3A_562 : i32 to index
          %parallel_loop3A_931 = arith.constant 16 : index
          %parallel_loop3A_932 = tpu.vector_load %arg37[%parallel_loop3A_930, %parallel_loop3A_931] {strides = array<i32>} : memref<32x128xf32, #tpu.memory_space<vmem>>, vector<16xf32>,
          %parallel_loop3A_933 = arith.mulf %parallel_loop3A_932, %parallel_loop3A_922 : vector<16xf32>
          %parallel_loop3A_934 = arith.index_cast %parallel_loop3A_562 : i32 to index
          %parallel_loop3A_935 = arith.constant 16 : index
          %parallel_loop3A_936 = tpu.vector_load %arg37[%parallel_loop3A_934, %parallel_loop3A_935] {strides = array<i32>} : memref<32x128xf32, #tpu.memory_space<vmem>>, vector<16xf32>,
          tpu.vector_store %arg37[%parallel_loop3A_934, %parallel_loop3A_935], %parallel_loop3A_933 {strides = array<i32>} : memref<32x128xf32, #tpu.memory_space<vmem>>, vector<16xf32>,
          %parallel_loop3A_937 = arith.index_cast %parallel_loop3A_562 : i32 to index
          %parallel_loop3A_938 = arith.constant 32 : index
          %parallel_loop3A_939 = tpu.vector_load %arg37[%parallel_loop3A_937, %parallel_loop3A_938] {strides = array<i32>} : memref<32x128xf32, #tpu.memory_space<vmem>>, vector<16xf32>,
          %parallel_loop3A_940 = arith.mulf %parallel_loop3A_939, %parallel_loop3A_922 : vector<16xf32>
          %parallel_loop3A_941 = arith.index_cast %parallel_loop3A_562 : i32 to index
          %parallel_loop3A_942 = arith.constant 32 : index
          %parallel_loop3A_943 = tpu.vector_load %arg37[%parallel_loop3A_941, %parallel_loop3A_942] {strides = array<i32>} : memref<32x128xf32, #tpu.memory_space<vmem>>, vector<16xf32>,
          tpu.vector_store %arg37[%parallel_loop3A_941, %parallel_loop3A_942], %parallel_loop3A_940 {strides = array<i32>} : memref<32x128xf32, #tpu.memory_space<vmem>>, vector<16xf32>,
          %parallel_loop3A_944 = arith.index_cast %parallel_loop3A_562 : i32 to index
          %parallel_loop3A_945 = arith.constant 48 : index
          %parallel_loop3A_946 = tpu.vector_load %arg37[%parallel_loop3A_944, %parallel_loop3A_945] {strides = array<i32>} : memref<32x128xf32, #tpu.memory_space<vmem>>, vector<16xf32>,
          %parallel_loop3A_947 = arith.mulf %parallel_loop3A_946, %parallel_loop3A_922 : vector<16xf32>
          %parallel_loop3A_948 = arith.index_cast %parallel_loop3A_562 : i32 to index
          %parallel_loop3A_949 = arith.constant 48 : index
          %parallel_loop3A_950 = tpu.vector_load %arg37[%parallel_loop3A_948, %parallel_loop3A_949] {strides = array<i32>} : memref<32x128xf32, #tpu.memory_space<vmem>>, vector<16xf32>,
          tpu.vector_store %arg37[%parallel_loop3A_948, %parallel_loop3A_949], %parallel_loop3A_947 {strides = array<i32>} : memref<32x128xf32, #tpu.memory_space<vmem>>, vector<16xf32>,
          %parallel_loop3A_951 = arith.index_cast %parallel_loop3A_562 : i32 to index
          %parallel_loop3A_952 = arith.constant 64 : index
          %parallel_loop3A_953 = tpu.vector_load %arg37[%parallel_loop3A_951, %parallel_loop3A_952] {strides = array<i32>} : memref<32x128xf32, #tpu.memory_space<vmem>>, vector<16xf32>,
          %parallel_loop3A_954 = arith.mulf %parallel_loop3A_953, %parallel_loop3A_922 : vector<16xf32>
          %parallel_loop3A_955 = arith.index_cast %parallel_loop3A_562 : i32 to index
          %parallel_loop3A_956 = arith.constant 64 : index
          %parallel_loop3A_957 = tpu.vector_load %arg37[%parallel_loop3A_955, %parallel_loop3A_956] {strides = array<i32>} : memref<32x128xf32, #tpu.memory_space<vmem>>, vector<16xf32>,
          tpu.vector_store %arg37[%parallel_loop3A_955, %parallel_loop3A_956], %parallel_loop3A_954 {strides = array<i32>} : memref<32x128xf32, #tpu.memory_space<vmem>>, vector<16xf32>,
          %parallel_loop3A_958 = arith.index_cast %parallel_loop3A_562 : i32 to index
          %parallel_loop3A_959 = arith.constant 80 : index
          %parallel_loop3A_960 = tpu.vector_load %arg37[%parallel_loop3A_958, %parallel_loop3A_959] {strides = array<i32>} : memref<32x128xf32, #tpu.memory_space<vmem>>, vector<16xf32>,
          %parallel_loop3A_961 = arith.mulf %parallel_loop3A_960, %parallel_loop3A_922 : vector<16xf32>
          %parallel_loop3A_962 = arith.index_cast %parallel_loop3A_562 : i32 to index
          %parallel_loop3A_963 = arith.constant 80 : index
          %parallel_loop3A_964 = tpu.vector_load %arg37[%parallel_loop3A_962, %parallel_loop3A_963] {strides = array<i32>} : memref<32x128xf32, #tpu.memory_space<vmem>>, vector<16xf32>,
          tpu.vector_store %arg37[%parallel_loop3A_962, %parallel_loop3A_963], %parallel_loop3A_961 {strides = array<i32>} : memref<32x128xf32, #tpu.memory_space<vmem>>, vector<16xf32>,
          %parallel_loop3A_965 = arith.index_cast %parallel_loop3A_562 : i32 to index
          %parallel_loop3A_966 = arith.constant 96 : index
          %parallel_loop3A_967 = tpu.vector_load %arg37[%parallel_loop3A_965, %parallel_loop3A_966] {strides = array<i32>} : memref<32x128xf32, #tpu.memory_space<vmem>>, vector<16xf32>,
          %parallel_loop3A_968 = arith.mulf %parallel_loop3A_967, %parallel_loop3A_922 : vector<16xf32>
          %parallel_loop3A_969 = arith.index_cast %parallel_loop3A_562 : i32 to index
          %parallel_loop3A_970 = arith.constant 96 : index
          %parallel_loop3A_971 = tpu.vector_load %arg37[%parallel_loop3A_969, %parallel_loop3A_970] {strides = array<i32>} : memref<32x128xf32, #tpu.memory_space<vmem>>, vector<16xf32>,
          tpu.vector_store %arg37[%parallel_loop3A_969, %parallel_loop3A_970], %parallel_loop3A_968 {strides = array<i32>} : memref<32x128xf32, #tpu.memory_space<vmem>>, vector<16xf32>,
          %parallel_loop3A_972 = arith.index_cast %parallel_loop3A_562 : i32 to index
          %parallel_loop3A_973 = arith.constant 112 : index
          %parallel_loop3A_974 = tpu.vector_load %arg37[%parallel_loop3A_972, %parallel_loop3A_973] {strides = array<i32>} : memref<32x128xf32, #tpu.memory_space<vmem>>, vector<16xf32>,
          %parallel_loop3A_975 = arith.mulf %parallel_loop3A_974, %parallel_loop3A_922 : vector<16xf32>
          %parallel_loop3A_976 = arith.index_cast %parallel_loop3A_562 : i32 to index
          %parallel_loop3A_977 = arith.constant 112 : index
          %parallel_loop3A_978 = tpu.vector_load %arg37[%parallel_loop3A_976, %parallel_loop3A_977] {strides = array<i32>} : memref<32x128xf32, #tpu.memory_space<vmem>>, vector<16xf32>,
          tpu.vector_store %arg37[%parallel_loop3A_976, %parallel_loop3A_977], %parallel_loop3A_975 {strides = array<i32>} : memref<32x128xf32, #tpu.memory_space<vmem>>, vector<16xf32>,
          %parallel_loop3A_979 = vector.extract_strided_slice %parallel_loop3A_565 {offsets = [7], sizes = [1], strides = [1]} : vector<16xf32> to vector<1xf32>
          %parallel_loop3A_980 = vector.extract %parallel_loop3A_979[0] : f32 from vector<1xf32>
          %parallel_loop3A_981 = vector.broadcast %parallel_loop3A_980 : f32 to vector<16xf32>
          %parallel_loop3A_982 = arith.index_cast %parallel_loop3A_562 : i32 to index
          %parallel_loop3A_983 = arith.constant 0 : index
          %parallel_loop3A_984 = tpu.vector_load %arg38[%parallel_loop3A_982, %parallel_loop3A_983] {strides = array<i32>} : memref<32x128xf32, #tpu.memory_space<vmem>>, vector<16xf32>,
          %parallel_loop3A_985 = arith.mulf %parallel_loop3A_984, %parallel_loop3A_981 : vector<16xf32>
          %parallel_loop3A_986 = arith.index_cast %parallel_loop3A_562 : i32 to index
          %parallel_loop3A_987 = arith.constant 0 : index
          %parallel_loop3A_988 = tpu.vector_load %arg38[%parallel_loop3A_986, %parallel_loop3A_987] {strides = array<i32>} : memref<32x128xf32, #tpu.memory_space<vmem>>, vector<16xf32>,
          tpu.vector_store %arg38[%parallel_loop3A_986, %parallel_loop3A_987], %parallel_loop3A_985 {strides = array<i32>} : memref<32x128xf32, #tpu.memory_space<vmem>>, vector<16xf32>,
          %parallel_loop3A_989 = arith.index_cast %parallel_loop3A_562 : i32 to index
          %parallel_loop3A_990 = arith.constant 16 : index
          %parallel_loop3A_991 = tpu.vector_load %arg38[%parallel_loop3A_989, %parallel_loop3A_990] {strides = array<i32>} : memref<32x128xf32, #tpu.memory_space<vmem>>, vector<16xf32>,
          %parallel_loop3A_992 = arith.mulf %parallel_loop3A_991, %parallel_loop3A_981 : vector<16xf32>
          %parallel_loop3A_993 = arith.index_cast %parallel_loop3A_562 : i32 to index
          %parallel_loop3A_994 = arith.constant 16 : index
          %parallel_loop3A_995 = tpu.vector_load %arg38[%parallel_loop3A_993, %parallel_loop3A_994] {strides = array<i32>} : memref<32x128xf32, #tpu.memory_space<vmem>>, vector<16xf32>,
          tpu.vector_store %arg38[%parallel_loop3A_993, %parallel_loop3A_994], %parallel_loop3A_992 {strides = array<i32>} : memref<32x128xf32, #tpu.memory_space<vmem>>, vector<16xf32>,
          %parallel_loop3A_996 = arith.index_cast %parallel_loop3A_562 : i32 to index
          %parallel_loop3A_997 = arith.constant 32 : index
          %parallel_loop3A_998 = tpu.vector_load %arg38[%parallel_loop3A_996, %parallel_loop3A_997] {strides = array<i32>} : memref<32x128xf32, #tpu.memory_space<vmem>>, vector<16xf32>,
          %parallel_loop3A_999 = arith.mulf %parallel_loop3A_998, %parallel_loop3A_981 : vector<16xf32>
          %parallel_loop3A_1000 = arith.index_cast %parallel_loop3A_562 : i32 to index
          %parallel_loop3A_1001 = arith.constant 32 : index
          %parallel_loop3A_1002 = tpu.vector_load %arg38[%parallel_loop3A_1000, %parallel_loop3A_1001] {strides = array<i32>} : memref<32x128xf32, #tpu.memory_space<vmem>>, vector<16xf32>,
          tpu.vector_store %arg38[%parallel_loop3A_1000, %parallel_loop3A_1001], %parallel_loop3A_999 {strides = array<i32>} : memref<32x128xf32, #tpu.memory_space<vmem>>, vector<16xf32>,
          %parallel_loop3A_1003 = arith.index_cast %parallel_loop3A_562 : i32 to index
          %parallel_loop3A_1004 = arith.constant 48 : index
          %parallel_loop3A_1005 = tpu.vector_load %arg38[%parallel_loop3A_1003, %parallel_loop3A_1004] {strides = array<i32>} : memref<32x128xf32, #tpu.memory_space<vmem>>, vector<16xf32>,
          %parallel_loop3A_1006 = arith.mulf %parallel_loop3A_1005, %parallel_loop3A_981 : vector<16xf32>
          %parallel_loop3A_1007 = arith.index_cast %parallel_loop3A_562 : i32 to index
          %parallel_loop3A_1008 = arith.constant 48 : index
          %parallel_loop3A_1009 = tpu.vector_load %arg38[%parallel_loop3A_1007, %parallel_loop3A_1008] {strides = array<i32>} : memref<32x128xf32, #tpu.memory_space<vmem>>, vector<16xf32>,
          tpu.vector_store %arg38[%parallel_loop3A_1007, %parallel_loop3A_1008], %parallel_loop3A_1006 {strides = array<i32>} : memref<32x128xf32, #tpu.memory_space<vmem>>, vector<16xf32>,
          %parallel_loop3A_1010 = arith.index_cast %parallel_loop3A_562 : i32 to index
          %parallel_loop3A_1011 = arith.constant 64 : index
          %parallel_loop3A_1012 = tpu.vector_load %arg38[%parallel_loop3A_1010, %parallel_loop3A_1011] {strides = array<i32>} : memref<32x128xf32, #tpu.memory_space<vmem>>, vector<16xf32>,
          %parallel_loop3A_1013 = arith.mulf %parallel_loop3A_1012, %parallel_loop3A_981 : vector<16xf32>
          %parallel_loop3A_1014 = arith.index_cast %parallel_loop3A_562 : i32 to index
          %parallel_loop3A_1015 = arith.constant 64 : index
          %parallel_loop3A_1016 = tpu.vector_load %arg38[%parallel_loop3A_1014, %parallel_loop3A_1015] {strides = array<i32>} : memref<32x128xf32, #tpu.memory_space<vmem>>, vector<16xf32>,
          tpu.vector_store %arg38[%parallel_loop3A_1014, %parallel_loop3A_1015], %parallel_loop3A_1013 {strides = array<i32>} : memref<32x128xf32, #tpu.memory_space<vmem>>, vector<16xf32>,
          %parallel_loop3A_1017 = arith.index_cast %parallel_loop3A_562 : i32 to index
          %parallel_loop3A_1018 = arith.constant 80 : index
          %parallel_loop3A_1019 = tpu.vector_load %arg38[%parallel_loop3A_1017, %parallel_loop3A_1018] {strides = array<i32>} : memref<32x128xf32, #tpu.memory_space<vmem>>, vector<16xf32>,
          %parallel_loop3A_1020 = arith.mulf %parallel_loop3A_1019, %parallel_loop3A_981 : vector<16xf32>
          %parallel_loop3A_1021 = arith.index_cast %parallel_loop3A_562 : i32 to index
          %parallel_loop3A_1022 = arith.constant 80 : index
          %parallel_loop3A_1023 = tpu.vector_load %arg38[%parallel_loop3A_1021, %parallel_loop3A_1022] {strides = array<i32>} : memref<32x128xf32, #tpu.memory_space<vmem>>, vector<16xf32>,
          tpu.vector_store %arg38[%parallel_loop3A_1021, %parallel_loop3A_1022], %parallel_loop3A_1020 {strides = array<i32>} : memref<32x128xf32, #tpu.memory_space<vmem>>, vector<16xf32>,
          %parallel_loop3A_1024 = arith.index_cast %parallel_loop3A_562 : i32 to index
          %parallel_loop3A_1025 = arith.constant 96 : index
          %parallel_loop3A_1026 = tpu.vector_load %arg38[%parallel_loop3A_1024, %parallel_loop3A_1025] {strides = array<i32>} : memref<32x128xf32, #tpu.memory_space<vmem>>, vector<16xf32>,
          %parallel_loop3A_1027 = arith.mulf %parallel_loop3A_1026, %parallel_loop3A_981 : vector<16xf32>
          %parallel_loop3A_1028 = arith.index_cast %parallel_loop3A_562 : i32 to index
          %parallel_loop3A_1029 = arith.constant 96 : index
          %parallel_loop3A_1030 = tpu.vector_load %arg38[%parallel_loop3A_1028, %parallel_loop3A_1029] {strides = array<i32>} : memref<32x128xf32, #tpu.memory_space<vmem>>, vector<16xf32>,
          tpu.vector_store %arg38[%parallel_loop3A_1028, %parallel_loop3A_1029], %parallel_loop3A_1027 {strides = array<i32>} : memref<32x128xf32, #tpu.memory_space<vmem>>, vector<16xf32>,
          %parallel_loop3A_1031 = arith.index_cast %parallel_loop3A_562 : i32 to index
          %parallel_loop3A_1032 = arith.constant 112 : index
          %parallel_loop3A_1033 = tpu.vector_load %arg38[%parallel_loop3A_1031, %parallel_loop3A_1032] {strides = array<i32>} : memref<32x128xf32, #tpu.memory_space<vmem>>, vector<16xf32>,
          %parallel_loop3A_1034 = arith.mulf %parallel_loop3A_1033, %parallel_loop3A_981 : vector<16xf32>
          %parallel_loop3A_1035 = arith.index_cast %parallel_loop3A_562 : i32 to index
          %parallel_loop3A_1036 = arith.constant 112 : index
          %parallel_loop3A_1037 = tpu.vector_load %arg38[%parallel_loop3A_1035, %parallel_loop3A_1036] {strides = array<i32>} : memref<32x128xf32, #tpu.memory_space<vmem>>, vector<16xf32>,
          tpu.vector_store %arg38[%parallel_loop3A_1035, %parallel_loop3A_1036], %parallel_loop3A_1034 {strides = array<i32>} : memref<32x128xf32, #tpu.memory_space<vmem>>, vector<16xf32>,
        } {sc.loop_unroll_factor = 4 : i64, sc.parallel_access}
        %dma_start3A_507 = arith.constant 0 : i32
        %dma_start3A_508 = arith.constant 0 : i32
        %dma_start3A_509 = tpu.memref_slice %arg40[%dma_start3A_507, %dma_start3A_508] : memref<128x128xf32, #tpu.memory_space<vmem_shared>> -> memref<128x128xf32, #tpu.memory_space<vmem_shared>>
        tpu.enqueue_indirect_dma source(%arg31 : memref<32x128xf32, #tpu.memory_space<vmem>>) target(%dma_start3A_509 : memref<128x128xf32, #tpu.memory_space<vmem_shared>>) offsets(%arg29 : memref<32xi32, #tpu.memory_space<vmem>>) semaphore(%arg51 : memref<!tpu.dma_semaphore, #tpu.memory_space<semaphore_mem>>) {add = true}
        %dma_start3A_510 = arith.constant 0 : i32
        %dma_start3A_511 = arith.constant 0 : i32
        %dma_start3A_512 = tpu.memref_slice %arg41[%dma_start3A_510, %dma_start3A_511] : memref<128x128xf32, #tpu.memory_space<vmem_shared>> -> memref<128x128xf32, #tpu.memory_space<vmem_shared>>
        tpu.enqueue_indirect_dma source(%arg32 : memref<32x128xf32, #tpu.memory_space<vmem>>) target(%dma_start3A_512 : memref<128x128xf32, #tpu.memory_space<vmem_shared>>) offsets(%arg29 : memref<32xi32, #tpu.memory_space<vmem>>) semaphore(%arg51 : memref<!tpu.dma_semaphore, #tpu.memory_space<semaphore_mem>>) {add = true}
        %dma_start3A_513 = arith.constant 0 : i32
        %dma_start3A_514 = arith.constant 0 : i32
        %dma_start3A_515 = tpu.memref_slice %arg42[%dma_start3A_513, %dma_start3A_514] : memref<128x128xf32, #tpu.memory_space<vmem_shared>> -> memref<128x128xf32, #tpu.memory_space<vmem_shared>>
        tpu.enqueue_indirect_dma source(%arg33 : memref<32x128xf32, #tpu.memory_space<vmem>>) target(%dma_start3A_515 : memref<128x128xf32, #tpu.memory_space<vmem_shared>>) offsets(%arg29 : memref<32xi32, #tpu.memory_space<vmem>>) semaphore(%arg51 : memref<!tpu.dma_semaphore, #tpu.memory_space<semaphore_mem>>) {add = true}
        %dma_start3A_516 = arith.constant 0 : i32
        %dma_start3A_517 = arith.constant 0 : i32
        %dma_start3A_518 = tpu.memref_slice %arg43[%dma_start3A_516, %dma_start3A_517] : memref<128x128xf32, #tpu.memory_space<vmem_shared>> -> memref<128x128xf32, #tpu.memory_space<vmem_shared>>
        tpu.enqueue_indirect_dma source(%arg34 : memref<32x128xf32, #tpu.memory_space<vmem>>) target(%dma_start3A_518 : memref<128x128xf32, #tpu.memory_space<vmem_shared>>) offsets(%arg29 : memref<32xi32, #tpu.memory_space<vmem>>) semaphore(%arg51 : memref<!tpu.dma_semaphore, #tpu.memory_space<semaphore_mem>>) {add = true}
        %dma_start3A_519 = arith.constant 0 : i32
        %dma_start3A_520 = arith.constant 0 : i32
        %dma_start3A_521 = tpu.memref_slice %arg44[%dma_start3A_519, %dma_start3A_520] : memref<128x128xf32, #tpu.memory_space<vmem_shared>> -> memref<128x128xf32, #tpu.memory_space<vmem_shared>>
        tpu.enqueue_indirect_dma source(%arg35 : memref<32x128xf32, #tpu.memory_space<vmem>>) target(%dma_start3A_521 : memref<128x128xf32, #tpu.memory_space<vmem_shared>>) offsets(%arg29 : memref<32xi32, #tpu.memory_space<vmem>>) semaphore(%arg51 : memref<!tpu.dma_semaphore, #tpu.memory_space<semaphore_mem>>) {add = true}
        %dma_start3A_522 = arith.constant 0 : i32
        %dma_start3A_523 = arith.constant 0 : i32
        %dma_start3A_524 = tpu.memref_slice %arg45[%dma_start3A_522, %dma_start3A_523] : memref<128x128xf32, #tpu.memory_space<vmem_shared>> -> memref<128x128xf32, #tpu.memory_space<vmem_shared>>
        tpu.enqueue_indirect_dma source(%arg36 : memref<32x128xf32, #tpu.memory_space<vmem>>) target(%dma_start3A_524 : memref<128x128xf32, #tpu.memory_space<vmem_shared>>) offsets(%arg29 : memref<32xi32, #tpu.memory_space<vmem>>) semaphore(%arg51 : memref<!tpu.dma_semaphore, #tpu.memory_space<semaphore_mem>>) {add = true}
        %dma_start3A_525 = arith.constant 0 : i32
        %dma_start3A_526 = arith.constant 0 : i32
        %dma_start3A_527 = tpu.memref_slice %arg46[%dma_start3A_525, %dma_start3A_526] : memref<128x128xf32, #tpu.memory_space<vmem_shared>> -> memref<128x128xf32, #tpu.memory_space<vmem_shared>>
        tpu.enqueue_indirect_dma source(%arg37 : memref<32x128xf32, #tpu.memory_space<vmem>>) target(%dma_start3A_527 : memref<128x128xf32, #tpu.memory_space<vmem_shared>>) offsets(%arg29 : memref<32xi32, #tpu.memory_space<vmem>>) semaphore(%arg51 : memref<!tpu.dma_semaphore, #tpu.memory_space<semaphore_mem>>) {add = true}
        %dma_start3A_528 = arith.constant 0 : i32
        %dma_start3A_529 = arith.constant 0 : i32
        %dma_start3A_530 = tpu.memref_slice %arg47[%dma_start3A_528, %dma_start3A_529] : memref<128x128xf32, #tpu.memory_space<vmem_shared>> -> memref<128x128xf32, #tpu.memory_space<vmem_shared>>
        tpu.enqueue_indirect_dma source(%arg38 : memref<32x128xf32, #tpu.memory_space<vmem>>) target(%dma_start3A_530 : memref<128x128xf32, #tpu.memory_space<vmem_shared>>) offsets(%arg29 : memref<32xi32, #tpu.memory_space<vmem>>) semaphore(%arg51 : memref<!tpu.dma_semaphore, #tpu.memory_space<semaphore_mem>>) {add = true}
        %dma_start3A_531 = arith.constant 0 : i32
        %dma_start3A_532 = arith.constant 0 : i32
        %dma_start3A_533 = tpu.memref_slice %arg48[%dma_start3A_531, %dma_start3A_532] : memref<128x128xf32, #tpu.memory_space<vmem_shared>> -> memref<128x128xf32, #tpu.memory_space<vmem_shared>>
        tpu.enqueue_indirect_dma source(%arg39 : memref<32x128xf32, #tpu.memory_space<vmem>>) target(%dma_start3A_533 : memref<128x128xf32, #tpu.memory_space<vmem_shared>>) offsets(%arg29 : memref<32xi32, #tpu.memory_space<vmem>>) semaphore(%arg51 : memref<!tpu.dma_semaphore, #tpu.memory_space<semaphore_mem>>) {add = true}
        %dma_wait3A_534 = arith.constant 0 : i32
        %dma_wait3A_535 = arith.constant 0 : i32
        %dma_wait3A_536 = tpu.memref_slice %arg40[%dma_wait3A_534, %dma_wait3A_535] : memref<128x128xf32, #tpu.memory_space<vmem_shared>> -> memref<128x128xf32, #tpu.memory_space<vmem_shared>>
        tpu.wait_indirect_dma semaphore(%arg51 : memref<!tpu.dma_semaphore, #tpu.memory_space<semaphore_mem>>) src(%arg31 : memref<32x128xf32, #tpu.memory_space<vmem>>) dst(%dma_wait3A_536 : memref<128x128xf32, #tpu.memory_space<vmem_shared>>)
        %dma_wait3A_537 = arith.constant 0 : i32
        %dma_wait3A_538 = arith.constant 0 : i32
        %dma_wait3A_539 = tpu.memref_slice %arg41[%dma_wait3A_537, %dma_wait3A_538] : memref<128x128xf32, #tpu.memory_space<vmem_shared>> -> memref<128x128xf32, #tpu.memory_space<vmem_shared>>
        tpu.wait_indirect_dma semaphore(%arg51 : memref<!tpu.dma_semaphore, #tpu.memory_space<semaphore_mem>>) src(%arg32 : memref<32x128xf32, #tpu.memory_space<vmem>>) dst(%dma_wait3A_539 : memref<128x128xf32, #tpu.memory_space<vmem_shared>>)
        %dma_wait3A_540 = arith.constant 0 : i32
        %dma_wait3A_541 = arith.constant 0 : i32
        %dma_wait3A_542 = tpu.memref_slice %arg42[%dma_wait3A_540, %dma_wait3A_541] : memref<128x128xf32, #tpu.memory_space<vmem_shared>> -> memref<128x128xf32, #tpu.memory_space<vmem_shared>>
        tpu.wait_indirect_dma semaphore(%arg51 : memref<!tpu.dma_semaphore, #tpu.memory_space<semaphore_mem>>) src(%arg33 : memref<32x128xf32, #tpu.memory_space<vmem>>) dst(%dma_wait3A_542 : memref<128x128xf32, #tpu.memory_space<vmem_shared>>)
        %dma_wait3A_543 = arith.constant 0 : i32
        %dma_wait3A_544 = arith.constant 0 : i32
        %dma_wait3A_545 = tpu.memref_slice %arg43[%dma_wait3A_543, %dma_wait3A_544] : memref<128x128xf32, #tpu.memory_space<vmem_shared>> -> memref<128x128xf32, #tpu.memory_space<vmem_shared>>
        tpu.wait_indirect_dma semaphore(%arg51 : memref<!tpu.dma_semaphore, #tpu.memory_space<semaphore_mem>>) src(%arg34 : memref<32x128xf32, #tpu.memory_space<vmem>>) dst(%dma_wait3A_545 : memref<128x128xf32, #tpu.memory_space<vmem_shared>>)
        %dma_wait3A_546 = arith.constant 0 : i32
        %dma_wait3A_547 = arith.constant 0 : i32
        %dma_wait3A_548 = tpu.memref_slice %arg44[%dma_wait3A_546, %dma_wait3A_547] : memref<128x128xf32, #tpu.memory_space<vmem_shared>> -> memref<128x128xf32, #tpu.memory_space<vmem_shared>>
        tpu.wait_indirect_dma semaphore(%arg51 : memref<!tpu.dma_semaphore, #tpu.memory_space<semaphore_mem>>) src(%arg35 : memref<32x128xf32, #tpu.memory_space<vmem>>) dst(%dma_wait3A_548 : memref<128x128xf32, #tpu.memory_space<vmem_shared>>)
        %dma_wait3A_549 = arith.constant 0 : i32
        %dma_wait3A_550 = arith.constant 0 : i32
        %dma_wait3A_551 = tpu.memref_slice %arg45[%dma_wait3A_549, %dma_wait3A_550] : memref<128x128xf32, #tpu.memory_space<vmem_shared>> -> memref<128x128xf32, #tpu.memory_space<vmem_shared>>
        tpu.wait_indirect_dma semaphore(%arg51 : memref<!tpu.dma_semaphore, #tpu.memory_space<semaphore_mem>>) src(%arg36 : memref<32x128xf32, #tpu.memory_space<vmem>>) dst(%dma_wait3A_551 : memref<128x128xf32, #tpu.memory_space<vmem_shared>>)
        %dma_wait3A_552 = arith.constant 0 : i32
        %dma_wait3A_553 = arith.constant 0 : i32
        %dma_wait3A_554 = tpu.memref_slice %arg46[%dma_wait3A_552, %dma_wait3A_553] : memref<128x128xf32, #tpu.memory_space<vmem_shared>> -> memref<128x128xf32, #tpu.memory_space<vmem_shared>>
        tpu.wait_indirect_dma semaphore(%arg51 : memref<!tpu.dma_semaphore, #tpu.memory_space<semaphore_mem>>) src(%arg37 : memref<32x128xf32, #tpu.memory_space<vmem>>) dst(%dma_wait3A_554 : memref<128x128xf32, #tpu.memory_space<vmem_shared>>)
        %dma_wait3A_555 = arith.constant 0 : i32
        %dma_wait3A_556 = arith.constant 0 : i32
        %dma_wait3A_557 = tpu.memref_slice %arg47[%dma_wait3A_555, %dma_wait3A_556] : memref<128x128xf32, #tpu.memory_space<vmem_shared>> -> memref<128x128xf32, #tpu.memory_space<vmem_shared>>
        tpu.wait_indirect_dma semaphore(%arg51 : memref<!tpu.dma_semaphore, #tpu.memory_space<semaphore_mem>>) src(%arg38 : memref<32x128xf32, #tpu.memory_space<vmem>>) dst(%dma_wait3A_557 : memref<128x128xf32, #tpu.memory_space<vmem_shared>>)
        %dma_wait3A_558 = arith.constant 0 : i32
        %dma_wait3A_559 = arith.constant 0 : i32
        %dma_wait3A_560 = tpu.memref_slice %arg48[%dma_wait3A_558, %dma_wait3A_559] : memref<128x128xf32, #tpu.memory_space<vmem_shared>> -> memref<128x128xf32, #tpu.memory_space<vmem_shared>>
        tpu.wait_indirect_dma semaphore(%arg51 : memref<!tpu.dma_semaphore, #tpu.memory_space<semaphore_mem>>) src(%arg39 : memref<32x128xf32, #tpu.memory_space<vmem>>) dst(%dma_wait3A_560 : memref<128x128xf32, #tpu.memory_space<vmem_shared>>)
        %while3A_561 = arith.constant 0 : i32
        scf.yield %while3A_561 : i32
      }
      %barrier3A_66 = arith.constant 0 : index
      tpu.barrier barrier_id(%barrier3A_66)
      %add3A_67 = arith.addi %mul3A_14, %mul3A_2 : i32
      "tpu.region"() ({
        %run_scoped3A = tpu.sem_alloc : memref<!tpu.dma_semaphore, #tpu.memory_space<semaphore_mem>>
        %dma_start3A = arith.constant 0 : i32
        %dma_start3A_77 = tpu.memref_slice %arg15[%add3A_67, %dma_start3A] : memref<10240x128xf32, #tpu.memory_space<hbm>> -> memref<8x128xf32, #tpu.memory_space<hbm>>
        %dma_start3A_78 = arith.constant 0 : i32
        %dma_start3A_79 = tpu.memref_slice %arg40[%mul3A_2, %dma_start3A_78] : memref<128x128xf32, #tpu.memory_space<vmem_shared>> -> memref<8x128xf32, #tpu.memory_space<vmem_shared>>
        tpu.enqueue_dma source(%dma_start3A_79 : memref<8x128xf32, #tpu.memory_space<vmem_shared>>) target(%dma_start3A_77 : memref<8x128xf32, #tpu.memory_space<hbm>>) target_semaphore(%run_scoped3A : memref<!tpu.dma_semaphore, #tpu.memory_space<semaphore_mem>>)
        %dma_wait3A = arith.constant 0 : i32
        %dma_wait3A_80 = tpu.memref_slice %arg15[%add3A_67, %dma_wait3A] : memref<10240x128xf32, #tpu.memory_space<hbm>> -> memref<8x128xf32, #tpu.memory_space<hbm>>
        %dma_wait3A_81 = arith.constant 0 : i32
        %dma_wait3A_82 = tpu.memref_slice %arg40[%mul3A_2, %dma_wait3A_81] : memref<128x128xf32, #tpu.memory_space<vmem_shared>> -> memref<8x128xf32, #tpu.memory_space<vmem_shared>>
        tpu.wait_dma2 semaphore(%run_scoped3A : memref<!tpu.dma_semaphore, #tpu.memory_space<semaphore_mem>>) src(%dma_wait3A_82 : memref<8x128xf32, #tpu.memory_space<vmem_shared>>) dst(%dma_wait3A_80 : memref<8x128xf32, #tpu.memory_space<hbm>>)
        tpu.yield
      }) : () -> ()
      %add3A_68 = arith.addi %mul3A_14, %mul3A_2 : i32
      "tpu.region"() ({
        %run_scoped3A = tpu.sem_alloc : memref<!tpu.dma_semaphore, #tpu.memory_space<semaphore_mem>>
        %dma_start3A = arith.constant 0 : i32
        %dma_start3A_77 = tpu.memref_slice %arg16[%add3A_68, %dma_start3A] : memref<10240x128xf32, #tpu.memory_space<hbm>> -> memref<8x128xf32, #tpu.memory_space<hbm>>
        %dma_start3A_78 = arith.constant 0 : i32
        %dma_start3A_79 = tpu.memref_slice %arg41[%mul3A_2, %dma_start3A_78] : memref<128x128xf32, #tpu.memory_space<vmem_shared>> -> memref<8x128xf32, #tpu.memory_space<vmem_shared>>
        tpu.enqueue_dma source(%dma_start3A_79 : memref<8x128xf32, #tpu.memory_space<vmem_shared>>) target(%dma_start3A_77 : memref<8x128xf32, #tpu.memory_space<hbm>>) target_semaphore(%run_scoped3A : memref<!tpu.dma_semaphore, #tpu.memory_space<semaphore_mem>>)
        %dma_wait3A = arith.constant 0 : i32
        %dma_wait3A_80 = tpu.memref_slice %arg16[%add3A_68, %dma_wait3A] : memref<10240x128xf32, #tpu.memory_space<hbm>> -> memref<8x128xf32, #tpu.memory_space<hbm>>
        %dma_wait3A_81 = arith.constant 0 : i32
        %dma_wait3A_82 = tpu.memref_slice %arg41[%mul3A_2, %dma_wait3A_81] : memref<128x128xf32, #tpu.memory_space<vmem_shared>> -> memref<8x128xf32, #tpu.memory_space<vmem_shared>>
        tpu.wait_dma2 semaphore(%run_scoped3A : memref<!tpu.dma_semaphore, #tpu.memory_space<semaphore_mem>>) src(%dma_wait3A_82 : memref<8x128xf32, #tpu.memory_space<vmem_shared>>) dst(%dma_wait3A_80 : memref<8x128xf32, #tpu.memory_space<hbm>>)
        tpu.yield
      }) : () -> ()
      %add3A_69 = arith.addi %mul3A_14, %mul3A_2 : i32
      "tpu.region"() ({
        %run_scoped3A = tpu.sem_alloc : memref<!tpu.dma_semaphore, #tpu.memory_space<semaphore_mem>>
        %dma_start3A = arith.constant 0 : i32
        %dma_start3A_77 = tpu.memref_slice %arg17[%add3A_69, %dma_start3A] : memref<10240x128xf32, #tpu.memory_space<hbm>> -> memref<8x128xf32, #tpu.memory_space<hbm>>
        %dma_start3A_78 = arith.constant 0 : i32
        %dma_start3A_79 = tpu.memref_slice %arg42[%mul3A_2, %dma_start3A_78] : memref<128x128xf32, #tpu.memory_space<vmem_shared>> -> memref<8x128xf32, #tpu.memory_space<vmem_shared>>
        tpu.enqueue_dma source(%dma_start3A_79 : memref<8x128xf32, #tpu.memory_space<vmem_shared>>) target(%dma_start3A_77 : memref<8x128xf32, #tpu.memory_space<hbm>>) target_semaphore(%run_scoped3A : memref<!tpu.dma_semaphore, #tpu.memory_space<semaphore_mem>>)
        %dma_wait3A = arith.constant 0 : i32
        %dma_wait3A_80 = tpu.memref_slice %arg17[%add3A_69, %dma_wait3A] : memref<10240x128xf32, #tpu.memory_space<hbm>> -> memref<8x128xf32, #tpu.memory_space<hbm>>
        %dma_wait3A_81 = arith.constant 0 : i32
        %dma_wait3A_82 = tpu.memref_slice %arg42[%mul3A_2, %dma_wait3A_81] : memref<128x128xf32, #tpu.memory_space<vmem_shared>> -> memref<8x128xf32, #tpu.memory_space<vmem_shared>>
        tpu.wait_dma2 semaphore(%run_scoped3A : memref<!tpu.dma_semaphore, #tpu.memory_space<semaphore_mem>>) src(%dma_wait3A_82 : memref<8x128xf32, #tpu.memory_space<vmem_shared>>) dst(%dma_wait3A_80 : memref<8x128xf32, #tpu.memory_space<hbm>>)
        tpu.yield
      }) : () -> ()
      %add3A_70 = arith.addi %mul3A_14, %mul3A_2 : i32
      "tpu.region"() ({
        %run_scoped3A = tpu.sem_alloc : memref<!tpu.dma_semaphore, #tpu.memory_space<semaphore_mem>>
        %dma_start3A = arith.constant 0 : i32
        %dma_start3A_77 = tpu.memref_slice %arg18[%add3A_70, %dma_start3A] : memref<10240x128xf32, #tpu.memory_space<hbm>> -> memref<8x128xf32, #tpu.memory_space<hbm>>
        %dma_start3A_78 = arith.constant 0 : i32
        %dma_start3A_79 = tpu.memref_slice %arg43[%mul3A_2, %dma_start3A_78] : memref<128x128xf32, #tpu.memory_space<vmem_shared>> -> memref<8x128xf32, #tpu.memory_space<vmem_shared>>
        tpu.enqueue_dma source(%dma_start3A_79 : memref<8x128xf32, #tpu.memory_space<vmem_shared>>) target(%dma_start3A_77 : memref<8x128xf32, #tpu.memory_space<hbm>>) target_semaphore(%run_scoped3A : memref<!tpu.dma_semaphore, #tpu.memory_space<semaphore_mem>>)
        %dma_wait3A = arith.constant 0 : i32
        %dma_wait3A_80 = tpu.memref_slice %arg18[%add3A_70, %dma_wait3A] : memref<10240x128xf32, #tpu.memory_space<hbm>> -> memref<8x128xf32, #tpu.memory_space<hbm>>
        %dma_wait3A_81 = arith.constant 0 : i32
        %dma_wait3A_82 = tpu.memref_slice %arg43[%mul3A_2, %dma_wait3A_81] : memref<128x128xf32, #tpu.memory_space<vmem_shared>> -> memref<8x128xf32, #tpu.memory_space<vmem_shared>>
        tpu.wait_dma2 semaphore(%run_scoped3A : memref<!tpu.dma_semaphore, #tpu.memory_space<semaphore_mem>>) src(%dma_wait3A_82 : memref<8x128xf32, #tpu.memory_space<vmem_shared>>) dst(%dma_wait3A_80 : memref<8x128xf32, #tpu.memory_space<hbm>>)
        tpu.yield
      }) : () -> ()
      %add3A_71 = arith.addi %mul3A_14, %mul3A_2 : i32
      "tpu.region"() ({
        %run_scoped3A = tpu.sem_alloc : memref<!tpu.dma_semaphore, #tpu.memory_space<semaphore_mem>>
        %dma_start3A = arith.constant 0 : i32
        %dma_start3A_77 = tpu.memref_slice %arg19[%add3A_71, %dma_start3A] : memref<10240x128xf32, #tpu.memory_space<hbm>> -> memref<8x128xf32, #tpu.memory_space<hbm>>
        %dma_start3A_78 = arith.constant 0 : i32
        %dma_start3A_79 = tpu.memref_slice %arg44[%mul3A_2, %dma_start3A_78] : memref<128x128xf32, #tpu.memory_space<vmem_shared>> -> memref<8x128xf32, #tpu.memory_space<vmem_shared>>
        tpu.enqueue_dma source(%dma_start3A_79 : memref<8x128xf32, #tpu.memory_space<vmem_shared>>) target(%dma_start3A_77 : memref<8x128xf32, #tpu.memory_space<hbm>>) target_semaphore(%run_scoped3A : memref<!tpu.dma_semaphore, #tpu.memory_space<semaphore_mem>>)
        %dma_wait3A = arith.constant 0 : i32
        %dma_wait3A_80 = tpu.memref_slice %arg19[%add3A_71, %dma_wait3A] : memref<10240x128xf32, #tpu.memory_space<hbm>> -> memref<8x128xf32, #tpu.memory_space<hbm>>
        %dma_wait3A_81 = arith.constant 0 : i32
        %dma_wait3A_82 = tpu.memref_slice %arg44[%mul3A_2, %dma_wait3A_81] : memref<128x128xf32, #tpu.memory_space<vmem_shared>> -> memref<8x128xf32, #tpu.memory_space<vmem_shared>>
        tpu.wait_dma2 semaphore(%run_scoped3A : memref<!tpu.dma_semaphore, #tpu.memory_space<semaphore_mem>>) src(%dma_wait3A_82 : memref<8x128xf32, #tpu.memory_space<vmem_shared>>) dst(%dma_wait3A_80 : memref<8x128xf32, #tpu.memory_space<hbm>>)
        tpu.yield
      }) : () -> ()
      %add3A_72 = arith.addi %mul3A_14, %mul3A_2 : i32
      "tpu.region"() ({
        %run_scoped3A = tpu.sem_alloc : memref<!tpu.dma_semaphore, #tpu.memory_space<semaphore_mem>>
        %dma_start3A = arith.constant 0 : i32
        %dma_start3A_77 = tpu.memref_slice %arg20[%add3A_72, %dma_start3A] : memref<10240x128xf32, #tpu.memory_space<hbm>> -> memref<8x128xf32, #tpu.memory_space<hbm>>
        %dma_start3A_78 = arith.constant 0 : i32
        %dma_start3A_79 = tpu.memref_slice %arg45[%mul3A_2, %dma_start3A_78] : memref<128x128xf32, #tpu.memory_space<vmem_shared>> -> memref<8x128xf32, #tpu.memory_space<vmem_shared>>
        tpu.enqueue_dma source(%dma_start3A_79 : memref<8x128xf32, #tpu.memory_space<vmem_shared>>) target(%dma_start3A_77 : memref<8x128xf32, #tpu.memory_space<hbm>>) target_semaphore(%run_scoped3A : memref<!tpu.dma_semaphore, #tpu.memory_space<semaphore_mem>>)
        %dma_wait3A = arith.constant 0 : i32
        %dma_wait3A_80 = tpu.memref_slice %arg20[%add3A_72, %dma_wait3A] : memref<10240x128xf32, #tpu.memory_space<hbm>> -> memref<8x128xf32, #tpu.memory_space<hbm>>
        %dma_wait3A_81 = arith.constant 0 : i32
        %dma_wait3A_82 = tpu.memref_slice %arg45[%mul3A_2, %dma_wait3A_81] : memref<128x128xf32, #tpu.memory_space<vmem_shared>> -> memref<8x128xf32, #tpu.memory_space<vmem_shared>>
        tpu.wait_dma2 semaphore(%run_scoped3A : memref<!tpu.dma_semaphore, #tpu.memory_space<semaphore_mem>>) src(%dma_wait3A_82 : memref<8x128xf32, #tpu.memory_space<vmem_shared>>) dst(%dma_wait3A_80 : memref<8x128xf32, #tpu.memory_space<hbm>>)
        tpu.yield
      }) : () -> ()
      %add3A_73 = arith.addi %mul3A_14, %mul3A_2 : i32
      "tpu.region"() ({
        %run_scoped3A = tpu.sem_alloc : memref<!tpu.dma_semaphore, #tpu.memory_space<semaphore_mem>>
        %dma_start3A = arith.constant 0 : i32
        %dma_start3A_77 = tpu.memref_slice %arg21[%add3A_73, %dma_start3A] : memref<10240x128xf32, #tpu.memory_space<hbm>> -> memref<8x128xf32, #tpu.memory_space<hbm>>
        %dma_start3A_78 = arith.constant 0 : i32
        %dma_start3A_79 = tpu.memref_slice %arg46[%mul3A_2, %dma_start3A_78] : memref<128x128xf32, #tpu.memory_space<vmem_shared>> -> memref<8x128xf32, #tpu.memory_space<vmem_shared>>
        tpu.enqueue_dma source(%dma_start3A_79 : memref<8x128xf32, #tpu.memory_space<vmem_shared>>) target(%dma_start3A_77 : memref<8x128xf32, #tpu.memory_space<hbm>>) target_semaphore(%run_scoped3A : memref<!tpu.dma_semaphore, #tpu.memory_space<semaphore_mem>>)
        %dma_wait3A = arith.constant 0 : i32
        %dma_wait3A_80 = tpu.memref_slice %arg21[%add3A_73, %dma_wait3A] : memref<10240x128xf32, #tpu.memory_space<hbm>> -> memref<8x128xf32, #tpu.memory_space<hbm>>
        %dma_wait3A_81 = arith.constant 0 : i32
        %dma_wait3A_82 = tpu.memref_slice %arg46[%mul3A_2, %dma_wait3A_81] : memref<128x128xf32, #tpu.memory_space<vmem_shared>> -> memref<8x128xf32, #tpu.memory_space<vmem_shared>>
        tpu.wait_dma2 semaphore(%run_scoped3A : memref<!tpu.dma_semaphore, #tpu.memory_space<semaphore_mem>>) src(%dma_wait3A_82 : memref<8x128xf32, #tpu.memory_space<vmem_shared>>) dst(%dma_wait3A_80 : memref<8x128xf32, #tpu.memory_space<hbm>>)
        tpu.yield
      }) : () -> ()
      %add3A_74 = arith.addi %mul3A_14, %mul3A_2 : i32
      "tpu.region"() ({
        %run_scoped3A = tpu.sem_alloc : memref<!tpu.dma_semaphore, #tpu.memory_space<semaphore_mem>>
        %dma_start3A = arith.constant 0 : i32
        %dma_start3A_77 = tpu.memref_slice %arg22[%add3A_74, %dma_start3A] : memref<10240x128xf32, #tpu.memory_space<hbm>> -> memref<8x128xf32, #tpu.memory_space<hbm>>
        %dma_start3A_78 = arith.constant 0 : i32
        %dma_start3A_79 = tpu.memref_slice %arg47[%mul3A_2, %dma_start3A_78] : memref<128x128xf32, #tpu.memory_space<vmem_shared>> -> memref<8x128xf32, #tpu.memory_space<vmem_shared>>
        tpu.enqueue_dma source(%dma_start3A_79 : memref<8x128xf32, #tpu.memory_space<vmem_shared>>) target(%dma_start3A_77 : memref<8x128xf32, #tpu.memory_space<hbm>>) target_semaphore(%run_scoped3A : memref<!tpu.dma_semaphore, #tpu.memory_space<semaphore_mem>>)
        %dma_wait3A = arith.constant 0 : i32
        %dma_wait3A_80 = tpu.memref_slice %arg22[%add3A_74, %dma_wait3A] : memref<10240x128xf32, #tpu.memory_space<hbm>> -> memref<8x128xf32, #tpu.memory_space<hbm>>
        %dma_wait3A_81 = arith.constant 0 : i32
        %dma_wait3A_82 = tpu.memref_slice %arg47[%mul3A_2, %dma_wait3A_81] : memref<128x128xf32, #tpu.memory_space<vmem_shared>> -> memref<8x128xf32, #tpu.memory_space<vmem_shared>>
        tpu.wait_dma2 semaphore(%run_scoped3A : memref<!tpu.dma_semaphore, #tpu.memory_space<semaphore_mem>>) src(%dma_wait3A_82 : memref<8x128xf32, #tpu.memory_space<vmem_shared>>) dst(%dma_wait3A_80 : memref<8x128xf32, #tpu.memory_space<hbm>>)
        tpu.yield
      }) : () -> ()
      %add3A_75 = arith.addi %mul3A_14, %mul3A_2 : i32
      "tpu.region"() ({
        %run_scoped3A = tpu.sem_alloc : memref<!tpu.dma_semaphore, #tpu.memory_space<semaphore_mem>>
        %dma_start3A = arith.constant 0 : i32
        %dma_start3A_77 = tpu.memref_slice %arg23[%add3A_75, %dma_start3A] : memref<10240x128xf32, #tpu.memory_space<hbm>> -> memref<8x128xf32, #tpu.memory_space<hbm>>
        %dma_start3A_78 = arith.constant 0 : i32
        %dma_start3A_79 = tpu.memref_slice %arg48[%mul3A_2, %dma_start3A_78] : memref<128x128xf32, #tpu.memory_space<vmem_shared>> -> memref<8x128xf32, #tpu.memory_space<vmem_shared>>
        tpu.enqueue_dma source(%dma_start3A_79 : memref<8x128xf32, #tpu.memory_space<vmem_shared>>) target(%dma_start3A_77 : memref<8x128xf32, #tpu.memory_space<hbm>>) target_semaphore(%run_scoped3A : memref<!tpu.dma_semaphore, #tpu.memory_space<semaphore_mem>>)
        %dma_wait3A = arith.constant 0 : i32
        %dma_wait3A_80 = tpu.memref_slice %arg23[%add3A_75, %dma_wait3A] : memref<10240x128xf32, #tpu.memory_space<hbm>> -> memref<8x128xf32, #tpu.memory_space<hbm>>
        %dma_wait3A_81 = arith.constant 0 : i32
        %dma_wait3A_82 = tpu.memref_slice %arg48[%mul3A_2, %dma_wait3A_81] : memref<128x128xf32, #tpu.memory_space<vmem_shared>> -> memref<8x128xf32, #tpu.memory_space<vmem_shared>>
        tpu.wait_dma2 semaphore(%run_scoped3A : memref<!tpu.dma_semaphore, #tpu.memory_space<semaphore_mem>>) src(%dma_wait3A_82 : memref<8x128xf32, #tpu.memory_space<vmem_shared>>) dst(%dma_wait3A_80 : memref<8x128xf32, #tpu.memory_space<hbm>>)
        tpu.yield
      }) : () -> ()
      %scan3A_76 = arith.constant 0 : i32
      scf.yield %scan3A_76 : i32
    }
    %scan3A_8 = arith.constant 40 : i32
    return
  }
}

#map = affine_map<(d0, d1) -> (0)>
#map1 = affine_map<(d0, d1) -> (0, 0)>
module attributes {stable_mosaic.version = 14 : i64} {
  func.func @sc_pass(%arg0: i32, %arg1: i32, %arg2: memref<160000xi32, #tpu.memory_space<hbm>>, %arg3: memref<160000xi32, #tpu.memory_space<hbm>>, %arg4: memref<10240x128xf32, #tpu.memory_space<hbm>>, %arg5: memref<512x128xf32, #tpu.memory_space<hbm>>, %arg6: memref<10240x128xf32, #tpu.memory_space<hbm>>, %arg7: memref<10240x128xf32, #tpu.memory_space<hbm>>, %arg8: memref<10240x128xf32, #tpu.memory_space<hbm>>, %arg9: memref<10240x128xf32, #tpu.memory_space<hbm>>, %arg10: memref<10240x128xf32, #tpu.memory_space<hbm>>, %arg11: memref<10240x128xf32, #tpu.memory_space<hbm>>, %arg12: memref<10000xi32, #tpu.memory_space<vmem>>, %arg13: memref<10000xi32, #tpu.memory_space<vmem>>, %arg14: memref<10064xi32, #tpu.memory_space<vmem>>, %arg15: memref<32xi32, #tpu.memory_space<vmem>>, %arg16: memref<32xi32, #tpu.memory_space<vmem>>, %arg17: memref<32xi32, #tpu.memory_space<vmem>>, %arg18: memref<32x128xf32, #tpu.memory_space<vmem>>, %arg19: memref<32x128xf32, #tpu.memory_space<vmem>>, %arg20: memref<32x128xf32, #tpu.memory_space<vmem>>, %arg21: memref<32x128xf32, #tpu.memory_space<vmem>>, %arg22: memref<512x128xf32, #tpu.memory_space<vmem_shared>>, %arg23: memref<512x128xf32, #tpu.memory_space<vmem_shared>>, %arg24: memref<512x128xf32, #tpu.memory_space<vmem_shared>>, %arg25: memref<!tpu.dma_semaphore, #tpu.memory_space<semaphore_mem>>, %arg26: memref<!tpu.dma_semaphore, #tpu.memory_space<semaphore_mem>>, %arg27: memref<!tpu.dma_semaphore, #tpu.memory_space<semaphore_mem>>) attributes {dimension_semantics = [#tpu.dimension_semantics<core_parallel>, #tpu.dimension_semantics<subcore_parallel>], iteration_bounds = array<i64: 2, 16>, scalar_prefetch = 0 : i64, scratch_operands = 16 : i64, tpu.core_type = #tpu.core_type<sc_vector_subcore>, window_params = [{transform_indices = #map}, {transform_indices = #map}, {transform_indices = #map1}, {transform_indices = #map1}, {transform_indices = #map1}, {transform_indices = #map1}, {transform_indices = #map1}, {transform_indices = #map1}, {transform_indices = #map1}, {transform_indices = #map1}]} {
    %mul3A = arith.constant 10000 : i32
    %mul3A_0 = arith.muli %arg1, %mul3A : i32
    "tpu.region"() ({
      %run_scoped3A = tpu.sem_alloc : memref<!tpu.dma_semaphore, #tpu.memory_space<semaphore_mem>>
      %dma_start3A = tpu.memref_slice %arg2[%mul3A_0] : memref<160000xi32, #tpu.memory_space<hbm>> -> memref<10000xi32, #tpu.memory_space<hbm>>
      %dma_start3A_9 = tpu.memref_slice %arg2[%mul3A_0] : memref<160000xi32, #tpu.memory_space<hbm>> -> memref<10000xi32, #tpu.memory_space<hbm>>
      tpu.enqueue_dma source(%dma_start3A_9 : memref<10000xi32, #tpu.memory_space<hbm>>) target(%arg12 : memref<10000xi32, #tpu.memory_space<vmem>>) target_semaphore(%run_scoped3A : memref<!tpu.dma_semaphore, #tpu.memory_space<semaphore_mem>>)
      %dma_wait3A = tpu.memref_slice %arg2[%mul3A_0] : memref<160000xi32, #tpu.memory_space<hbm>> -> memref<10000xi32, #tpu.memory_space<hbm>>
      %dma_wait3A_10 = tpu.memref_slice %arg2[%mul3A_0] : memref<160000xi32, #tpu.memory_space<hbm>> -> memref<10000xi32, #tpu.memory_space<hbm>>
      tpu.wait_dma2 semaphore(%run_scoped3A : memref<!tpu.dma_semaphore, #tpu.memory_space<semaphore_mem>>) src(%dma_wait3A_10 : memref<10000xi32, #tpu.memory_space<hbm>>) dst(%arg12 : memref<10000xi32, #tpu.memory_space<vmem>>)
      tpu.yield
    }) : () -> ()
    "tpu.region"() ({
      %run_scoped3A = tpu.sem_alloc : memref<!tpu.dma_semaphore, #tpu.memory_space<semaphore_mem>>
      %dma_start3A = tpu.memref_slice %arg3[%mul3A_0] : memref<160000xi32, #tpu.memory_space<hbm>> -> memref<10000xi32, #tpu.memory_space<hbm>>
      %dma_start3A_9 = tpu.memref_slice %arg3[%mul3A_0] : memref<160000xi32, #tpu.memory_space<hbm>> -> memref<10000xi32, #tpu.memory_space<hbm>>
      tpu.enqueue_dma source(%dma_start3A_9 : memref<10000xi32, #tpu.memory_space<hbm>>) target(%arg13 : memref<10000xi32, #tpu.memory_space<vmem>>) target_semaphore(%run_scoped3A : memref<!tpu.dma_semaphore, #tpu.memory_space<semaphore_mem>>)
      %dma_wait3A = tpu.memref_slice %arg3[%mul3A_0] : memref<160000xi32, #tpu.memory_space<hbm>> -> memref<10000xi32, #tpu.memory_space<hbm>>
      %dma_wait3A_10 = tpu.memref_slice %arg3[%mul3A_0] : memref<160000xi32, #tpu.memory_space<hbm>> -> memref<10000xi32, #tpu.memory_space<hbm>>
      tpu.wait_dma2 semaphore(%run_scoped3A : memref<!tpu.dma_semaphore, #tpu.memory_space<semaphore_mem>>) src(%dma_wait3A_10 : memref<10000xi32, #tpu.memory_space<hbm>>) dst(%arg13 : memref<10000xi32, #tpu.memory_space<vmem>>)
      tpu.yield
    }) : () -> ()
    %iota3A = tpu.iota {dimensions = array<i32: 0>} : vector<16xi32>
    %mul3A_1 = arith.constant 32 : i32
    %mul3A_2 = arith.muli %arg1, %mul3A_1 : i32
    %scan3A = arith.constant 0 : i32
    %scan3A_3 = arith.constant 0 : i32
    %scan3A_4 = arith.constant 10 : i32
    %scan3A_5 = arith.addi %scan3A_3, %scan3A_4 : i32
    %scan3A_6 = arith.constant 1 : i32
    %scan3A_7 = scf.for %scan3A_9 = %scan3A_3 to %scan3A_5 step %scan3A_6 iter_args(%scan3A_10 = %scan3A) -> (i32)  : i32 {
      %mul3A_11 = arith.constant 10 : i32
      %mul3A_12 = arith.muli %arg0, %mul3A_11 : i32
      %add3A = arith.addi %mul3A_12, %scan3A_9 : i32
      %mul3A_13 = arith.constant 512 : i32
      %mul3A_14 = arith.muli %add3A, %mul3A_13 : i32
      "tpu.region"() ({
        %run_scoped3A = tpu.sem_alloc : memref<!tpu.dma_semaphore, #tpu.memory_space<semaphore_mem>>
        %dma_start3A = arith.constant 0 : i32
        %dma_start3A_71 = tpu.memref_slice %arg22[%mul3A_2, %dma_start3A] : memref<512x128xf32, #tpu.memory_space<vmem_shared>> -> memref<32x128xf32, #tpu.memory_space<vmem_shared>>
        %dma_start3A_72 = arith.constant 0 : i32
        %dma_start3A_73 = tpu.memref_slice %arg5[%mul3A_2, %dma_start3A_72] : memref<512x128xf32, #tpu.memory_space<hbm>> -> memref<32x128xf32, #tpu.memory_space<hbm>>
        tpu.enqueue_dma source(%dma_start3A_73 : memref<32x128xf32, #tpu.memory_space<hbm>>) target(%dma_start3A_71 : memref<32x128xf32, #tpu.memory_space<vmem_shared>>) target_semaphore(%run_scoped3A : memref<!tpu.dma_semaphore, #tpu.memory_space<semaphore_mem>>)
        %dma_wait3A = arith.constant 0 : i32
        %dma_wait3A_74 = tpu.memref_slice %arg22[%mul3A_2, %dma_wait3A] : memref<512x128xf32, #tpu.memory_space<vmem_shared>> -> memref<32x128xf32, #tpu.memory_space<vmem_shared>>
        %dma_wait3A_75 = arith.constant 0 : i32
        %dma_wait3A_76 = tpu.memref_slice %arg5[%mul3A_2, %dma_wait3A_75] : memref<512x128xf32, #tpu.memory_space<hbm>> -> memref<32x128xf32, #tpu.memory_space<hbm>>
        tpu.wait_dma2 semaphore(%run_scoped3A : memref<!tpu.dma_semaphore, #tpu.memory_space<semaphore_mem>>) src(%dma_wait3A_76 : memref<32x128xf32, #tpu.memory_space<hbm>>) dst(%dma_wait3A_74 : memref<32x128xf32, #tpu.memory_space<vmem_shared>>)
        tpu.yield
      }) : () -> ()
      "tpu.region"() ({
        %run_scoped3A = tpu.sem_alloc : memref<!tpu.dma_semaphore, #tpu.memory_space<semaphore_mem>>
        %dma_start3A = arith.constant 0 : i32
        %dma_start3A_71 = tpu.memref_slice %arg23[%mul3A_2, %dma_start3A] : memref<512x128xf32, #tpu.memory_space<vmem_shared>> -> memref<32x128xf32, #tpu.memory_space<vmem_shared>>
        %dma_start3A_72 = arith.constant 0 : i32
        %dma_start3A_73 = tpu.memref_slice %arg5[%mul3A_2, %dma_start3A_72] : memref<512x128xf32, #tpu.memory_space<hbm>> -> memref<32x128xf32, #tpu.memory_space<hbm>>
        tpu.enqueue_dma source(%dma_start3A_73 : memref<32x128xf32, #tpu.memory_space<hbm>>) target(%dma_start3A_71 : memref<32x128xf32, #tpu.memory_space<vmem_shared>>) target_semaphore(%run_scoped3A : memref<!tpu.dma_semaphore, #tpu.memory_space<semaphore_mem>>)
        %dma_wait3A = arith.constant 0 : i32
        %dma_wait3A_74 = tpu.memref_slice %arg23[%mul3A_2, %dma_wait3A] : memref<512x128xf32, #tpu.memory_space<vmem_shared>> -> memref<32x128xf32, #tpu.memory_space<vmem_shared>>
        %dma_wait3A_75 = arith.constant 0 : i32
        %dma_wait3A_76 = tpu.memref_slice %arg5[%mul3A_2, %dma_wait3A_75] : memref<512x128xf32, #tpu.memory_space<hbm>> -> memref<32x128xf32, #tpu.memory_space<hbm>>
        tpu.wait_dma2 semaphore(%run_scoped3A : memref<!tpu.dma_semaphore, #tpu.memory_space<semaphore_mem>>) src(%dma_wait3A_76 : memref<32x128xf32, #tpu.memory_space<hbm>>) dst(%dma_wait3A_74 : memref<32x128xf32, #tpu.memory_space<vmem_shared>>)
        tpu.yield
      }) : () -> ()
      "tpu.region"() ({
        %run_scoped3A = tpu.sem_alloc : memref<!tpu.dma_semaphore, #tpu.memory_space<semaphore_mem>>
        %dma_start3A = arith.constant 0 : i32
        %dma_start3A_71 = tpu.memref_slice %arg24[%mul3A_2, %dma_start3A] : memref<512x128xf32, #tpu.memory_space<vmem_shared>> -> memref<32x128xf32, #tpu.memory_space<vmem_shared>>
        %dma_start3A_72 = arith.constant 0 : i32
        %dma_start3A_73 = tpu.memref_slice %arg5[%mul3A_2, %dma_start3A_72] : memref<512x128xf32, #tpu.memory_space<hbm>> -> memref<32x128xf32, #tpu.memory_space<hbm>>
        tpu.enqueue_dma source(%dma_start3A_73 : memref<32x128xf32, #tpu.memory_space<hbm>>) target(%dma_start3A_71 : memref<32x128xf32, #tpu.memory_space<vmem_shared>>) target_semaphore(%run_scoped3A : memref<!tpu.dma_semaphore, #tpu.memory_space<semaphore_mem>>)
        %dma_wait3A = arith.constant 0 : i32
        %dma_wait3A_74 = tpu.memref_slice %arg24[%mul3A_2, %dma_wait3A] : memref<512x128xf32, #tpu.memory_space<vmem_shared>> -> memref<32x128xf32, #tpu.memory_space<vmem_shared>>
        %dma_wait3A_75 = arith.constant 0 : i32
        %dma_wait3A_76 = tpu.memref_slice %arg5[%mul3A_2, %dma_wait3A_75] : memref<512x128xf32, #tpu.memory_space<hbm>> -> memref<32x128xf32, #tpu.memory_space<hbm>>
        tpu.wait_dma2 semaphore(%run_scoped3A : memref<!tpu.dma_semaphore, #tpu.memory_space<semaphore_mem>>) src(%dma_wait3A_76 : memref<32x128xf32, #tpu.memory_space<hbm>>) dst(%dma_wait3A_74 : memref<32x128xf32, #tpu.memory_space<vmem_shared>>)
        tpu.yield
      }) : () -> ()
      %barrier3A = arith.constant 0 : index
      tpu.barrier barrier_id(%barrier3A)
      %scan3A_15 = arith.constant 0 : i32
      %scan3A_16 = arith.constant 0 : i32
      %scan3A_17 = arith.constant 625 : i32
      %scan3A_18 = arith.addi %scan3A_16, %scan3A_17 : i32
      %scan3A_19 = arith.constant 1 : i32
      %scan3A_20 = scf.for %scan3A_71 = %scan3A_16 to %scan3A_18 step %scan3A_19 iter_args(%scan3A_72 = %scan3A_15) -> (i32)  : i32 {
        %mul3A_73 = arith.constant 16 : i32
        %mul3A_74 = arith.muli %scan3A_71, %mul3A_73 : i32
        %get3A = arith.index_cast %mul3A_74 : i32 to index
        %get3A_75 = tpu.vector_load %arg13[%get3A] {strides = array<i32>} : memref<10000xi32, #tpu.memory_space<vmem>>, vector<16xi32>,
        %ge3A = vector.broadcast %mul3A_14 : i32 to vector<16xi32>
        %ge3A_76 = arith.cmpi sge, %get3A_75, %ge3A : vector<16xi32>
        %add3A_77 = arith.constant 512 : i32
        %add3A_78 = arith.addi %mul3A_14, %add3A_77 : i32
        %lt3A = vector.broadcast %add3A_78 : i32 to vector<16xi32>
        %lt3A_79 = arith.cmpi slt, %get3A_75, %lt3A : vector<16xi32>
        %and3A_80 = arith.andi %ge3A_76, %lt3A_79 : vector<16xi1>
        %convert_element_type3A = arith.extui %and3A_80 : vector<16xi1> to vector<16xi32>
        %broadcast_in_dim3A_81 = arith.constant true
        %broadcast_in_dim3A_82 = vector.broadcast %broadcast_in_dim3A_81 : i1 to vector<16xi1>
        %masked_cumsum3A = tpu.scan <sum>, %convert_element_type3A masked %broadcast_in_dim3A_82 : vector<16xi32>, vector<16xi1> -> vector<16xi32>
        %add3A_83 = vector.broadcast %scan3A_72 : i32 to vector<16xi32>
        %add3A_84 = arith.addi %add3A_83, %masked_cumsum3A : vector<16xi32>
        %sub3A_85 = arith.constant 1 : i32
        %sub3A_86 = vector.broadcast %sub3A_85 : i32 to vector<16xi32>
        %sub3A_87 = arith.subi %add3A_84, %sub3A_86 : vector<16xi32>
        %mul3A_88 = arith.constant 16 : i32
        %mul3A_89 = arith.muli %scan3A_71, %mul3A_88 : i32
        %add3A_90 = vector.broadcast %mul3A_89 : i32 to vector<16xi32>
        %add3A_91 = arith.addi %iota3A, %add3A_90 : vector<16xi32>
        tpu.vector_store_idx %arg14[%sub3A_87], %add3A_91 masked %and3A_80 : memref<10064xi32, #tpu.memory_space<vmem>>[vector<16xi32>], vector<16xi32>, vector<16xi1>
        %reduce_sum3A = arith.constant true
        %reduce_sum3A_92 = vector.broadcast %reduce_sum3A : i1 to vector<16xi1>
        %reduce_sum3A_93 = tpu.scan <sum>, %convert_element_type3A masked %reduce_sum3A_92 : vector<16xi32>, vector<16xi1> -> vector<16xi32>
        %reduce_sum3A_94 = vector.extract %reduce_sum3A_93[15] : i32 from vector<16xi32>
        %add3A_95 = arith.addi %scan3A_72, %reduce_sum3A_94 : i32
        scf.yield %add3A_95 : i32
      }
      %scan3A_21 = arith.constant 625 : i32
      %add3A_22 = vector.broadcast %scan3A_20 : i32 to vector<16xi32>
      %add3A_23 = arith.addi %add3A_22, %iota3A : vector<16xi32>
      %add3A_24 = arith.constant 0 : i32
      %add3A_25 = vector.broadcast %add3A_24 : i32 to vector<16xi32>
      %add3A_26 = arith.addi %add3A_23, %add3A_25 : vector<16xi32>
      %broadcast_in_dim3A = arith.constant 0 : i32
      %broadcast_in_dim3A_27 = vector.broadcast %broadcast_in_dim3A : i32 to vector<16xi32>
      tpu.vector_store_idx %arg14[%add3A_26], %broadcast_in_dim3A_27 : memref<10064xi32, #tpu.memory_space<vmem>>[vector<16xi32>], vector<16xi32>,
      %add3A_28 = vector.broadcast %scan3A_20 : i32 to vector<16xi32>
      %add3A_29 = arith.addi %add3A_28, %iota3A : vector<16xi32>
      %add3A_30 = arith.constant 16 : i32
      %add3A_31 = vector.broadcast %add3A_30 : i32 to vector<16xi32>
      %add3A_32 = arith.addi %add3A_29, %add3A_31 : vector<16xi32>
      %broadcast_in_dim3A_33 = arith.constant 0 : i32
      %broadcast_in_dim3A_34 = vector.broadcast %broadcast_in_dim3A_33 : i32 to vector<16xi32>
      tpu.vector_store_idx %arg14[%add3A_32], %broadcast_in_dim3A_34 : memref<10064xi32, #tpu.memory_space<vmem>>[vector<16xi32>], vector<16xi32>,
      %add3A_35 = arith.constant 32 : i32
      %add3A_36 = arith.addi %scan3A_20, %add3A_35 : i32
      %sub3A = arith.constant 1 : i32
      %sub3A_37 = arith.subi %add3A_36, %sub3A : i32
      %jit3A = arith.constant 32 : i32
      %div3A = arith.divsi %sub3A_37, %jit3A : i32
      %sign3A = arith.constant 0 : i32
      %sign3A_38 = arith.cmpi sgt, %sub3A_37, %sign3A : i32
      %sign3A_39 = arith.extui %sign3A_38 : i1 to i32
      %sign3A_40 = arith.constant 0 : i32
      %sign3A_41 = arith.cmpi slt, %sub3A_37, %sign3A_40 : i32
      %sign3A_42 = arith.extui %sign3A_41 : i1 to i32
      %sign3A_43 = arith.subi %sign3A_39, %sign3A_42 : i32
      %sign3A_44 = arith.constant 0 : i32
      %sign3A_45 = arith.cmpi sgt, %jit3A, %sign3A_44 : i32
      %sign3A_46 = arith.extui %sign3A_45 : i1 to i32
      %sign3A_47 = arith.constant 0 : i32
      %sign3A_48 = arith.cmpi slt, %jit3A, %sign3A_47 : i32
      %sign3A_49 = arith.extui %sign3A_48 : i1 to i32
      %sign3A_50 = arith.subi %sign3A_46, %sign3A_49 : i32
      %ne3A = arith.cmpi ne, %sign3A_43, %sign3A_50 : i32
      %rem3A = arith.remsi %sub3A_37, %jit3A : i32
      %ne3A_51 = arith.constant 0 : i32
      %ne3A_52 = arith.cmpi ne, %rem3A, %ne3A_51 : i32
      %and3A = arith.andi %ne3A, %ne3A_52 : i1
      %sub3A_53 = arith.constant 1 : i32
      %sub3A_54 = arith.subi %div3A, %sub3A_53 : i32
      %select_n3A = arith.select %and3A, %sub3A_54, %div3A : i32
      %while3A = arith.constant 0 : i32
      %while3A_55 = arith.constant 0 : i32
      %while3A_56 = arith.subi %select_n3A, %while3A : i32
      %while3A_57 = arith.addi %while3A, %while3A_56 : i32
      %while3A_58 = arith.constant 1 : i32
      %while3A_59 = arith.divsi %while3A_56, %while3A_58 : i32
      %while3A_60 = arith.muli %while3A_59, %while3A_58 : i32
      %while3A_61 = arith.addi %while3A, %while3A_60 : i32
      %while3A_62 = arith.constant 1 : i32
      %while3A_63 = scf.for %while3A_71 = %while3A to %while3A_61 step %while3A_62 iter_args(%while3A_72 = %while3A_55) -> (i32)  : i32 {
        %mul3A_73 = arith.constant 32 : i32
        %mul3A_74 = arith.muli %while3A_71, %mul3A_73 : i32
        %add3A_75 = arith.constant 0 : i32
        %add3A_76 = arith.addi %mul3A_74, %add3A_75 : i32
        %get3A = arith.index_cast %add3A_76 : i32 to index
        %get3A_77 = tpu.vector_load %arg14[%get3A] {strides = array<i32>} : memref<10064xi32, #tpu.memory_space<vmem>>, vector<16xi32>,
        %gather3A = tpu.vector_load_idx %arg12[%get3A_77] : memref<10000xi32, #tpu.memory_space<vmem>>[vector<16xi32>], vector<16xi32>,
        %gather3A_78 = tpu.vector_load_idx %arg13[%get3A_77] : memref<10000xi32, #tpu.memory_space<vmem>>[vector<16xi32>], vector<16xi32>,
        %sub3A_79 = vector.broadcast %mul3A_14 : i32 to vector<16xi32>
        %sub3A_80 = arith.subi %gather3A_78, %sub3A_79 : vector<16xi32>
        %max3A = arith.constant 0 : i32
        %max3A_81 = vector.broadcast %max3A : i32 to vector<16xi32>
        %max3A_82 = arith.maxsi %sub3A_80, %max3A_81 : vector<16xi32>
        %min3A = arith.constant 511 : i32
        %min3A_83 = vector.broadcast %min3A : i32 to vector<16xi32>
        %min3A_84 = arith.minsi %max3A_82, %min3A_83 : vector<16xi32>
        %swap3A = arith.constant 0 : index
        %swap3A_85 = tpu.vector_load %arg15[%swap3A] {strides = array<i32>} : memref<32xi32, #tpu.memory_space<vmem>>, vector<16xi32>,
        tpu.vector_store %arg15[%swap3A], %gather3A {strides = array<i32>} : memref<32xi32, #tpu.memory_space<vmem>>, vector<16xi32>,
        %swap3A_86 = arith.constant 0 : index
        %swap3A_87 = tpu.vector_load %arg16[%swap3A_86] {strides = array<i32>} : memref<32xi32, #tpu.memory_space<vmem>>, vector<16xi32>,
        tpu.vector_store %arg16[%swap3A_86], %gather3A_78 {strides = array<i32>} : memref<32xi32, #tpu.memory_space<vmem>>, vector<16xi32>,
        %swap3A_88 = arith.constant 0 : index
        %swap3A_89 = tpu.vector_load %arg17[%swap3A_88] {strides = array<i32>} : memref<32xi32, #tpu.memory_space<vmem>>, vector<16xi32>,
        tpu.vector_store %arg17[%swap3A_88], %min3A_84 {strides = array<i32>} : memref<32xi32, #tpu.memory_space<vmem>>, vector<16xi32>,
        %add3A_90 = arith.constant 16 : i32
        %add3A_91 = arith.addi %mul3A_74, %add3A_90 : i32
        %get3A_92 = arith.index_cast %add3A_91 : i32 to index
        %get3A_93 = tpu.vector_load %arg14[%get3A_92] {strides = array<i32>} : memref<10064xi32, #tpu.memory_space<vmem>>, vector<16xi32>,
        %gather3A_94 = tpu.vector_load_idx %arg12[%get3A_93] : memref<10000xi32, #tpu.memory_space<vmem>>[vector<16xi32>], vector<16xi32>,
        %gather3A_95 = tpu.vector_load_idx %arg13[%get3A_93] : memref<10000xi32, #tpu.memory_space<vmem>>[vector<16xi32>], vector<16xi32>,
        %sub3A_96 = vector.broadcast %mul3A_14 : i32 to vector<16xi32>
        %sub3A_97 = arith.subi %gather3A_95, %sub3A_96 : vector<16xi32>
        %max3A_98 = arith.constant 0 : i32
        %max3A_99 = vector.broadcast %max3A_98 : i32 to vector<16xi32>
        %max3A_100 = arith.maxsi %sub3A_97, %max3A_99 : vector<16xi32>
        %min3A_101 = arith.constant 511 : i32
        %min3A_102 = vector.broadcast %min3A_101 : i32 to vector<16xi32>
        %min3A_103 = arith.minsi %max3A_100, %min3A_102 : vector<16xi32>
        %swap3A_104 = arith.constant 16 : index
        %swap3A_105 = tpu.vector_load %arg15[%swap3A_104] {strides = array<i32>} : memref<32xi32, #tpu.memory_space<vmem>>, vector<16xi32>,
        tpu.vector_store %arg15[%swap3A_104], %gather3A_94 {strides = array<i32>} : memref<32xi32, #tpu.memory_space<vmem>>, vector<16xi32>,
        %swap3A_106 = arith.constant 16 : index
        %swap3A_107 = tpu.vector_load %arg16[%swap3A_106] {strides = array<i32>} : memref<32xi32, #tpu.memory_space<vmem>>, vector<16xi32>,
        tpu.vector_store %arg16[%swap3A_106], %gather3A_95 {strides = array<i32>} : memref<32xi32, #tpu.memory_space<vmem>>, vector<16xi32>,
        %swap3A_108 = arith.constant 16 : index
        %swap3A_109 = tpu.vector_load %arg17[%swap3A_108] {strides = array<i32>} : memref<32xi32, #tpu.memory_space<vmem>>, vector<16xi32>,
        tpu.vector_store %arg17[%swap3A_108], %min3A_103 {strides = array<i32>} : memref<32xi32, #tpu.memory_space<vmem>>, vector<16xi32>,
        %dma_start3A = arith.constant 0 : i32
        %dma_start3A_110 = arith.constant 0 : i32
        %dma_start3A_111 = tpu.memref_slice %arg4[%dma_start3A, %dma_start3A_110] : memref<10240x128xf32, #tpu.memory_space<hbm>> -> memref<10240x128xf32, #tpu.memory_space<hbm>>
        tpu.enqueue_indirect_dma source(%dma_start3A_111 : memref<10240x128xf32, #tpu.memory_space<hbm>>) target(%arg18 : memref<32x128xf32, #tpu.memory_space<vmem>>) offsets(%arg16 : memref<32xi32, #tpu.memory_space<vmem>>) semaphore(%arg25 : memref<!tpu.dma_semaphore, #tpu.memory_space<semaphore_mem>>)
        %dma_start3A_112 = arith.constant 0 : i32
        %dma_start3A_113 = arith.constant 0 : i32
        %dma_start3A_114 = tpu.memref_slice %arg6[%dma_start3A_112, %dma_start3A_113] : memref<10240x128xf32, #tpu.memory_space<hbm>> -> memref<10240x128xf32, #tpu.memory_space<hbm>>
        tpu.enqueue_indirect_dma source(%dma_start3A_114 : memref<10240x128xf32, #tpu.memory_space<hbm>>) target(%arg19 : memref<32x128xf32, #tpu.memory_space<vmem>>) offsets(%arg15 : memref<32xi32, #tpu.memory_space<vmem>>) semaphore(%arg26 : memref<!tpu.dma_semaphore, #tpu.memory_space<semaphore_mem>>)
        %dma_start3A_115 = arith.constant 0 : i32
        %dma_start3A_116 = arith.constant 0 : i32
        %dma_start3A_117 = tpu.memref_slice %arg7[%dma_start3A_115, %dma_start3A_116] : memref<10240x128xf32, #tpu.memory_space<hbm>> -> memref<10240x128xf32, #tpu.memory_space<hbm>>
        tpu.enqueue_indirect_dma source(%dma_start3A_117 : memref<10240x128xf32, #tpu.memory_space<hbm>>) target(%arg20 : memref<32x128xf32, #tpu.memory_space<vmem>>) offsets(%arg15 : memref<32xi32, #tpu.memory_space<vmem>>) semaphore(%arg26 : memref<!tpu.dma_semaphore, #tpu.memory_space<semaphore_mem>>)
        %dma_start3A_118 = arith.constant 0 : i32
        %dma_start3A_119 = arith.constant 0 : i32
        %dma_start3A_120 = tpu.memref_slice %arg8[%dma_start3A_118, %dma_start3A_119] : memref<10240x128xf32, #tpu.memory_space<hbm>> -> memref<10240x128xf32, #tpu.memory_space<hbm>>
        tpu.enqueue_indirect_dma source(%dma_start3A_120 : memref<10240x128xf32, #tpu.memory_space<hbm>>) target(%arg21 : memref<32x128xf32, #tpu.memory_space<vmem>>) offsets(%arg15 : memref<32xi32, #tpu.memory_space<vmem>>) semaphore(%arg26 : memref<!tpu.dma_semaphore, #tpu.memory_space<semaphore_mem>>)
        %dma_wait3A = arith.constant 0 : i32
        %dma_wait3A_121 = arith.constant 0 : i32
        %dma_wait3A_122 = tpu.memref_slice %arg4[%dma_wait3A, %dma_wait3A_121] : memref<10240x128xf32, #tpu.memory_space<hbm>> -> memref<10240x128xf32, #tpu.memory_space<hbm>>
        tpu.wait_indirect_dma semaphore(%arg25 : memref<!tpu.dma_semaphore, #tpu.memory_space<semaphore_mem>>) src(%dma_wait3A_122 : memref<10240x128xf32, #tpu.memory_space<hbm>>) dst(%arg18 : memref<32x128xf32, #tpu.memory_space<vmem>>)
        %dma_wait3A_123 = arith.constant 0 : i32
        %dma_wait3A_124 = arith.constant 0 : i32
        %dma_wait3A_125 = tpu.memref_slice %arg6[%dma_wait3A_123, %dma_wait3A_124] : memref<10240x128xf32, #tpu.memory_space<hbm>> -> memref<10240x128xf32, #tpu.memory_space<hbm>>
        tpu.wait_indirect_dma semaphore(%arg26 : memref<!tpu.dma_semaphore, #tpu.memory_space<semaphore_mem>>) src(%dma_wait3A_125 : memref<10240x128xf32, #tpu.memory_space<hbm>>) dst(%arg19 : memref<32x128xf32, #tpu.memory_space<vmem>>)
        %dma_wait3A_126 = arith.constant 0 : i32
        %dma_wait3A_127 = arith.constant 0 : i32
        %dma_wait3A_128 = tpu.memref_slice %arg7[%dma_wait3A_126, %dma_wait3A_127] : memref<10240x128xf32, #tpu.memory_space<hbm>> -> memref<10240x128xf32, #tpu.memory_space<hbm>>
        tpu.wait_indirect_dma semaphore(%arg26 : memref<!tpu.dma_semaphore, #tpu.memory_space<semaphore_mem>>) src(%dma_wait3A_128 : memref<10240x128xf32, #tpu.memory_space<hbm>>) dst(%arg20 : memref<32x128xf32, #tpu.memory_space<vmem>>)
        %dma_wait3A_129 = arith.constant 0 : i32
        %dma_wait3A_130 = arith.constant 0 : i32
        %dma_wait3A_131 = tpu.memref_slice %arg8[%dma_wait3A_129, %dma_wait3A_130] : memref<10240x128xf32, #tpu.memory_space<hbm>> -> memref<10240x128xf32, #tpu.memory_space<hbm>>
        tpu.wait_indirect_dma semaphore(%arg26 : memref<!tpu.dma_semaphore, #tpu.memory_space<semaphore_mem>>) src(%dma_wait3A_131 : memref<10240x128xf32, #tpu.memory_space<hbm>>) dst(%arg21 : memref<32x128xf32, #tpu.memory_space<vmem>>)
        %add3A_132 = arith.constant 0 : i32
        %add3A_133 = vector.broadcast %add3A_132 : i32 to vector<16xi32>
        %add3A_134 = arith.addi %iota3A, %add3A_133 : vector<16xi32>
        %add3A_135 = vector.broadcast %mul3A_74 : i32 to vector<16xi32>
        %add3A_136 = arith.addi %add3A_135, %add3A_134 : vector<16xi32>
        %lt3A = vector.broadcast %scan3A_20 : i32 to vector<16xi32>
        %lt3A_137 = arith.cmpi slt, %add3A_136, %lt3A : vector<16xi32>
        %broadcast_in_dim3A_138 = arith.constant 0 : i32
        %broadcast_in_dim3A_139 = vector.broadcast %broadcast_in_dim3A_138 : i32 to vector<16xi32>
        %gather3A_140 = tpu.vector_load_idx %arg21[%add3A_134, %broadcast_in_dim3A_139] : memref<32x128xf32, #tpu.memory_space<vmem>>[vector<16xi32>, vector<16xi32>], vector<16xf32>,
        %broadcast_in_dim3A_141 = arith.constant 0 : i32
        %broadcast_in_dim3A_142 = vector.broadcast %broadcast_in_dim3A_141 : i32 to vector<16xi32>
        %gather3A_143 = tpu.vector_load_idx %arg18[%add3A_134, %broadcast_in_dim3A_142] : memref<32x128xf32, #tpu.memory_space<vmem>>[vector<16xi32>, vector<16xi32>], vector<16xf32>,
        %add3A_144 = arith.addf %gather3A_140, %gather3A_143 : vector<16xf32>
        %ge3A = arith.constant 0.000000e+00 : f32
        %ge3A_145 = vector.broadcast %ge3A : f32 to vector<16xf32>
        %ge3A_146 = arith.cmpf oge, %add3A_144, %ge3A_145 : vector<16xf32>
        %mul3A_147 = arith.constant 2.000000e-01 : f32
        %mul3A_148 = vector.broadcast %mul3A_147 : f32 to vector<16xf32>
        %mul3A_149 = arith.mulf %mul3A_148, %add3A_144 : vector<16xf32>
        %select_n3A_150 = arith.select %ge3A_146, %add3A_144, %mul3A_149 : vector<16xi1>, vector<16xf32>
        %exp3A = math.exp %select_n3A_150 : vector<16xf32>
        %jit3A_151 = arith.constant 0.000000e+00 : f32
        %broadcast_in_dim3A_152 = vector.broadcast %jit3A_151 : f32 to vector<16xf32>
        %select_n3A_153 = arith.select %lt3A_137, %exp3A, %broadcast_in_dim3A_152 : vector<16xi1>, vector<16xf32>
        %broadcast_in_dim3A_154 = arith.constant 0 : i32
        %broadcast_in_dim3A_155 = vector.broadcast %broadcast_in_dim3A_154 : i32 to vector<16xi32>
        tpu.vector_store_idx %arg21[%add3A_134, %broadcast_in_dim3A_155], %select_n3A_153 : memref<32x128xf32, #tpu.memory_space<vmem>>[vector<16xi32>, vector<16xi32>], vector<16xf32>,
        %add3A_156 = arith.constant 16 : i32
        %add3A_157 = vector.broadcast %add3A_156 : i32 to vector<16xi32>
        %add3A_158 = arith.addi %iota3A, %add3A_157 : vector<16xi32>
        %add3A_159 = vector.broadcast %mul3A_74 : i32 to vector<16xi32>
        %add3A_160 = arith.addi %add3A_159, %add3A_158 : vector<16xi32>
        %lt3A_161 = vector.broadcast %scan3A_20 : i32 to vector<16xi32>
        %lt3A_162 = arith.cmpi slt, %add3A_160, %lt3A_161 : vector<16xi32>
        %broadcast_in_dim3A_163 = arith.constant 0 : i32
        %broadcast_in_dim3A_164 = vector.broadcast %broadcast_in_dim3A_163 : i32 to vector<16xi32>
        %gather3A_165 = tpu.vector_load_idx %arg21[%add3A_158, %broadcast_in_dim3A_164] : memref<32x128xf32, #tpu.memory_space<vmem>>[vector<16xi32>, vector<16xi32>], vector<16xf32>,
        %broadcast_in_dim3A_166 = arith.constant 0 : i32
        %broadcast_in_dim3A_167 = vector.broadcast %broadcast_in_dim3A_166 : i32 to vector<16xi32>
        %gather3A_168 = tpu.vector_load_idx %arg18[%add3A_158, %broadcast_in_dim3A_167] : memref<32x128xf32, #tpu.memory_space<vmem>>[vector<16xi32>, vector<16xi32>], vector<16xf32>,
        %add3A_169 = arith.addf %gather3A_165, %gather3A_168 : vector<16xf32>
        %ge3A_170 = arith.constant 0.000000e+00 : f32
        %ge3A_171 = vector.broadcast %ge3A_170 : f32 to vector<16xf32>
        %ge3A_172 = arith.cmpf oge, %add3A_169, %ge3A_171 : vector<16xf32>
        %mul3A_173 = arith.constant 2.000000e-01 : f32
        %mul3A_174 = vector.broadcast %mul3A_173 : f32 to vector<16xf32>
        %mul3A_175 = arith.mulf %mul3A_174, %add3A_169 : vector<16xf32>
        %select_n3A_176 = arith.select %ge3A_172, %add3A_169, %mul3A_175 : vector<16xi1>, vector<16xf32>
        %exp3A_177 = math.exp %select_n3A_176 : vector<16xf32>
        %jit3A_178 = arith.constant 0.000000e+00 : f32
        %broadcast_in_dim3A_179 = vector.broadcast %jit3A_178 : f32 to vector<16xf32>
        %select_n3A_180 = arith.select %lt3A_162, %exp3A_177, %broadcast_in_dim3A_179 : vector<16xi1>, vector<16xf32>
        %broadcast_in_dim3A_181 = arith.constant 0 : i32
        %broadcast_in_dim3A_182 = vector.broadcast %broadcast_in_dim3A_181 : i32 to vector<16xi32>
        tpu.vector_store_idx %arg21[%add3A_158, %broadcast_in_dim3A_182], %select_n3A_180 : memref<32x128xf32, #tpu.memory_space<vmem>>[vector<16xi32>, vector<16xi32>], vector<16xf32>,
        %parallel_loop3A = arith.constant 0 : i32
        %parallel_loop3A_183 = arith.constant 32 : i32
        %parallel_loop3A_184 = arith.constant 1 : i32
        scf.for %parallel_loop3A_204 = %parallel_loop3A to %parallel_loop3A_183 step %parallel_loop3A_184  : i32 {
          %parallel_loop3A_205 = arith.index_cast %parallel_loop3A_204 : i32 to index
          %parallel_loop3A_206 = arith.constant 0 : index
          %parallel_loop3A_207 = tpu.vector_load %arg21[%parallel_loop3A_205, %parallel_loop3A_206] {strides = array<i32>} : memref<32x128xf32, #tpu.memory_space<vmem>>, vector<16xf32>,
          %parallel_loop3A_208 = vector.extract_strided_slice %parallel_loop3A_207 {offsets = [0], sizes = [1], strides = [1]} : vector<16xf32> to vector<1xf32>
          %parallel_loop3A_209 = vector.extract %parallel_loop3A_208[0] : f32 from vector<1xf32>
          %parallel_loop3A_210 = vector.broadcast %parallel_loop3A_209 : f32 to vector<16xf32>
          %parallel_loop3A_211 = arith.index_cast %parallel_loop3A_204 : i32 to index
          %parallel_loop3A_212 = arith.constant 0 : index
          %parallel_loop3A_213 = tpu.vector_load %arg19[%parallel_loop3A_211, %parallel_loop3A_212] {strides = array<i32>} : memref<32x128xf32, #tpu.memory_space<vmem>>, vector<16xf32>,
          %parallel_loop3A_214 = arith.mulf %parallel_loop3A_213, %parallel_loop3A_210 : vector<16xf32>
          %parallel_loop3A_215 = arith.index_cast %parallel_loop3A_204 : i32 to index
          %parallel_loop3A_216 = arith.constant 0 : index
          %parallel_loop3A_217 = tpu.vector_load %arg19[%parallel_loop3A_215, %parallel_loop3A_216] {strides = array<i32>} : memref<32x128xf32, #tpu.memory_space<vmem>>, vector<16xf32>,
          tpu.vector_store %arg19[%parallel_loop3A_215, %parallel_loop3A_216], %parallel_loop3A_214 {strides = array<i32>} : memref<32x128xf32, #tpu.memory_space<vmem>>, vector<16xf32>,
          %parallel_loop3A_218 = arith.index_cast %parallel_loop3A_204 : i32 to index
          %parallel_loop3A_219 = arith.constant 16 : index
          %parallel_loop3A_220 = tpu.vector_load %arg19[%parallel_loop3A_218, %parallel_loop3A_219] {strides = array<i32>} : memref<32x128xf32, #tpu.memory_space<vmem>>, vector<16xf32>,
          %parallel_loop3A_221 = arith.mulf %parallel_loop3A_220, %parallel_loop3A_210 : vector<16xf32>
          %parallel_loop3A_222 = arith.index_cast %parallel_loop3A_204 : i32 to index
          %parallel_loop3A_223 = arith.constant 16 : index
          %parallel_loop3A_224 = tpu.vector_load %arg19[%parallel_loop3A_222, %parallel_loop3A_223] {strides = array<i32>} : memref<32x128xf32, #tpu.memory_space<vmem>>, vector<16xf32>,
          tpu.vector_store %arg19[%parallel_loop3A_222, %parallel_loop3A_223], %parallel_loop3A_221 {strides = array<i32>} : memref<32x128xf32, #tpu.memory_space<vmem>>, vector<16xf32>,
          %parallel_loop3A_225 = arith.index_cast %parallel_loop3A_204 : i32 to index
          %parallel_loop3A_226 = arith.constant 32 : index
          %parallel_loop3A_227 = tpu.vector_load %arg19[%parallel_loop3A_225, %parallel_loop3A_226] {strides = array<i32>} : memref<32x128xf32, #tpu.memory_space<vmem>>, vector<16xf32>,
          %parallel_loop3A_228 = arith.mulf %parallel_loop3A_227, %parallel_loop3A_210 : vector<16xf32>
          %parallel_loop3A_229 = arith.index_cast %parallel_loop3A_204 : i32 to index
          %parallel_loop3A_230 = arith.constant 32 : index
          %parallel_loop3A_231 = tpu.vector_load %arg19[%parallel_loop3A_229, %parallel_loop3A_230] {strides = array<i32>} : memref<32x128xf32, #tpu.memory_space<vmem>>, vector<16xf32>,
          tpu.vector_store %arg19[%parallel_loop3A_229, %parallel_loop3A_230], %parallel_loop3A_228 {strides = array<i32>} : memref<32x128xf32, #tpu.memory_space<vmem>>, vector<16xf32>,
          %parallel_loop3A_232 = arith.index_cast %parallel_loop3A_204 : i32 to index
          %parallel_loop3A_233 = arith.constant 48 : index
          %parallel_loop3A_234 = tpu.vector_load %arg19[%parallel_loop3A_232, %parallel_loop3A_233] {strides = array<i32>} : memref<32x128xf32, #tpu.memory_space<vmem>>, vector<16xf32>,
          %parallel_loop3A_235 = arith.mulf %parallel_loop3A_234, %parallel_loop3A_210 : vector<16xf32>
          %parallel_loop3A_236 = arith.index_cast %parallel_loop3A_204 : i32 to index
          %parallel_loop3A_237 = arith.constant 48 : index
          %parallel_loop3A_238 = tpu.vector_load %arg19[%parallel_loop3A_236, %parallel_loop3A_237] {strides = array<i32>} : memref<32x128xf32, #tpu.memory_space<vmem>>, vector<16xf32>,
          tpu.vector_store %arg19[%parallel_loop3A_236, %parallel_loop3A_237], %parallel_loop3A_235 {strides = array<i32>} : memref<32x128xf32, #tpu.memory_space<vmem>>, vector<16xf32>,
          %parallel_loop3A_239 = arith.index_cast %parallel_loop3A_204 : i32 to index
          %parallel_loop3A_240 = arith.constant 64 : index
          %parallel_loop3A_241 = tpu.vector_load %arg19[%parallel_loop3A_239, %parallel_loop3A_240] {strides = array<i32>} : memref<32x128xf32, #tpu.memory_space<vmem>>, vector<16xf32>,
          %parallel_loop3A_242 = arith.mulf %parallel_loop3A_241, %parallel_loop3A_210 : vector<16xf32>
          %parallel_loop3A_243 = arith.index_cast %parallel_loop3A_204 : i32 to index
          %parallel_loop3A_244 = arith.constant 64 : index
          %parallel_loop3A_245 = tpu.vector_load %arg19[%parallel_loop3A_243, %parallel_loop3A_244] {strides = array<i32>} : memref<32x128xf32, #tpu.memory_space<vmem>>, vector<16xf32>,
          tpu.vector_store %arg19[%parallel_loop3A_243, %parallel_loop3A_244], %parallel_loop3A_242 {strides = array<i32>} : memref<32x128xf32, #tpu.memory_space<vmem>>, vector<16xf32>,
          %parallel_loop3A_246 = arith.index_cast %parallel_loop3A_204 : i32 to index
          %parallel_loop3A_247 = arith.constant 80 : index
          %parallel_loop3A_248 = tpu.vector_load %arg19[%parallel_loop3A_246, %parallel_loop3A_247] {strides = array<i32>} : memref<32x128xf32, #tpu.memory_space<vmem>>, vector<16xf32>,
          %parallel_loop3A_249 = arith.mulf %parallel_loop3A_248, %parallel_loop3A_210 : vector<16xf32>
          %parallel_loop3A_250 = arith.index_cast %parallel_loop3A_204 : i32 to index
          %parallel_loop3A_251 = arith.constant 80 : index
          %parallel_loop3A_252 = tpu.vector_load %arg19[%parallel_loop3A_250, %parallel_loop3A_251] {strides = array<i32>} : memref<32x128xf32, #tpu.memory_space<vmem>>, vector<16xf32>,
          tpu.vector_store %arg19[%parallel_loop3A_250, %parallel_loop3A_251], %parallel_loop3A_249 {strides = array<i32>} : memref<32x128xf32, #tpu.memory_space<vmem>>, vector<16xf32>,
          %parallel_loop3A_253 = arith.index_cast %parallel_loop3A_204 : i32 to index
          %parallel_loop3A_254 = arith.constant 96 : index
          %parallel_loop3A_255 = tpu.vector_load %arg19[%parallel_loop3A_253, %parallel_loop3A_254] {strides = array<i32>} : memref<32x128xf32, #tpu.memory_space<vmem>>, vector<16xf32>,
          %parallel_loop3A_256 = arith.mulf %parallel_loop3A_255, %parallel_loop3A_210 : vector<16xf32>
          %parallel_loop3A_257 = arith.index_cast %parallel_loop3A_204 : i32 to index
          %parallel_loop3A_258 = arith.constant 96 : index
          %parallel_loop3A_259 = tpu.vector_load %arg19[%parallel_loop3A_257, %parallel_loop3A_258] {strides = array<i32>} : memref<32x128xf32, #tpu.memory_space<vmem>>, vector<16xf32>,
          tpu.vector_store %arg19[%parallel_loop3A_257, %parallel_loop3A_258], %parallel_loop3A_256 {strides = array<i32>} : memref<32x128xf32, #tpu.memory_space<vmem>>, vector<16xf32>,
          %parallel_loop3A_260 = arith.index_cast %parallel_loop3A_204 : i32 to index
          %parallel_loop3A_261 = arith.constant 112 : index
          %parallel_loop3A_262 = tpu.vector_load %arg19[%parallel_loop3A_260, %parallel_loop3A_261] {strides = array<i32>} : memref<32x128xf32, #tpu.memory_space<vmem>>, vector<16xf32>,
          %parallel_loop3A_263 = arith.mulf %parallel_loop3A_262, %parallel_loop3A_210 : vector<16xf32>
          %parallel_loop3A_264 = arith.index_cast %parallel_loop3A_204 : i32 to index
          %parallel_loop3A_265 = arith.constant 112 : index
          %parallel_loop3A_266 = tpu.vector_load %arg19[%parallel_loop3A_264, %parallel_loop3A_265] {strides = array<i32>} : memref<32x128xf32, #tpu.memory_space<vmem>>, vector<16xf32>,
          tpu.vector_store %arg19[%parallel_loop3A_264, %parallel_loop3A_265], %parallel_loop3A_263 {strides = array<i32>} : memref<32x128xf32, #tpu.memory_space<vmem>>, vector<16xf32>,
          %parallel_loop3A_267 = vector.extract_strided_slice %parallel_loop3A_207 {offsets = [0], sizes = [1], strides = [1]} : vector<16xf32> to vector<1xf32>
          %parallel_loop3A_268 = vector.extract %parallel_loop3A_267[0] : f32 from vector<1xf32>
          %parallel_loop3A_269 = vector.broadcast %parallel_loop3A_268 : f32 to vector<16xf32>
          %parallel_loop3A_270 = arith.index_cast %parallel_loop3A_204 : i32 to index
          %parallel_loop3A_271 = arith.constant 0 : index
          %parallel_loop3A_272 = tpu.vector_load %arg20[%parallel_loop3A_270, %parallel_loop3A_271] {strides = array<i32>} : memref<32x128xf32, #tpu.memory_space<vmem>>, vector<16xf32>,
          %parallel_loop3A_273 = arith.mulf %parallel_loop3A_272, %parallel_loop3A_269 : vector<16xf32>
          %parallel_loop3A_274 = arith.index_cast %parallel_loop3A_204 : i32 to index
          %parallel_loop3A_275 = arith.constant 0 : index
          %parallel_loop3A_276 = tpu.vector_load %arg20[%parallel_loop3A_274, %parallel_loop3A_275] {strides = array<i32>} : memref<32x128xf32, #tpu.memory_space<vmem>>, vector<16xf32>,
          tpu.vector_store %arg20[%parallel_loop3A_274, %parallel_loop3A_275], %parallel_loop3A_273 {strides = array<i32>} : memref<32x128xf32, #tpu.memory_space<vmem>>, vector<16xf32>,
          %parallel_loop3A_277 = arith.index_cast %parallel_loop3A_204 : i32 to index
          %parallel_loop3A_278 = arith.constant 16 : index
          %parallel_loop3A_279 = tpu.vector_load %arg20[%parallel_loop3A_277, %parallel_loop3A_278] {strides = array<i32>} : memref<32x128xf32, #tpu.memory_space<vmem>>, vector<16xf32>,
          %parallel_loop3A_280 = arith.mulf %parallel_loop3A_279, %parallel_loop3A_269 : vector<16xf32>
          %parallel_loop3A_281 = arith.index_cast %parallel_loop3A_204 : i32 to index
          %parallel_loop3A_282 = arith.constant 16 : index
          %parallel_loop3A_283 = tpu.vector_load %arg20[%parallel_loop3A_281, %parallel_loop3A_282] {strides = array<i32>} : memref<32x128xf32, #tpu.memory_space<vmem>>, vector<16xf32>,
          tpu.vector_store %arg20[%parallel_loop3A_281, %parallel_loop3A_282], %parallel_loop3A_280 {strides = array<i32>} : memref<32x128xf32, #tpu.memory_space<vmem>>, vector<16xf32>,
          %parallel_loop3A_284 = arith.index_cast %parallel_loop3A_204 : i32 to index
          %parallel_loop3A_285 = arith.constant 32 : index
          %parallel_loop3A_286 = tpu.vector_load %arg20[%parallel_loop3A_284, %parallel_loop3A_285] {strides = array<i32>} : memref<32x128xf32, #tpu.memory_space<vmem>>, vector<16xf32>,
          %parallel_loop3A_287 = arith.mulf %parallel_loop3A_286, %parallel_loop3A_269 : vector<16xf32>
          %parallel_loop3A_288 = arith.index_cast %parallel_loop3A_204 : i32 to index
          %parallel_loop3A_289 = arith.constant 32 : index
          %parallel_loop3A_290 = tpu.vector_load %arg20[%parallel_loop3A_288, %parallel_loop3A_289] {strides = array<i32>} : memref<32x128xf32, #tpu.memory_space<vmem>>, vector<16xf32>,
          tpu.vector_store %arg20[%parallel_loop3A_288, %parallel_loop3A_289], %parallel_loop3A_287 {strides = array<i32>} : memref<32x128xf32, #tpu.memory_space<vmem>>, vector<16xf32>,
          %parallel_loop3A_291 = arith.index_cast %parallel_loop3A_204 : i32 to index
          %parallel_loop3A_292 = arith.constant 48 : index
          %parallel_loop3A_293 = tpu.vector_load %arg20[%parallel_loop3A_291, %parallel_loop3A_292] {strides = array<i32>} : memref<32x128xf32, #tpu.memory_space<vmem>>, vector<16xf32>,
          %parallel_loop3A_294 = arith.mulf %parallel_loop3A_293, %parallel_loop3A_269 : vector<16xf32>
          %parallel_loop3A_295 = arith.index_cast %parallel_loop3A_204 : i32 to index
          %parallel_loop3A_296 = arith.constant 48 : index
          %parallel_loop3A_297 = tpu.vector_load %arg20[%parallel_loop3A_295, %parallel_loop3A_296] {strides = array<i32>} : memref<32x128xf32, #tpu.memory_space<vmem>>, vector<16xf32>,
          tpu.vector_store %arg20[%parallel_loop3A_295, %parallel_loop3A_296], %parallel_loop3A_294 {strides = array<i32>} : memref<32x128xf32, #tpu.memory_space<vmem>>, vector<16xf32>,
          %parallel_loop3A_298 = arith.index_cast %parallel_loop3A_204 : i32 to index
          %parallel_loop3A_299 = arith.constant 64 : index
          %parallel_loop3A_300 = tpu.vector_load %arg20[%parallel_loop3A_298, %parallel_loop3A_299] {strides = array<i32>} : memref<32x128xf32, #tpu.memory_space<vmem>>, vector<16xf32>,
          %parallel_loop3A_301 = arith.mulf %parallel_loop3A_300, %parallel_loop3A_269 : vector<16xf32>
          %parallel_loop3A_302 = arith.index_cast %parallel_loop3A_204 : i32 to index
          %parallel_loop3A_303 = arith.constant 64 : index
          %parallel_loop3A_304 = tpu.vector_load %arg20[%parallel_loop3A_302, %parallel_loop3A_303] {strides = array<i32>} : memref<32x128xf32, #tpu.memory_space<vmem>>, vector<16xf32>,
          tpu.vector_store %arg20[%parallel_loop3A_302, %parallel_loop3A_303], %parallel_loop3A_301 {strides = array<i32>} : memref<32x128xf32, #tpu.memory_space<vmem>>, vector<16xf32>,
          %parallel_loop3A_305 = arith.index_cast %parallel_loop3A_204 : i32 to index
          %parallel_loop3A_306 = arith.constant 80 : index
          %parallel_loop3A_307 = tpu.vector_load %arg20[%parallel_loop3A_305, %parallel_loop3A_306] {strides = array<i32>} : memref<32x128xf32, #tpu.memory_space<vmem>>, vector<16xf32>,
          %parallel_loop3A_308 = arith.mulf %parallel_loop3A_307, %parallel_loop3A_269 : vector<16xf32>
          %parallel_loop3A_309 = arith.index_cast %parallel_loop3A_204 : i32 to index
          %parallel_loop3A_310 = arith.constant 80 : index
          %parallel_loop3A_311 = tpu.vector_load %arg20[%parallel_loop3A_309, %parallel_loop3A_310] {strides = array<i32>} : memref<32x128xf32, #tpu.memory_space<vmem>>, vector<16xf32>,
          tpu.vector_store %arg20[%parallel_loop3A_309, %parallel_loop3A_310], %parallel_loop3A_308 {strides = array<i32>} : memref<32x128xf32, #tpu.memory_space<vmem>>, vector<16xf32>,
          %parallel_loop3A_312 = arith.index_cast %parallel_loop3A_204 : i32 to index
          %parallel_loop3A_313 = arith.constant 96 : index
          %parallel_loop3A_314 = tpu.vector_load %arg20[%parallel_loop3A_312, %parallel_loop3A_313] {strides = array<i32>} : memref<32x128xf32, #tpu.memory_space<vmem>>, vector<16xf32>,
          %parallel_loop3A_315 = arith.mulf %parallel_loop3A_314, %parallel_loop3A_269 : vector<16xf32>
          %parallel_loop3A_316 = arith.index_cast %parallel_loop3A_204 : i32 to index
          %parallel_loop3A_317 = arith.constant 96 : index
          %parallel_loop3A_318 = tpu.vector_load %arg20[%parallel_loop3A_316, %parallel_loop3A_317] {strides = array<i32>} : memref<32x128xf32, #tpu.memory_space<vmem>>, vector<16xf32>,
          tpu.vector_store %arg20[%parallel_loop3A_316, %parallel_loop3A_317], %parallel_loop3A_315 {strides = array<i32>} : memref<32x128xf32, #tpu.memory_space<vmem>>, vector<16xf32>,
          %parallel_loop3A_319 = arith.index_cast %parallel_loop3A_204 : i32 to index
          %parallel_loop3A_320 = arith.constant 112 : index
          %parallel_loop3A_321 = tpu.vector_load %arg20[%parallel_loop3A_319, %parallel_loop3A_320] {strides = array<i32>} : memref<32x128xf32, #tpu.memory_space<vmem>>, vector<16xf32>,
          %parallel_loop3A_322 = arith.mulf %parallel_loop3A_321, %parallel_loop3A_269 : vector<16xf32>
          %parallel_loop3A_323 = arith.index_cast %parallel_loop3A_204 : i32 to index
          %parallel_loop3A_324 = arith.constant 112 : index
          %parallel_loop3A_325 = tpu.vector_load %arg20[%parallel_loop3A_323, %parallel_loop3A_324] {strides = array<i32>} : memref<32x128xf32, #tpu.memory_space<vmem>>, vector<16xf32>,
          tpu.vector_store %arg20[%parallel_loop3A_323, %parallel_loop3A_324], %parallel_loop3A_322 {strides = array<i32>} : memref<32x128xf32, #tpu.memory_space<vmem>>, vector<16xf32>,
        } {sc.loop_unroll_factor = 4 : i64, sc.parallel_access}
        %dma_start3A_185 = arith.constant 0 : i32
        %dma_start3A_186 = arith.constant 0 : i32
        %dma_start3A_187 = tpu.memref_slice %arg22[%dma_start3A_185, %dma_start3A_186] : memref<512x128xf32, #tpu.memory_space<vmem_shared>> -> memref<512x128xf32, #tpu.memory_space<vmem_shared>>
        tpu.enqueue_indirect_dma source(%arg19 : memref<32x128xf32, #tpu.memory_space<vmem>>) target(%dma_start3A_187 : memref<512x128xf32, #tpu.memory_space<vmem_shared>>) offsets(%arg17 : memref<32xi32, #tpu.memory_space<vmem>>) semaphore(%arg27 : memref<!tpu.dma_semaphore, #tpu.memory_space<semaphore_mem>>) {add = true}
        %dma_start3A_188 = arith.constant 0 : i32
        %dma_start3A_189 = arith.constant 0 : i32
        %dma_start3A_190 = tpu.memref_slice %arg23[%dma_start3A_188, %dma_start3A_189] : memref<512x128xf32, #tpu.memory_space<vmem_shared>> -> memref<512x128xf32, #tpu.memory_space<vmem_shared>>
        tpu.enqueue_indirect_dma source(%arg20 : memref<32x128xf32, #tpu.memory_space<vmem>>) target(%dma_start3A_190 : memref<512x128xf32, #tpu.memory_space<vmem_shared>>) offsets(%arg17 : memref<32xi32, #tpu.memory_space<vmem>>) semaphore(%arg27 : memref<!tpu.dma_semaphore, #tpu.memory_space<semaphore_mem>>) {add = true}
        %dma_start3A_191 = arith.constant 0 : i32
        %dma_start3A_192 = arith.constant 0 : i32
        %dma_start3A_193 = tpu.memref_slice %arg24[%dma_start3A_191, %dma_start3A_192] : memref<512x128xf32, #tpu.memory_space<vmem_shared>> -> memref<512x128xf32, #tpu.memory_space<vmem_shared>>
        tpu.enqueue_indirect_dma source(%arg21 : memref<32x128xf32, #tpu.memory_space<vmem>>) target(%dma_start3A_193 : memref<512x128xf32, #tpu.memory_space<vmem_shared>>) offsets(%arg17 : memref<32xi32, #tpu.memory_space<vmem>>) semaphore(%arg27 : memref<!tpu.dma_semaphore, #tpu.memory_space<semaphore_mem>>) {add = true}
        %dma_wait3A_194 = arith.constant 0 : i32
        %dma_wait3A_195 = arith.constant 0 : i32
        %dma_wait3A_196 = tpu.memref_slice %arg22[%dma_wait3A_194, %dma_wait3A_195] : memref<512x128xf32, #tpu.memory_space<vmem_shared>> -> memref<512x128xf32, #tpu.memory_space<vmem_shared>>
        tpu.wait_indirect_dma semaphore(%arg27 : memref<!tpu.dma_semaphore, #tpu.memory_space<semaphore_mem>>) src(%arg19 : memref<32x128xf32, #tpu.memory_space<vmem>>) dst(%dma_wait3A_196 : memref<512x128xf32, #tpu.memory_space<vmem_shared>>)
        %dma_wait3A_197 = arith.constant 0 : i32
        %dma_wait3A_198 = arith.constant 0 : i32
        %dma_wait3A_199 = tpu.memref_slice %arg23[%dma_wait3A_197, %dma_wait3A_198] : memref<512x128xf32, #tpu.memory_space<vmem_shared>> -> memref<512x128xf32, #tpu.memory_space<vmem_shared>>
        tpu.wait_indirect_dma semaphore(%arg27 : memref<!tpu.dma_semaphore, #tpu.memory_space<semaphore_mem>>) src(%arg20 : memref<32x128xf32, #tpu.memory_space<vmem>>) dst(%dma_wait3A_199 : memref<512x128xf32, #tpu.memory_space<vmem_shared>>)
        %dma_wait3A_200 = arith.constant 0 : i32
        %dma_wait3A_201 = arith.constant 0 : i32
        %dma_wait3A_202 = tpu.memref_slice %arg24[%dma_wait3A_200, %dma_wait3A_201] : memref<512x128xf32, #tpu.memory_space<vmem_shared>> -> memref<512x128xf32, #tpu.memory_space<vmem_shared>>
        tpu.wait_indirect_dma semaphore(%arg27 : memref<!tpu.dma_semaphore, #tpu.memory_space<semaphore_mem>>) src(%arg21 : memref<32x128xf32, #tpu.memory_space<vmem>>) dst(%dma_wait3A_202 : memref<512x128xf32, #tpu.memory_space<vmem_shared>>)
        %while3A_203 = arith.constant 0 : i32
        scf.yield %while3A_203 : i32
      }
      %while3A_64 = arith.constant 1 : i32
      %while3A_65 = scf.for %while3A_71 = %while3A_61 to %while3A_57 step %while3A_64 iter_args(%while3A_72 = %while3A_63) -> (i32)  : i32 {
        %mul3A_73 = arith.constant 32 : i32
        %mul3A_74 = arith.muli %while3A_71, %mul3A_73 : i32
        %add3A_75 = arith.constant 0 : i32
        %add3A_76 = arith.addi %mul3A_74, %add3A_75 : i32
        %get3A = arith.index_cast %add3A_76 : i32 to index
        %get3A_77 = tpu.vector_load %arg14[%get3A] {strides = array<i32>} : memref<10064xi32, #tpu.memory_space<vmem>>, vector<16xi32>,
        %gather3A = tpu.vector_load_idx %arg12[%get3A_77] : memref<10000xi32, #tpu.memory_space<vmem>>[vector<16xi32>], vector<16xi32>,
        %gather3A_78 = tpu.vector_load_idx %arg13[%get3A_77] : memref<10000xi32, #tpu.memory_space<vmem>>[vector<16xi32>], vector<16xi32>,
        %sub3A_79 = vector.broadcast %mul3A_14 : i32 to vector<16xi32>
        %sub3A_80 = arith.subi %gather3A_78, %sub3A_79 : vector<16xi32>
        %max3A = arith.constant 0 : i32
        %max3A_81 = vector.broadcast %max3A : i32 to vector<16xi32>
        %max3A_82 = arith.maxsi %sub3A_80, %max3A_81 : vector<16xi32>
        %min3A = arith.constant 511 : i32
        %min3A_83 = vector.broadcast %min3A : i32 to vector<16xi32>
        %min3A_84 = arith.minsi %max3A_82, %min3A_83 : vector<16xi32>
        %swap3A = arith.constant 0 : index
        %swap3A_85 = tpu.vector_load %arg15[%swap3A] {strides = array<i32>} : memref<32xi32, #tpu.memory_space<vmem>>, vector<16xi32>,
        tpu.vector_store %arg15[%swap3A], %gather3A {strides = array<i32>} : memref<32xi32, #tpu.memory_space<vmem>>, vector<16xi32>,
        %swap3A_86 = arith.constant 0 : index
        %swap3A_87 = tpu.vector_load %arg16[%swap3A_86] {strides = array<i32>} : memref<32xi32, #tpu.memory_space<vmem>>, vector<16xi32>,
        tpu.vector_store %arg16[%swap3A_86], %gather3A_78 {strides = array<i32>} : memref<32xi32, #tpu.memory_space<vmem>>, vector<16xi32>,
        %swap3A_88 = arith.constant 0 : index
        %swap3A_89 = tpu.vector_load %arg17[%swap3A_88] {strides = array<i32>} : memref<32xi32, #tpu.memory_space<vmem>>, vector<16xi32>,
        tpu.vector_store %arg17[%swap3A_88], %min3A_84 {strides = array<i32>} : memref<32xi32, #tpu.memory_space<vmem>>, vector<16xi32>,
        %add3A_90 = arith.constant 16 : i32
        %add3A_91 = arith.addi %mul3A_74, %add3A_90 : i32
        %get3A_92 = arith.index_cast %add3A_91 : i32 to index
        %get3A_93 = tpu.vector_load %arg14[%get3A_92] {strides = array<i32>} : memref<10064xi32, #tpu.memory_space<vmem>>, vector<16xi32>,
        %gather3A_94 = tpu.vector_load_idx %arg12[%get3A_93] : memref<10000xi32, #tpu.memory_space<vmem>>[vector<16xi32>], vector<16xi32>,
        %gather3A_95 = tpu.vector_load_idx %arg13[%get3A_93] : memref<10000xi32, #tpu.memory_space<vmem>>[vector<16xi32>], vector<16xi32>,
        %sub3A_96 = vector.broadcast %mul3A_14 : i32 to vector<16xi32>
        %sub3A_97 = arith.subi %gather3A_95, %sub3A_96 : vector<16xi32>
        %max3A_98 = arith.constant 0 : i32
        %max3A_99 = vector.broadcast %max3A_98 : i32 to vector<16xi32>
        %max3A_100 = arith.maxsi %sub3A_97, %max3A_99 : vector<16xi32>
        %min3A_101 = arith.constant 511 : i32
        %min3A_102 = vector.broadcast %min3A_101 : i32 to vector<16xi32>
        %min3A_103 = arith.minsi %max3A_100, %min3A_102 : vector<16xi32>
        %swap3A_104 = arith.constant 16 : index
        %swap3A_105 = tpu.vector_load %arg15[%swap3A_104] {strides = array<i32>} : memref<32xi32, #tpu.memory_space<vmem>>, vector<16xi32>,
        tpu.vector_store %arg15[%swap3A_104], %gather3A_94 {strides = array<i32>} : memref<32xi32, #tpu.memory_space<vmem>>, vector<16xi32>,
        %swap3A_106 = arith.constant 16 : index
        %swap3A_107 = tpu.vector_load %arg16[%swap3A_106] {strides = array<i32>} : memref<32xi32, #tpu.memory_space<vmem>>, vector<16xi32>,
        tpu.vector_store %arg16[%swap3A_106], %gather3A_95 {strides = array<i32>} : memref<32xi32, #tpu.memory_space<vmem>>, vector<16xi32>,
        %swap3A_108 = arith.constant 16 : index
        %swap3A_109 = tpu.vector_load %arg17[%swap3A_108] {strides = array<i32>} : memref<32xi32, #tpu.memory_space<vmem>>, vector<16xi32>,
        tpu.vector_store %arg17[%swap3A_108], %min3A_103 {strides = array<i32>} : memref<32xi32, #tpu.memory_space<vmem>>, vector<16xi32>,
        %dma_start3A = arith.constant 0 : i32
        %dma_start3A_110 = arith.constant 0 : i32
        %dma_start3A_111 = tpu.memref_slice %arg4[%dma_start3A, %dma_start3A_110] : memref<10240x128xf32, #tpu.memory_space<hbm>> -> memref<10240x128xf32, #tpu.memory_space<hbm>>
        tpu.enqueue_indirect_dma source(%dma_start3A_111 : memref<10240x128xf32, #tpu.memory_space<hbm>>) target(%arg18 : memref<32x128xf32, #tpu.memory_space<vmem>>) offsets(%arg16 : memref<32xi32, #tpu.memory_space<vmem>>) semaphore(%arg25 : memref<!tpu.dma_semaphore, #tpu.memory_space<semaphore_mem>>)
        %dma_start3A_112 = arith.constant 0 : i32
        %dma_start3A_113 = arith.constant 0 : i32
        %dma_start3A_114 = tpu.memref_slice %arg6[%dma_start3A_112, %dma_start3A_113] : memref<10240x128xf32, #tpu.memory_space<hbm>> -> memref<10240x128xf32, #tpu.memory_space<hbm>>
        tpu.enqueue_indirect_dma source(%dma_start3A_114 : memref<10240x128xf32, #tpu.memory_space<hbm>>) target(%arg19 : memref<32x128xf32, #tpu.memory_space<vmem>>) offsets(%arg15 : memref<32xi32, #tpu.memory_space<vmem>>) semaphore(%arg26 : memref<!tpu.dma_semaphore, #tpu.memory_space<semaphore_mem>>)
        %dma_start3A_115 = arith.constant 0 : i32
        %dma_start3A_116 = arith.constant 0 : i32
        %dma_start3A_117 = tpu.memref_slice %arg7[%dma_start3A_115, %dma_start3A_116] : memref<10240x128xf32, #tpu.memory_space<hbm>> -> memref<10240x128xf32, #tpu.memory_space<hbm>>
        tpu.enqueue_indirect_dma source(%dma_start3A_117 : memref<10240x128xf32, #tpu.memory_space<hbm>>) target(%arg20 : memref<32x128xf32, #tpu.memory_space<vmem>>) offsets(%arg15 : memref<32xi32, #tpu.memory_space<vmem>>) semaphore(%arg26 : memref<!tpu.dma_semaphore, #tpu.memory_space<semaphore_mem>>)
        %dma_start3A_118 = arith.constant 0 : i32
        %dma_start3A_119 = arith.constant 0 : i32
        %dma_start3A_120 = tpu.memref_slice %arg8[%dma_start3A_118, %dma_start3A_119] : memref<10240x128xf32, #tpu.memory_space<hbm>> -> memref<10240x128xf32, #tpu.memory_space<hbm>>
        tpu.enqueue_indirect_dma source(%dma_start3A_120 : memref<10240x128xf32, #tpu.memory_space<hbm>>) target(%arg21 : memref<32x128xf32, #tpu.memory_space<vmem>>) offsets(%arg15 : memref<32xi32, #tpu.memory_space<vmem>>) semaphore(%arg26 : memref<!tpu.dma_semaphore, #tpu.memory_space<semaphore_mem>>)
        %dma_wait3A = arith.constant 0 : i32
        %dma_wait3A_121 = arith.constant 0 : i32
        %dma_wait3A_122 = tpu.memref_slice %arg4[%dma_wait3A, %dma_wait3A_121] : memref<10240x128xf32, #tpu.memory_space<hbm>> -> memref<10240x128xf32, #tpu.memory_space<hbm>>
        tpu.wait_indirect_dma semaphore(%arg25 : memref<!tpu.dma_semaphore, #tpu.memory_space<semaphore_mem>>) src(%dma_wait3A_122 : memref<10240x128xf32, #tpu.memory_space<hbm>>) dst(%arg18 : memref<32x128xf32, #tpu.memory_space<vmem>>)
        %dma_wait3A_123 = arith.constant 0 : i32
        %dma_wait3A_124 = arith.constant 0 : i32
        %dma_wait3A_125 = tpu.memref_slice %arg6[%dma_wait3A_123, %dma_wait3A_124] : memref<10240x128xf32, #tpu.memory_space<hbm>> -> memref<10240x128xf32, #tpu.memory_space<hbm>>
        tpu.wait_indirect_dma semaphore(%arg26 : memref<!tpu.dma_semaphore, #tpu.memory_space<semaphore_mem>>) src(%dma_wait3A_125 : memref<10240x128xf32, #tpu.memory_space<hbm>>) dst(%arg19 : memref<32x128xf32, #tpu.memory_space<vmem>>)
        %dma_wait3A_126 = arith.constant 0 : i32
        %dma_wait3A_127 = arith.constant 0 : i32
        %dma_wait3A_128 = tpu.memref_slice %arg7[%dma_wait3A_126, %dma_wait3A_127] : memref<10240x128xf32, #tpu.memory_space<hbm>> -> memref<10240x128xf32, #tpu.memory_space<hbm>>
        tpu.wait_indirect_dma semaphore(%arg26 : memref<!tpu.dma_semaphore, #tpu.memory_space<semaphore_mem>>) src(%dma_wait3A_128 : memref<10240x128xf32, #tpu.memory_space<hbm>>) dst(%arg20 : memref<32x128xf32, #tpu.memory_space<vmem>>)
        %dma_wait3A_129 = arith.constant 0 : i32
        %dma_wait3A_130 = arith.constant 0 : i32
        %dma_wait3A_131 = tpu.memref_slice %arg8[%dma_wait3A_129, %dma_wait3A_130] : memref<10240x128xf32, #tpu.memory_space<hbm>> -> memref<10240x128xf32, #tpu.memory_space<hbm>>
        tpu.wait_indirect_dma semaphore(%arg26 : memref<!tpu.dma_semaphore, #tpu.memory_space<semaphore_mem>>) src(%dma_wait3A_131 : memref<10240x128xf32, #tpu.memory_space<hbm>>) dst(%arg21 : memref<32x128xf32, #tpu.memory_space<vmem>>)
        %add3A_132 = arith.constant 0 : i32
        %add3A_133 = vector.broadcast %add3A_132 : i32 to vector<16xi32>
        %add3A_134 = arith.addi %iota3A, %add3A_133 : vector<16xi32>
        %add3A_135 = vector.broadcast %mul3A_74 : i32 to vector<16xi32>
        %add3A_136 = arith.addi %add3A_135, %add3A_134 : vector<16xi32>
        %lt3A = vector.broadcast %scan3A_20 : i32 to vector<16xi32>
        %lt3A_137 = arith.cmpi slt, %add3A_136, %lt3A : vector<16xi32>
        %broadcast_in_dim3A_138 = arith.constant 0 : i32
        %broadcast_in_dim3A_139 = vector.broadcast %broadcast_in_dim3A_138 : i32 to vector<16xi32>
        %gather3A_140 = tpu.vector_load_idx %arg21[%add3A_134, %broadcast_in_dim3A_139] : memref<32x128xf32, #tpu.memory_space<vmem>>[vector<16xi32>, vector<16xi32>], vector<16xf32>,
        %broadcast_in_dim3A_141 = arith.constant 0 : i32
        %broadcast_in_dim3A_142 = vector.broadcast %broadcast_in_dim3A_141 : i32 to vector<16xi32>
        %gather3A_143 = tpu.vector_load_idx %arg18[%add3A_134, %broadcast_in_dim3A_142] : memref<32x128xf32, #tpu.memory_space<vmem>>[vector<16xi32>, vector<16xi32>], vector<16xf32>,
        %add3A_144 = arith.addf %gather3A_140, %gather3A_143 : vector<16xf32>
        %ge3A = arith.constant 0.000000e+00 : f32
        %ge3A_145 = vector.broadcast %ge3A : f32 to vector<16xf32>
        %ge3A_146 = arith.cmpf oge, %add3A_144, %ge3A_145 : vector<16xf32>
        %mul3A_147 = arith.constant 2.000000e-01 : f32
        %mul3A_148 = vector.broadcast %mul3A_147 : f32 to vector<16xf32>
        %mul3A_149 = arith.mulf %mul3A_148, %add3A_144 : vector<16xf32>
        %select_n3A_150 = arith.select %ge3A_146, %add3A_144, %mul3A_149 : vector<16xi1>, vector<16xf32>
        %exp3A = math.exp %select_n3A_150 : vector<16xf32>
        %jit3A_151 = arith.constant 0.000000e+00 : f32
        %broadcast_in_dim3A_152 = vector.broadcast %jit3A_151 : f32 to vector<16xf32>
        %select_n3A_153 = arith.select %lt3A_137, %exp3A, %broadcast_in_dim3A_152 : vector<16xi1>, vector<16xf32>
        %broadcast_in_dim3A_154 = arith.constant 0 : i32
        %broadcast_in_dim3A_155 = vector.broadcast %broadcast_in_dim3A_154 : i32 to vector<16xi32>
        tpu.vector_store_idx %arg21[%add3A_134, %broadcast_in_dim3A_155], %select_n3A_153 : memref<32x128xf32, #tpu.memory_space<vmem>>[vector<16xi32>, vector<16xi32>], vector<16xf32>,
        %add3A_156 = arith.constant 16 : i32
        %add3A_157 = vector.broadcast %add3A_156 : i32 to vector<16xi32>
        %add3A_158 = arith.addi %iota3A, %add3A_157 : vector<16xi32>
        %add3A_159 = vector.broadcast %mul3A_74 : i32 to vector<16xi32>
        %add3A_160 = arith.addi %add3A_159, %add3A_158 : vector<16xi32>
        %lt3A_161 = vector.broadcast %scan3A_20 : i32 to vector<16xi32>
        %lt3A_162 = arith.cmpi slt, %add3A_160, %lt3A_161 : vector<16xi32>
        %broadcast_in_dim3A_163 = arith.constant 0 : i32
        %broadcast_in_dim3A_164 = vector.broadcast %broadcast_in_dim3A_163 : i32 to vector<16xi32>
        %gather3A_165 = tpu.vector_load_idx %arg21[%add3A_158, %broadcast_in_dim3A_164] : memref<32x128xf32, #tpu.memory_space<vmem>>[vector<16xi32>, vector<16xi32>], vector<16xf32>,
        %broadcast_in_dim3A_166 = arith.constant 0 : i32
        %broadcast_in_dim3A_167 = vector.broadcast %broadcast_in_dim3A_166 : i32 to vector<16xi32>
        %gather3A_168 = tpu.vector_load_idx %arg18[%add3A_158, %broadcast_in_dim3A_167] : memref<32x128xf32, #tpu.memory_space<vmem>>[vector<16xi32>, vector<16xi32>], vector<16xf32>,
        %add3A_169 = arith.addf %gather3A_165, %gather3A_168 : vector<16xf32>
        %ge3A_170 = arith.constant 0.000000e+00 : f32
        %ge3A_171 = vector.broadcast %ge3A_170 : f32 to vector<16xf32>
        %ge3A_172 = arith.cmpf oge, %add3A_169, %ge3A_171 : vector<16xf32>
        %mul3A_173 = arith.constant 2.000000e-01 : f32
        %mul3A_174 = vector.broadcast %mul3A_173 : f32 to vector<16xf32>
        %mul3A_175 = arith.mulf %mul3A_174, %add3A_169 : vector<16xf32>
        %select_n3A_176 = arith.select %ge3A_172, %add3A_169, %mul3A_175 : vector<16xi1>, vector<16xf32>
        %exp3A_177 = math.exp %select_n3A_176 : vector<16xf32>
        %jit3A_178 = arith.constant 0.000000e+00 : f32
        %broadcast_in_dim3A_179 = vector.broadcast %jit3A_178 : f32 to vector<16xf32>
        %select_n3A_180 = arith.select %lt3A_162, %exp3A_177, %broadcast_in_dim3A_179 : vector<16xi1>, vector<16xf32>
        %broadcast_in_dim3A_181 = arith.constant 0 : i32
        %broadcast_in_dim3A_182 = vector.broadcast %broadcast_in_dim3A_181 : i32 to vector<16xi32>
        tpu.vector_store_idx %arg21[%add3A_158, %broadcast_in_dim3A_182], %select_n3A_180 : memref<32x128xf32, #tpu.memory_space<vmem>>[vector<16xi32>, vector<16xi32>], vector<16xf32>,
        %parallel_loop3A = arith.constant 0 : i32
        %parallel_loop3A_183 = arith.constant 32 : i32
        %parallel_loop3A_184 = arith.constant 1 : i32
        scf.for %parallel_loop3A_204 = %parallel_loop3A to %parallel_loop3A_183 step %parallel_loop3A_184  : i32 {
          %parallel_loop3A_205 = arith.index_cast %parallel_loop3A_204 : i32 to index
          %parallel_loop3A_206 = arith.constant 0 : index
          %parallel_loop3A_207 = tpu.vector_load %arg21[%parallel_loop3A_205, %parallel_loop3A_206] {strides = array<i32>} : memref<32x128xf32, #tpu.memory_space<vmem>>, vector<16xf32>,
          %parallel_loop3A_208 = vector.extract_strided_slice %parallel_loop3A_207 {offsets = [0], sizes = [1], strides = [1]} : vector<16xf32> to vector<1xf32>
          %parallel_loop3A_209 = vector.extract %parallel_loop3A_208[0] : f32 from vector<1xf32>
          %parallel_loop3A_210 = vector.broadcast %parallel_loop3A_209 : f32 to vector<16xf32>
          %parallel_loop3A_211 = arith.index_cast %parallel_loop3A_204 : i32 to index
          %parallel_loop3A_212 = arith.constant 0 : index
          %parallel_loop3A_213 = tpu.vector_load %arg19[%parallel_loop3A_211, %parallel_loop3A_212] {strides = array<i32>} : memref<32x128xf32, #tpu.memory_space<vmem>>, vector<16xf32>,
          %parallel_loop3A_214 = arith.mulf %parallel_loop3A_213, %parallel_loop3A_210 : vector<16xf32>
          %parallel_loop3A_215 = arith.index_cast %parallel_loop3A_204 : i32 to index
          %parallel_loop3A_216 = arith.constant 0 : index
          %parallel_loop3A_217 = tpu.vector_load %arg19[%parallel_loop3A_215, %parallel_loop3A_216] {strides = array<i32>} : memref<32x128xf32, #tpu.memory_space<vmem>>, vector<16xf32>,
          tpu.vector_store %arg19[%parallel_loop3A_215, %parallel_loop3A_216], %parallel_loop3A_214 {strides = array<i32>} : memref<32x128xf32, #tpu.memory_space<vmem>>, vector<16xf32>,
          %parallel_loop3A_218 = arith.index_cast %parallel_loop3A_204 : i32 to index
          %parallel_loop3A_219 = arith.constant 16 : index
          %parallel_loop3A_220 = tpu.vector_load %arg19[%parallel_loop3A_218, %parallel_loop3A_219] {strides = array<i32>} : memref<32x128xf32, #tpu.memory_space<vmem>>, vector<16xf32>,
          %parallel_loop3A_221 = arith.mulf %parallel_loop3A_220, %parallel_loop3A_210 : vector<16xf32>
          %parallel_loop3A_222 = arith.index_cast %parallel_loop3A_204 : i32 to index
          %parallel_loop3A_223 = arith.constant 16 : index
          %parallel_loop3A_224 = tpu.vector_load %arg19[%parallel_loop3A_222, %parallel_loop3A_223] {strides = array<i32>} : memref<32x128xf32, #tpu.memory_space<vmem>>, vector<16xf32>,
          tpu.vector_store %arg19[%parallel_loop3A_222, %parallel_loop3A_223], %parallel_loop3A_221 {strides = array<i32>} : memref<32x128xf32, #tpu.memory_space<vmem>>, vector<16xf32>,
          %parallel_loop3A_225 = arith.index_cast %parallel_loop3A_204 : i32 to index
          %parallel_loop3A_226 = arith.constant 32 : index
          %parallel_loop3A_227 = tpu.vector_load %arg19[%parallel_loop3A_225, %parallel_loop3A_226] {strides = array<i32>} : memref<32x128xf32, #tpu.memory_space<vmem>>, vector<16xf32>,
          %parallel_loop3A_228 = arith.mulf %parallel_loop3A_227, %parallel_loop3A_210 : vector<16xf32>
          %parallel_loop3A_229 = arith.index_cast %parallel_loop3A_204 : i32 to index
          %parallel_loop3A_230 = arith.constant 32 : index
          %parallel_loop3A_231 = tpu.vector_load %arg19[%parallel_loop3A_229, %parallel_loop3A_230] {strides = array<i32>} : memref<32x128xf32, #tpu.memory_space<vmem>>, vector<16xf32>,
          tpu.vector_store %arg19[%parallel_loop3A_229, %parallel_loop3A_230], %parallel_loop3A_228 {strides = array<i32>} : memref<32x128xf32, #tpu.memory_space<vmem>>, vector<16xf32>,
          %parallel_loop3A_232 = arith.index_cast %parallel_loop3A_204 : i32 to index
          %parallel_loop3A_233 = arith.constant 48 : index
          %parallel_loop3A_234 = tpu.vector_load %arg19[%parallel_loop3A_232, %parallel_loop3A_233] {strides = array<i32>} : memref<32x128xf32, #tpu.memory_space<vmem>>, vector<16xf32>,
          %parallel_loop3A_235 = arith.mulf %parallel_loop3A_234, %parallel_loop3A_210 : vector<16xf32>
          %parallel_loop3A_236 = arith.index_cast %parallel_loop3A_204 : i32 to index
          %parallel_loop3A_237 = arith.constant 48 : index
          %parallel_loop3A_238 = tpu.vector_load %arg19[%parallel_loop3A_236, %parallel_loop3A_237] {strides = array<i32>} : memref<32x128xf32, #tpu.memory_space<vmem>>, vector<16xf32>,
          tpu.vector_store %arg19[%parallel_loop3A_236, %parallel_loop3A_237], %parallel_loop3A_235 {strides = array<i32>} : memref<32x128xf32, #tpu.memory_space<vmem>>, vector<16xf32>,
          %parallel_loop3A_239 = arith.index_cast %parallel_loop3A_204 : i32 to index
          %parallel_loop3A_240 = arith.constant 64 : index
          %parallel_loop3A_241 = tpu.vector_load %arg19[%parallel_loop3A_239, %parallel_loop3A_240] {strides = array<i32>} : memref<32x128xf32, #tpu.memory_space<vmem>>, vector<16xf32>,
          %parallel_loop3A_242 = arith.mulf %parallel_loop3A_241, %parallel_loop3A_210 : vector<16xf32>
          %parallel_loop3A_243 = arith.index_cast %parallel_loop3A_204 : i32 to index
          %parallel_loop3A_244 = arith.constant 64 : index
          %parallel_loop3A_245 = tpu.vector_load %arg19[%parallel_loop3A_243, %parallel_loop3A_244] {strides = array<i32>} : memref<32x128xf32, #tpu.memory_space<vmem>>, vector<16xf32>,
          tpu.vector_store %arg19[%parallel_loop3A_243, %parallel_loop3A_244], %parallel_loop3A_242 {strides = array<i32>} : memref<32x128xf32, #tpu.memory_space<vmem>>, vector<16xf32>,
          %parallel_loop3A_246 = arith.index_cast %parallel_loop3A_204 : i32 to index
          %parallel_loop3A_247 = arith.constant 80 : index
          %parallel_loop3A_248 = tpu.vector_load %arg19[%parallel_loop3A_246, %parallel_loop3A_247] {strides = array<i32>} : memref<32x128xf32, #tpu.memory_space<vmem>>, vector<16xf32>,
          %parallel_loop3A_249 = arith.mulf %parallel_loop3A_248, %parallel_loop3A_210 : vector<16xf32>
          %parallel_loop3A_250 = arith.index_cast %parallel_loop3A_204 : i32 to index
          %parallel_loop3A_251 = arith.constant 80 : index
          %parallel_loop3A_252 = tpu.vector_load %arg19[%parallel_loop3A_250, %parallel_loop3A_251] {strides = array<i32>} : memref<32x128xf32, #tpu.memory_space<vmem>>, vector<16xf32>,
          tpu.vector_store %arg19[%parallel_loop3A_250, %parallel_loop3A_251], %parallel_loop3A_249 {strides = array<i32>} : memref<32x128xf32, #tpu.memory_space<vmem>>, vector<16xf32>,
          %parallel_loop3A_253 = arith.index_cast %parallel_loop3A_204 : i32 to index
          %parallel_loop3A_254 = arith.constant 96 : index
          %parallel_loop3A_255 = tpu.vector_load %arg19[%parallel_loop3A_253, %parallel_loop3A_254] {strides = array<i32>} : memref<32x128xf32, #tpu.memory_space<vmem>>, vector<16xf32>,
          %parallel_loop3A_256 = arith.mulf %parallel_loop3A_255, %parallel_loop3A_210 : vector<16xf32>
          %parallel_loop3A_257 = arith.index_cast %parallel_loop3A_204 : i32 to index
          %parallel_loop3A_258 = arith.constant 96 : index
          %parallel_loop3A_259 = tpu.vector_load %arg19[%parallel_loop3A_257, %parallel_loop3A_258] {strides = array<i32>} : memref<32x128xf32, #tpu.memory_space<vmem>>, vector<16xf32>,
          tpu.vector_store %arg19[%parallel_loop3A_257, %parallel_loop3A_258], %parallel_loop3A_256 {strides = array<i32>} : memref<32x128xf32, #tpu.memory_space<vmem>>, vector<16xf32>,
          %parallel_loop3A_260 = arith.index_cast %parallel_loop3A_204 : i32 to index
          %parallel_loop3A_261 = arith.constant 112 : index
          %parallel_loop3A_262 = tpu.vector_load %arg19[%parallel_loop3A_260, %parallel_loop3A_261] {strides = array<i32>} : memref<32x128xf32, #tpu.memory_space<vmem>>, vector<16xf32>,
          %parallel_loop3A_263 = arith.mulf %parallel_loop3A_262, %parallel_loop3A_210 : vector<16xf32>
          %parallel_loop3A_264 = arith.index_cast %parallel_loop3A_204 : i32 to index
          %parallel_loop3A_265 = arith.constant 112 : index
          %parallel_loop3A_266 = tpu.vector_load %arg19[%parallel_loop3A_264, %parallel_loop3A_265] {strides = array<i32>} : memref<32x128xf32, #tpu.memory_space<vmem>>, vector<16xf32>,
          tpu.vector_store %arg19[%parallel_loop3A_264, %parallel_loop3A_265], %parallel_loop3A_263 {strides = array<i32>} : memref<32x128xf32, #tpu.memory_space<vmem>>, vector<16xf32>,
          %parallel_loop3A_267 = vector.extract_strided_slice %parallel_loop3A_207 {offsets = [0], sizes = [1], strides = [1]} : vector<16xf32> to vector<1xf32>
          %parallel_loop3A_268 = vector.extract %parallel_loop3A_267[0] : f32 from vector<1xf32>
          %parallel_loop3A_269 = vector.broadcast %parallel_loop3A_268 : f32 to vector<16xf32>
          %parallel_loop3A_270 = arith.index_cast %parallel_loop3A_204 : i32 to index
          %parallel_loop3A_271 = arith.constant 0 : index
          %parallel_loop3A_272 = tpu.vector_load %arg20[%parallel_loop3A_270, %parallel_loop3A_271] {strides = array<i32>} : memref<32x128xf32, #tpu.memory_space<vmem>>, vector<16xf32>,
          %parallel_loop3A_273 = arith.mulf %parallel_loop3A_272, %parallel_loop3A_269 : vector<16xf32>
          %parallel_loop3A_274 = arith.index_cast %parallel_loop3A_204 : i32 to index
          %parallel_loop3A_275 = arith.constant 0 : index
          %parallel_loop3A_276 = tpu.vector_load %arg20[%parallel_loop3A_274, %parallel_loop3A_275] {strides = array<i32>} : memref<32x128xf32, #tpu.memory_space<vmem>>, vector<16xf32>,
          tpu.vector_store %arg20[%parallel_loop3A_274, %parallel_loop3A_275], %parallel_loop3A_273 {strides = array<i32>} : memref<32x128xf32, #tpu.memory_space<vmem>>, vector<16xf32>,
          %parallel_loop3A_277 = arith.index_cast %parallel_loop3A_204 : i32 to index
          %parallel_loop3A_278 = arith.constant 16 : index
          %parallel_loop3A_279 = tpu.vector_load %arg20[%parallel_loop3A_277, %parallel_loop3A_278] {strides = array<i32>} : memref<32x128xf32, #tpu.memory_space<vmem>>, vector<16xf32>,
          %parallel_loop3A_280 = arith.mulf %parallel_loop3A_279, %parallel_loop3A_269 : vector<16xf32>
          %parallel_loop3A_281 = arith.index_cast %parallel_loop3A_204 : i32 to index
          %parallel_loop3A_282 = arith.constant 16 : index
          %parallel_loop3A_283 = tpu.vector_load %arg20[%parallel_loop3A_281, %parallel_loop3A_282] {strides = array<i32>} : memref<32x128xf32, #tpu.memory_space<vmem>>, vector<16xf32>,
          tpu.vector_store %arg20[%parallel_loop3A_281, %parallel_loop3A_282], %parallel_loop3A_280 {strides = array<i32>} : memref<32x128xf32, #tpu.memory_space<vmem>>, vector<16xf32>,
          %parallel_loop3A_284 = arith.index_cast %parallel_loop3A_204 : i32 to index
          %parallel_loop3A_285 = arith.constant 32 : index
          %parallel_loop3A_286 = tpu.vector_load %arg20[%parallel_loop3A_284, %parallel_loop3A_285] {strides = array<i32>} : memref<32x128xf32, #tpu.memory_space<vmem>>, vector<16xf32>,
          %parallel_loop3A_287 = arith.mulf %parallel_loop3A_286, %parallel_loop3A_269 : vector<16xf32>
          %parallel_loop3A_288 = arith.index_cast %parallel_loop3A_204 : i32 to index
          %parallel_loop3A_289 = arith.constant 32 : index
          %parallel_loop3A_290 = tpu.vector_load %arg20[%parallel_loop3A_288, %parallel_loop3A_289] {strides = array<i32>} : memref<32x128xf32, #tpu.memory_space<vmem>>, vector<16xf32>,
          tpu.vector_store %arg20[%parallel_loop3A_288, %parallel_loop3A_289], %parallel_loop3A_287 {strides = array<i32>} : memref<32x128xf32, #tpu.memory_space<vmem>>, vector<16xf32>,
          %parallel_loop3A_291 = arith.index_cast %parallel_loop3A_204 : i32 to index
          %parallel_loop3A_292 = arith.constant 48 : index
          %parallel_loop3A_293 = tpu.vector_load %arg20[%parallel_loop3A_291, %parallel_loop3A_292] {strides = array<i32>} : memref<32x128xf32, #tpu.memory_space<vmem>>, vector<16xf32>,
          %parallel_loop3A_294 = arith.mulf %parallel_loop3A_293, %parallel_loop3A_269 : vector<16xf32>
          %parallel_loop3A_295 = arith.index_cast %parallel_loop3A_204 : i32 to index
          %parallel_loop3A_296 = arith.constant 48 : index
          %parallel_loop3A_297 = tpu.vector_load %arg20[%parallel_loop3A_295, %parallel_loop3A_296] {strides = array<i32>} : memref<32x128xf32, #tpu.memory_space<vmem>>, vector<16xf32>,
          tpu.vector_store %arg20[%parallel_loop3A_295, %parallel_loop3A_296], %parallel_loop3A_294 {strides = array<i32>} : memref<32x128xf32, #tpu.memory_space<vmem>>, vector<16xf32>,
          %parallel_loop3A_298 = arith.index_cast %parallel_loop3A_204 : i32 to index
          %parallel_loop3A_299 = arith.constant 64 : index
          %parallel_loop3A_300 = tpu.vector_load %arg20[%parallel_loop3A_298, %parallel_loop3A_299] {strides = array<i32>} : memref<32x128xf32, #tpu.memory_space<vmem>>, vector<16xf32>,
          %parallel_loop3A_301 = arith.mulf %parallel_loop3A_300, %parallel_loop3A_269 : vector<16xf32>
          %parallel_loop3A_302 = arith.index_cast %parallel_loop3A_204 : i32 to index
          %parallel_loop3A_303 = arith.constant 64 : index
          %parallel_loop3A_304 = tpu.vector_load %arg20[%parallel_loop3A_302, %parallel_loop3A_303] {strides = array<i32>} : memref<32x128xf32, #tpu.memory_space<vmem>>, vector<16xf32>,
          tpu.vector_store %arg20[%parallel_loop3A_302, %parallel_loop3A_303], %parallel_loop3A_301 {strides = array<i32>} : memref<32x128xf32, #tpu.memory_space<vmem>>, vector<16xf32>,
          %parallel_loop3A_305 = arith.index_cast %parallel_loop3A_204 : i32 to index
          %parallel_loop3A_306 = arith.constant 80 : index
          %parallel_loop3A_307 = tpu.vector_load %arg20[%parallel_loop3A_305, %parallel_loop3A_306] {strides = array<i32>} : memref<32x128xf32, #tpu.memory_space<vmem>>, vector<16xf32>,
          %parallel_loop3A_308 = arith.mulf %parallel_loop3A_307, %parallel_loop3A_269 : vector<16xf32>
          %parallel_loop3A_309 = arith.index_cast %parallel_loop3A_204 : i32 to index
          %parallel_loop3A_310 = arith.constant 80 : index
          %parallel_loop3A_311 = tpu.vector_load %arg20[%parallel_loop3A_309, %parallel_loop3A_310] {strides = array<i32>} : memref<32x128xf32, #tpu.memory_space<vmem>>, vector<16xf32>,
          tpu.vector_store %arg20[%parallel_loop3A_309, %parallel_loop3A_310], %parallel_loop3A_308 {strides = array<i32>} : memref<32x128xf32, #tpu.memory_space<vmem>>, vector<16xf32>,
          %parallel_loop3A_312 = arith.index_cast %parallel_loop3A_204 : i32 to index
          %parallel_loop3A_313 = arith.constant 96 : index
          %parallel_loop3A_314 = tpu.vector_load %arg20[%parallel_loop3A_312, %parallel_loop3A_313] {strides = array<i32>} : memref<32x128xf32, #tpu.memory_space<vmem>>, vector<16xf32>,
          %parallel_loop3A_315 = arith.mulf %parallel_loop3A_314, %parallel_loop3A_269 : vector<16xf32>
          %parallel_loop3A_316 = arith.index_cast %parallel_loop3A_204 : i32 to index
          %parallel_loop3A_317 = arith.constant 96 : index
          %parallel_loop3A_318 = tpu.vector_load %arg20[%parallel_loop3A_316, %parallel_loop3A_317] {strides = array<i32>} : memref<32x128xf32, #tpu.memory_space<vmem>>, vector<16xf32>,
          tpu.vector_store %arg20[%parallel_loop3A_316, %parallel_loop3A_317], %parallel_loop3A_315 {strides = array<i32>} : memref<32x128xf32, #tpu.memory_space<vmem>>, vector<16xf32>,
          %parallel_loop3A_319 = arith.index_cast %parallel_loop3A_204 : i32 to index
          %parallel_loop3A_320 = arith.constant 112 : index
          %parallel_loop3A_321 = tpu.vector_load %arg20[%parallel_loop3A_319, %parallel_loop3A_320] {strides = array<i32>} : memref<32x128xf32, #tpu.memory_space<vmem>>, vector<16xf32>,
          %parallel_loop3A_322 = arith.mulf %parallel_loop3A_321, %parallel_loop3A_269 : vector<16xf32>
          %parallel_loop3A_323 = arith.index_cast %parallel_loop3A_204 : i32 to index
          %parallel_loop3A_324 = arith.constant 112 : index
          %parallel_loop3A_325 = tpu.vector_load %arg20[%parallel_loop3A_323, %parallel_loop3A_324] {strides = array<i32>} : memref<32x128xf32, #tpu.memory_space<vmem>>, vector<16xf32>,
          tpu.vector_store %arg20[%parallel_loop3A_323, %parallel_loop3A_324], %parallel_loop3A_322 {strides = array<i32>} : memref<32x128xf32, #tpu.memory_space<vmem>>, vector<16xf32>,
        } {sc.loop_unroll_factor = 4 : i64, sc.parallel_access}
        %dma_start3A_185 = arith.constant 0 : i32
        %dma_start3A_186 = arith.constant 0 : i32
        %dma_start3A_187 = tpu.memref_slice %arg22[%dma_start3A_185, %dma_start3A_186] : memref<512x128xf32, #tpu.memory_space<vmem_shared>> -> memref<512x128xf32, #tpu.memory_space<vmem_shared>>
        tpu.enqueue_indirect_dma source(%arg19 : memref<32x128xf32, #tpu.memory_space<vmem>>) target(%dma_start3A_187 : memref<512x128xf32, #tpu.memory_space<vmem_shared>>) offsets(%arg17 : memref<32xi32, #tpu.memory_space<vmem>>) semaphore(%arg27 : memref<!tpu.dma_semaphore, #tpu.memory_space<semaphore_mem>>) {add = true}
        %dma_start3A_188 = arith.constant 0 : i32
        %dma_start3A_189 = arith.constant 0 : i32
        %dma_start3A_190 = tpu.memref_slice %arg23[%dma_start3A_188, %dma_start3A_189] : memref<512x128xf32, #tpu.memory_space<vmem_shared>> -> memref<512x128xf32, #tpu.memory_space<vmem_shared>>
        tpu.enqueue_indirect_dma source(%arg20 : memref<32x128xf32, #tpu.memory_space<vmem>>) target(%dma_start3A_190 : memref<512x128xf32, #tpu.memory_space<vmem_shared>>) offsets(%arg17 : memref<32xi32, #tpu.memory_space<vmem>>) semaphore(%arg27 : memref<!tpu.dma_semaphore, #tpu.memory_space<semaphore_mem>>) {add = true}
        %dma_start3A_191 = arith.constant 0 : i32
        %dma_start3A_192 = arith.constant 0 : i32
        %dma_start3A_193 = tpu.memref_slice %arg24[%dma_start3A_191, %dma_start3A_192] : memref<512x128xf32, #tpu.memory_space<vmem_shared>> -> memref<512x128xf32, #tpu.memory_space<vmem_shared>>
        tpu.enqueue_indirect_dma source(%arg21 : memref<32x128xf32, #tpu.memory_space<vmem>>) target(%dma_start3A_193 : memref<512x128xf32, #tpu.memory_space<vmem_shared>>) offsets(%arg17 : memref<32xi32, #tpu.memory_space<vmem>>) semaphore(%arg27 : memref<!tpu.dma_semaphore, #tpu.memory_space<semaphore_mem>>) {add = true}
        %dma_wait3A_194 = arith.constant 0 : i32
        %dma_wait3A_195 = arith.constant 0 : i32
        %dma_wait3A_196 = tpu.memref_slice %arg22[%dma_wait3A_194, %dma_wait3A_195] : memref<512x128xf32, #tpu.memory_space<vmem_shared>> -> memref<512x128xf32, #tpu.memory_space<vmem_shared>>
        tpu.wait_indirect_dma semaphore(%arg27 : memref<!tpu.dma_semaphore, #tpu.memory_space<semaphore_mem>>) src(%arg19 : memref<32x128xf32, #tpu.memory_space<vmem>>) dst(%dma_wait3A_196 : memref<512x128xf32, #tpu.memory_space<vmem_shared>>)
        %dma_wait3A_197 = arith.constant 0 : i32
        %dma_wait3A_198 = arith.constant 0 : i32
        %dma_wait3A_199 = tpu.memref_slice %arg23[%dma_wait3A_197, %dma_wait3A_198] : memref<512x128xf32, #tpu.memory_space<vmem_shared>> -> memref<512x128xf32, #tpu.memory_space<vmem_shared>>
        tpu.wait_indirect_dma semaphore(%arg27 : memref<!tpu.dma_semaphore, #tpu.memory_space<semaphore_mem>>) src(%arg20 : memref<32x128xf32, #tpu.memory_space<vmem>>) dst(%dma_wait3A_199 : memref<512x128xf32, #tpu.memory_space<vmem_shared>>)
        %dma_wait3A_200 = arith.constant 0 : i32
        %dma_wait3A_201 = arith.constant 0 : i32
        %dma_wait3A_202 = tpu.memref_slice %arg24[%dma_wait3A_200, %dma_wait3A_201] : memref<512x128xf32, #tpu.memory_space<vmem_shared>> -> memref<512x128xf32, #tpu.memory_space<vmem_shared>>
        tpu.wait_indirect_dma semaphore(%arg27 : memref<!tpu.dma_semaphore, #tpu.memory_space<semaphore_mem>>) src(%arg21 : memref<32x128xf32, #tpu.memory_space<vmem>>) dst(%dma_wait3A_202 : memref<512x128xf32, #tpu.memory_space<vmem_shared>>)
        %while3A_203 = arith.constant 0 : i32
        scf.yield %while3A_203 : i32
      }
      %barrier3A_66 = arith.constant 0 : index
      tpu.barrier barrier_id(%barrier3A_66)
      %add3A_67 = arith.addi %mul3A_14, %mul3A_2 : i32
      "tpu.region"() ({
        %run_scoped3A = tpu.sem_alloc : memref<!tpu.dma_semaphore, #tpu.memory_space<semaphore_mem>>
        %dma_start3A = arith.constant 0 : i32
        %dma_start3A_71 = tpu.memref_slice %arg9[%add3A_67, %dma_start3A] : memref<10240x128xf32, #tpu.memory_space<hbm>> -> memref<32x128xf32, #tpu.memory_space<hbm>>
        %dma_start3A_72 = arith.constant 0 : i32
        %dma_start3A_73 = tpu.memref_slice %arg22[%mul3A_2, %dma_start3A_72] : memref<512x128xf32, #tpu.memory_space<vmem_shared>> -> memref<32x128xf32, #tpu.memory_space<vmem_shared>>
        tpu.enqueue_dma source(%dma_start3A_73 : memref<32x128xf32, #tpu.memory_space<vmem_shared>>) target(%dma_start3A_71 : memref<32x128xf32, #tpu.memory_space<hbm>>) target_semaphore(%run_scoped3A : memref<!tpu.dma_semaphore, #tpu.memory_space<semaphore_mem>>)
        %dma_wait3A = arith.constant 0 : i32
        %dma_wait3A_74 = tpu.memref_slice %arg9[%add3A_67, %dma_wait3A] : memref<10240x128xf32, #tpu.memory_space<hbm>> -> memref<32x128xf32, #tpu.memory_space<hbm>>
        %dma_wait3A_75 = arith.constant 0 : i32
        %dma_wait3A_76 = tpu.memref_slice %arg22[%mul3A_2, %dma_wait3A_75] : memref<512x128xf32, #tpu.memory_space<vmem_shared>> -> memref<32x128xf32, #tpu.memory_space<vmem_shared>>
        tpu.wait_dma2 semaphore(%run_scoped3A : memref<!tpu.dma_semaphore, #tpu.memory_space<semaphore_mem>>) src(%dma_wait3A_76 : memref<32x128xf32, #tpu.memory_space<vmem_shared>>) dst(%dma_wait3A_74 : memref<32x128xf32, #tpu.memory_space<hbm>>)
        tpu.yield
      }) : () -> ()
      %add3A_68 = arith.addi %mul3A_14, %mul3A_2 : i32
      "tpu.region"() ({
        %run_scoped3A = tpu.sem_alloc : memref<!tpu.dma_semaphore, #tpu.memory_space<semaphore_mem>>
        %dma_start3A = arith.constant 0 : i32
        %dma_start3A_71 = tpu.memref_slice %arg10[%add3A_68, %dma_start3A] : memref<10240x128xf32, #tpu.memory_space<hbm>> -> memref<32x128xf32, #tpu.memory_space<hbm>>
        %dma_start3A_72 = arith.constant 0 : i32
        %dma_start3A_73 = tpu.memref_slice %arg23[%mul3A_2, %dma_start3A_72] : memref<512x128xf32, #tpu.memory_space<vmem_shared>> -> memref<32x128xf32, #tpu.memory_space<vmem_shared>>
        tpu.enqueue_dma source(%dma_start3A_73 : memref<32x128xf32, #tpu.memory_space<vmem_shared>>) target(%dma_start3A_71 : memref<32x128xf32, #tpu.memory_space<hbm>>) target_semaphore(%run_scoped3A : memref<!tpu.dma_semaphore, #tpu.memory_space<semaphore_mem>>)
        %dma_wait3A = arith.constant 0 : i32
        %dma_wait3A_74 = tpu.memref_slice %arg10[%add3A_68, %dma_wait3A] : memref<10240x128xf32, #tpu.memory_space<hbm>> -> memref<32x128xf32, #tpu.memory_space<hbm>>
        %dma_wait3A_75 = arith.constant 0 : i32
        %dma_wait3A_76 = tpu.memref_slice %arg23[%mul3A_2, %dma_wait3A_75] : memref<512x128xf32, #tpu.memory_space<vmem_shared>> -> memref<32x128xf32, #tpu.memory_space<vmem_shared>>
        tpu.wait_dma2 semaphore(%run_scoped3A : memref<!tpu.dma_semaphore, #tpu.memory_space<semaphore_mem>>) src(%dma_wait3A_76 : memref<32x128xf32, #tpu.memory_space<vmem_shared>>) dst(%dma_wait3A_74 : memref<32x128xf32, #tpu.memory_space<hbm>>)
        tpu.yield
      }) : () -> ()
      %add3A_69 = arith.addi %mul3A_14, %mul3A_2 : i32
      "tpu.region"() ({
        %run_scoped3A = tpu.sem_alloc : memref<!tpu.dma_semaphore, #tpu.memory_space<semaphore_mem>>
        %dma_start3A = arith.constant 0 : i32
        %dma_start3A_71 = tpu.memref_slice %arg11[%add3A_69, %dma_start3A] : memref<10240x128xf32, #tpu.memory_space<hbm>> -> memref<32x128xf32, #tpu.memory_space<hbm>>
        %dma_start3A_72 = arith.constant 0 : i32
        %dma_start3A_73 = tpu.memref_slice %arg24[%mul3A_2, %dma_start3A_72] : memref<512x128xf32, #tpu.memory_space<vmem_shared>> -> memref<32x128xf32, #tpu.memory_space<vmem_shared>>
        tpu.enqueue_dma source(%dma_start3A_73 : memref<32x128xf32, #tpu.memory_space<vmem_shared>>) target(%dma_start3A_71 : memref<32x128xf32, #tpu.memory_space<hbm>>) target_semaphore(%run_scoped3A : memref<!tpu.dma_semaphore, #tpu.memory_space<semaphore_mem>>)
        %dma_wait3A = arith.constant 0 : i32
        %dma_wait3A_74 = tpu.memref_slice %arg11[%add3A_69, %dma_wait3A] : memref<10240x128xf32, #tpu.memory_space<hbm>> -> memref<32x128xf32, #tpu.memory_space<hbm>>
        %dma_wait3A_75 = arith.constant 0 : i32
        %dma_wait3A_76 = tpu.memref_slice %arg24[%mul3A_2, %dma_wait3A_75] : memref<512x128xf32, #tpu.memory_space<vmem_shared>> -> memref<32x128xf32, #tpu.memory_space<vmem_shared>>
        tpu.wait_dma2 semaphore(%run_scoped3A : memref<!tpu.dma_semaphore, #tpu.memory_space<semaphore_mem>>) src(%dma_wait3A_76 : memref<32x128xf32, #tpu.memory_space<vmem_shared>>) dst(%dma_wait3A_74 : memref<32x128xf32, #tpu.memory_space<hbm>>)
        tpu.yield
      }) : () -> ()
      %scan3A_70 = arith.constant 0 : i32
      scf.yield %scan3A_70 : i32
    }
    %scan3A_8 = arith.constant 10 : i32
    return
  }
}

module attributes {stable_mosaic.version = 14 : i64} {
  func.func @_lay1_body(%arg0: i32, %arg1: memref<256x256xf32, #tpu.memory_space<vmem>>, %arg2: memref<256x1024xf32, #tpu.memory_space<vmem>>, %arg3: memref<1024x128xf32, #tpu.memory_space<vmem>>, %arg4: memref<1024x128xf32, #tpu.memory_space<vmem>>, %arg5: memref<256x1152xf32, #tpu.memory_space<vmem>>, %arg6: memref<256x128xf32, #tpu.memory_space<vmem>>) attributes {dimension_semantics = [#tpu.dimension_semantics<arbitrary>], iteration_bounds = array<i64: 40>, scalar_prefetch = 0 : i64, scratch_operands = 0 : i64, tpu.core_type = #tpu.core_type<tc>, window_params = [{transform_indices = @transform_0, window_bounds = array<i64: 256, 256>}, {pipeline_mode = #tpu.pipeline_mode<synchronous>, transform_indices = @transform_1, window_bounds = array<i64: 256, 1024>}, {pipeline_mode = #tpu.pipeline_mode<synchronous>, transform_indices = @transform_2, window_bounds = array<i64: 1024, 128>}, {pipeline_mode = #tpu.pipeline_mode<synchronous>, transform_indices = @transform_3, window_bounds = array<i64: 1024, 128>}, {transform_indices = @transform_4, window_bounds = array<i64: 256, 1152>}, {transform_indices = @transform_5, window_bounds = array<i64: 256, 128>}]} {
    %get3A = arith.constant 0 : index
    %get3A_0 = arith.constant 0 : index
    %get3A_1 = vector.load %arg1[%get3A, %get3A_0] : memref<256x256xf32, #tpu.memory_space<vmem>>, vector<256x256xf32>
    %get3A_2 = arith.constant 0 : index
    %get3A_3 = arith.constant 0 : index
    %get3A_4 = vector.load %arg2[%get3A_2, %get3A_3] : memref<256x1024xf32, #tpu.memory_space<vmem>>, vector<256x1024xf32>
    %dot_general3A = arith.constant dense<0.000000e+00> : vector<256x1024xf32>
    %dot_general3A_5 = tpu.matmul %get3A_1, %get3A_4, %dot_general3A {dimension_numbers = #tpu.dot_dimension_numbers<[1], [0], [0], [1], [0, 0, 1, 1], [], []>, transpose_lhs_hint = false} : vector<256x256xf32>, vector<256x1024xf32>, vector<256x1024xf32> -> vector<256x1024xf32>
    %get3A_6 = arith.constant 0 : index
    %get3A_7 = arith.constant 0 : index
    %get3A_8 = vector.load %arg3[%get3A_6, %get3A_7] : memref<1024x128xf32, #tpu.memory_space<vmem>>, vector<1024x128xf32>
    %dot_general3A_9 = arith.constant dense<0.000000e+00> : vector<256x128xf32>
    %dot_general3A_10 = tpu.matmul %dot_general3A_5, %get3A_8, %dot_general3A_9 {dimension_numbers = #tpu.dot_dimension_numbers<[1], [0], [0], [1], [0, 0, 1, 1], [], []>, transpose_lhs_hint = false} : vector<256x1024xf32>, vector<1024x128xf32>, vector<256x128xf32> -> vector<256x128xf32>
    %concatenate3A = tpu.concatenate %dot_general3A_5, %dot_general3A_10 in 1 : vector<256x1024xf32>, vector<256x128xf32> -> vector<256x1152xf32>
    %swap3A = arith.constant 0 : index
    %swap3A_11 = arith.constant 0 : index
    %swap3A_12 = vector.load %arg5[%swap3A, %swap3A_11] : memref<256x1152xf32, #tpu.memory_space<vmem>>, vector<256x1152xf32>
    tpu.vector_store %arg5[%swap3A, %swap3A_11], %concatenate3A {strides = array<i32>} : memref<256x1152xf32, #tpu.memory_space<vmem>>, vector<256x1152xf32>,
    %get3A_13 = arith.constant 0 : index
    %get3A_14 = arith.constant 0 : index
    %get3A_15 = vector.load %arg4[%get3A_13, %get3A_14] : memref<1024x128xf32, #tpu.memory_space<vmem>>, vector<1024x128xf32>
    %dot_general3A_16 = arith.constant dense<0.000000e+00> : vector<256x128xf32>
    %dot_general3A_17 = tpu.matmul %dot_general3A_5, %get3A_15, %dot_general3A_16 {dimension_numbers = #tpu.dot_dimension_numbers<[1], [0], [0], [1], [0, 0, 1, 1], [], []>, transpose_lhs_hint = false} : vector<256x1024xf32>, vector<1024x128xf32>, vector<256x128xf32> -> vector<256x128xf32>
    %swap3A_18 = arith.constant 0 : index
    %swap3A_19 = arith.constant 0 : index
    %swap3A_20 = vector.load %arg6[%swap3A_18, %swap3A_19] : memref<256x128xf32, #tpu.memory_space<vmem>>, vector<256x128xf32>
    tpu.vector_store %arg6[%swap3A_18, %swap3A_19], %dot_general3A_17 {strides = array<i32>} : memref<256x128xf32, #tpu.memory_space<vmem>>, vector<256x128xf32>,
    return
  }
  func.func @transform_0(%arg0: i32) -> (i32, i32) {
    %c0_i32 = arith.constant 0 : i32
    %c0_i32_0 = arith.constant 0 : i32
    return %arg0, %c0_i32 : i32, i32
  }
  func.func @transform_1(%arg0: i32) -> (i32, i32) {
    %c0_i32 = arith.constant 0 : i32
    %c0_i32_0 = arith.constant 0 : i32
    %c0_i32_1 = arith.constant 0 : i32
    return %c0_i32, %c0_i32_0 : i32, i32
  }
  func.func @transform_2(%arg0: i32) -> (i32, i32) {
    %c0_i32 = arith.constant 0 : i32
    %c0_i32_0 = arith.constant 0 : i32
    %c0_i32_1 = arith.constant 0 : i32
    return %c0_i32, %c0_i32_0 : i32, i32
  }
  func.func @transform_3(%arg0: i32) -> (i32, i32) {
    %c0_i32 = arith.constant 0 : i32
    %c0_i32_0 = arith.constant 0 : i32
    %c0_i32_1 = arith.constant 0 : i32
    return %c0_i32, %c0_i32_0 : i32, i32
  }
  func.func @transform_4(%arg0: i32) -> (i32, i32) {
    %c0_i32 = arith.constant 0 : i32
    %c0_i32_0 = arith.constant 0 : i32
    return %arg0, %c0_i32 : i32, i32
  }
  func.func @transform_5(%arg0: i32) -> (i32, i32) {
    %c0_i32 = arith.constant 0 : i32
    %c0_i32_0 = arith.constant 0 : i32
    return %arg0, %c0_i32 : i32, i32
  }
}

module attributes {stable_mosaic.version = 14 : i64} {
  func.func @_lay2_body(%arg0: i32, %arg1: memref<256x1152xf32, #tpu.memory_space<vmem>>, %arg2: memref<16x1024xf32, #tpu.memory_space<vmem>>, %arg3: memref<1x1024xf32, #tpu.memory_space<vmem>>, %arg4: memref<1024x256xf32, #tpu.memory_space<vmem>>, %arg5: memref<256x128xf32, #tpu.memory_space<vmem>>, %arg6: memref<256x128xf32, #tpu.memory_space<vmem>>, %arg7: memref<256x384xf32, #tpu.memory_space<vmem>>, %arg8: memref<256x128xf32, #tpu.memory_space<vmem>>) attributes {dimension_semantics = [#tpu.dimension_semantics<arbitrary>], iteration_bounds = array<i64: 40>, scalar_prefetch = 0 : i64, scratch_operands = 0 : i64, tpu.core_type = #tpu.core_type<tc>, window_params = [{transform_indices = @transform_0, window_bounds = array<i64: 256, 1152>}, {pipeline_mode = #tpu.pipeline_mode<synchronous>, transform_indices = @transform_1, window_bounds = array<i64: 16, 1024>}, {pipeline_mode = #tpu.pipeline_mode<synchronous>, transform_indices = @transform_2, window_bounds = array<i64: 1, 1024>}, {pipeline_mode = #tpu.pipeline_mode<synchronous>, transform_indices = @transform_3, window_bounds = array<i64: 1024, 256>}, {pipeline_mode = #tpu.pipeline_mode<synchronous>, transform_indices = @transform_4, window_bounds = array<i64: 256, 128>}, {pipeline_mode = #tpu.pipeline_mode<synchronous>, transform_indices = @transform_5, window_bounds = array<i64: 256, 128>}, {transform_indices = @transform_6, window_bounds = array<i64: 256, 384>}, {transform_indices = @transform_7, window_bounds = array<i64: 256, 128>}]} {
    %get3A = arith.constant 0 : index
    %get3A_0 = arith.constant 0 : index
    %get3A_1 = vector.load %arg1[%get3A, %get3A_0] : memref<256x1152xf32, #tpu.memory_space<vmem>>, vector<256x1152xf32>
    %slice3A = vector.extract_strided_slice %get3A_1 {offsets = [0, 1024], sizes = [256, 16], strides = [1, 1]} : vector<256x1152xf32> to vector<256x16xf32>
    %get3A_2 = arith.constant 0 : index
    %get3A_3 = arith.constant 0 : index
    %get3A_4 = vector.load %arg2[%get3A_2, %get3A_3] : memref<16x1024xf32, #tpu.memory_space<vmem>>, vector<16x1024xf32>
    %dot_general3A = arith.constant dense<0.000000e+00> : vector<256x1024xf32>
    %dot_general3A_5 = tpu.matmul %slice3A, %get3A_4, %dot_general3A {dimension_numbers = #tpu.dot_dimension_numbers<[1], [0], [0], [1], [0, 0, 1, 1], [], []>, transpose_lhs_hint = false} : vector<256x16xf32>, vector<16x1024xf32>, vector<256x1024xf32> -> vector<256x1024xf32>
    %add3A = arith.constant 1.000000e-16 : f32
    %add3A_6 = vector.broadcast %add3A : f32 to vector<256x1024xf32>
    %add3A_7 = arith.addf %dot_general3A_5, %add3A_6 : vector<256x1024xf32>
    %slice3A_8 = vector.extract_strided_slice %get3A_1 {offsets = [0, 0], sizes = [256, 1024], strides = [1, 1]} : vector<256x1152xf32> to vector<256x1024xf32>
    %div3A = arith.divf %slice3A_8, %add3A_7 : vector<256x1024xf32>
    %get3A_9 = arith.constant 0 : index
    %get3A_10 = arith.constant 0 : index
    %get3A_11 = vector.load %arg3[%get3A_9, %get3A_10] : memref<1x1024xf32, #tpu.memory_space<vmem>>, vector<1x1024xf32>
    %add3A_12 = vector.broadcast %get3A_11 : vector<1x1024xf32> to vector<256x1024xf32>
    %add3A_13 = arith.addf %div3A, %add3A_12 : vector<256x1024xf32>
    %gt3A = arith.constant 0.000000e+00 : f32
    %gt3A_14 = vector.broadcast %gt3A : f32 to vector<256x1024xf32>
    %gt3A_15 = arith.cmpf ogt, %add3A_13, %gt3A_14 : vector<256x1024xf32>
    %min3A = arith.constant 0.000000e+00 : f32
    %min3A_16 = vector.broadcast %min3A : f32 to vector<256x1024xf32>
    %min3A_17 = arith.minimumf %add3A_13, %min3A_16 : vector<256x1024xf32>
    %exp3A = math.exp %min3A_17 : vector<256x1024xf32>
    %sub3A = arith.constant 1.000000e+00 : f32
    %sub3A_18 = vector.broadcast %sub3A : f32 to vector<256x1024xf32>
    %sub3A_19 = arith.subf %exp3A, %sub3A_18 : vector<256x1024xf32>
    %select_n3A = arith.select %gt3A_15, %add3A_13, %sub3A_19 : vector<256x1024xi1>, vector<256x1024xf32>
    %get3A_20 = arith.constant 0 : index
    %get3A_21 = arith.constant 0 : index
    %get3A_22 = vector.load %arg4[%get3A_20, %get3A_21] : memref<1024x256xf32, #tpu.memory_space<vmem>>, vector<1024x256xf32>
    %dot_general3A_23 = arith.constant dense<0.000000e+00> : vector<256x256xf32>
    %dot_general3A_24 = tpu.matmul %select_n3A, %get3A_22, %dot_general3A_23 {dimension_numbers = #tpu.dot_dimension_numbers<[1], [0], [0], [1], [0, 0, 1, 1], [], []>, transpose_lhs_hint = false} : vector<256x1024xf32>, vector<1024x256xf32>, vector<256x256xf32> -> vector<256x256xf32>
    %get3A_25 = arith.constant 0 : index
    %get3A_26 = arith.constant 0 : index
    %get3A_27 = vector.load %arg5[%get3A_25, %get3A_26] : memref<256x128xf32, #tpu.memory_space<vmem>>, vector<256x128xf32>
    %dot_general3A_28 = arith.constant dense<0.000000e+00> : vector<256x128xf32>
    %dot_general3A_29 = tpu.matmul %dot_general3A_24, %get3A_27, %dot_general3A_28 {dimension_numbers = #tpu.dot_dimension_numbers<[1], [0], [0], [1], [0, 0, 1, 1], [], []>, transpose_lhs_hint = false} : vector<256x256xf32>, vector<256x128xf32>, vector<256x128xf32> -> vector<256x128xf32>
    %concatenate3A = tpu.concatenate %dot_general3A_24, %dot_general3A_29 in 1 : vector<256x256xf32>, vector<256x128xf32> -> vector<256x384xf32>
    %swap3A = arith.constant 0 : index
    %swap3A_30 = arith.constant 0 : index
    %swap3A_31 = vector.load %arg7[%swap3A, %swap3A_30] : memref<256x384xf32, #tpu.memory_space<vmem>>, vector<256x384xf32>
    tpu.vector_store %arg7[%swap3A, %swap3A_30], %concatenate3A {strides = array<i32>} : memref<256x384xf32, #tpu.memory_space<vmem>>, vector<256x384xf32>,
    %get3A_32 = arith.constant 0 : index
    %get3A_33 = arith.constant 0 : index
    %get3A_34 = vector.load %arg6[%get3A_32, %get3A_33] : memref<256x128xf32, #tpu.memory_space<vmem>>, vector<256x128xf32>
    %dot_general3A_35 = arith.constant dense<0.000000e+00> : vector<256x128xf32>
    %dot_general3A_36 = tpu.matmul %dot_general3A_24, %get3A_34, %dot_general3A_35 {dimension_numbers = #tpu.dot_dimension_numbers<[1], [0], [0], [1], [0, 0, 1, 1], [], []>, transpose_lhs_hint = false} : vector<256x256xf32>, vector<256x128xf32>, vector<256x128xf32> -> vector<256x128xf32>
    %swap3A_37 = arith.constant 0 : index
    %swap3A_38 = arith.constant 0 : index
    %swap3A_39 = vector.load %arg8[%swap3A_37, %swap3A_38] : memref<256x128xf32, #tpu.memory_space<vmem>>, vector<256x128xf32>
    tpu.vector_store %arg8[%swap3A_37, %swap3A_38], %dot_general3A_36 {strides = array<i32>} : memref<256x128xf32, #tpu.memory_space<vmem>>, vector<256x128xf32>,
    return
  }
  func.func @transform_0(%arg0: i32) -> (i32, i32) {
    %c0_i32 = arith.constant 0 : i32
    %c0_i32_0 = arith.constant 0 : i32
    return %arg0, %c0_i32 : i32, i32
  }
  func.func @transform_1(%arg0: i32) -> (i32, i32) {
    %c0_i32 = arith.constant 0 : i32
    %c0_i32_0 = arith.constant 0 : i32
    %c0_i32_1 = arith.constant 0 : i32
    return %c0_i32, %c0_i32_0 : i32, i32
  }
  func.func @transform_2(%arg0: i32) -> (i32, i32) {
    %c0_i32 = arith.constant 0 : i32
    %c0_i32_0 = arith.constant 0 : i32
    %c0_i32_1 = arith.constant 0 : i32
    return %c0_i32, %c0_i32_0 : i32, i32
  }
  func.func @transform_3(%arg0: i32) -> (i32, i32) {
    %c0_i32 = arith.constant 0 : i32
    %c0_i32_0 = arith.constant 0 : i32
    %c0_i32_1 = arith.constant 0 : i32
    return %c0_i32, %c0_i32_0 : i32, i32
  }
  func.func @transform_4(%arg0: i32) -> (i32, i32) {
    %c0_i32 = arith.constant 0 : i32
    %c0_i32_0 = arith.constant 0 : i32
    %c0_i32_1 = arith.constant 0 : i32
    return %c0_i32, %c0_i32_0 : i32, i32
  }
  func.func @transform_5(%arg0: i32) -> (i32, i32) {
    %c0_i32 = arith.constant 0 : i32
    %c0_i32_0 = arith.constant 0 : i32
    %c0_i32_1 = arith.constant 0 : i32
    return %c0_i32, %c0_i32_0 : i32, i32
  }
  func.func @transform_6(%arg0: i32) -> (i32, i32) {
    %c0_i32 = arith.constant 0 : i32
    %c0_i32_0 = arith.constant 0 : i32
    return %arg0, %c0_i32 : i32, i32
  }
  func.func @transform_7(%arg0: i32) -> (i32, i32) {
    %c0_i32 = arith.constant 0 : i32
    %c0_i32_0 = arith.constant 0 : i32
    return %arg0, %c0_i32 : i32, i32
  }
}

module attributes {stable_mosaic.version = 14 : i64} {
  func.func @_fin_body(%arg0: i32, %arg1: memref<256x384xf32, #tpu.memory_space<vmem>>, %arg2: memref<1x256xf32, #tpu.memory_space<vmem>>, %arg3: memref<256x256xf32, #tpu.memory_space<vmem>>) attributes {dimension_semantics = [#tpu.dimension_semantics<arbitrary>], iteration_bounds = array<i64: 40>, scalar_prefetch = 0 : i64, scratch_operands = 0 : i64, tpu.core_type = #tpu.core_type<tc>, window_params = [{transform_indices = @transform_0, window_bounds = array<i64: 256, 384>}, {pipeline_mode = #tpu.pipeline_mode<synchronous>, transform_indices = @transform_1, window_bounds = array<i64: 1, 256>}, {transform_indices = @transform_2, window_bounds = array<i64: 256, 256>}]} {
    %get3A = arith.constant 0 : index
    %get3A_0 = arith.constant 0 : index
    %get3A_1 = vector.load %arg1[%get3A, %get3A_0] : memref<256x384xf32, #tpu.memory_space<vmem>>, vector<256x384xf32>
    %slice3A = vector.extract_strided_slice %get3A_1 {offsets = [0, 256], sizes = [256, 1], strides = [1, 1]} : vector<256x384xf32> to vector<256x1xf32>
    %add3A = arith.constant 1.000000e-16 : f32
    %add3A_2 = vector.broadcast %add3A : f32 to vector<256x1xf32>
    %add3A_3 = arith.addf %slice3A, %add3A_2 : vector<256x1xf32>
    %slice3A_4 = vector.extract_strided_slice %get3A_1 {offsets = [0, 0], sizes = [256, 256], strides = [1, 1]} : vector<256x384xf32> to vector<256x256xf32>
    %div3A = vector.broadcast %add3A_3 : vector<256x1xf32> to vector<256x256xf32>
    %div3A_5 = arith.divf %slice3A_4, %div3A : vector<256x256xf32>
    %get3A_6 = arith.constant 0 : index
    %get3A_7 = arith.constant 0 : index
    %get3A_8 = vector.load %arg2[%get3A_6, %get3A_7] : memref<1x256xf32, #tpu.memory_space<vmem>>, vector<1x256xf32>
    %add3A_9 = vector.broadcast %get3A_8 : vector<1x256xf32> to vector<256x256xf32>
    %add3A_10 = arith.addf %div3A_5, %add3A_9 : vector<256x256xf32>
    %swap3A = arith.constant 0 : index
    %swap3A_11 = arith.constant 0 : index
    %swap3A_12 = vector.load %arg3[%swap3A, %swap3A_11] : memref<256x256xf32, #tpu.memory_space<vmem>>, vector<256x256xf32>
    tpu.vector_store %arg3[%swap3A, %swap3A_11], %add3A_10 {strides = array<i32>} : memref<256x256xf32, #tpu.memory_space<vmem>>, vector<256x256xf32>,
    return
  }
  func.func @transform_0(%arg0: i32) -> (i32, i32) {
    %c0_i32 = arith.constant 0 : i32
    %c0_i32_0 = arith.constant 0 : i32
    return %arg0, %c0_i32 : i32, i32
  }
  func.func @transform_1(%arg0: i32) -> (i32, i32) {
    %c0_i32 = arith.constant 0 : i32
    %c0_i32_0 = arith.constant 0 : i32
    %c0_i32_1 = arith.constant 0 : i32
    return %c0_i32, %c0_i32_0 : i32, i32
  }
  func.func @transform_2(%arg0: i32) -> (i32, i32) {
    %c0_i32 = arith.constant 0 : i32
    %c0_i32_0 = arith.constant 0 : i32
    return %arg0, %c0_i32 : i32, i32
  }
}

</mosaic_0001>

<sc_bundles>
// kernel: kernel.10.cloned.1.call-start
scs
__scs_entry_jumppad:
0x0: {  	(pc) =	sbr.rel $0x88, $3  }
0x1: {  	(tag) =	ssettag $0x0;
	lr =	simm.s32 $0x1  }
0x2: {  	[smem:$0x3F97] =	sst lr;
	_ =	strace $0xD0000000  }
0x3: {  	_ = 	snop  }
0x4: {  	_ = 	snop  }
0x5: {  	_ = 	snop  }
0x6: {  	_ = 	snop  }
0x7: {  	_ = 	snop  }
__scs_overlays_trampoline_lowered:
0x8: {  	[smem:$0x3FA6] =	sst s0  }
0x9: {  	[smem:$0x3FA7] =	sst s1  }
0xa: {  	[smem:$0x3FA8] =	sst s2  }
0xb: {  	[smem:$0x3FA9] =	sst s3  }
0xc: {  	[smem:$0x3FAA] =	sst s4  }
0xd: {  	[smem:$0x3FAB] =	sst s5  }
0xe: {  	[smem:$0x3FAC] =	sst s6  }
0xf: {  	[smem:$0x3FAD] =	sst s7  }
0x10: {  	[smem:$0x3FAE] =	sst s8  }
0x11: {  	[smem:$0x3FAF] =	sst s9;
	s0 =	simm.s32 @!p0 $0x0  }
0x12: {  	s1 =	sld [smem:$0x3F95];
	s0 =	simm.s32 @p0 $0x1  }
0x13: {  	[smem:$0x3FB0] =	sst s0;
	s0 =	simm.s32 @!p1 $0x0  }
0x14: {  	s2 =	sld [smem:$0x3F94];
	s0 =	simm.s32 @p1 $0x1  }
0x15: {  	[smem:$0x3FB1] =	sst s0;
	s0 =	simm.s32 @!p2 $0x0  }
0x16: {  	s3 =	sld [smem:$0x3FDB];
	s0 =	simm.s32 @p2 $0x1  }
0x17: {  	s4 =	simm.s32 $0x1BF5;
	[smem:$0x3FB3] =	sst s0  }
0x18: {  	s0 =	sld [smem:$0x3F96];
	_ =	swait.ge [sflag:s4], $0x0  }
0x19: {  	s7 =	sld [smem:$0x3F97]  }
0x1a: {  	s8 =	sadd.s32 $0xFFFFE003, lr  }
0x1b: {  	s9 =	sadd.s32 $0xFFFFFEF7, lr;
	s5 =	simm.s32 $0xFFFFFFFF;
	p2 =	slt.u32 s8, $0xFFFFF086  }
0x1c: {  	p1 =	slt.u32 s9, $0xF7A;
	s5 =	simm.s32 @!p2 $0x0  }
0x1d: {  	s5 =	simm.s32 @p1 $0x1;
	p0 =	seq.s32 s7, s2  }
0x1e: {  	s7 =	smul.u32 @!p0 $0xF7A, s2;
	p2 =	seq.s32 @!p0 s5, $0x0  }
0x1f: {  	s9 =	smul.u32 $0xF7A, s1;
	s8 =	simm.s32 @!p0 $0x1BF5;
	p2 =	por !p2, p0  }
0x20: {  	[sflag:s8] =	ssyncset.s32 @!p0 $0xFFFFF086;
	s6 =	sadd.s32 @!p0 s3, s7;
	s7 =	simm.s32 @!p0 $0x108  }
0x21: {  	s3 =	sadd.s32 s3, s9;
	s6 =	sadd.s32 @!p0 $0x88, s6;
	s7 =	simm.s32 @p2 $0x1082  }
0x22: {  	[simem:s7], [sflag:s8] =	dma.local @!p0 [hbm:s6], $0xF7A  }
0x23: {  	s9 =	sor.u32 $0xD0000000, s2;
	s6 =	simm.s32 $0x108;
	_ =	swait.ge @!p0 [sflag:s8], $0x0  }
0x24: {  	s3 =	sadd.s32 $0x88, s3;
	s6 =	simm.s32 @!p1 $0x1082;
	[sflag:s4] =	ssyncset.s32 $0xFFFFF086  }
0x25: {  	[simem:s6], [sflag:s4] =	dma.local [hbm:s3], $0xF7A  }
0x26: {  	[smem:$0x3F97] =	sst s1;
	(tag) =	ssettag s2;
	_ =	strace s9  }
0x27: {  	s1 =	sld [smem:$0x3FA7]  }
0x28: {  	s2 =	sld [smem:$0x3FA8]  }
0x29: {  	s4 =	sld [smem:$0x3FAA]  }
0x2a: {  	p0 =	seq.s32 s5, $0x0;
	s5 =	sld [smem:$0x3FAB]  }
0x2b: {  	s6 =	sld [smem:$0x3FAC]  }
0x2c: {  	s7 =	sld [smem:$0x3FAD]  }
0x2d: {  	s3 =	simm.s32 $0x108;
	s8 =	sld [smem:$0x3FAE]  }
0x2e: {  	s3 =	simm.s32 @!p0 $0x1082;
	s9 =	sld [smem:$0x3FAF]  }
0x2f: {  	lr =	sadd.s32 s0, s3;
	s0 =	sld [smem:$0x3FA6]  }
0x30: {  	s3 =	sld [smem:$0x3FA9]  }
0x31: {  	[smem:$0x3FB2] =	sst s10  }
0x32: {  	s10 =	sld [smem:$0x3FB0];
	_ =	sdelay $0x3  }
0x33: {  	p0 =	seq.s32 s10, $0x1;
	s10 =	sld [smem:$0x3FB2];
	_ =	sdelay $0x3  }
0x34: {  	[smem:$0x3FB2] =	sst s10  }
0x35: {  	s10 =	sld [smem:$0x3FB1];
	_ =	sdelay $0x3  }
0x36: {  	p1 =	seq.s32 s10, $0x1;
	s10 =	sld [smem:$0x3FB2];
	_ =	sdelay $0x3  }
0x37: {  	[smem:$0x3FB2] =	sst s10  }
0x38: {  	s10 =	sld [smem:$0x3FB3]  }
0x39: {  	_ = 	snop;
	(pc) =	sbr.ind lr, $3  }
0x3a: {  	_ = 	snop  }
0x3b: {  	_ = 	snop  }
0x3c: {  	p2 =	seq.s32 s10, $0x1;
	s10 =	sld [smem:$0x3FB2]  }
0x3d: {  	_ =	shalt  }
0x3e: {  	_ =	shalt  }
0x3f: {  	_ =	shalt  }
0x40: {  	_ =	shalt  }
0x41: {  	_ =	shalt  }
0x42: {  	_ =	shalt  }
0x43: {  	_ =	shalt  }
0x44: {  	_ =	shalt  }
0x45: {  	_ =	shalt  }
0x46: {  	_ =	shalt  }
0x47: {  	_ =	shalt  }
0x48: {  	_ =	shalt  }
0x49: {  	_ =	shalt  }
0x4a: {  	_ =	shalt  }
0x4b: {  	_ =	shalt  }
0x4c: {  	_ =	shalt  }
0x4d: {  	_ =	shalt  }
0x4e: {  	_ =	shalt  }
0x4f: {  	_ =	shalt  }
0x50: {  	_ =	shalt  }
0x51: {  	_ =	shalt  }
0x52: {  	_ =	shalt  }
0x53: {  	_ =	shalt  }
0x54: {  	_ =	shalt  }
0x55: {  	_ =	shalt  }
0x56: {  	_ =	shalt  }
0x57: {  	_ =	shalt  }
0x58: {  	_ =	shalt  }
0x59: {  	_ =	shalt  }
0x5a: {  	_ =	shalt  }
0x5b: {  	_ =	shalt  }
0x5c: {  	_ =	shalt  }
0x5d: {  	_ =	shalt  }
0x5e: {  	_ =	shalt  }
0x5f: {  	_ =	shalt  }
0x60: {  	_ =	shalt  }
0x61: {  	_ =	shalt  }
0x62: {  	_ =	shalt  }
0x63: {  	_ =	shalt  }
0x64: {  	_ =	shalt  }
0x65: {  	_ =	shalt  }
0x66: {  	_ =	shalt  }
0x67: {  	_ =	shalt  }
0x68: {  	_ =	shalt  }
0x69: {  	_ =	shalt  }
0x6a: {  	_ =	shalt  }
0x6b: {  	_ =	shalt  }
0x6c: {  	_ =	shalt  }
0x6d: {  	_ =	shalt  }
0x6e: {  	_ =	shalt  }
0x6f: {  	_ =	shalt  }
0x70: {  	_ =	shalt  }
0x71: {  	_ =	shalt  }
0x72: {  	_ =	shalt  }
0x73: {  	_ =	shalt  }
0x74: {  	_ =	shalt  }
0x75: {  	_ =	shalt  }
0x76: {  	_ =	shalt  }
0x77: {  	_ =	shalt  }
0x78: {  	_ =	shalt  }
0x79: {  	_ =	shalt  }
0x7a: {  	_ =	shalt  }
0x7b: {  	_ =	shalt  }
0x7c: {  	_ =	shalt  }
0x7d: {  	_ =	shalt  }
0x7e: {  	_ =	shalt  }
0x7f: {  	_ =	shalt  }
0x80: {  	_ =	shalt  }
0x81: {  	_ =	shalt  }
0x82: {  	_ =	shalt  }
0x83: {  	_ =	shalt  }
0x84: {  	_ =	shalt  }
0x85: {  	_ =	shalt  }
0x86: {  	_ =	shalt  }
0x87: {  	_ =	shalt  }
.Lfunc_end0:
.L_simem_size_0:
called_computation.1_lowered:
.L_overlay_start_0:
0x88: {  	s2 =	sld [smem:$0x3FD9]  }
0x89: {  	s3 =	sld [smem:$0x3FFE];
	_ =	sdelay $0x1  }
0x8a: {  	s1 =	srdreg.scid  }
0x8b: {  	s0 =	sand.u32 $0x1, s1  }
0x8c: {  	s17 =	sshll.u32 s0, $0xA;
	s2 =	sadd.s32 s3, s2  }
0x8d: {  	s2 =	sadd.s32 s2, s17  }
0x8e: {  	[smem:$0x3FBE] =	sst s2  }
0x8f: {  	_ = 	snop  }
0x90: {  	s2 =	sld [smem:$0x3FD0];
	(tm) =	ssettm $0x1  }
0x91: {  	s18 =	sld [smem:$0x3FFB];
	_ =	sdelay $0x3  }
0x92: {  	_ =	strace s18  }
0x93: {  	s3 =	sld [smem:$0x3FFC];
	_ =	sdelay $0x3  }
0x94: {  	_ =	strace s3  }
0x95: {  	s3 =	sld [smem:$0x3FFD];
	_ =	sdelay $0x3  }
0x96: {  	_ =	strace s3  }
0x97: {  	_ =	strace $0x8FFFFFFF  }
0x98: {  	s19 =	sld [smem:$0x3FDB];
	_ =	sdelay $0x1  }
0x99: {  	s4 =	simm.s32 $_scs_section_size  }
0x9a: {  	s5 =	simm.s32 $_size__tile_overlayer_lowered;
	s6 =	simm.s32 $_tile_overlayer_lowered  }
0x9b: {  	s22 =	simm.s32 $0x1BFF;
	s21 =	sshll.u32 s6, $0x1;
	s3 =	sadd.s32 s4, s19  }
0x9c: {  	s7 =	simm.s32 $0x0;
	s20 =	sshll.u32 s5, $0x1;
	s5 =	sadd.s32 s21, s3  }
0x9d: {  	[timem:s7], [sflag:s22] =	dma.local [hbm:s5], s20  }
0x9e: {  	_ =	swait.ge [sflag:s22], s20  }
0x9f: {  	s4 =	ssub.s32 $0x0, s20;
	[sflag:s22] =	ssyncset.done $0x0  }
0xa0: {  	[sflag:s22] =	ssyncadd.s32 s4;
	_ =	sdelay $0x1  }
0xa1: {  	s23 =	simm.s32 $0x1B8B  }
0xa2: {  	_ =	swait.ge [sflag:s23], $0x1  }
0xa3: {  	[sflag:s23] =	ssyncset.done $0x0  }
0xa4: {  	s25 =	simm.s32 $0x1B8E;
	s24 =	sld [smem:$0x3FFE];
	[sflag:s23] =	ssyncadd.s32 $0xFFFFFFFF  }
0xa5: {  	s26 =	simm.s32 $execute0_lowered;
	[smem:$0x3FD2] =	sst s25  }
0xa6: {  	s5 =	sshll.u32 s26, $0x1;
	_ =	strace $0x80000049;
	[dreg:$0x1] =	wrdreg $0xFFFFFFFF  }
0xa7: {  	s28 =	simm.s32 $_size_execute0_lowered;
	s3 =	sadd.s32 s3, s5;
	[dreg:$0x0] =	wrdreg $0x0  }
0xa8: {  	s5 =	sshll.u32 s28, $0x1;
	[dreg:$0x2] =	wrdreg s3  }
0xa9: {  	[dreg:$0x3] =	wrdreg s5  }
0xaa: {  	[dreg:$0x4] =	wrdreg $0xC0  }
0xab: {  	_ =	task [dreg:s7], $0x5FFFF  }
0xac: {  	[dreg:$0x1] =	wrdreg $0xFFFFFFFF  }
0xad: {  	[dreg:$0x0] =	wrdreg $0x60  }
0xae: {  	[dreg:$0x2] =	wrdreg s24  }
0xaf: {  	[dreg:$0x3] =	wrdreg s2  }
0xb0: {  	[dreg:$0x4] =	wrdreg $0xB8000  }
0xb1: {  	[dreg:$0x5] =	wrdreg $0xC8000  }
0xb2: {  	[dreg:$0x6] =	wrdreg $0xD8000  }
0xb3: {  	[dreg:$0x7] =	wrdreg $0x9  }
0xb4: {  	_ =	task.clear_ibuf [dreg:s7], $0x8FFFF;
	_ =	strace $0x90000049  }
0xb5: {  	s29 =	simm.s32 $0x9;
	_ =	strace $0x8000004B  }
0xb6: {  	_ =	swait.ge [sflag:s29], $0x1  }
0xb7: {  	[sflag:s29] =	ssyncadd.s32 $0xFFFFFFFF  }
0xb8: {  	_ =	strace $0x9000004B  }
0xb9: {  	_ =	sfence  }
0xba: {  	s30 =	sld [smem:$0x0];
	_ =	sdelay $0x2  }
0xbb: {  	s31 =	sshll.u32 s1, $0xD;
	s1 =	sshrl.u32 s1, $0x2  }
0xbc: {  	s3 =	sand.u32 $0x4000, s31;
	s1 =	sadd.s32 s1, s30  }
0xbd: {  	s0 =	sor.u32 s3, s0;
	s1 =	sshll.u32 s1, $0x11  }
0xbe: {  	s0 =	sor.u32 s1, s0  }
0xbf: {  	s0 =	sadd.s32 $0x8F2B, s0  }
0xc0: {  	[sflag:s0] =	ssyncadd.remote.s32 $0x1  }
0xc1: {  	_ =	sfence.sel $0xFFFF  }
0xc2: {  	[dreg:$0x0] =	wrdreg $0xFFFFFFFF;
	(pc) =	sbr.abs _section_cstart, $3  }
0xc3: {  	[dreg:$0x1] =	wrdreg $0xFFFFFFFF  }
0xc4: {  	_ =	task.clear_ibuf [dreg:s7], $0x2FFFF;
	_ =	strace $0x9FFFFFFF  }
0xc5: {  	(tm) =	ssettm $0x7FFFFFFF  }
tec
execute0_lowered:
.L_overlay_start_1:
0x0: {  	(tag) =	ssettag $0x1  }
0x1: {  	s0 =	rddreg [dreg:$0x0]  }
0x2: {  	s1 =	rddreg [dreg:$0x1]  }
0x3: {  	s2 =	rddreg [dreg:$0x2]  }
0x4: {  	s4 =	rddreg [dreg:$0x3]  }
0x5: {  	s5 =	rddreg [dreg:$0x4];
	s6 =	simm.s32 $0x0;
	s14 =	stileid.u32  }
0x6: {  	s7 =	srdreg.scid;
	s28 =	simm.s32 $0x20;
	s29 =	simm.s32 $0x7700  }
0x7: {  	s30 =	simm.s32 $0x7800;
	s31 =	simm.s32 $0x7680;
	[smem:$0x7FF] =	sst s6  }
0x8: {  	s3 =	smul.u32 $0x4E2, s14;
	s8 =	sshll.u32 s14, $0x9;
	s7 =	sand.u32 $0x1, s7  }
0x9: {  	s9 =	sadd.s32 $0x37A00, s0;
	s10 =	sadd.s32 $0xFA00, s0;
	s13 =	sadd.s32 $0x89A00, s0  }
0xa: {  	s15 =	sadd.s32 $0xB1A00, s0;
	s23 =	sshll.u32 s14, $0xC;
	s26 =	sshll.u32 s14, $0x6  }
0xb: {  	s14 =	simm.s32 $0xA800;
	_ =	strace $0x8000004A;
	[dreg:$0x6] =	wrdreg s8  }
0xc: {  	s11 =	sadd.s32 s8, s0;
	s8 =	sadd.s32 $0x5FA00, s0;
	[dreg:$0x7] =	wrdreg s13  }
0xd: {  	s12 =	ssub.s32 $0x2, s7;
	[dreg:$0x8] =	wrdreg s15;
	s7 =	smul.u32 $0xA, s7  }
0xe: {  	s24 =	sadd.s32 s23, s2;
	s25 =	sadd.s32 s23, s4;
	s15 =	simm.s32 $0x2  }
0xf: {  	s3 =	sadd.s32 s3, s0;
	s0 =	sadd.s32 $0xD9A00, s0;
	[dreg:$0xe] =	wrdreg s25  }
0x10: {  	s20 =	sshrl.u32 s12, $0x1;
	s11 =	sadd.s32 $0x87A00, s11;
	[dreg:$0x9] =	wrdreg s0  }
0x11: {  	s16 =	sshrl.u32 s24, $0x3;
	s25 =	simm.s32 $0x4F00;
	[dreg:$0xc] =	wrdreg s7  }
0x12: {  	s21 =	ssub.s32 s12, s20;
	s22 =	sadd.s32 $0xAA00, s3;
	[dreg:$0xd] =	wrdreg s11  }
0x13: {  	s3 =	sadd.s32 $0x5A00, s3;
	s20 =	simm.s32 $0x7780;
	[dreg:$0x11] =	wrdreg s16  }
.Ltmp0:
0x14: {  	s7 =	simm.s32 $0x3;
	[dreg:$0xa] =	wrdreg s22;
	(pc) =	sbr.rel .LBB2_1-.Ltmp0, $4  }
0x15: {  	v0 =	vlaneseq.u32;
	s12 =	simm.s32 $0x0;
	[dreg:$0xb] =	wrdreg s3;
	s3 =	sadd.s32 s23, s5  }
0x16: {  	v1 =	vmul.u32 $0x80, v0;
	s0 =	smax.u32 s21, $0x1;
	s21 =	simm.s32 $0x4;
	s22 =	simm.s32 $0x2780  }
0x17: {  	s23 =	sor.u32 $0x1C04, s26;
	s26 =	simm.s32 $0x1;
	[dreg:$0xf] =	wrdreg s3  }
0x18: {  	v2 =	vimm.s32 $0x0;
	v3 =	vor.u32 $0x10, v0;
	v4 =	vor.u32 $0x800, v1;
	[dreg:$0x10] =	wrdreg s0;
	s0 =	simm.s32 $0x8800;
	s3 =	simm.s32 $0x9800  }
.LBB2_10:
0x19: {  	s12 =	rddreg [dreg:$0x12]  }
0x1a: {  	s11 =	rddreg [dreg:$0x10];
	s12 =	sadd.s32 $0x1, s12  }
0x1b: {  	p0 =	sne.s32 s12, s11  }
.Ltmp1:
0x1c: {  	_ = 	snop;
	(pc) =	sbr.rel @!p0 .LBB2_11-.Ltmp1, $1  }
0x1d: {  	_ =	sdelay $0x3  }
.LBB2_1:
0x1e: {  	[dreg:$0x12] =	wrdreg s12  }
0x1f: {  	s11 =	rddreg [dreg:$0xa]  }
0x20: {  	[tilespmem:s6], [sflag:$0x4] =	stream.linear.gather [hbm4b:s11+s6], $0x2710, $0x38;
	[tilespmem:$0xE800] =	vst v63  }
0x21: {  	_ =	swait.ge [sflag:s21], $0x2710  }
0x22: {  	[sflag:s21] =	ssyncset.done $0x0  }
.Ltmp2:
0x23: {  	s24 =	rddreg [dreg:$0xb];
	[sflag:s21] =	ssyncadd.s32 $0xFFFFD8F0;
	(pc) =	sbr.rel .LBB2_2-.Ltmp2, $4  }
0x24: {  	[tilespmem:s22], [sflag:$0x4] =	stream.linear.gather [hbm4b:s24+s6], $0x2710, $0x38;
	[tilespmem:$0xE800] =	vst v63  }
0x25: {  	_ =	swait.ge [sflag:s21], $0x2710  }
0x26: {  	[sflag:s21] =	ssyncset.done $0x0  }
0x27: {  	s11 =	simm.s32 $0x0;
	[sflag:s21] =	ssyncadd.s32 $0xFFFFD8F0  }
.LBB2_9:
0x28: {  	s12 =	sshll.u32 s16, $0xD;
	s13 =	rddreg [dreg:$0x6];
	[bflag:$0x0] =	sbarrier.arrive $0xFFFF  }
0x29: {  	s12 =	sor.u32 s13, s12;
	s17 =	rddreg [dreg:$0x7]  }
0x2a: {  	s16 =	rddreg [dreg:$0x11];
	s13 =	sadd.s32 s17, s12  }
0x2b: {  	[hbm:s13], [sflag:s23] =	dma.local [spmem:s16], $0x200  }
0x2c: {  	_ =	swait.ge [sflag:s21], $0x200  }
0x2d: {  	[sflag:s21] =	ssyncset.done $0x0;
	s18 =	rddreg [dreg:$0x8]  }
0x2e: {  	s17 =	rddreg [dreg:$0x13];
	[sflag:s21] =	ssyncadd.s32 $0xFFFFFE00;
	s13 =	sadd.s32 s18, s12  }
0x2f: {  	[hbm:s13], [sflag:s23] =	dma.local [spmem:s17], $0x200  }
0x30: {  	_ =	swait.ge [sflag:s21], $0x200  }
0x31: {  	s11 =	sadd.s32 $0x1, s11;
	s19 =	rddreg [dreg:$0x9]  }
0x32: {  	p0 =	sne.s32 s11, $0xA;
	[sflag:s21] =	ssyncset.done $0x0;
	s24 =	rddreg [dreg:$0x14]  }
.Ltmp3:
0x33: {  	[sflag:s21] =	ssyncadd.s32 $0xFFFFFE00;
	s12 =	sadd.s32 s19, s12;
	(pc) =	sbr.rel @!p0 .LBB2_10-.Ltmp3, $4  }
0x34: {  	[hbm:s12], [sflag:s23] =	dma.local [spmem:s24], $0x200  }
0x35: {  	_ =	swait.ge [sflag:s21], $0x200  }
0x36: {  	[sflag:s21] =	ssyncset.done $0x0  }
0x37: {  	[sflag:s21] =	ssyncadd.s32 $0xFFFFFE00  }
.LBB2_2:
0x38: {  	s12 =	rddreg [dreg:$0xd]  }
0x39: {  	[spmem:s16], [sflag:s23] =	dma.local [hbm:s12], $0x200  }
0x3a: {  	_ =	swait.ge [sflag:s21], $0x200  }
0x3b: {  	s13 =	rddreg [dreg:$0xe]  }
0x3c: {  	[sflag:s21] =	ssyncset.done $0x0;
	s13 =	sshrl.u32 s13, $0x3  }
0x3d: {  	[sflag:s21] =	ssyncadd.s32 $0xFFFFFE00;
	[dreg:$0x13] =	wrdreg s13  }
0x3e: {  	[spmem:s13], [sflag:s23] =	dma.local [hbm:s12], $0x200  }
0x3f: {  	_ =	swait.ge [sflag:s21], $0x200  }
0x40: {  	s17 =	rddreg [dreg:$0xf]  }
0x41: {  	[sflag:s21] =	ssyncset.done $0x0;
	s13 =	sshrl.u32 s17, $0x3  }
0x42: {  	[sflag:s21] =	ssyncadd.s32 $0xFFFFFE00;
	[dreg:$0x14] =	wrdreg s13  }
0x43: {  	[spmem:s13], [sflag:s23] =	dma.local [hbm:s12], $0x200  }
0x44: {  	_ =	swait.ge [sflag:s21], $0x200  }
0x45: {  	[sflag:s21] =	ssyncset.done $0x0  }
0x46: {  	[sflag:s21] =	ssyncadd.s32 $0xFFFFFE00  }
0x47: {  	s18 =	simm.s32 $0x2780;
	[bflag:$0x0] =	sbarrier.arrive $0xFFFF  }
0x48: {  	v7 =	vld [tilespmem:s18+$0x0];
	s19 =	rddreg [dreg:$0xc]  }
0x49: {  	s16 =	sadd.s32 s19, s11  }
0x4a: {  	s12 =	sshll.u32 s16, $0x9  }
0x4b: {  	s24 =	sadd.s32 $0x200, s12  }
0x4c: {  	v5 =	vmov s12;
	v6 =	vmov s24  }
0x4d: {  	vm0 =	vge.s32 v7, v5;
	vm1 =	vlt.s32 v7, v6  }
0x4e: {  	vm0 =	vmand vm0, vm1  }
0x4f: {  	v7 =	vsel vm0, $0x1, v2  }
0x50: {  	(xrf0) =	vadd.scan.msk.s32 $0xffff, v7;
	_ =	sdelay $0x1  }
0x51: {  	s13 =	simm.s32 $0x0  }
0x52: {  	v7 =	vmov s13  }
0x53: {  	v7 =	vadd.s32 $0xFFFFFFFF, v7  }
0x54: {  	v7 =	vbroadcast v7, $0x0  }
0x55: {  	v8, _, _ =	vpop (xrf0)  }
0x56: {  	v7 =	vadd.s32 v8, v7;
	(v2sf) =	vpush v8, $0xF;
	_ =	sdelay $0x3  }
0x57: {  	v9 =	vor.u32 s13, v0  }
0x58: {  	s17 =	simm.s32 $0x2790;
	[tilespmem:v7+s25+$0x0] =	vst.idx.msk vm0, v9  }
0x59: {  	s18 =	simm.s32 $0x20;
	s12 =	simm.s32 $0x10;
	v7 =	vld [tilespmem:s17+$0x0]  }
.LBB2_3:
0x5a: {  	p0 =	sne.s32 s18, $0x2700;
	_ =	sdelay $0x3  }
0x5b: {  	vm0 =	vge.s32 v7, v5;
	vm1 =	vlt.s32 v7, v6  }
0x5c: {  	vm0 =	vmand vm0, vm1  }
0x5d: {  	v7 =	vsel vm0, $0x1, v2  }
0x5e: {  	(xrf0) =	vadd.scan.msk.s32 $0xffff, v7  }
0x5f: {  	s19 =	spop (v2sf)  }
0x60: {  	s13 =	sadd.s32 s13, s19  }
0x61: {  	v7 =	vmov s13  }
0x62: {  	v7 =	vadd.s32 $0xFFFFFFFF, v7  }
0x63: {  	v7 =	vbroadcast v7, $0x0  }
0x64: {  	v8, _, _ =	vpop (xrf0)  }
0x65: {  	v7 =	vadd.s32 v8, v7;
	(v2sf) =	vpush v8, $0xF;
	_ =	sdelay $0x1  }
.Ltmp4:
0x66: {  	(pc) =	sbr.rel @p0 .LBB2_3-.Ltmp4, $4  }
0x67: {  	_ = 	snop  }
0x68: {  	v8 =	vor.u32 s12, v0;
	s12 =	smov.u32 s18  }
0x69: {  	s17 =	sadd.s32 $0x10, s17;
	[tilespmem:v7+s25+$0x0] =	vst.idx.msk vm0, v8  }
0x6a: {  	s18 =	sadd.s32 $0x10, s18;
	v7 =	vld [tilespmem:s17+$0x0]  }
0x6b: {  	_ =	sdelay $0x3  }
0x6c: {  	vm0 =	vge.s32 v7, v5;
	vm1 =	vlt.s32 v7, v6  }
0x6d: {  	vm0 =	vmand vm0, vm1  }
0x6e: {  	v6 =	vsel vm0, $0x1, v2  }
0x6f: {  	(xrf0) =	vadd.scan.msk.s32 $0xffff, v6;
	_ =	sdelay $0x5  }
0x70: {  	v6, _, _ =	vpop (xrf0)  }
0x71: {  	(v2sf) =	vpush v6, $0xF;
	_ =	sdelay $0xd  }
0x72: {  	s17 =	spop (v2sf)  }
0x73: {  	s13 =	sadd.s32 s13, s17;
	s18 =	spop (v2sf)  }
0x74: {  	v7 =	vmov s13;
	s13 =	sadd.s32 s13, s18  }
0x75: {  	s17 =	sadd.s32 $0x1F, s13  }
0x76: {  	s18 =	sand.u32 $0x1F, s17  }
0x77: {  	v7 =	vadd.s32 $0xFFFFFFFF, v7;
	s19 =	sshra.s32 s17, $0x1F;
	p1 =	slt.s32 s17, $0x1;
	p0 =	sne.s32 s18, $0x0  }
0x78: {  	v7 =	vbroadcast v7, $0x0;
	s18 =	sshrl.u32 s19, $0x1B;
	p0 =	por !p1, !p0  }
0x79: {  	s17 =	sadd.s32 s18, s17;
	s18 =	simm.s32 $0x1;
	p0 =	por !p0, !p0  }
0x7a: {  	v6 =	vadd.s32 v6, v7;
	s24 =	sshra.s32 s17, $0x5;
	s18 =	simm.s32 @!p0 $0x0  }
0x7b: {  	v7 =	vadd.s32 s13, v0;
	s18 =	ssub.s32 s24, s18  }
0x7c: {  	v8 =	vadd.s32 s13, v3;
	p0 =	slt.s32 s18, $0x1  }
.Ltmp5:
0x7d: {  	_ = 	snop;
	(pc) =	sbr.rel @p0 .LBB2_9-.Ltmp5, $4  }
0x7e: {  	v9 =	vor.u32 s12, v0  }
0x7f: {  	[tilespmem:v6+s25+$0x0] =	vst.idx.msk vm0, v9  }
0x80: {  	[tilespmem:v7+s25+$0x0] =	vst.idx.msk $0xffff, v2  }
0x81: {  	[tilespmem:v8+s25+$0x0] =	vst.idx.msk $0xffff, v2  }
0x82: {  	v6 =	vmov s13;
	s19 =	simm.s32 $0x0  }
.LBB2_6:
0x83: {  	s12 =	sshll.u32 s19, $0x5  }
0x84: {  	v7 =	vld [tilespmem:s12+$0x4F00];
	_ =	sdelay $0x7  }
0x85: {  	v8 =	vld.idx.msk [tilespmem:v7+s22+$0x0], $0xffff;
	_ =	sdelay $0x1  }
0x86: {  	v7 =	vld.idx.msk [tilespmem:v7+s6+$0x0], $0xffff;
	_ =	sdelay $0x2  }
0x87: {  	v9 =	vsub.s32 v8, v5  }
0x88: {  	vm0 =	vgt.s32 v9, $0x0  }
0x89: {  	[tilespmem:$0x7680] =	vst v7;
	v9 =	vnsel vm0, $0x0, v9  }
0x8a: {  	[tilespmem:$0x7700] =	vst v8;
	v7 =	vmin.u32 v9, $0x1FF  }
0x8b: {  	[tilespmem:$0x7780] =	vst v7  }
0x8c: {  	v7 =	vld [tilespmem:s12+$0x4F10];
	_ =	sdelay $0x7  }
0x8d: {  	v8 =	vld.idx.msk [tilespmem:v7+s22+$0x0], $0xffff;
	_ =	sdelay $0x1  }
0x8e: {  	v7 =	vld.idx.msk [tilespmem:v7+s6+$0x0], $0xffff;
	_ =	sdelay $0x2  }
0x8f: {  	v9 =	vsub.s32 v8, v5  }
0x90: {  	vm11 =	vgt.s32 v9, $0x0  }
0x91: {  	[tilespmem:$0x7690] =	vst v7;
	v9 =	vnsel vm11, $0x0, v9  }
0x92: {  	[tilespmem:$0x7710] =	vst v8;
	v7 =	vmin.u32 v9, $0x1FF  }
0x93: {  	[tilespmem:$0x7790] =	vst v7  }
0x94: {  	[tilespmem:s30], [sflag:$0x1] =	stream.indirect.gather [hbm4b:s1+s28], $0x80, s29, s28, $0xb8;
	[tilespmem:$0xE800] =	vst v63  }
0x95: {  	_ = 	snop  }
0x96: {  	[tilespmem:s0], [sflag:$0x2] =	stream.indirect.gather [hbm4b:s8+s28], $0x80, s31, s28, $0xb8;
	[tilespmem:$0xE800] =	vst v63  }
0x97: {  	_ = 	snop  }
0x98: {  	[tilespmem:s3], [sflag:$0x2] =	stream.indirect.gather [hbm4b:s9+s28], $0x80, s31, s28, $0xb8;
	[tilespmem:$0xE800] =	vst v63  }
0x99: {  	_ = 	snop  }
0x9a: {  	[tilespmem:s14], [sflag:$0x2] =	stream.indirect.gather [hbm4b:s10+s28], $0x80, s31, s28, $0xb8;
	[tilespmem:$0xE800] =	vst v63  }
0x9b: {  	_ =	swait.ge [sflag:s26], $0x1000  }
0x9c: {  	[sflag:s26] =	ssyncset.done $0x0  }
0x9d: {  	[sflag:s26] =	ssyncadd.s32 $0xFFFFF000  }
0x9e: {  	_ =	swait.ge [sflag:s15], $0x1000  }
0x9f: {  	[sflag:s15] =	ssyncset.done $0x0  }
0xa0: {  	[sflag:s15] =	ssyncadd.s32 $0xFFFFF000  }
0xa1: {  	_ =	swait.ge [sflag:s15], $0x1000  }
0xa2: {  	[sflag:s15] =	ssyncset.done $0x0  }
0xa3: {  	[sflag:s15] =	ssyncadd.s32 $0xFFFFF000  }
0xa4: {  	_ =	swait.ge [sflag:s15], $0x1000  }
0xa5: {  	[sflag:s15] =	ssyncset.done $0x0  }
0xa6: {  	[sflag:s15] =	ssyncadd.s32 $0xFFFFF000  }
0xa7: {  	v7 =	vld.idx.msk [tilespmem:v1+s14+$0x0], $0xffff  }
0xa8: {  	v8 =	vld.idx.msk [tilespmem:v1+s30+$0x0], $0xffff;
	_ =	sdelay $0x4  }
0xa9: {  	v7 =	vadd.f32 v8, v7;
	_ =	sdelay $0x1  }
0xaa: {  	v8 =	vmul.f32 $2.000000030e-01, v7  }
0xab: {  	vm12 =	vge.f32 v7, $0.0e+00  }
0xac: {  	v7 =	vsel vm12, v7, v8  }
0xad: {  	v7 =	vmul.f32 $1.442695020e+00, v7;
	_ =	sdelay $0x1  }
0xae: {  	(erf) = vpow2.f32 v7;
	_ =	sdelay $0x5  }
0xaf: {  	v7 =	vor.u32 s12, v0;
	_ =	sdelay $0x2  }
0xb0: {  	vm13 =	vlt.s32 v7, v6;
	v7 =	vpop (erf)  }
0xb1: {  	v7 =	vnsel vm13, $0x0, v7  }
0xb2: {  	[tilespmem:v1+s14+$0x0] =	vst.idx.msk $0xffff, v7  }
0xb3: {  	v7 =	vld.idx.msk [tilespmem:v4+s14+$0x0], $0xffff  }
0xb4: {  	v8 =	vld.idx.msk [tilespmem:v4+s30+$0x0], $0xffff;
	_ =	sdelay $0x4  }
0xb5: {  	v7 =	vadd.f32 v8, v7;
	_ =	sdelay $0x1  }
0xb6: {  	v8 =	vmul.f32 $2.000000030e-01, v7  }
0xb7: {  	vm14 =	vge.f32 v7, $0.0e+00  }
0xb8: {  	v7 =	vsel vm14, v7, v8  }
0xb9: {  	v7 =	vmul.f32 $1.442695020e+00, v7;
	_ =	sdelay $0x1  }
0xba: {  	(erf) = vpow2.f32 v7;
	_ =	sdelay $0x5  }
0xbb: {  	v7 =	vor.u32 s12, v3;
	_ =	sdelay $0x2  }
0xbc: {  	vm15 =	vlt.s32 v7, v6;
	v7 =	vpop (erf)  }
0xbd: {  	v7 =	vnsel vm15, $0x0, v7  }
0xbe: {  	s13 =	simm.s32 $0xA900;
	[tilespmem:v4+s14+$0x0] =	vst.idx.msk $0xffff, v7  }
0xbf: {  	s24 =	simm.s32 $0x8900;
	v7 =	vld.msk [tilespmem:s13+$0x80 ss:$0x0], $0xffff  }
0xc0: {  	v8 =	vld [tilespmem:s24+$0x80]  }
0xc1: {  	v9 =	vld [tilespmem:s24+$0x90]  }
0xc2: {  	v10 =	vld [tilespmem:s24+$0xA0]  }
0xc3: {  	v11 =	vld [tilespmem:s24+$0xB0]  }
0xc4: {  	v12 =	vld [tilespmem:s24+$0xC0]  }
0xc5: {  	v13 =	vld [tilespmem:s24+$0xD0]  }
0xc6: {  	v49 =	vld.msk [tilespmem:s13+$0xFFFFFF80 ss:$0x0], $0xffff  }
0xc7: {  	v21 =	vld [tilespmem:s24+$0xFFFFFFC0]  }
0xc8: {  	v14 =	vld [tilespmem:s24+$0xE0]  }
0xc9: {  	v15 =	vld.msk [tilespmem:s13+$0xFFFFFF00 ss:$0x0], $0xffff;
	v8 =	vmul.f32 v7, v8  }
0xca: {  	v16 =	vld [tilespmem:s24+$0xFFFFFF00];
	v9 =	vmul.f32 v9, v7  }
0xcb: {  	v17 =	vld [tilespmem:s24+$0xFFFFFF80];
	v10 =	vmul.f32 v10, v7;
	[tilespmem:s24+$0x80] =	vst v8  }
0xcc: {  	v18 =	vld [tilespmem:s24+$0xFFFFFF90];
	v21 =	vmul.f32 v21, v49;
	[tilespmem:s24+$0x90] =	vst v9  }
0xcd: {  	v8 =	vld [tilespmem:s24+$0xF0];
	v9 =	vmul.f32 v11, v7;
	[tilespmem:s24+$0xA0] =	vst v10  }
0xce: {  	v10 =	vmul.f32 v12, v7;
	v11 =	vld [tilespmem:s24+$0xFFFFFF10];
	[tilespmem:s24+$0xFFFFFFC0] =	vst v21  }
0xcf: {  	v12 =	vld [tilespmem:s24+$0xFFFFFF20];
	[tilespmem:s24+$0xB0] =	vst v9;
	v9 =	vmul.f32 v13, v7  }
0xd0: {  	[tilespmem:s24+$0xC0] =	vst v10;
	v10 =	vmul.f32 v14, v7;
	v13 =	vld [tilespmem:s24+$0xFFFFFF30]  }
0xd1: {  	v19 =	vld [tilespmem:s24+$0xFFFFFFA0];
	[tilespmem:s24+$0xD0] =	vst v9;
	v9 =	vmul.f32 v15, v16  }
0xd2: {  	v14 =	vld [tilespmem:s24+$0xFFFFFF40];
	[tilespmem:s24+$0xE0] =	vst v10;
	v8 =	vmul.f32 v8, v7  }
0xd3: {  	v10 =	vld [tilespmem:s24+$0xFFFFFF50];
	v11 =	vmul.f32 v11, v15;
	[tilespmem:s24+$0xFFFFFF00] =	vst v9  }
0xd4: {  	v12 =	vmul.f32 v12, v15;
	[tilespmem:s24+$0xF0] =	vst v8;
	v8 =	vld [tilespmem:s24+$0xFFFFFF60]  }
0xd5: {  	s17 =	simm.s32 $0x9900;
	[tilespmem:s24+$0xFFFFFF10] =	vst v11;
	v11 =	vld [tilespmem:s24+$0xFFFFFF70];
	v13 =	vmul.f32 v13, v15  }
0xd6: {  	[tilespmem:s24+$0xFFFFFF20] =	vst v12;
	v12 =	vmul.f32 v49, v17;
	v9 =	vld [tilespmem:s17+$0xF0]  }
0xd7: {  	v20 =	vld [tilespmem:s24+$0xFFFFFFB0];
	v14 =	vmul.f32 v14, v15;
	[tilespmem:s24+$0xFFFFFF30] =	vst v13  }
0xd8: {  	v50 =	vld [tilespmem:s24+$0xFFFFFFD0];
	[tilespmem:s24+$0xFFFFFF80] =	vst v12;
	v10 =	vmul.f32 v10, v15  }
0xd9: {  	v13 =	vld [tilespmem:s24+$0xFFFFFFE0];
	[tilespmem:s24+$0xFFFFFF40] =	vst v14;
	v8 =	vmul.f32 v8, v15  }
0xda: {  	v12 =	vld.msk [tilespmem:s13+$0x0 ss:$0x0], $0xffff;
	[tilespmem:s24+$0xFFFFFF50] =	vst v10;
	v10 =	vmul.f32 v11, v15  }
0xdb: {  	v14 =	vld [tilespmem:s24+$0x0];
	v9 =	vmul.f32 v9, v7;
	[tilespmem:s24+$0xFFFFFF60] =	vst v8  }
0xdc: {  	v11 =	vld [tilespmem:s24+$0x10];
	v8 =	vmul.f32 v18, v49;
	[tilespmem:s24+$0xFFFFFF70] =	vst v10  }
0xdd: {  	v51 =	vld [tilespmem:s24+$0x20];
	v10 =	vmul.f32 v19, v49;
	[tilespmem:s17+$0xF0] =	vst v9  }
0xde: {  	v52 =	vld [tilespmem:s24+$0x30];
	v13 =	vmul.f32 v13, v49;
	[tilespmem:s24+$0xFFFFFF90] =	vst v8  }
0xdf: {  	v9 =	vld [tilespmem:s24+$0xFFFFFFF0];
	v8 =	vmul.f32 v20, v49;
	[tilespmem:s24+$0xFFFFFFA0] =	vst v10  }
0xe0: {  	v10 =	vmul.f32 v12, v14;
	v14 =	vld [tilespmem:s24+$0x50];
	[tilespmem:s24+$0xFFFFFFE0] =	vst v13  }
0xe1: {  	v53 =	vld [tilespmem:s24+$0x40];
	v11 =	vmul.f32 v11, v12;
	[tilespmem:s24+$0xFFFFFFB0] =	vst v8  }
0xe2: {  	v8 =	vld [tilespmem:s24+$0x60];
	[tilespmem:s24+$0x0] =	vst v10;
	v10 =	vmul.f32 v50, v49  }
0xe3: {  	v54 =	vld [tilespmem:s24+$0x70];
	[tilespmem:s24+$0x10] =	vst v11;
	v11 =	vmul.f32 v52, v12  }
0xe4: {  	[tilespmem:s24+$0xFFFFFFD0] =	vst v10;
	v9 =	vmul.f32 v9, v49;
	v10 =	vld [tilespmem:s17+$0xFFFFFF00]  }
0xe5: {  	v13 =	vld [tilespmem:s17+$0xFFFFFF10];
	[tilespmem:s24+$0x30] =	vst v11;
	v14 =	vmul.f32 v14, v12  }
0xe6: {  	v55 =	vld [tilespmem:s17+$0xFFFFFF20];
	[tilespmem:s24+$0xFFFFFFF0] =	vst v9;
	v9 =	vmul.f32 v51, v12  }
0xe7: {  	v56 =	vld [tilespmem:s17+$0xFFFFFF30];
	v8 =	vmul.f32 v8, v12;
	[tilespmem:s24+$0x50] =	vst v14  }
0xe8: {  	v14 =	vld [tilespmem:s17+$0xFFFFFF70];
	[tilespmem:s24+$0x20] =	vst v9;
	v9 =	vmul.f32 v53, v12  }
0xe9: {  	v57 =	vld [tilespmem:s17+$0xFFFFFF40];
	v10 =	vmul.f32 v10, v15;
	[tilespmem:s24+$0x60] =	vst v8  }
0xea: {  	v11 =	vld [tilespmem:s17+$0xFFFFFF50];
	v8 =	vmul.f32 v13, v15;
	[tilespmem:s24+$0x40] =	vst v9  }
0xeb: {  	v59 =	vld [tilespmem:s17+$0xFFFFFFA0];
	[tilespmem:s17+$0xFFFFFF00] =	vst v10;
	v10 =	vmul.f32 v54, v12  }
0xec: {  	v58 =	vld [tilespmem:s17+$0xFFFFFF90];
	[tilespmem:s17+$0xFFFFFF10] =	vst v8;
	v8 =	vmul.f32 v56, v15  }
0xed: {  	v9 =	vld [tilespmem:s17+$0xFFFFFF60];
	v14 =	vmul.f32 v14, v15;
	[tilespmem:s24+$0x70] =	vst v10  }
0xee: {  	v13 =	vld [tilespmem:s17+$0xFFFFFF80];
	v10 =	vmul.f32 v55, v15;
	[tilespmem:s17+$0xFFFFFF30] =	vst v8  }
0xef: {  	v60 =	vld [tilespmem:s17+$0xFFFFFFB0];
	v8 =	vmul.f32 v11, v15;
	[tilespmem:s17+$0xFFFFFF70] =	vst v14  }
0xf0: {  	v11 =	vld [tilespmem:s17+$0xFFFFFFC0];
	v14 =	vmul.f32 v59, v49;
	[tilespmem:s17+$0xFFFFFF20] =	vst v10  }
0xf1: {  	v61 =	vld [tilespmem:s17+$0x10];
	v10 =	vmul.f32 v57, v15;
	[tilespmem:s17+$0xFFFFFF50] =	vst v8  }
0xf2: {  	v9 =	vmul.f32 v9, v15;
	v8 =	vld [tilespmem:s17+$0xFFFFFFE0];
	[tilespmem:s17+$0xFFFFFFA0] =	vst v14  }
0xf3: {  	[tilespmem:s17+$0xFFFFFF40] =	vst v10;
	v10 =	vmul.f32 v13, v49;
	v13 =	vld [tilespmem:s17+$0xFFFFFFD0]  }
0xf4: {  	v15 =	vld [tilespmem:s17+$0x0];
	[tilespmem:s17+$0xFFFFFF60] =	vst v9;
	v9 =	vmul.f32 v58, v49  }
0xf5: {  	v14 =	vld [tilespmem:s17+$0x20];
	v11 =	vmul.f32 v11, v49;
	[tilespmem:s17+$0xFFFFFF80] =	vst v10  }
0xf6: {  	v10 =	vld [tilespmem:s17+$0xFFFFFFF0];
	[tilespmem:s17+$0xFFFFFF90] =	vst v9;
	v9 =	vmul.f32 v60, v49  }
0xf7: {  	[tilespmem:s17+$0xFFFFFFC0] =	vst v11;
	v8 =	vmul.f32 v8, v49;
	v11 =	vld [tilespmem:s17+$0x40]  }
0xf8: {  	[tilespmem:s17+$0xFFFFFFB0] =	vst v9;
	v9 =	vmul.f32 v13, v49;
	v13 =	vld [tilespmem:s17+$0x30]  }
0xf9: {  	v62 =	vmul.f32 v61, v12;
	[tilespmem:s17+$0xFFFFFFE0] =	vst v8  }
0xfa: {  	v8 =	vld [tilespmem:s17+$0x60];
	[tilespmem:s17+$0xFFFFFFD0] =	vst v9;
	v9 =	vmul.f32 v15, v12  }
0xfb: {  	[tilespmem:s17+$0x10] =	vst v62;
	v15 =	vld [tilespmem:s17+$0x50];
	v10 =	vmul.f32 v10, v49  }
0xfc: {  	v11 =	vmul.f32 v11, v12;
	[tilespmem:s17+$0x0] =	vst v9;
	v9 =	vmul.f32 v14, v12;
	v14 =	vld [tilespmem:s17+$0x70]  }
0xfd: {  	[tilespmem:s17+$0xFFFFFFF0] =	vst v10;
	v10 =	vmul.f32 v13, v12;
	v13 =	vld [tilespmem:s17+$0x80]  }
0xfe: {  	v63 =	vld [tilespmem:s17+$0x90];
	[tilespmem:s17+$0x40] =	vst v11  }
0xff: {  	v11 =	vmul.f32 v8, v12;
	[tilespmem:s17+$0x20] =	vst v9;
	v9 =	vld [tilespmem:s17+$0xA0]  }
0x100: {  	[tilespmem:s17+$0x30] =	vst v10;
	v15 =	vmul.f32 v15, v12;
	v10 =	vld [tilespmem:s17+$0xB0]  }
0x101: {  	v8 =	vld [tilespmem:s17+$0xC0];
	[tilespmem:s17+$0x60] =	vst v11;
	v12 =	vmul.f32 v14, v12  }
0x102: {  	v11 =	vld [tilespmem:s17+$0xD0];
	[tilespmem:s17+$0x50] =	vst v15;
	v14 =	vmul.f32 v13, v7  }
0x103: {  	s12 =	simm.s32 $0x0;
	s13 =	simm.s32 $0xAB00;
	v13 =	vmul.f32 v63, v7;
	[tilespmem:s17+$0x70] =	vst v12;
	v12 =	vld [tilespmem:s17+$0xE0]  }
.LBB2_7:
0x104: {  	v15 =	vld.msk [tilespmem:s13+$0x80 ss:$0x0], $0xffff;
	[tilespmem:s17+$0x80] =	vst v14;
	v9 =	vmul.f32 v9, v7;
	s24 =	sadd.s32 $0x200, s24  }
0x105: {  	v14 =	vld [tilespmem:s24+$0x80];
	[tilespmem:s17+$0x90] =	vst v13;
	v10 =	vmul.f32 v10, v7  }
0x106: {  	v13 =	vld [tilespmem:s24+$0x90];
	[tilespmem:s17+$0xA0] =	vst v9;
	v8 =	vmul.f32 v8, v7  }
0x107: {  	v9 =	vld [tilespmem:s24+$0xA0];
	[tilespmem:s17+$0xB0] =	vst v10;
	v10 =	vmul.f32 v11, v7  }
0x108: {  	v11 =	vld [tilespmem:s24+$0xB0];
	[tilespmem:s17+$0xC0] =	vst v8;
	v16 =	vmul.f32 v12, v7  }
0x109: {  	v12 =	vld [tilespmem:s24+$0xC0];
	[tilespmem:s17+$0xD0] =	vst v10  }
0x10a: {  	v7 =	vmov v15;
	v8 =	vmul.f32 v15, v14;
	v14 =	vld [tilespmem:s24+$0xD0];
	[tilespmem:s17+$0xE0] =	vst v16  }
0x10b: {  	s12 =	sadd.s32 $0x4, s12;
	v10 =	vmul.f32 v13, v7;
	v13 =	vld [tilespmem:s24+$0xE0]  }
0x10c: {  	p0 =	slt.u32 s12, $0x1C;
	[tilespmem:s24+$0x80] =	vst v8;
	v15 =	vmul.f32 v9, v7;
	v16 =	vld [tilespmem:s24+$0xF0]  }
0x10d: {  	v9 =	vld.msk [tilespmem:s13+$0xFFFFFF80 ss:$0x0], $0xffff;
	[tilespmem:s24+$0x90] =	vst v10;
	v11 =	vmul.f32 v11, v7  }
0x10e: {  	v8 =	vld.msk [tilespmem:s13+$0x0 ss:$0x0], $0xffff;
	[tilespmem:s24+$0xA0] =	vst v15;
	v12 =	vmul.f32 v12, v7  }
0x10f: {  	v10 =	vld.msk [tilespmem:s13+$0xFFFFFF00 ss:$0x0], $0xffff;
	[tilespmem:s24+$0xB0] =	vst v11;
	v11 =	vmul.f32 v14, v7  }
0x110: {  	v14 =	vld [tilespmem:s24+$0xFFFFFF00];
	[tilespmem:s24+$0xC0] =	vst v12;
	v12 =	vmul.f32 v13, v7  }
0x111: {  	v13 =	vld [tilespmem:s24+$0xFFFFFF10];
	[tilespmem:s24+$0xD0] =	vst v11;
	v11 =	vmul.f32 v16, v7  }
0x112: {  	v15 =	vld [tilespmem:s24+$0xFFFFFF20];
	[tilespmem:s24+$0xE0] =	vst v12  }
0x113: {  	s17 =	sadd.s32 $0x200, s17;
	v12 =	vld [tilespmem:s24+$0xFFFFFF30];
	[tilespmem:s24+$0xF0] =	vst v11  }
0x114: {  	v11 =	vld [tilespmem:s17+$0xF0]  }
0x115: {  	v14 =	vmul.f32 v10, v14;
	v16 =	vld [tilespmem:s24+$0xFFFFFF40]  }
0x116: {  	v13 =	vmul.f32 v13, v10;
	v17 =	vld [tilespmem:s24+$0xFFFFFF50]  }
0x117: {  	[tilespmem:s24+$0xFFFFFF00] =	vst v14;
	v14 =	vmul.f32 v15, v10;
	v15 =	vld [tilespmem:s24+$0xFFFFFF60]  }
0x118: {  	[tilespmem:s24+$0xFFFFFF10] =	vst v13;
	v12 =	vmul.f32 v12, v10;
	v13 =	vld [tilespmem:s24+$0xFFFFFF70]  }
0x119: {  	[tilespmem:s24+$0xFFFFFF20] =	vst v14;
	v14 =	vld [tilespmem:s24+$0xFFFFFF80];
	v11 =	vmul.f32 v11, v7  }
0x11a: {  	[tilespmem:s24+$0xFFFFFF30] =	vst v12;
	v12 =	vmul.f32 v16, v10;
	v16 =	vld [tilespmem:s24+$0xFFFFFF90]  }
0x11b: {  	v17 =	vmul.f32 v17, v10;
	v18 =	vld [tilespmem:s24+$0xFFFFFFA0];
	[tilespmem:s17+$0xF0] =	vst v11  }
0x11c: {  	[tilespmem:s24+$0xFFFFFF40] =	vst v12;
	v11 =	vmul.f32 v15, v10;
	v12 =	vld [tilespmem:s24+$0xFFFFFFB0]  }
0x11d: {  	[tilespmem:s24+$0xFFFFFF50] =	vst v17;
	v13 =	vmul.f32 v13, v10;
	v15 =	vld [tilespmem:s24+$0xFFFFFFC0]  }
0x11e: {  	[tilespmem:s24+$0xFFFFFF60] =	vst v11;
	v11 =	vmul.f32 v9, v14;
	v14 =	vld [tilespmem:s24+$0xFFFFFFD0]  }
0x11f: {  	[tilespmem:s24+$0xFFFFFF70] =	vst v13;
	v13 =	vmul.f32 v16, v9;
	v16 =	vld [tilespmem:s24+$0xFFFFFFE0]  }
0x120: {  	[tilespmem:s24+$0xFFFFFF80] =	vst v11;
	v11 =	vmul.f32 v18, v9;
	v17 =	vld [tilespmem:s24+$0xFFFFFFF0]  }
0x121: {  	[tilespmem:s24+$0xFFFFFF90] =	vst v13;
	v12 =	vmul.f32 v12, v9;
	v13 =	vld [tilespmem:s24+$0x0]  }
0x122: {  	[tilespmem:s24+$0xFFFFFFA0] =	vst v11;
	v11 =	vmul.f32 v15, v9;
	v15 =	vld [tilespmem:s24+$0x10]  }
0x123: {  	[tilespmem:s24+$0xFFFFFFB0] =	vst v12;
	v12 =	vmul.f32 v14, v9;
	v14 =	vld [tilespmem:s24+$0x20]  }
0x124: {  	[tilespmem:s24+$0xFFFFFFC0] =	vst v11;
	v11 =	vmul.f32 v16, v9;
	v16 =	vld [tilespmem:s24+$0x30]  }
0x125: {  	[tilespmem:s24+$0xFFFFFFD0] =	vst v12;
	v12 =	vmul.f32 v17, v9;
	v17 =	vld [tilespmem:s24+$0x40]  }
0x126: {  	[tilespmem:s24+$0xFFFFFFE0] =	vst v11;
	v11 =	vmul.f32 v8, v13;
	v13 =	vld [tilespmem:s24+$0x50]  }
0x127: {  	[tilespmem:s24+$0xFFFFFFF0] =	vst v12;
	v12 =	vmul.f32 v15, v8;
	v15 =	vld [tilespmem:s24+$0x60]  }
0x128: {  	[tilespmem:s24+$0x0] =	vst v11;
	v11 =	vmul.f32 v14, v8;
	v14 =	vld [tilespmem:s24+$0x70]  }
0x129: {  	v18 =	vld [tilespmem:s17+$0xFFFFFF00];
	[tilespmem:s24+$0x10] =	vst v12;
	v12 =	vmul.f32 v16, v8  }
0x12a: {  	v16 =	vld [tilespmem:s17+$0xFFFFFF10];
	[tilespmem:s24+$0x20] =	vst v11;
	v11 =	vmul.f32 v17, v8  }
0x12b: {  	v17 =	vld [tilespmem:s17+$0xFFFFFF20];
	[tilespmem:s24+$0x30] =	vst v12;
	v12 =	vmul.f32 v13, v8  }
0x12c: {  	v13 =	vld [tilespmem:s17+$0xFFFFFF30];
	[tilespmem:s24+$0x40] =	vst v11;
	v11 =	vmul.f32 v15, v8  }
0x12d: {  	v15 =	vld [tilespmem:s17+$0xFFFFFF40];
	[tilespmem:s24+$0x50] =	vst v12;
	v12 =	vmul.f32 v14, v8  }
0x12e: {  	v14 =	vmul.f32 v18, v10;
	v18 =	vld [tilespmem:s17+$0xFFFFFF50];
	[tilespmem:s24+$0x60] =	vst v11  }
0x12f: {  	v11 =	vmul.f32 v16, v10;
	v16 =	vld [tilespmem:s17+$0xFFFFFF60];
	[tilespmem:s24+$0x70] =	vst v12  }
0x130: {  	[tilespmem:s17+$0xFFFFFF00] =	vst v14;
	v12 =	vmul.f32 v17, v10;
	v14 =	vld [tilespmem:s17+$0xFFFFFF70]  }
0x131: {  	[tilespmem:s17+$0xFFFFFF10] =	vst v11;
	v11 =	vmul.f32 v13, v10;
	v13 =	vld [tilespmem:s17+$0xFFFFFF80]  }
0x132: {  	[tilespmem:s17+$0xFFFFFF20] =	vst v12;
	v12 =	vmul.f32 v15, v10;
	v15 =	vld [tilespmem:s17+$0xFFFFFF90]  }
0x133: {  	[tilespmem:s17+$0xFFFFFF30] =	vst v11;
	v11 =	vmul.f32 v18, v10;
	v17 =	vld [tilespmem:s17+$0xFFFFFFA0]  }
0x134: {  	[tilespmem:s17+$0xFFFFFF40] =	vst v12;
	v12 =	vmul.f32 v16, v10;
	v16 =	vld [tilespmem:s17+$0xFFFFFFB0]  }
0x135: {  	[tilespmem:s17+$0xFFFFFF50] =	vst v11;
	v10 =	vmul.f32 v14, v10;
	v11 =	vld [tilespmem:s17+$0xFFFFFFC0]  }
0x136: {  	[tilespmem:s17+$0xFFFFFF60] =	vst v12;
	v12 =	vmul.f32 v13, v9;
	v13 =	vld [tilespmem:s17+$0xFFFFFFD0]  }
0x137: {  	[tilespmem:s17+$0xFFFFFF70] =	vst v10;
	v10 =	vmul.f32 v15, v9;
	v14 =	vld [tilespmem:s17+$0xFFFFFFE0]  }
0x138: {  	[tilespmem:s17+$0xFFFFFF80] =	vst v12;
	v12 =	vmul.f32 v17, v9;
	v15 =	vld [tilespmem:s17+$0xFFFFFFF0]  }
0x139: {  	[tilespmem:s17+$0xFFFFFF90] =	vst v10;
	v10 =	vmul.f32 v16, v9;
	v16 =	vld [tilespmem:s17+$0x0]  }
0x13a: {  	[tilespmem:s17+$0xFFFFFFA0] =	vst v12;
	v11 =	vmul.f32 v11, v9;
	v12 =	vld [tilespmem:s17+$0x10]  }
0x13b: {  	[tilespmem:s17+$0xFFFFFFB0] =	vst v10;
	v10 =	vmul.f32 v13, v9;
	v13 =	vld [tilespmem:s17+$0x20]  }
0x13c: {  	[tilespmem:s17+$0xFFFFFFC0] =	vst v11;
	v11 =	vmul.f32 v14, v9;
	v14 =	vld [tilespmem:s17+$0x30]  }
0x13d: {  	[tilespmem:s17+$0xFFFFFFD0] =	vst v10;
	v9 =	vmul.f32 v15, v9;
	v10 =	vld [tilespmem:s17+$0x40]  }
0x13e: {  	[tilespmem:s17+$0xFFFFFFE0] =	vst v11;
	v11 =	vmul.f32 v16, v8;
	v15 =	vld [tilespmem:s17+$0x50]  }
0x13f: {  	[tilespmem:s17+$0xFFFFFFF0] =	vst v9;
	v9 =	vmul.f32 v12, v8;
	v12 =	vld [tilespmem:s17+$0x60]  }
0x140: {  	[tilespmem:s17+$0x0] =	vst v11;
	v11 =	vmul.f32 v13, v8;
	v13 =	vld [tilespmem:s17+$0x70]  }
0x141: {  	[tilespmem:s17+$0x10] =	vst v9;
	v9 =	vmul.f32 v14, v8;
	v14 =	vld [tilespmem:s17+$0x80]  }
0x142: {  	[tilespmem:s17+$0x20] =	vst v11;
	v10 =	vmul.f32 v10, v8;
	v16 =	vld [tilespmem:s17+$0x90]  }
.Ltmp6:
0x143: {  	[tilespmem:s17+$0x30] =	vst v9;
	v11 =	vmul.f32 v15, v8;
	v9 =	vld [tilespmem:s17+$0xA0];
	(pc) =	sbr.rel @p0 .LBB2_7-.Ltmp6, $4  }
0x144: {  	[tilespmem:s17+$0x40] =	vst v10;
	v12 =	vmul.f32 v12, v8;
	v10 =	vld [tilespmem:s17+$0xB0]  }
0x145: {  	[tilespmem:s17+$0x50] =	vst v11;
	v13 =	vmul.f32 v13, v8;
	v8 =	vld [tilespmem:s17+$0xC0]  }
0x146: {  	[tilespmem:s17+$0x60] =	vst v12;
	v14 =	vmul.f32 v14, v7;
	v11 =	vld [tilespmem:s17+$0xD0]  }
0x147: {  	s13 =	sadd.s32 $0x200, s13;
	[tilespmem:s17+$0x70] =	vst v13;
	v13 =	vmul.f32 v16, v7;
	v12 =	vld [tilespmem:s17+$0xE0]  }
0x148: {  	[tilespmem:s17+$0x80] =	vst v14;
	v9 =	vmul.f32 v9, v7  }
0x149: {  	[tilespmem:s17+$0x90] =	vst v13;
	v10 =	vmul.f32 v10, v7  }
0x14a: {  	[tilespmem:s17+$0xA0] =	vst v9;
	v8 =	vmul.f32 v8, v7  }
0x14b: {  	[tilespmem:s17+$0xB0] =	vst v10;
	v63 =	vmul.f32 v11, v7  }
0x14c: {  	[tilespmem:s17+$0xC0] =	vst v8;
	v7 =	vmul.f32 v12, v7  }
0x14d: {  	[tilespmem:s17+$0xD0] =	vst v63  }
0x14e: {  	[tilespmem:s17+$0xE0] =	vst v7  }
0x14f: {  	[spmem:s2] =	stream.indirect.scatter.add.f32 [tilespmem:s0], [sflag:$0x3], $0x80, s20, s28, $0xb8;
	[tilespmem:$0xE800] =	vst v63  }
0x150: {  	_ = 	snop  }
0x151: {  	[spmem:s4] =	stream.indirect.scatter.add.f32 [tilespmem:s3], [sflag:$0x3], $0x80, s20, s28, $0xb8;
	[tilespmem:$0xE800] =	vst v63  }
0x152: {  	_ = 	snop  }
0x153: {  	[spmem:s5] =	stream.indirect.scatter.add.f32 [tilespmem:s14], [sflag:$0x3], $0x80, s20, s28, $0xb8;
	[tilespmem:$0xE800] =	vst v63  }
0x154: {  	_ =	swait.ge [sflag:s7], $0x1000  }
0x155: {  	[sflag:s7] =	ssyncset.done $0x0  }
0x156: {  	s19 =	sadd.s32 $0x1, s19;
	[sflag:s7] =	ssyncadd.s32 $0xFFFFF000  }
0x157: {  	p0 =	sne.s32 s19, s18;
	_ =	swait.ge [sflag:s7], $0x1000  }
.Ltmp7:
0x158: {  	[sflag:s7] =	ssyncset.done $0x0;
	(pc) =	sbr.rel @p0 .LBB2_6-.Ltmp7, $4  }
.Ltmp8:
0x159: {  	[sflag:s7] =	ssyncadd.s32 $0xFFFFF000;
	(pc) =	sbr.rel @!p0 .LBB2_9-.Ltmp8, $4  }
0x15a: {  	_ =	swait.ge [sflag:s7], $0x1000  }
0x15b: {  	[sflag:s7] =	ssyncset.done $0x0  }
0x15c: {  	[sflag:s7] =	ssyncadd.s32 $0xFFFFF000  }
0x15d: {  	_ = 	snop  }
.LBB2_11:
0x15e: {  	_ =	sfence.sel $0x180000  }
0x15f: {  	[bflag:$0x0] =	sbarrier.arrive $0xFFFF  }
0x160: {  	_ =	strace $0x9000004A  }
0x161: {  	s0 =	stileid.u32;
	[bflag:$0x2] =	sbarrier.arrive $0xFFFF  }
0x162: {  	p0 =	sne.s32 s0, $0x0;
	s0 =	rddreg [dreg:$0x5]  }
0x163: {  	s0 =	sadd.s32 @!p0 $0x100000, s0  }
0x164: {  	[sflag:s0] =	ssyncadd.tile.s32 @!p0 $0x1;
	_ =	shalt  }
.Lfunc_end2:
_tile_overlayer_lowered:
.L_overlay_start_2:
0x165: {  	(tag) =	ssettag $0x2  }
0x166: {  	s0 =	rddreg [dreg:$0x0];
	s2 =	stileid.u32  }
0x167: {  	s1 =	rddreg [dreg:$0x1];
	p0 =	sne.s32 s2, $0x0  }
0x168: {  	s3 =	rddreg [dreg:$0x2];
	[bflag:$0x3] =	sbarrier.arrive $0xFFFF;
	s2 =	simm.s32 @!p0 $0x1C04  }
0x169: {  	[timem:s3], [sflag:s2] =	dma.local @!p0 [hbm:s0], s1  }
0x16a: {  	s0 =	simm.s32 @!p0 $0x4  }
0x16b: {  	_ =	swait.ge @!p0 [sflag:s0], s1  }
0x16c: {  	s1 =	ssub.s32 @!p0 $0x0, s1;
	[sflag:s0] =	ssyncset.done @!p0 $0x0  }
0x16d: {  	[sflag:s0] =	ssyncadd.s32 @!p0 s1  }
0x16e: {  	[bflag:$0x3] =	sbarrier.arrive $0xFFFF  }
0x16f: {  	_ =	shalt  }

// kernel: kernel.7.cloned.1.call-start
scs
__scs_entry_jumppad:
0x0: {  	(pc) =	sbr.rel $0x88, $3  }
0x1: {  	(tag) =	ssettag $0x0;
	lr =	simm.s32 $0x1  }
0x2: {  	[smem:$0x3F97] =	sst lr;
	_ =	strace $0xD0000000  }
0x3: {  	_ = 	snop  }
0x4: {  	_ = 	snop  }
0x5: {  	_ = 	snop  }
0x6: {  	_ = 	snop  }
0x7: {  	_ = 	snop  }
__scs_overlays_trampoline_lowered:
0x8: {  	[smem:$0x3FA6] =	sst s0  }
0x9: {  	[smem:$0x3FA7] =	sst s1  }
0xa: {  	[smem:$0x3FA8] =	sst s2  }
0xb: {  	[smem:$0x3FA9] =	sst s3  }
0xc: {  	[smem:$0x3FAA] =	sst s4  }
0xd: {  	[smem:$0x3FAB] =	sst s5  }
0xe: {  	[smem:$0x3FAC] =	sst s6  }
0xf: {  	[smem:$0x3FAD] =	sst s7  }
0x10: {  	[smem:$0x3FAE] =	sst s8  }
0x11: {  	[smem:$0x3FAF] =	sst s9;
	s0 =	simm.s32 @!p0 $0x0  }
0x12: {  	s1 =	sld [smem:$0x3F95];
	s0 =	simm.s32 @p0 $0x1  }
0x13: {  	[smem:$0x3FB0] =	sst s0;
	s0 =	simm.s32 @!p1 $0x0  }
0x14: {  	s2 =	sld [smem:$0x3F94];
	s0 =	simm.s32 @p1 $0x1  }
0x15: {  	[smem:$0x3FB1] =	sst s0;
	s0 =	simm.s32 @!p2 $0x0  }
0x16: {  	s3 =	sld [smem:$0x3FDB];
	s0 =	simm.s32 @p2 $0x1  }
0x17: {  	s4 =	simm.s32 $0x1BF5;
	[smem:$0x3FB3] =	sst s0  }
0x18: {  	s0 =	sld [smem:$0x3F96];
	_ =	swait.ge [sflag:s4], $0x0  }
0x19: {  	s7 =	sld [smem:$0x3F97]  }
0x1a: {  	s8 =	sadd.s32 $0xFFFFE003, lr  }
0x1b: {  	s9 =	sadd.s32 $0xFFFFFEF7, lr;
	s5 =	simm.s32 $0xFFFFFFFF;
	p2 =	slt.u32 s8, $0xFFFFF086  }
0x1c: {  	p1 =	slt.u32 s9, $0xF7A;
	s5 =	simm.s32 @!p2 $0x0  }
0x1d: {  	s5 =	simm.s32 @p1 $0x1;
	p0 =	seq.s32 s7, s2  }
0x1e: {  	s7 =	smul.u32 @!p0 $0xF7A, s2;
	p2 =	seq.s32 @!p0 s5, $0x0  }
0x1f: {  	s9 =	smul.u32 $0xF7A, s1;
	s8 =	simm.s32 @!p0 $0x1BF5;
	p2 =	por !p2, p0  }
0x20: {  	[sflag:s8] =	ssyncset.s32 @!p0 $0xFFFFF086;
	s6 =	sadd.s32 @!p0 s3, s7;
	s7 =	simm.s32 @!p0 $0x108  }
0x21: {  	s3 =	sadd.s32 s3, s9;
	s6 =	sadd.s32 @!p0 $0x88, s6;
	s7 =	simm.s32 @p2 $0x1082  }
0x22: {  	[simem:s7], [sflag:s8] =	dma.local @!p0 [hbm:s6], $0xF7A  }
0x23: {  	s9 =	sor.u32 $0xD0000000, s2;
	s6 =	simm.s32 $0x108;
	_ =	swait.ge @!p0 [sflag:s8], $0x0  }
0x24: {  	s3 =	sadd.s32 $0x88, s3;
	s6 =	simm.s32 @!p1 $0x1082;
	[sflag:s4] =	ssyncset.s32 $0xFFFFF086  }
0x25: {  	[simem:s6], [sflag:s4] =	dma.local [hbm:s3], $0xF7A  }
0x26: {  	[smem:$0x3F97] =	sst s1;
	(tag) =	ssettag s2;
	_ =	strace s9  }
0x27: {  	s1 =	sld [smem:$0x3FA7]  }
0x28: {  	s2 =	sld [smem:$0x3FA8]  }
0x29: {  	s4 =	sld [smem:$0x3FAA]  }
0x2a: {  	p0 =	seq.s32 s5, $0x0;
	s5 =	sld [smem:$0x3FAB]  }
0x2b: {  	s6 =	sld [smem:$0x3FAC]  }
0x2c: {  	s7 =	sld [smem:$0x3FAD]  }
0x2d: {  	s3 =	simm.s32 $0x108;
	s8 =	sld [smem:$0x3FAE]  }
0x2e: {  	s3 =	simm.s32 @!p0 $0x1082;
	s9 =	sld [smem:$0x3FAF]  }
0x2f: {  	lr =	sadd.s32 s0, s3;
	s0 =	sld [smem:$0x3FA6]  }
0x30: {  	s3 =	sld [smem:$0x3FA9]  }
0x31: {  	[smem:$0x3FB2] =	sst s10  }
0x32: {  	s10 =	sld [smem:$0x3FB0];
	_ =	sdelay $0x3  }
0x33: {  	p0 =	seq.s32 s10, $0x1;
	s10 =	sld [smem:$0x3FB2];
	_ =	sdelay $0x3  }
0x34: {  	[smem:$0x3FB2] =	sst s10  }
0x35: {  	s10 =	sld [smem:$0x3FB1];
	_ =	sdelay $0x3  }
0x36: {  	p1 =	seq.s32 s10, $0x1;
	s10 =	sld [smem:$0x3FB2];
	_ =	sdelay $0x3  }
0x37: {  	[smem:$0x3FB2] =	sst s10  }
0x38: {  	s10 =	sld [smem:$0x3FB3]  }
0x39: {  	_ = 	snop;
	(pc) =	sbr.ind lr, $3  }
0x3a: {  	_ = 	snop  }
0x3b: {  	_ = 	snop  }
0x3c: {  	p2 =	seq.s32 s10, $0x1;
	s10 =	sld [smem:$0x3FB2]  }
0x3d: {  	_ =	shalt  }
0x3e: {  	_ =	shalt  }
0x3f: {  	_ =	shalt  }
0x40: {  	_ =	shalt  }
0x41: {  	_ =	shalt  }
0x42: {  	_ =	shalt  }
0x43: {  	_ =	shalt  }
0x44: {  	_ =	shalt  }
0x45: {  	_ =	shalt  }
0x46: {  	_ =	shalt  }
0x47: {  	_ =	shalt  }
0x48: {  	_ =	shalt  }
0x49: {  	_ =	shalt  }
0x4a: {  	_ =	shalt  }
0x4b: {  	_ =	shalt  }
0x4c: {  	_ =	shalt  }
0x4d: {  	_ =	shalt  }
0x4e: {  	_ =	shalt  }
0x4f: {  	_ =	shalt  }
0x50: {  	_ =	shalt  }
0x51: {  	_ =	shalt  }
0x52: {  	_ =	shalt  }
0x53: {  	_ =	shalt  }
0x54: {  	_ =	shalt  }
0x55: {  	_ =	shalt  }
0x56: {  	_ =	shalt  }
0x57: {  	_ =	shalt  }
0x58: {  	_ =	shalt  }
0x59: {  	_ =	shalt  }
0x5a: {  	_ =	shalt  }
0x5b: {  	_ =	shalt  }
0x5c: {  	_ =	shalt  }
0x5d: {  	_ =	shalt  }
0x5e: {  	_ =	shalt  }
0x5f: {  	_ =	shalt  }
0x60: {  	_ =	shalt  }
0x61: {  	_ =	shalt  }
0x62: {  	_ =	shalt  }
0x63: {  	_ =	shalt  }
0x64: {  	_ =	shalt  }
0x65: {  	_ =	shalt  }
0x66: {  	_ =	shalt  }
0x67: {  	_ =	shalt  }
0x68: {  	_ =	shalt  }
0x69: {  	_ =	shalt  }
0x6a: {  	_ =	shalt  }
0x6b: {  	_ =	shalt  }
0x6c: {  	_ =	shalt  }
0x6d: {  	_ =	shalt  }
0x6e: {  	_ =	shalt  }
0x6f: {  	_ =	shalt  }
0x70: {  	_ =	shalt  }
0x71: {  	_ =	shalt  }
0x72: {  	_ =	shalt  }
0x73: {  	_ =	shalt  }
0x74: {  	_ =	shalt  }
0x75: {  	_ =	shalt  }
0x76: {  	_ =	shalt  }
0x77: {  	_ =	shalt  }
0x78: {  	_ =	shalt  }
0x79: {  	_ =	shalt  }
0x7a: {  	_ =	shalt  }
0x7b: {  	_ =	shalt  }
0x7c: {  	_ =	shalt  }
0x7d: {  	_ =	shalt  }
0x7e: {  	_ =	shalt  }
0x7f: {  	_ =	shalt  }
0x80: {  	_ =	shalt  }
0x81: {  	_ =	shalt  }
0x82: {  	_ =	shalt  }
0x83: {  	_ =	shalt  }
0x84: {  	_ =	shalt  }
0x85: {  	_ =	shalt  }
0x86: {  	_ =	shalt  }
0x87: {  	_ =	shalt  }
.Lfunc_end0:
.L_simem_size_0:
called_computation_lowered:
.L_overlay_start_0:
0x88: {  	s2 =	sld [smem:$0x3FD9]  }
0x89: {  	s3 =	sld [smem:$0x3FFE];
	_ =	sdelay $0x1  }
0x8a: {  	s1 =	srdreg.scid  }
0x8b: {  	s0 =	sand.u32 $0x1, s1  }
0x8c: {  	s17 =	sshll.u32 s0, $0xA;
	s2 =	sadd.s32 s3, s2  }
0x8d: {  	s2 =	sadd.s32 s2, s17  }
0x8e: {  	[smem:$0x3FBE] =	sst s2  }
0x8f: {  	_ = 	snop  }
0x90: {  	s2 =	sld [smem:$0x3FD0];
	(tm) =	ssettm $0x1  }
0x91: {  	s18 =	sld [smem:$0x3FFB];
	_ =	sdelay $0x3  }
0x92: {  	_ =	strace s18  }
0x93: {  	s3 =	sld [smem:$0x3FFC];
	_ =	sdelay $0x3  }
0x94: {  	_ =	strace s3  }
0x95: {  	s3 =	sld [smem:$0x3FFD];
	_ =	sdelay $0x3  }
0x96: {  	_ =	strace s3  }
0x97: {  	_ =	strace $0x8FFFFFFF  }
0x98: {  	s19 =	sld [smem:$0x3FDB];
	_ =	sdelay $0x1  }
0x99: {  	s4 =	simm.s32 $_scs_section_size  }
0x9a: {  	s5 =	simm.s32 $_size__tile_overlayer_lowered;
	s6 =	simm.s32 $_tile_overlayer_lowered  }
0x9b: {  	s22 =	simm.s32 $0x1BFF;
	s21 =	sshll.u32 s6, $0x1;
	s3 =	sadd.s32 s4, s19  }
0x9c: {  	s7 =	simm.s32 $0x0;
	s20 =	sshll.u32 s5, $0x1;
	s5 =	sadd.s32 s21, s3  }
0x9d: {  	[timem:s7], [sflag:s22] =	dma.local [hbm:s5], s20  }
0x9e: {  	_ =	swait.ge [sflag:s22], s20  }
0x9f: {  	s4 =	ssub.s32 $0x0, s20;
	[sflag:s22] =	ssyncset.done $0x0  }
0xa0: {  	[sflag:s22] =	ssyncadd.s32 s4;
	_ =	sdelay $0x1  }
0xa1: {  	s23 =	simm.s32 $0x1B8B  }
0xa2: {  	_ =	swait.ge [sflag:s23], $0x1  }
0xa3: {  	[sflag:s23] =	ssyncset.done $0x0  }
0xa4: {  	s25 =	simm.s32 $0x1B8E;
	s24 =	sld [smem:$0x3FFE];
	[sflag:s23] =	ssyncadd.s32 $0xFFFFFFFF  }
0xa5: {  	s26 =	simm.s32 $execute0_lowered;
	[smem:$0x3FD2] =	sst s25  }
0xa6: {  	s5 =	sshll.u32 s26, $0x1;
	_ =	strace $0x80000046;
	[dreg:$0x1] =	wrdreg $0xFFFFFFFF  }
0xa7: {  	s28 =	simm.s32 $_size_execute0_lowered;
	s3 =	sadd.s32 s3, s5;
	[dreg:$0x0] =	wrdreg $0x0  }
0xa8: {  	s5 =	sshll.u32 s28, $0x1;
	[dreg:$0x2] =	wrdreg s3  }
0xa9: {  	[dreg:$0x3] =	wrdreg s5  }
0xaa: {  	[dreg:$0x4] =	wrdreg $0xC0  }
0xab: {  	_ =	task [dreg:s7], $0x5FFFF  }
0xac: {  	[dreg:$0x1] =	wrdreg $0xFFFFFFFF  }
0xad: {  	[dreg:$0x0] =	wrdreg $0x60  }
0xae: {  	[dreg:$0x2] =	wrdreg s24  }
0xaf: {  	[dreg:$0x3] =	wrdreg s2  }
0xb0: {  	[dreg:$0x4] =	wrdreg $0x118000  }
0xb1: {  	[dreg:$0x5] =	wrdreg $0x11C000  }
0xb2: {  	[dreg:$0x6] =	wrdreg $0x120000  }
0xb3: {  	[dreg:$0x7] =	wrdreg $0x124000  }
0xb4: {  	[dreg:$0x8] =	wrdreg $0x128000  }
0xb5: {  	[dreg:$0x9] =	wrdreg $0x12C000  }
0xb6: {  	[dreg:$0xa] =	wrdreg $0x130000  }
0xb7: {  	[dreg:$0xb] =	wrdreg $0x134000  }
0xb8: {  	[dreg:$0xc] =	wrdreg $0x138000  }
0xb9: {  	[dreg:$0xd] =	wrdreg $0x9  }
0xba: {  	_ =	task.clear_ibuf [dreg:s7], $0xEFFFF;
	_ =	strace $0x90000046  }
0xbb: {  	s29 =	simm.s32 $0x9;
	_ =	strace $0x80000048  }
0xbc: {  	_ =	swait.ge [sflag:s29], $0x1  }
0xbd: {  	[sflag:s29] =	ssyncadd.s32 $0xFFFFFFFF  }
0xbe: {  	_ =	strace $0x90000048  }
0xbf: {  	_ =	sfence  }
0xc0: {  	s30 =	sld [smem:$0x0];
	_ =	sdelay $0x2  }
0xc1: {  	s31 =	sshll.u32 s1, $0xD;
	s1 =	sshrl.u32 s1, $0x2  }
0xc2: {  	s3 =	sand.u32 $0x4000, s31;
	s1 =	sadd.s32 s1, s30  }
0xc3: {  	s0 =	sor.u32 s3, s0;
	s1 =	sshll.u32 s1, $0x11  }
0xc4: {  	s0 =	sor.u32 s1, s0  }
0xc5: {  	s0 =	sadd.s32 $0x8F2B, s0  }
0xc6: {  	[sflag:s0] =	ssyncadd.remote.s32 $0x1  }
0xc7: {  	_ =	sfence.sel $0xFFFF  }
0xc8: {  	[dreg:$0x0] =	wrdreg $0xFFFFFFFF;
	(pc) =	sbr.abs _section_cstart, $3  }
0xc9: {  	[dreg:$0x1] =	wrdreg $0xFFFFFFFF  }
0xca: {  	_ =	task.clear_ibuf [dreg:s7], $0x2FFFF;
	_ =	strace $0x9FFFFFFF  }
0xcb: {  	(tm) =	ssettm $0x7FFFFFFF  }
tec
execute0_lowered:
.L_overlay_start_1:
0x0: {  	(tag) =	ssettag $0x1  }
0x1: {  	s0 =	rddreg [dreg:$0x0]  }
0x2: {  	s5 =	rddreg [dreg:$0x2]  }
0x3: {  	s6 =	rddreg [dreg:$0x3]  }
0x4: {  	s7 =	rddreg [dreg:$0x4]  }
0x5: {  	s8 =	rddreg [dreg:$0x5]  }
0x6: {  	s9 =	rddreg [dreg:$0x6]  }
0x7: {  	s11 =	rddreg [dreg:$0x7]  }
0x8: {  	s12 =	rddreg [dreg:$0x8]  }
0x9: {  	s13 =	rddreg [dreg:$0x9]  }
0xa: {  	s14 =	rddreg [dreg:$0xa];
	s10 =	stileid.u32;
	s2 =	simm.s32 $0x0  }
0xb: {  	s23 =	srdreg.scid;
	[smem:$0x7FF] =	sst s2;
	s3 =	sadd.s32 $0x2ADA00, s0  }
0xc: {  	s24 =	sadd.s32 $0x285A00, s0;
	_ =	strace $0x80000047;
	[dreg:$0xc] =	wrdreg s3  }
0xd: {  	s28 =	simm.s32 $0x7680;
	s25 =	sadd.s32 $0x25DA00, s0;
	[dreg:$0xd] =	wrdreg s24  }
0xe: {  	s1 =	smul.u32 $0x4E2, s10;
	s21 =	sadd.s32 $0x10200, s0;
	[smem:$0x7F7] =	sst s25  }
0xf: {  	s2 =	sand.u32 $0x1, s23;
	s15 =	sadd.s32 $0x38200, s0;
	[dreg:$0xf] =	wrdreg s21  }
0x10: {  	s16 =	sadd.s32 $0x235A00, s0;
	s23 =	sadd.s32 $0x60200, s0;
	[dreg:$0x10] =	wrdreg s15  }
0x11: {  	s17 =	sadd.s32 $0x20DA00, s0;
	[dreg:$0x11] =	wrdreg s23;
	s24 =	sadd.s32 $0x88200, s0  }
0x12: {  	s18 =	sadd.s32 $0x1E5A00, s0;
	s25 =	sadd.s32 $0xB0200, s0;
	[dreg:$0x12] =	wrdreg s24  }
0x13: {  	s26 =	ssub.s32 $0x2, s2;
	s15 =	sadd.s32 $0x100200, s0;
	[dreg:$0x13] =	wrdreg s25  }
0x14: {  	s23 =	sadd.s32 $0x128200, s0;
	s2 =	smul.u32 $0x28, s2;
	[dreg:$0x15] =	wrdreg s15  }
0x15: {  	s19 =	sadd.s32 $0x1BDA00, s0;
	s4 =	sshrl.u32 s26, $0x1;
	[dreg:$0x16] =	wrdreg s23  }
0x16: {  	s3 =	ssub.s32 s26, s4;
	s26 =	sadd.s32 $0xD8200, s0;
	[dreg:$0x1a] =	wrdreg s2  }
0x17: {  	s1 =	sadd.s32 s1, s0;
	s4 =	sshll.u32 s10, $0x7;
	[dreg:$0x14] =	wrdreg s26  }
0x18: {  	s20 =	sadd.s32 $0x195A00, s0;
	s24 =	sadd.s32 $0xAA00, s1;
	[dreg:$0xe] =	wrdreg s4  }
0x19: {  	s22 =	sadd.s32 $0x16DA00, s0;
	s25 =	sadd.s32 $0x5A00, s1;
	[dreg:$0x18] =	wrdreg s24  }
0x1a: {  	s4 =	sadd.s32 s4, s0;
	s0 =	sadd.s32 $0x2D5A00, s0;
	[dreg:$0x19] =	wrdreg s25  }
0x1b: {  	s26 =	sshll.u32 s10, $0xA;
	[dreg:$0x17] =	wrdreg s0;
	s4 =	sadd.s32 $0xFA00, s4  }
0x1c: {  	s29 =	simm.s32 $0x8800;
	s5 =	sadd.s32 s26, s5;
	[dreg:$0x1b] =	wrdreg s4  }
0x1d: {  	s30 =	simm.s32 $0x9800;
	s6 =	sadd.s32 s26, s6;
	[dreg:$0x1c] =	wrdreg s5  }
0x1e: {  	s31 =	simm.s32 $0xA800;
	s10 =	sadd.s32 s26, s7;
	[dreg:$0x1d] =	wrdreg s6  }
0x1f: {  	s1 =	simm.s32 $0xD800;
	s15 =	sadd.s32 s26, s8;
	[dreg:$0x1e] =	wrdreg s10  }
0x20: {  	s2 =	simm.s32 $0xE800;
	s21 =	sadd.s32 s26, s9;
	[dreg:$0x1f] =	wrdreg s15  }
0x21: {  	s23 =	sadd.s32 s26, s11;
	s24 =	sadd.s32 s26, s12;
	[smem:$0x7F8] =	sst s21  }
0x22: {  	v0 =	vlaneseq.u32;
	s25 =	sadd.s32 s26, s13;
	s0 =	sadd.s32 s26, s14;
	[smem:$0x7F9] =	sst s23  }
0x23: {  	v1 =	vmul.u32 $0x80, v0;
	s26 =	smax.u32 s3, $0x1;
	s7 =	simm.s32 $0x2780;
	[smem:$0x7FA] =	sst s24  }
0x24: {  	v2 =	vimm.s32 $0x0;
	v3 =	vor.u32 $0x10, v0;
	s12 =	simm.s32 $0xB800;
	s3 =	simm.s32 $0xF800;
	[smem:$0x7FB] =	sst s25  }
.Ltmp0:
0x25: {  	v4 =	vor.u32 $0x1, v1;
	v5 =	vor.u32 $0x2, v1;
	v6 =	vor.u32 $0x3, v1;
	s8 =	simm.s32 $0x7780;
	[smem:$0x7FC] =	sst s0;
	(pc) =	sbr.rel .LBB2_1-.Ltmp0, $4  }
0x26: {  	v7 =	vor.u32 $0x4, v1;
	v8 =	vor.u32 $0x5, v1;
	v9 =	vor.u32 $0x6, v1;
	s9 =	simm.s32 $0x3;
	s11 =	simm.s32 $0x0;
	[smem:$0x7FD] =	sst s26  }
0x27: {  	v10 =	vor.u32 $0x7, v1;
	v11 =	vor.u32 $0x800, v1;
	v12 =	vor.u32 $0x801, v1;
	s5 =	simm.s32 $0x4;
	s21 =	simm.s32 $0x4F00;
	s23 =	simm.s32 $0x1  }
0x28: {  	v13 =	vor.u32 $0x802, v1;
	v14 =	vor.u32 $0x803, v1;
	v15 =	vor.u32 $0x804, v1;
	s24 =	simm.s32 $0x20;
	s26 =	simm.s32 $0x7800;
	s0 =	simm.s32 $0xC800  }
0x29: {  	v16 =	vor.u32 $0x805, v1;
	v17 =	vor.u32 $0x806, v1;
	v18 =	vor.u32 $0x807, v1;
	s4 =	simm.s32 $0x10800;
	s6 =	simm.s32 $0x2;
	s15 =	simm.s32 $0x7700  }
.LBB2_10:
0x2a: {  	s11 =	sld [smem:$0x7F5]  }
0x2b: {  	s10 =	sld [smem:$0x7FD];
	_ =	sdelay $0x1  }
0x2c: {  	s11 =	sadd.s32 $0x1, s11  }
0x2d: {  	p0 =	sne.s32 s11, s10  }
.Ltmp1:
0x2e: {  	_ = 	snop;
	(pc) =	sbr.rel @!p0 .LBB2_11-.Ltmp1, $1  }
0x2f: {  	_ =	sdelay $0x3  }
.LBB2_1:
0x30: {  	[smem:$0x7F5] =	sst s11  }
0x31: {  	s10 =	simm.s32 $0x0;
	s13 =	rddreg [dreg:$0x18]  }
0x32: {  	[tilespmem:s10], [sflag:$0x4] =	stream.linear.gather [hbm4b:s13+s10], $0x2710, $0x38;
	[tilespmem:$0x13C00] =	vst v63  }
0x33: {  	_ =	swait.ge [sflag:s5], $0x2710  }
0x34: {  	s25 =	stileid.u32;
	[sflag:s5] =	ssyncset.done $0x0  }
.Ltmp2:
0x35: {  	s14 =	rddreg [dreg:$0x19];
	[sflag:s5] =	ssyncadd.s32 $0xFFFFD8F0;
	(pc) =	sbr.rel .LBB2_2-.Ltmp2, $4  }
0x36: {  	[tilespmem:s7], [sflag:$0x4] =	stream.linear.gather [hbm4b:s14+s10], $0x2710, $0x38;
	[tilespmem:$0x13C00] =	vst v63  }
0x37: {  	s10 =	sshll.u32 s25, $0x6;
	_ =	swait.ge [sflag:s5], $0x2710  }
0x38: {  	s13 =	sor.u32 $0x1C04, s10;
	[sflag:s5] =	ssyncset.done $0x0  }
0x39: {  	s14 =	simm.s32 $0x0;
	[smem:$0x7F6] =	sst s13;
	[sflag:s5] =	ssyncadd.s32 $0xFFFFD8F0  }
.LBB2_9:
0x3a: {  	s10 =	sld [smem:$0x7F4];
	_ =	sdelay $0x1  }
0x3b: {  	s11 =	rddreg [dreg:$0xe];
	[bflag:$0x0] =	sbarrier.arrive $0xFFFF  }
0x3c: {  	s13 =	rddreg [dreg:$0xf];
	s10 =	sshll.u32 s10, $0xB  }
0x3d: {  	s14 =	sld [smem:$0x7EA];
	s10 =	sor.u32 s11, s10  }
0x3e: {  	s11 =	sadd.s32 s13, s10;
	s13 =	sld [smem:$0x7F6];
	_ =	sdelay $0x2  }
0x3f: {  	[hbm:s11], [sflag:s13] =	dma.local [spmem:s14], $0x80  }
0x40: {  	_ =	swait.ge [sflag:s5], $0x80  }
0x41: {  	s25 =	sld [smem:$0x7EB]  }
0x42: {  	[sflag:s5] =	ssyncset.done $0x0;
	s14 =	rddreg [dreg:$0x10]  }
0x43: {  	[sflag:s5] =	ssyncadd.s32 $0xFFFFFF80;
	s11 =	sadd.s32 s14, s10  }
0x44: {  	[hbm:s11], [sflag:s13] =	dma.local [spmem:s25], $0x80  }
0x45: {  	_ =	swait.ge [sflag:s5], $0x80  }
0x46: {  	s25 =	sld [smem:$0x7EC]  }
0x47: {  	[sflag:s5] =	ssyncset.done $0x0;
	s14 =	rddreg [dreg:$0x11]  }
0x48: {  	[sflag:s5] =	ssyncadd.s32 $0xFFFFFF80;
	s11 =	sadd.s32 s14, s10  }
0x49: {  	[hbm:s11], [sflag:s13] =	dma.local [spmem:s25], $0x80  }
0x4a: {  	_ =	swait.ge [sflag:s5], $0x80  }
0x4b: {  	s25 =	sld [smem:$0x7ED]  }
0x4c: {  	[sflag:s5] =	ssyncset.done $0x0;
	s14 =	rddreg [dreg:$0x12]  }
0x4d: {  	[sflag:s5] =	ssyncadd.s32 $0xFFFFFF80;
	s11 =	sadd.s32 s14, s10  }
0x4e: {  	[hbm:s11], [sflag:s13] =	dma.local [spmem:s25], $0x80  }
0x4f: {  	_ =	swait.ge [sflag:s5], $0x80  }
0x50: {  	s25 =	sld [smem:$0x7EE]  }
0x51: {  	[sflag:s5] =	ssyncset.done $0x0;
	s14 =	rddreg [dreg:$0x13]  }
0x52: {  	[sflag:s5] =	ssyncadd.s32 $0xFFFFFF80;
	s11 =	sadd.s32 s14, s10  }
0x53: {  	[hbm:s11], [sflag:s13] =	dma.local [spmem:s25], $0x80  }
0x54: {  	_ =	swait.ge [sflag:s5], $0x80  }
0x55: {  	s25 =	sld [smem:$0x7EF]  }
0x56: {  	[sflag:s5] =	ssyncset.done $0x0;
	s14 =	rddreg [dreg:$0x14]  }
0x57: {  	[sflag:s5] =	ssyncadd.s32 $0xFFFFFF80;
	s11 =	sadd.s32 s14, s10  }
0x58: {  	[hbm:s11], [sflag:s13] =	dma.local [spmem:s25], $0x80  }
0x59: {  	_ =	swait.ge [sflag:s5], $0x80  }
0x5a: {  	s25 =	sld [smem:$0x7F0]  }
0x5b: {  	[sflag:s5] =	ssyncset.done $0x0;
	s14 =	rddreg [dreg:$0x15]  }
0x5c: {  	[sflag:s5] =	ssyncadd.s32 $0xFFFFFF80;
	s11 =	sadd.s32 s14, s10  }
0x5d: {  	[hbm:s11], [sflag:s13] =	dma.local [spmem:s25], $0x80  }
0x5e: {  	_ =	swait.ge [sflag:s5], $0x80  }
0x5f: {  	s25 =	sld [smem:$0x7F1]  }
0x60: {  	[sflag:s5] =	ssyncset.done $0x0;
	s14 =	rddreg [dreg:$0x16]  }
0x61: {  	[sflag:s5] =	ssyncadd.s32 $0xFFFFFF80;
	s11 =	sadd.s32 s14, s10  }
0x62: {  	[hbm:s11], [sflag:s13] =	dma.local [spmem:s25], $0x80  }
0x63: {  	_ =	swait.ge [sflag:s5], $0x80  }
0x64: {  	s14 =	sld [smem:$0x7F2]  }
0x65: {  	[sflag:s5] =	ssyncset.done $0x0;
	s25 =	rddreg [dreg:$0x17]  }
0x66: {  	[sflag:s5] =	ssyncadd.s32 $0xFFFFFF80;
	s10 =	sadd.s32 s25, s10  }
0x67: {  	[hbm:s10], [sflag:s13] =	dma.local [spmem:s14], $0x80  }
0x68: {  	_ =	swait.ge [sflag:s5], $0x80  }
0x69: {  	s25 =	sld [smem:$0x7F3];
	_ =	sdelay $0x2  }
0x6a: {  	s14 =	sadd.s32 $0x1, s25  }
0x6b: {  	p0 =	sne.s32 s14, $0x28  }
.Ltmp3:
0x6c: {  	_ = 	snop;
	(pc) =	sbr.rel @!p0 .LBB2_10-.Ltmp3, $3  }
0x6d: {  	_ =	sdelay $0x1  }
0x6e: {  	[sflag:s5] =	ssyncset.done $0x0  }
0x6f: {  	[sflag:s5] =	ssyncadd.s32 $0xFFFFFF80  }
.LBB2_2:
0x70: {  	s10 =	rddreg [dreg:$0x1c]  }
0x71: {  	s11 =	sshrl.u32 s10, $0x3;
	s10 =	rddreg [dreg:$0x1b]  }
0x72: {  	[smem:$0x7EA] =	sst s11  }
0x73: {  	[spmem:s11], [sflag:s13] =	dma.local [hbm:s10], $0x80  }
0x74: {  	_ =	swait.ge [sflag:s5], $0x80  }
0x75: {  	s25 =	rddreg [dreg:$0x1d]  }
0x76: {  	[sflag:s5] =	ssyncset.done $0x0;
	s11 =	sshrl.u32 s25, $0x3  }
0x77: {  	[sflag:s5] =	ssyncadd.s32 $0xFFFFFF80;
	[smem:$0x7EB] =	sst s11  }
0x78: {  	[spmem:s11], [sflag:s13] =	dma.local [hbm:s10], $0x80  }
0x79: {  	_ =	swait.ge [sflag:s5], $0x80  }
0x7a: {  	s25 =	rddreg [dreg:$0x1e]  }
0x7b: {  	[sflag:s5] =	ssyncset.done $0x0;
	s11 =	sshrl.u32 s25, $0x3  }
0x7c: {  	[sflag:s5] =	ssyncadd.s32 $0xFFFFFF80;
	[smem:$0x7EC] =	sst s11  }
0x7d: {  	[spmem:s11], [sflag:s13] =	dma.local [hbm:s10], $0x80  }
0x7e: {  	_ =	swait.ge [sflag:s5], $0x80  }
0x7f: {  	s25 =	rddreg [dreg:$0x1f]  }
0x80: {  	[sflag:s5] =	ssyncset.done $0x0;
	s11 =	sshrl.u32 s25, $0x3  }
0x81: {  	[sflag:s5] =	ssyncadd.s32 $0xFFFFFF80;
	[smem:$0x7ED] =	sst s11  }
0x82: {  	[spmem:s11], [sflag:s13] =	dma.local [hbm:s10], $0x80  }
0x83: {  	_ =	swait.ge [sflag:s5], $0x80  }
0x84: {  	s25 =	sld [smem:$0x7F8];
	_ =	sdelay $0x2  }
0x85: {  	[sflag:s5] =	ssyncset.done $0x0;
	s11 =	sshrl.u32 s25, $0x3  }
0x86: {  	[sflag:s5] =	ssyncadd.s32 $0xFFFFFF80;
	[smem:$0x7EE] =	sst s11  }
0x87: {  	[spmem:s11], [sflag:s13] =	dma.local [hbm:s10], $0x80  }
0x88: {  	_ =	swait.ge [sflag:s5], $0x80  }
0x89: {  	s25 =	sld [smem:$0x7F9];
	_ =	sdelay $0x2  }
0x8a: {  	[sflag:s5] =	ssyncset.done $0x0;
	s11 =	sshrl.u32 s25, $0x3  }
0x8b: {  	[sflag:s5] =	ssyncadd.s32 $0xFFFFFF80;
	[smem:$0x7EF] =	sst s11  }
0x8c: {  	[spmem:s11], [sflag:s13] =	dma.local [hbm:s10], $0x80  }
0x8d: {  	_ =	swait.ge [sflag:s5], $0x80  }
0x8e: {  	s25 =	sld [smem:$0x7FA];
	_ =	sdelay $0x2  }
0x8f: {  	[sflag:s5] =	ssyncset.done $0x0;
	s11 =	sshrl.u32 s25, $0x3  }
0x90: {  	[sflag:s5] =	ssyncadd.s32 $0xFFFFFF80;
	[smem:$0x7F0] =	sst s11  }
0x91: {  	[spmem:s11], [sflag:s13] =	dma.local [hbm:s10], $0x80  }
0x92: {  	_ =	swait.ge [sflag:s5], $0x80  }
0x93: {  	s25 =	sld [smem:$0x7FB];
	_ =	sdelay $0x2  }
0x94: {  	[sflag:s5] =	ssyncset.done $0x0;
	s11 =	sshrl.u32 s25, $0x3  }
0x95: {  	[sflag:s5] =	ssyncadd.s32 $0xFFFFFF80;
	[smem:$0x7F1] =	sst s11  }
0x96: {  	[spmem:s11], [sflag:s13] =	dma.local [hbm:s10], $0x80  }
0x97: {  	_ =	swait.ge [sflag:s5], $0x80  }
0x98: {  	s25 =	sld [smem:$0x7FC];
	_ =	sdelay $0x2  }
0x99: {  	[sflag:s5] =	ssyncset.done $0x0;
	s11 =	sshrl.u32 s25, $0x3  }
0x9a: {  	[sflag:s5] =	ssyncadd.s32 $0xFFFFFF80;
	[smem:$0x7F2] =	sst s11  }
0x9b: {  	[spmem:s11], [sflag:s13] =	dma.local [hbm:s10], $0x80  }
0x9c: {  	_ =	swait.ge [sflag:s5], $0x80  }
0x9d: {  	[sflag:s5] =	ssyncset.done $0x0  }
0x9e: {  	[sflag:s5] =	ssyncadd.s32 $0xFFFFFF80  }
0x9f: {  	s11 =	simm.s32 $0x2780;
	[bflag:$0x0] =	sbarrier.arrive $0xFFFF  }
0xa0: {  	v21 =	vld [tilespmem:s11+$0x0];
	s13 =	rddreg [dreg:$0x1a]  }
0xa1: {  	s10 =	sadd.s32 s13, s14  }
0xa2: {  	[smem:$0x7F4] =	sst s10;
	s10 =	sshll.u32 s10, $0x7  }
0xa3: {  	s25 =	sadd.s32 $0x80, s10  }
0xa4: {  	v19 =	vmov s10;
	v20 =	vmov s25  }
0xa5: {  	vm0 =	vge.s32 v21, v19;
	vm1 =	vlt.s32 v21, v20  }
0xa6: {  	vm0 =	vmand vm0, vm1  }
0xa7: {  	v21 =	vsel vm0, $0x1, v2  }
0xa8: {  	(xrf0) =	vadd.scan.msk.s32 $0xffff, v21;
	_ =	sdelay $0x1  }
0xa9: {  	s11 =	simm.s32 $0x0  }
0xaa: {  	v21 =	vmov s11  }
0xab: {  	v21 =	vadd.s32 $0xFFFFFFFF, v21  }
0xac: {  	v21 =	vbroadcast v21, $0x0  }
0xad: {  	v22, _, _ =	vpop (xrf0)  }
0xae: {  	v21 =	vadd.s32 v22, v21;
	(v2sf) =	vpush v22, $0xF;
	_ =	sdelay $0x3  }
0xaf: {  	v23 =	vor.u32 s11, v0  }
0xb0: {  	s13 =	simm.s32 $0x2790;
	[tilespmem:v21+s21+$0x0] =	vst.idx.msk vm0, v23  }
0xb1: {  	[smem:$0x7F3] =	sst s14;
	s14 =	simm.s32 $0x20;
	s10 =	simm.s32 $0x10;
	v21 =	vld [tilespmem:s13+$0x0]  }
.LBB2_3:
0xb2: {  	p0 =	sne.s32 s14, $0x2700;
	_ =	sdelay $0x3  }
0xb3: {  	vm0 =	vge.s32 v21, v19;
	vm1 =	vlt.s32 v21, v20  }
0xb4: {  	vm0 =	vmand vm0, vm1  }
0xb5: {  	v21 =	vsel vm0, $0x1, v2  }
0xb6: {  	(xrf0) =	vadd.scan.msk.s32 $0xffff, v21  }
0xb7: {  	s25 =	spop (v2sf)  }
0xb8: {  	s11 =	sadd.s32 s11, s25  }
0xb9: {  	v21 =	vmov s11  }
0xba: {  	v21 =	vadd.s32 $0xFFFFFFFF, v21  }
0xbb: {  	v21 =	vbroadcast v21, $0x0  }
0xbc: {  	v22, _, _ =	vpop (xrf0)  }
0xbd: {  	v21 =	vadd.s32 v22, v21;
	(v2sf) =	vpush v22, $0xF;
	_ =	sdelay $0x1  }
.Ltmp4:
0xbe: {  	(pc) =	sbr.rel @p0 .LBB2_3-.Ltmp4, $4  }
0xbf: {  	_ = 	snop  }
0xc0: {  	v22 =	vor.u32 s10, v0;
	s10 =	smov.u32 s14  }
0xc1: {  	s13 =	sadd.s32 $0x10, s13;
	[tilespmem:v21+s21+$0x0] =	vst.idx.msk vm0, v22  }
0xc2: {  	s14 =	sadd.s32 $0x10, s14;
	v21 =	vld [tilespmem:s13+$0x0]  }
0xc3: {  	_ =	sdelay $0x3  }
0xc4: {  	vm0 =	vge.s32 v21, v19;
	vm1 =	vlt.s32 v21, v20  }
0xc5: {  	vm0 =	vmand vm0, vm1  }
0xc6: {  	v20 =	vsel vm0, $0x1, v2  }
0xc7: {  	(xrf0) =	vadd.scan.msk.s32 $0xffff, v20;
	_ =	sdelay $0x5  }
0xc8: {  	v20, _, _ =	vpop (xrf0)  }
0xc9: {  	(v2sf) =	vpush v20, $0xF;
	_ =	sdelay $0xd  }
0xca: {  	s13 =	spop (v2sf)  }
0xcb: {  	s11 =	sadd.s32 s11, s13;
	s14 =	spop (v2sf)  }
0xcc: {  	s13 =	sadd.s32 s11, s14  }
0xcd: {  	v62 =	vmov s11;
	s11 =	sadd.s32 $0x1F, s13  }
0xce: {  	s14 =	sand.u32 $0x1F, s11  }
0xcf: {  	v21 =	vadd.s32 $0xFFFFFFFF, v62;
	s25 =	sshra.s32 s11, $0x1F;
	p1 =	slt.s32 s11, $0x1;
	p0 =	sne.s32 s14, $0x0  }
0xd0: {  	v21 =	vbroadcast v21, $0x0;
	s14 =	sshrl.u32 s25, $0x1B;
	p0 =	por !p1, !p0  }
0xd1: {  	s11 =	sadd.s32 s14, s11;
	s14 =	simm.s32 $0x1;
	p0 =	por !p0, !p0  }
0xd2: {  	v20 =	vadd.s32 v20, v21;
	s25 =	sshra.s32 s11, $0x5;
	s14 =	simm.s32 @!p0 $0x0  }
0xd3: {  	v63 =	vadd.s32 s13, v0;
	s11 =	ssub.s32 s25, s14  }
0xd4: {  	v22 =	vadd.s32 s13, v3;
	p0 =	slt.s32 s11, $0x1  }
.Ltmp5:
0xd5: {  	_ = 	snop;
	(pc) =	sbr.rel @p0 .LBB2_9-.Ltmp5, $4  }
0xd6: {  	v23 =	vor.u32 s10, v0  }
0xd7: {  	[tilespmem:v20+s21+$0x0] =	vst.idx.msk vm0, v23  }
0xd8: {  	[tilespmem:v63+s21+$0x0] =	vst.idx.msk $0xffff, v2  }
0xd9: {  	[tilespmem:v22+s21+$0x0] =	vst.idx.msk $0xffff, v2  }
0xda: {  	v20 =	vmov s13;
	s25 =	simm.s32 $0x0;
	s10 =	simm.s32 $0x0  }
.LBB2_6:
0xdb: {  	s13 =	sshll.u32 s10, $0x5  }
0xdc: {  	v21 =	vld [tilespmem:s13+$0x4F00];
	_ =	sdelay $0x7  }
0xdd: {  	v22 =	vld.idx.msk [tilespmem:v21+s7+$0x0], $0xffff;
	_ =	sdelay $0x1  }
0xde: {  	v21 =	vld.idx.msk [tilespmem:v21+s25+$0x0], $0xffff;
	_ =	sdelay $0x2  }
0xdf: {  	v23 =	vsub.s32 v22, v19  }
0xe0: {  	vm0 =	vgt.s32 v23, $0x0  }
0xe1: {  	[tilespmem:$0x7680] =	vst v21;
	v23 =	vnsel vm0, $0x0, v23  }
0xe2: {  	[tilespmem:$0x7700] =	vst v22;
	v21 =	vmin.u32 v23, $0x7F  }
0xe3: {  	[tilespmem:$0x7780] =	vst v21  }
0xe4: {  	v21 =	vld [tilespmem:s13+$0x4F10];
	_ =	sdelay $0x7  }
0xe5: {  	v22 =	vld.idx.msk [tilespmem:v21+s7+$0x0], $0xffff;
	_ =	sdelay $0x1  }
0xe6: {  	v21 =	vld.idx.msk [tilespmem:v21+s25+$0x0], $0xffff;
	_ =	sdelay $0x2  }
0xe7: {  	v23 =	vsub.s32 v22, v19  }
0xe8: {  	vm10 =	vgt.s32 v23, $0x0  }
0xe9: {  	[tilespmem:$0x7690] =	vst v21;
	v23 =	vnsel vm10, $0x0, v23  }
0xea: {  	[tilespmem:$0x7710] =	vst v22;
	v21 =	vmin.u32 v23, $0x7F  }
0xeb: {  	s14 =	rddreg [dreg:$0x1];
	[tilespmem:$0x7790] =	vst v21  }
0xec: {  	[tilespmem:s26], [sflag:$0x1] =	stream.indirect.gather [hbm4b:s14+s24], $0x80, s15, s24, $0xb8;
	[tilespmem:$0x13C00] =	vst v63  }
0xed: {  	s14 =	rddreg [dreg:$0xc]  }
0xee: {  	[tilespmem:s29], [sflag:$0x2] =	stream.indirect.gather [hbm4b:s14+s24], $0x80, s28, s24, $0xb8;
	[tilespmem:$0x13C00] =	vst v63  }
0xef: {  	s14 =	rddreg [dreg:$0xd]  }
0xf0: {  	[tilespmem:s30], [sflag:$0x2] =	stream.indirect.gather [hbm4b:s14+s24], $0x80, s28, s24, $0xb8;
	[tilespmem:$0x13C00] =	vst v63  }
0xf1: {  	s14 =	sld [smem:$0x7F7];
	_ =	sdelay $0x2  }
0xf2: {  	[tilespmem:s31], [sflag:$0x2] =	stream.indirect.gather [hbm4b:s14+s24], $0x80, s28, s24, $0xb8;
	[tilespmem:$0x13C00] =	vst v63  }
0xf3: {  	_ = 	snop  }
0xf4: {  	[tilespmem:s12], [sflag:$0x2] =	stream.indirect.gather [hbm4b:s16+s24], $0x80, s28, s24, $0xb8;
	[tilespmem:$0x13C00] =	vst v63  }
0xf5: {  	_ = 	snop  }
0xf6: {  	[tilespmem:s0], [sflag:$0x2] =	stream.indirect.gather [hbm4b:s17+s24], $0x80, s28, s24, $0xb8;
	[tilespmem:$0x13C00] =	vst v63  }
0xf7: {  	_ = 	snop  }
0xf8: {  	[tilespmem:s1], [sflag:$0x2] =	stream.indirect.gather [hbm4b:s18+s24], $0x80, s28, s24, $0xb8;
	[tilespmem:$0x13C00] =	vst v63  }
0xf9: {  	_ = 	snop  }
0xfa: {  	[tilespmem:s2], [sflag:$0x2] =	stream.indirect.gather [hbm4b:s19+s24], $0x80, s28, s24, $0xb8;
	[tilespmem:$0x13C00] =	vst v63  }
0xfb: {  	_ = 	snop  }
0xfc: {  	[tilespmem:s3], [sflag:$0x2] =	stream.indirect.gather [hbm4b:s20+s24], $0x80, s28, s24, $0xb8;
	[tilespmem:$0x13C00] =	vst v63  }
0xfd: {  	_ = 	snop  }
0xfe: {  	[tilespmem:s4], [sflag:$0x2] =	stream.indirect.gather [hbm4b:s22+s24], $0x80, s28, s24, $0xb8;
	[tilespmem:$0x13C00] =	vst v63  }
0xff: {  	_ =	swait.ge [sflag:s23], $0x1000  }
0x100: {  	[sflag:s23] =	ssyncset.done $0x0  }
0x101: {  	[sflag:s23] =	ssyncadd.s32 $0xFFFFF000  }
0x102: {  	_ =	swait.ge [sflag:s6], $0x1000  }
0x103: {  	[sflag:s6] =	ssyncset.done $0x0  }
0x104: {  	[sflag:s6] =	ssyncadd.s32 $0xFFFFF000  }
0x105: {  	_ =	swait.ge [sflag:s6], $0x1000  }
0x106: {  	[sflag:s6] =	ssyncset.done $0x0  }
0x107: {  	[sflag:s6] =	ssyncadd.s32 $0xFFFFF000  }
0x108: {  	_ =	swait.ge [sflag:s6], $0x1000  }
0x109: {  	[sflag:s6] =	ssyncset.done $0x0  }
0x10a: {  	[sflag:s6] =	ssyncadd.s32 $0xFFFFF000  }
0x10b: {  	_ =	swait.ge [sflag:s6], $0x1000  }
0x10c: {  	[sflag:s6] =	ssyncset.done $0x0  }
0x10d: {  	[sflag:s6] =	ssyncadd.s32 $0xFFFFF000  }
0x10e: {  	_ =	swait.ge [sflag:s6], $0x1000  }
0x10f: {  	[sflag:s6] =	ssyncset.done $0x0  }
0x110: {  	[sflag:s6] =	ssyncadd.s32 $0xFFFFF000  }
0x111: {  	_ =	swait.ge [sflag:s6], $0x1000  }
0x112: {  	[sflag:s6] =	ssyncset.done $0x0  }
0x113: {  	[sflag:s6] =	ssyncadd.s32 $0xFFFFF000  }
0x114: {  	_ =	swait.ge [sflag:s6], $0x1000  }
0x115: {  	[sflag:s6] =	ssyncset.done $0x0  }
0x116: {  	[sflag:s6] =	ssyncadd.s32 $0xFFFFF000  }
0x117: {  	_ =	swait.ge [sflag:s6], $0x1000  }
0x118: {  	[sflag:s6] =	ssyncset.done $0x0  }
0x119: {  	[sflag:s6] =	ssyncadd.s32 $0xFFFFF000  }
0x11a: {  	_ =	swait.ge [sflag:s6], $0x1000  }
0x11b: {  	[sflag:s6] =	ssyncset.done $0x0  }
0x11c: {  	[sflag:s6] =	ssyncadd.s32 $0xFFFFF000  }
0x11d: {  	v21 =	vld.idx.msk [tilespmem:v1+s4+$0x0], $0xffff  }
0x11e: {  	v22 =	vld.idx.msk [tilespmem:v1+s26+$0x0], $0xffff;
	_ =	sdelay $0x4  }
0x11f: {  	v21 =	vadd.f32 v22, v21;
	_ =	sdelay $0x1  }
0x120: {  	v22 =	vmul.f32 $2.000000030e-01, v21  }
0x121: {  	vm11 =	vge.f32 v21, $0.0e+00  }
0x122: {  	v21 =	vsel vm11, v21, v22  }
0x123: {  	v21 =	vmul.f32 $1.442695020e+00, v21;
	_ =	sdelay $0x1  }
0x124: {  	(erf) = vpow2.f32 v21;
	_ =	sdelay $0x5  }
0x125: {  	v21 =	vor.u32 s13, v0;
	_ =	sdelay $0x2  }
0x126: {  	vm12 =	vlt.s32 v21, v20;
	v21 =	vpop (erf)  }
0x127: {  	v21 =	vnsel vm12, $0x0, v21  }
0x128: {  	[tilespmem:v1+s4+$0x0] =	vst.idx.msk $0xffff, v21  }
0x129: {  	v21 =	vld.idx.msk [tilespmem:v4+s4+$0x0], $0xffff  }
0x12a: {  	v22 =	vld.idx.msk [tilespmem:v4+s26+$0x0], $0xffff;
	_ =	sdelay $0x4  }
0x12b: {  	v21 =	vadd.f32 v22, v21;
	_ =	sdelay $0x1  }
0x12c: {  	v22 =	vmul.f32 $2.000000030e-01, v21  }
0x12d: {  	vm1 =	vge.f32 v21, $0.0e+00  }
0x12e: {  	v21 =	vsel vm1, v21, v22  }
0x12f: {  	v21 =	vmul.f32 $1.442695020e+00, v21;
	_ =	sdelay $0x1  }
0x130: {  	(erf) = vpow2.f32 v21;
	_ =	sdelay $0x8  }
0x131: {  	v21 =	vpop (erf)  }
0x132: {  	v21 =	vnsel vm12, $0x0, v21  }
0x133: {  	[tilespmem:v4+s4+$0x0] =	vst.idx.msk $0xffff, v21  }
0x134: {  	v21 =	vld.idx.msk [tilespmem:v5+s4+$0x0], $0xffff  }
0x135: {  	v22 =	vld.idx.msk [tilespmem:v5+s26+$0x0], $0xffff;
	_ =	sdelay $0x4  }
0x136: {  	v21 =	vadd.f32 v22, v21;
	_ =	sdelay $0x1  }
0x137: {  	v22 =	vmul.f32 $2.000000030e-01, v21  }
0x138: {  	vm13 =	vge.f32 v21, $0.0e+00  }
0x139: {  	v21 =	vsel vm13, v21, v22  }
0x13a: {  	v21 =	vmul.f32 $1.442695020e+00, v21;
	_ =	sdelay $0x1  }
0x13b: {  	(erf) = vpow2.f32 v21;
	_ =	sdelay $0x8  }
0x13c: {  	v21 =	vpop (erf)  }
0x13d: {  	v21 =	vnsel vm12, $0x0, v21  }
0x13e: {  	[tilespmem:v5+s4+$0x0] =	vst.idx.msk $0xffff, v21  }
0x13f: {  	v21 =	vld.idx.msk [tilespmem:v6+s4+$0x0], $0xffff  }
0x140: {  	v22 =	vld.idx.msk [tilespmem:v6+s26+$0x0], $0xffff;
	_ =	sdelay $0x4  }
0x141: {  	v21 =	vadd.f32 v22, v21;
	_ =	sdelay $0x1  }
0x142: {  	v22 =	vmul.f32 $2.000000030e-01, v21  }
0x143: {  	vm14 =	vge.f32 v21, $0.0e+00  }
0x144: {  	v21 =	vsel vm14, v21, v22  }
0x145: {  	v21 =	vmul.f32 $1.442695020e+00, v21;
	_ =	sdelay $0x1  }
0x146: {  	(erf) = vpow2.f32 v21;
	_ =	sdelay $0x8  }
0x147: {  	v21 =	vpop (erf)  }
0x148: {  	v21 =	vnsel vm12, $0x0, v21  }
0x149: {  	[tilespmem:v6+s4+$0x0] =	vst.idx.msk $0xffff, v21  }
0x14a: {  	v21 =	vld.idx.msk [tilespmem:v7+s4+$0x0], $0xffff  }
0x14b: {  	v22 =	vld.idx.msk [tilespmem:v7+s26+$0x0], $0xffff;
	_ =	sdelay $0x4  }
0x14c: {  	v21 =	vadd.f32 v22, v21;
	_ =	sdelay $0x1  }
0x14d: {  	v22 =	vmul.f32 $2.000000030e-01, v21  }
0x14e: {  	vm15 =	vge.f32 v21, $0.0e+00  }
0x14f: {  	v21 =	vsel vm15, v21, v22  }
0x150: {  	v21 =	vmul.f32 $1.442695020e+00, v21;
	_ =	sdelay $0x1  }
0x151: {  	(erf) = vpow2.f32 v21;
	_ =	sdelay $0x8  }
0x152: {  	v21 =	vpop (erf)  }
0x153: {  	v21 =	vnsel vm12, $0x0, v21  }
0x154: {  	[tilespmem:v7+s4+$0x0] =	vst.idx.msk $0xffff, v21  }
0x155: {  	v21 =	vld.idx.msk [tilespmem:v8+s4+$0x0], $0xffff  }
0x156: {  	v22 =	vld.idx.msk [tilespmem:v8+s26+$0x0], $0xffff;
	_ =	sdelay $0x4  }
0x157: {  	v21 =	vadd.f32 v22, v21;
	_ =	sdelay $0x1  }
0x158: {  	v22 =	vmul.f32 $2.000000030e-01, v21  }
0x159: {  	vm4 =	vge.f32 v21, $0.0e+00  }
0x15a: {  	v21 =	vsel vm4, v21, v22  }
0x15b: {  	v21 =	vmul.f32 $1.442695020e+00, v21;
	_ =	sdelay $0x1  }
0x15c: {  	(erf) = vpow2.f32 v21;
	_ =	sdelay $0x8  }
0x15d: {  	v21 =	vpop (erf)  }
0x15e: {  	v21 =	vnsel vm12, $0x0, v21  }
0x15f: {  	[tilespmem:v8+s4+$0x0] =	vst.idx.msk $0xffff, v21  }
0x160: {  	v21 =	vld.idx.msk [tilespmem:v9+s4+$0x0], $0xffff  }
0x161: {  	v22 =	vld.idx.msk [tilespmem:v9+s26+$0x0], $0xffff;
	_ =	sdelay $0x4  }
0x162: {  	v21 =	vadd.f32 v22, v21;
	_ =	sdelay $0x1  }
0x163: {  	v22 =	vmul.f32 $2.000000030e-01, v21  }
0x164: {  	vm5 =	vge.f32 v21, $0.0e+00  }
0x165: {  	v21 =	vsel vm5, v21, v22  }
0x166: {  	v21 =	vmul.f32 $1.442695020e+00, v21;
	_ =	sdelay $0x1  }
0x167: {  	(erf) = vpow2.f32 v21;
	_ =	sdelay $0x8  }
0x168: {  	v21 =	vpop (erf)  }
0x169: {  	v21 =	vnsel vm12, $0x0, v21  }
0x16a: {  	[tilespmem:v9+s4+$0x0] =	vst.idx.msk $0xffff, v21  }
0x16b: {  	v21 =	vld.idx.msk [tilespmem:v10+s4+$0x0], $0xffff  }
0x16c: {  	v22 =	vld.idx.msk [tilespmem:v10+s26+$0x0], $0xffff;
	_ =	sdelay $0x4  }
0x16d: {  	v21 =	vadd.f32 v22, v21;
	_ =	sdelay $0x1  }
0x16e: {  	v22 =	vmul.f32 $2.000000030e-01, v21  }
0x16f: {  	vm6 =	vge.f32 v21, $0.0e+00  }
0x170: {  	v21 =	vsel vm6, v21, v22  }
0x171: {  	v21 =	vmul.f32 $1.442695020e+00, v21;
	_ =	sdelay $0x1  }
0x172: {  	(erf) = vpow2.f32 v21;
	_ =	sdelay $0x8  }
0x173: {  	v21 =	vpop (erf)  }
0x174: {  	v21 =	vnsel vm12, $0x0, v21  }
0x175: {  	[tilespmem:v10+s4+$0x0] =	vst.idx.msk $0xffff, v21  }
0x176: {  	v21 =	vld.idx.msk [tilespmem:v11+s4+$0x0], $0xffff  }
0x177: {  	v22 =	vld.idx.msk [tilespmem:v11+s26+$0x0], $0xffff;
	_ =	sdelay $0x4  }
0x178: {  	v21 =	vadd.f32 v22, v21;
	_ =	sdelay $0x1  }
0x179: {  	v22 =	vmul.f32 $2.000000030e-01, v21  }
0x17a: {  	vm7 =	vge.f32 v21, $0.0e+00  }
0x17b: {  	v21 =	vsel vm7, v21, v22  }
0x17c: {  	v21 =	vmul.f32 $1.442695020e+00, v21;
	_ =	sdelay $0x1  }
0x17d: {  	(erf) = vpow2.f32 v21;
	_ =	sdelay $0x5  }
0x17e: {  	v21 =	vor.u32 s13, v3;
	_ =	sdelay $0x2  }
0x17f: {  	vm8 =	vlt.s32 v21, v20;
	v21 =	vpop (erf)  }
0x180: {  	v21 =	vnsel vm8, $0x0, v21  }
0x181: {  	[tilespmem:v11+s4+$0x0] =	vst.idx.msk $0xffff, v21  }
0x182: {  	v21 =	vld.idx.msk [tilespmem:v12+s4+$0x0], $0xffff  }
0x183: {  	v22 =	vld.idx.msk [tilespmem:v12+s26+$0x0], $0xffff;
	_ =	sdelay $0x4  }
0x184: {  	v21 =	vadd.f32 v22, v21;
	_ =	sdelay $0x1  }
0x185: {  	v22 =	vmul.f32 $2.000000030e-01, v21  }
0x186: {  	vm9 =	vge.f32 v21, $0.0e+00  }
0x187: {  	v21 =	vsel vm9, v21, v22  }
0x188: {  	v21 =	vmul.f32 $1.442695020e+00, v21;
	_ =	sdelay $0x1  }
0x189: {  	(erf) = vpow2.f32 v21;
	_ =	sdelay $0x8  }
0x18a: {  	v21 =	vpop (erf)  }
0x18b: {  	v21 =	vnsel vm8, $0x0, v21  }
0x18c: {  	[tilespmem:v12+s4+$0x0] =	vst.idx.msk $0xffff, v21  }
0x18d: {  	v21 =	vld.idx.msk [tilespmem:v13+s4+$0x0], $0xffff  }
0x18e: {  	v22 =	vld.idx.msk [tilespmem:v13+s26+$0x0], $0xffff;
	_ =	sdelay $0x4  }
0x18f: {  	v21 =	vadd.f32 v22, v21;
	_ =	sdelay $0x1  }
0x190: {  	v22 =	vmul.f32 $2.000000030e-01, v21  }
0x191: {  	vm10 =	vge.f32 v21, $0.0e+00  }
0x192: {  	v21 =	vsel vm10, v21, v22  }
0x193: {  	v21 =	vmul.f32 $1.442695020e+00, v21;
	_ =	sdelay $0x1  }
0x194: {  	(erf) = vpow2.f32 v21;
	_ =	sdelay $0x8  }
0x195: {  	v21 =	vpop (erf)  }
0x196: {  	v21 =	vnsel vm8, $0x0, v21  }
0x197: {  	[tilespmem:v13+s4+$0x0] =	vst.idx.msk $0xffff, v21  }
0x198: {  	v21 =	vld.idx.msk [tilespmem:v14+s4+$0x0], $0xffff  }
0x199: {  	v22 =	vld.idx.msk [tilespmem:v14+s26+$0x0], $0xffff;
	_ =	sdelay $0x4  }
0x19a: {  	v21 =	vadd.f32 v22, v21;
	_ =	sdelay $0x1  }
0x19b: {  	v22 =	vmul.f32 $2.000000030e-01, v21  }
0x19c: {  	vm11 =	vge.f32 v21, $0.0e+00  }
0x19d: {  	v21 =	vsel vm11, v21, v22  }
0x19e: {  	v21 =	vmul.f32 $1.442695020e+00, v21;
	_ =	sdelay $0x1  }
0x19f: {  	(erf) = vpow2.f32 v21;
	_ =	sdelay $0x8  }
0x1a0: {  	v21 =	vpop (erf)  }
0x1a1: {  	v21 =	vnsel vm8, $0x0, v21  }
0x1a2: {  	[tilespmem:v14+s4+$0x0] =	vst.idx.msk $0xffff, v21  }
0x1a3: {  	v21 =	vld.idx.msk [tilespmem:v15+s4+$0x0], $0xffff  }
0x1a4: {  	v22 =	vld.idx.msk [tilespmem:v15+s26+$0x0], $0xffff;
	_ =	sdelay $0x4  }
0x1a5: {  	v21 =	vadd.f32 v22, v21;
	_ =	sdelay $0x1  }
0x1a6: {  	v22 =	vmul.f32 $2.000000030e-01, v21  }
0x1a7: {  	vm12 =	vge.f32 v21, $0.0e+00  }
0x1a8: {  	v21 =	vsel vm12, v21, v22  }
0x1a9: {  	v21 =	vmul.f32 $1.442695020e+00, v21;
	_ =	sdelay $0x1  }
0x1aa: {  	(erf) = vpow2.f32 v21;
	_ =	sdelay $0x8  }
0x1ab: {  	v21 =	vpop (erf)  }
0x1ac: {  	v21 =	vnsel vm8, $0x0, v21  }
0x1ad: {  	[tilespmem:v15+s4+$0x0] =	vst.idx.msk $0xffff, v21  }
0x1ae: {  	v21 =	vld.idx.msk [tilespmem:v16+s4+$0x0], $0xffff  }
0x1af: {  	v22 =	vld.idx.msk [tilespmem:v16+s26+$0x0], $0xffff;
	_ =	sdelay $0x4  }
0x1b0: {  	v21 =	vadd.f32 v22, v21;
	_ =	sdelay $0x1  }
0x1b1: {  	v22 =	vmul.f32 $2.000000030e-01, v21  }
0x1b2: {  	vm13 =	vge.f32 v21, $0.0e+00  }
0x1b3: {  	v21 =	vsel vm13, v21, v22  }
0x1b4: {  	v21 =	vmul.f32 $1.442695020e+00, v21;
	_ =	sdelay $0x1  }
0x1b5: {  	(erf) = vpow2.f32 v21;
	_ =	sdelay $0x8  }
0x1b6: {  	v21 =	vpop (erf)  }
0x1b7: {  	v21 =	vnsel vm8, $0x0, v21  }
0x1b8: {  	[tilespmem:v16+s4+$0x0] =	vst.idx.msk $0xffff, v21  }
0x1b9: {  	v21 =	vld.idx.msk [tilespmem:v17+s4+$0x0], $0xffff  }
0x1ba: {  	v22 =	vld.idx.msk [tilespmem:v17+s26+$0x0], $0xffff;
	_ =	sdelay $0x4  }
0x1bb: {  	v21 =	vadd.f32 v22, v21;
	_ =	sdelay $0x1  }
0x1bc: {  	v22 =	vmul.f32 $2.000000030e-01, v21  }
0x1bd: {  	vm14 =	vge.f32 v21, $0.0e+00  }
0x1be: {  	v21 =	vsel vm14, v21, v22  }
0x1bf: {  	v21 =	vmul.f32 $1.442695020e+00, v21;
	_ =	sdelay $0x1  }
0x1c0: {  	(erf) = vpow2.f32 v21;
	_ =	sdelay $0x8  }
0x1c1: {  	v21 =	vpop (erf)  }
0x1c2: {  	v21 =	vnsel vm8, $0x0, v21  }
0x1c3: {  	[tilespmem:v17+s4+$0x0] =	vst.idx.msk $0xffff, v21  }
0x1c4: {  	v21 =	vld.idx.msk [tilespmem:v18+s4+$0x0], $0xffff  }
0x1c5: {  	v22 =	vld.idx.msk [tilespmem:v18+s26+$0x0], $0xffff;
	_ =	sdelay $0x4  }
0x1c6: {  	v21 =	vadd.f32 v22, v21;
	_ =	sdelay $0x1  }
0x1c7: {  	v22 =	vmul.f32 $2.000000030e-01, v21  }
0x1c8: {  	vm15 =	vge.f32 v21, $0.0e+00  }
0x1c9: {  	v21 =	vsel vm15, v21, v22  }
0x1ca: {  	v21 =	vmul.f32 $1.442695020e+00, v21;
	_ =	sdelay $0x1  }
0x1cb: {  	(erf) = vpow2.f32 v21;
	_ =	sdelay $0x8  }
0x1cc: {  	v21 =	vpop (erf)  }
0x1cd: {  	v21 =	vnsel vm8, $0x0, v21  }
0x1ce: {  	s13 =	simm.s32 $0x0;
	[tilespmem:v18+s4+$0x0] =	vst.idx.msk $0xffff, v21  }
.LBB2_7:
0x1cf: {  	s14 =	sshll.u32 s13, $0x7  }
0x1d0: {  	v21 =	vld [tilespmem:s14+$0x10800];
	_ =	sdelay $0x1  }
0x1d1: {  	v22 =	vld [tilespmem:s14+$0x8800]  }
0x1d2: {  	v23 =	vld [tilespmem:s14+$0x8810]  }
0x1d3: {  	v24 =	vld [tilespmem:s14+$0x8820]  }
0x1d4: {  	v26 =	vld [tilespmem:s14+$0x8830];
	v25 =	vbroadcast v21, $0x0  }
0x1d5: {  	v27 =	vld [tilespmem:s14+$0x8840]  }
0x1d6: {  	v28 =	vld [tilespmem:s14+$0x8850];
	v22 =	vmul.f32 v25, v22  }
0x1d7: {  	v29 =	vld [tilespmem:s14+$0x8860];
	v23 =	vmul.f32 v23, v25  }
0x1d8: {  	v52 =	vld [tilespmem:s14+$0x8870];
	[tilespmem:s14+$0x8800] =	vst v22;
	v22 =	vmul.f32 v24, v25  }
0x1d9: {  	[tilespmem:s14+$0x8810] =	vst v23;
	v23 =	vmul.f32 v26, v25  }
0x1da: {  	[tilespmem:s14+$0x8820] =	vst v22;
	v22 =	vmul.f32 v27, v25  }
0x1db: {  	[tilespmem:s14+$0x8830] =	vst v23;
	v23 =	vmul.f32 v28, v25  }
0x1dc: {  	[tilespmem:s14+$0x8840] =	vst v22;
	v22 =	vmul.f32 v29, v25  }
0x1dd: {  	[tilespmem:s14+$0x8850] =	vst v23;
	v23 =	vmul.f32 v52, v25  }
0x1de: {  	[tilespmem:s14+$0x8860] =	vst v22  }
0x1df: {  	[tilespmem:s14+$0x8870] =	vst v23  }
0x1e0: {  	v22 =	vld [tilespmem:s14+$0x9800]  }
0x1e1: {  	v23 =	vld [tilespmem:s14+$0x9810]  }
0x1e2: {  	v53 =	vld [tilespmem:s14+$0x9820]  }
0x1e3: {  	v54 =	vld [tilespmem:s14+$0x9830]  }
0x1e4: {  	v55 =	vld [tilespmem:s14+$0x9840]  }
0x1e5: {  	v56 =	vld [tilespmem:s14+$0x9850]  }
0x1e6: {  	v57 =	vbroadcast v21, $0x1;
	v58 =	vld [tilespmem:s14+$0x9860]  }
0x1e7: {  	v30 =	vld [tilespmem:s14+$0x9870]  }
0x1e8: {  	v31 =	vld [tilespmem:s14+$0xA800];
	v22 =	vmul.f32 v22, v57  }
0x1e9: {  	v32 =	vld [tilespmem:s14+$0xA810];
	v23 =	vmul.f32 v23, v57  }
0x1ea: {  	v59 =	vld [tilespmem:s14+$0xA820];
	[tilespmem:s14+$0x9800] =	vst v22;
	v22 =	vmul.f32 v53, v57  }
0x1eb: {  	v60 =	vld [tilespmem:s14+$0xA830];
	[tilespmem:s14+$0x9810] =	vst v23;
	v23 =	vmul.f32 v54, v57  }
0x1ec: {  	v61 =	vld [tilespmem:s14+$0xA840];
	[tilespmem:s14+$0x9820] =	vst v22;
	v22 =	vmul.f32 v55, v57  }
0x1ed: {  	v62 =	vld [tilespmem:s14+$0xA850];
	[tilespmem:s14+$0x9830] =	vst v23;
	v23 =	vmul.f32 v56, v57  }
0x1ee: {  	v63 =	vbroadcast v21, $0x2;
	v33 =	vld [tilespmem:s14+$0xA860];
	[tilespmem:s14+$0x9840] =	vst v22;
	v22 =	vmul.f32 v58, v57  }
0x1ef: {  	v36 =	vld [tilespmem:s14+$0xA870];
	[tilespmem:s14+$0x9850] =	vst v23;
	v23 =	vmul.f32 v30, v57  }
0x1f0: {  	v37 =	vld [tilespmem:s14+$0xB800];
	[tilespmem:s14+$0x9860] =	vst v22;
	v22 =	vmul.f32 v31, v63  }
0x1f1: {  	v38 =	vld [tilespmem:s14+$0xB810];
	[tilespmem:s14+$0x9870] =	vst v23;
	v23 =	vmul.f32 v32, v63  }
0x1f2: {  	v39 =	vld [tilespmem:s14+$0xB820];
	[tilespmem:s14+$0xA800] =	vst v22;
	v22 =	vmul.f32 v59, v63  }
0x1f3: {  	v40 =	vld [tilespmem:s14+$0xB830];
	[tilespmem:s14+$0xA810] =	vst v23;
	v23 =	vmul.f32 v60, v63  }
0x1f4: {  	v41 =	vld [tilespmem:s14+$0xB840];
	[tilespmem:s14+$0xA820] =	vst v22;
	v22 =	vmul.f32 v61, v63  }
0x1f5: {  	v42 =	vld [tilespmem:s14+$0xB850];
	[tilespmem:s14+$0xA830] =	vst v23;
	v23 =	vmul.f32 v62, v63  }
0x1f6: {  	v43 =	vbroadcast v21, $0x3;
	v44 =	vld [tilespmem:s14+$0xB860];
	[tilespmem:s14+$0xA840] =	vst v22;
	v22 =	vmul.f32 v33, v63  }
0x1f7: {  	v45 =	vld [tilespmem:s14+$0xB870];
	[tilespmem:s14+$0xA850] =	vst v23;
	v23 =	vmul.f32 v36, v63  }
0x1f8: {  	v46 =	vld [tilespmem:s14+$0xC800];
	[tilespmem:s14+$0xA860] =	vst v22;
	v22 =	vmul.f32 v37, v43  }
0x1f9: {  	v47 =	vld [tilespmem:s14+$0xC810];
	[tilespmem:s14+$0xA870] =	vst v23;
	v23 =	vmul.f32 v38, v43  }
0x1fa: {  	v48 =	vld [tilespmem:s14+$0xC820];
	[tilespmem:s14+$0xB800] =	vst v22;
	v22 =	vmul.f32 v39, v43  }
0x1fb: {  	v49 =	vld [tilespmem:s14+$0xC830];
	[tilespmem:s14+$0xB810] =	vst v23;
	v23 =	vmul.f32 v40, v43  }
0x1fc: {  	v50 =	vld [tilespmem:s14+$0xC840];
	[tilespmem:s14+$0xB820] =	vst v22;
	v22 =	vmul.f32 v41, v43  }
0x1fd: {  	v51 =	vld [tilespmem:s14+$0xC850];
	[tilespmem:s14+$0xB830] =	vst v23;
	v23 =	vmul.f32 v42, v43  }
0x1fe: {  	v52 =	vbroadcast v21, $0x4;
	v34 =	vld [tilespmem:s14+$0xA910];
	[tilespmem:s14+$0xB840] =	vst v22;
	v22 =	vmul.f32 v44, v43  }
0x1ff: {  	v53 =	vld [tilespmem:s14+$0xC860];
	[tilespmem:s14+$0xB850] =	vst v23;
	v23 =	vmul.f32 v45, v43  }
0x200: {  	v54 =	vld [tilespmem:s14+$0xC870];
	[tilespmem:s14+$0xB860] =	vst v22;
	v22 =	vmul.f32 v46, v52  }
0x201: {  	v55 =	vld [tilespmem:s14+$0xD800];
	[tilespmem:s14+$0xB870] =	vst v23;
	v23 =	vmul.f32 v47, v52  }
0x202: {  	v56 =	vld [tilespmem:s14+$0xD810];
	[tilespmem:s14+$0xC800] =	vst v22;
	v22 =	vmul.f32 v48, v52  }
0x203: {  	v57 =	vld [tilespmem:s14+$0xD820];
	[tilespmem:s14+$0xC810] =	vst v23;
	v23 =	vmul.f32 v49, v52  }
0x204: {  	v58 =	vld [tilespmem:s14+$0xD830];
	[tilespmem:s14+$0xC820] =	vst v22;
	v22 =	vmul.f32 v50, v52  }
0x205: {  	v59 =	vld [tilespmem:s14+$0xD840];
	[tilespmem:s14+$0xC830] =	vst v23;
	v23 =	vmul.f32 v51, v52  }
0x206: {  	v60 =	vld [tilespmem:s14+$0xD850];
	v61 =	vbroadcast v21, $0x5;
	[tilespmem:s14+$0xC840] =	vst v22;
	v22 =	vmul.f32 v53, v52  }
0x207: {  	v62 =	vld [tilespmem:s14+$0xD860];
	[tilespmem:s14+$0xC850] =	vst v23;
	v23 =	vmul.f32 v54, v52  }
0x208: {  	v63 =	vld [tilespmem:s14+$0xD870];
	[tilespmem:s14+$0xC860] =	vst v22;
	v22 =	vmul.f32 v55, v61  }
0x209: {  	v36 =	vld [tilespmem:s14+$0xE800];
	[tilespmem:s14+$0xC870] =	vst v23;
	v23 =	vmul.f32 v56, v61  }
0x20a: {  	v37 =	vld [tilespmem:s14+$0xE810];
	[tilespmem:s14+$0xD800] =	vst v22;
	v22 =	vmul.f32 v57, v61  }
0x20b: {  	v38 =	vld [tilespmem:s14+$0xE820];
	[tilespmem:s14+$0xD810] =	vst v23;
	v23 =	vmul.f32 v58, v61  }
0x20c: {  	v39 =	vld [tilespmem:s14+$0xE830];
	[tilespmem:s14+$0xD820] =	vst v22;
	v22 =	vmul.f32 v59, v61  }
0x20d: {  	v40 =	vld [tilespmem:s14+$0xE840];
	[tilespmem:s14+$0xD830] =	vst v23;
	v23 =	vmul.f32 v60, v61  }
0x20e: {  	v41 =	vld [tilespmem:s14+$0xE850];
	v42 =	vbroadcast v21, $0x6;
	[tilespmem:s14+$0xD840] =	vst v22;
	v22 =	vmul.f32 v62, v61  }
0x20f: {  	v43 =	vld [tilespmem:s14+$0xE860];
	[tilespmem:s14+$0xD850] =	vst v23;
	v23 =	vmul.f32 v63, v61  }
0x210: {  	v44 =	vld [tilespmem:s14+$0xE870];
	[tilespmem:s14+$0xD860] =	vst v22;
	v22 =	vmul.f32 v36, v42  }
0x211: {  	v45 =	vld [tilespmem:s14+$0xF800];
	[tilespmem:s14+$0xD870] =	vst v23;
	v23 =	vmul.f32 v37, v42  }
0x212: {  	v46 =	vld [tilespmem:s14+$0xF810];
	[tilespmem:s14+$0xE800] =	vst v22;
	v22 =	vmul.f32 v38, v42  }
0x213: {  	v47 =	vld [tilespmem:s14+$0xF820];
	[tilespmem:s14+$0xE810] =	vst v23;
	v23 =	vmul.f32 v39, v42  }
0x214: {  	v48 =	vld [tilespmem:s14+$0xF830];
	[tilespmem:s14+$0xE820] =	vst v22;
	v22 =	vmul.f32 v40, v42  }
0x215: {  	v49 =	vld [tilespmem:s14+$0xF840];
	[tilespmem:s14+$0xE830] =	vst v23;
	v23 =	vmul.f32 v41, v42  }
0x216: {  	v50 =	vld [tilespmem:s14+$0xF850];
	v51 =	vbroadcast v21, $0x7;
	[tilespmem:s14+$0xE840] =	vst v22;
	v22 =	vmul.f32 v43, v42  }
0x217: {  	v21 =	vld [tilespmem:s14+$0x10880];
	[tilespmem:s14+$0xE850] =	vst v23;
	v23 =	vmul.f32 v44, v42  }
0x218: {  	v52 =	vld [tilespmem:s14+$0xF860];
	[tilespmem:s14+$0xE860] =	vst v22;
	v22 =	vmul.f32 v45, v51  }
0x219: {  	v53 =	vld [tilespmem:s14+$0xF870];
	[tilespmem:s14+$0xE870] =	vst v23;
	v23 =	vmul.f32 v46, v51  }
0x21a: {  	v54 =	vld [tilespmem:s14+$0x8880];
	[tilespmem:s14+$0xF800] =	vst v22;
	v22 =	vmul.f32 v47, v51  }
0x21b: {  	v55 =	vld [tilespmem:s14+$0x8890];
	[tilespmem:s14+$0xF810] =	vst v23;
	v23 =	vmul.f32 v48, v51  }
0x21c: {  	v56 =	vld [tilespmem:s14+$0x88A0];
	[tilespmem:s14+$0xF820] =	vst v22;
	v22 =	vmul.f32 v49, v51  }
0x21d: {  	v57 =	vld [tilespmem:s14+$0x88B0];
	[tilespmem:s14+$0xF830] =	vst v23;
	v23 =	vmul.f32 v50, v51  }
0x21e: {  	v58 =	vld [tilespmem:s14+$0x88C0];
	v59 =	vbroadcast v21, $0x0;
	[tilespmem:s14+$0xF840] =	vst v22;
	v22 =	vmul.f32 v52, v51  }
0x21f: {  	v60 =	vld [tilespmem:s14+$0x88D0];
	[tilespmem:s14+$0xF850] =	vst v23;
	v23 =	vmul.f32 v53, v51  }
0x220: {  	v61 =	vld [tilespmem:s14+$0x88E0];
	[tilespmem:s14+$0xF860] =	vst v22;
	v22 =	vmul.f32 v59, v54  }
0x221: {  	v62 =	vld [tilespmem:s14+$0x88F0];
	[tilespmem:s14+$0xF870] =	vst v23;
	v23 =	vmul.f32 v55, v59  }
0x222: {  	v63 =	vld [tilespmem:s14+$0x9880];
	[tilespmem:s14+$0x8880] =	vst v22;
	v22 =	vmul.f32 v56, v59  }
0x223: {  	v36 =	vld [tilespmem:s14+$0x9890];
	[tilespmem:s14+$0x8890] =	vst v23;
	v23 =	vmul.f32 v57, v59  }
0x224: {  	v37 =	vld [tilespmem:s14+$0x98A0];
	[tilespmem:s14+$0x88A0] =	vst v22;
	v22 =	vmul.f32 v58, v59  }
0x225: {  	v38 =	vld [tilespmem:s14+$0x98B0];
	[tilespmem:s14+$0x88B0] =	vst v23;
	v23 =	vmul.f32 v60, v59  }
0x226: {  	v39 =	vld [tilespmem:s14+$0x98C0];
	v40 =	vbroadcast v21, $0x1;
	[tilespmem:s14+$0x88C0] =	vst v22;
	v22 =	vmul.f32 v61, v59  }
0x227: {  	v41 =	vld [tilespmem:s14+$0x98D0];
	[tilespmem:s14+$0x88D0] =	vst v23;
	v23 =	vmul.f32 v62, v59  }
0x228: {  	v42 =	vld [tilespmem:s14+$0x98E0];
	[tilespmem:s14+$0x88E0] =	vst v22;
	v22 =	vmul.f32 v63, v40  }
0x229: {  	v43 =	vld [tilespmem:s14+$0x98F0];
	[tilespmem:s14+$0x88F0] =	vst v23;
	v23 =	vmul.f32 v36, v40  }
0x22a: {  	v44 =	vld [tilespmem:s14+$0xA880];
	[tilespmem:s14+$0x9880] =	vst v22;
	v22 =	vmul.f32 v37, v40  }
0x22b: {  	v45 =	vld [tilespmem:s14+$0xA890];
	[tilespmem:s14+$0x9890] =	vst v23;
	v23 =	vmul.f32 v38, v40  }
0x22c: {  	v46 =	vld [tilespmem:s14+$0xA8A0];
	[tilespmem:s14+$0x98A0] =	vst v22;
	v22 =	vmul.f32 v39, v40  }
0x22d: {  	v47 =	vld [tilespmem:s14+$0xA8B0];
	[tilespmem:s14+$0x98B0] =	vst v23;
	v23 =	vmul.f32 v41, v40  }
0x22e: {  	v48 =	vld [tilespmem:s14+$0xA8C0];
	v49 =	vbroadcast v21, $0x2;
	[tilespmem:s14+$0x98C0] =	vst v22;
	v22 =	vmul.f32 v42, v40  }
0x22f: {  	v50 =	vld [tilespmem:s14+$0xA8D0];
	[tilespmem:s14+$0x98D0] =	vst v23;
	v23 =	vmul.f32 v43, v40  }
0x230: {  	v51 =	vld [tilespmem:s14+$0xA8E0];
	[tilespmem:s14+$0x98E0] =	vst v22;
	v22 =	vmul.f32 v44, v49  }
0x231: {  	v52 =	vld [tilespmem:s14+$0xA8F0];
	[tilespmem:s14+$0x98F0] =	vst v23;
	v23 =	vmul.f32 v45, v49  }
0x232: {  	v53 =	vld [tilespmem:s14+$0xB880];
	[tilespmem:s14+$0xA880] =	vst v22;
	v22 =	vmul.f32 v46, v49  }
0x233: {  	v54 =	vld [tilespmem:s14+$0xB890];
	[tilespmem:s14+$0xA890] =	vst v23;
	v23 =	vmul.f32 v47, v49  }
0x234: {  	v55 =	vld [tilespmem:s14+$0xB8A0];
	[tilespmem:s14+$0xA8A0] =	vst v22;
	v22 =	vmul.f32 v48, v49  }
0x235: {  	v56 =	vld [tilespmem:s14+$0xB8B0];
	[tilespmem:s14+$0xA8B0] =	vst v23;
	v23 =	vmul.f32 v50, v49  }
0x236: {  	v57 =	vld [tilespmem:s14+$0xB8C0];
	v58 =	vbroadcast v21, $0x3;
	[tilespmem:s14+$0xA8C0] =	vst v22;
	v22 =	vmul.f32 v51, v49  }
0x237: {  	v60 =	vld [tilespmem:s14+$0xB8E0];
	[tilespmem:s14+$0xA8D0] =	vst v23;
	v23 =	vmul.f32 v52, v49  }
0x238: {  	v59 =	vld [tilespmem:s14+$0xB8D0];
	[tilespmem:s14+$0xA8E0] =	vst v22;
	v22 =	vmul.f32 v53, v58  }
0x239: {  	v61 =	vld [tilespmem:s14+$0xB8F0];
	[tilespmem:s14+$0xA8F0] =	vst v23;
	v23 =	vmul.f32 v54, v58  }
0x23a: {  	v62 =	vld [tilespmem:s14+$0xC880];
	[tilespmem:s14+$0xB880] =	vst v22;
	v22 =	vmul.f32 v55, v58  }
0x23b: {  	v63 =	vld [tilespmem:s14+$0xC890];
	[tilespmem:s14+$0xB890] =	vst v23;
	v23 =	vmul.f32 v56, v58  }
0x23c: {  	v36 =	vld [tilespmem:s14+$0xC8A0];
	[tilespmem:s14+$0xB8A0] =	vst v22;
	v22 =	vmul.f32 v57, v58  }
0x23d: {  	v37 =	vld [tilespmem:s14+$0xC8B0];
	[tilespmem:s14+$0xB8B0] =	vst v23;
	v23 =	vmul.f32 v59, v58  }
0x23e: {  	v38 =	vld [tilespmem:s14+$0xC8C0];
	v39 =	vbroadcast v21, $0x4;
	[tilespmem:s14+$0xB8C0] =	vst v22;
	v22 =	vmul.f32 v60, v58  }
0x23f: {  	v41 =	vld [tilespmem:s14+$0xC8E0];
	[tilespmem:s14+$0xB8D0] =	vst v23;
	v23 =	vmul.f32 v61, v58  }
0x240: {  	v40 =	vld [tilespmem:s14+$0xC8D0];
	[tilespmem:s14+$0xB8E0] =	vst v22;
	v22 =	vmul.f32 v62, v39  }
0x241: {  	v42 =	vld [tilespmem:s14+$0xC8F0];
	[tilespmem:s14+$0xB8F0] =	vst v23;
	v23 =	vmul.f32 v63, v39  }
0x242: {  	v60 =	vld [tilespmem:s14+$0xE8F0];
	[tilespmem:s14+$0xC880] =	vst v22;
	v22 =	vmul.f32 v36, v39  }
0x243: {  	v43 =	vld [tilespmem:s14+$0xD880];
	[tilespmem:s14+$0xC890] =	vst v23;
	v23 =	vmul.f32 v37, v39  }
0x244: {  	v44 =	vld [tilespmem:s14+$0xD890];
	[tilespmem:s14+$0xC8A0] =	vst v22;
	v22 =	vmul.f32 v38, v39  }
0x245: {  	v45 =	vld [tilespmem:s14+$0xD8A0];
	v57 =	vbroadcast v21, $0x6;
	[tilespmem:s14+$0xC8B0] =	vst v23;
	v23 =	vmul.f32 v40, v39  }
0x246: {  	v46 =	vld [tilespmem:s14+$0xD8B0];
	v48 =	vbroadcast v21, $0x5;
	[tilespmem:s14+$0xC8C0] =	vst v22;
	v22 =	vmul.f32 v41, v39  }
0x247: {  	v47 =	vld [tilespmem:s14+$0xD8C0];
	v38 =	vbroadcast v21, $0x7;
	v21 =	vmul.f32 v60, v57;
	[tilespmem:s14+$0xC8D0] =	vst v23  }
0x248: {  	v50 =	vld [tilespmem:s14+$0xD8E0];
	[tilespmem:s14+$0xC8E0] =	vst v22;
	v22 =	vmul.f32 v43, v48  }
0x249: {  	v49 =	vld [tilespmem:s14+$0xD8D0];
	v23 =	vmul.f32 v42, v39;
	[tilespmem:s14+$0xE8F0] =	vst v21  }
0x24a: {  	v51 =	vld [tilespmem:s14+$0xD8F0];
	[tilespmem:s14+$0xD880] =	vst v22;
	v22 =	vmul.f32 v45, v48  }
0x24b: {  	v52 =	vld [tilespmem:s14+$0xE880];
	[tilespmem:s14+$0xC8F0] =	vst v23;
	v23 =	vmul.f32 v44, v48  }
0x24c: {  	v53 =	vld [tilespmem:s14+$0xE890];
	[tilespmem:s14+$0xD8A0] =	vst v22;
	v22 =	vmul.f32 v47, v48  }
0x24d: {  	v54 =	vld [tilespmem:s14+$0xE8A0];
	[tilespmem:s14+$0xD890] =	vst v23;
	v23 =	vmul.f32 v46, v48  }
0x24e: {  	v55 =	vld [tilespmem:s14+$0xE8B0];
	[tilespmem:s14+$0xD8C0] =	vst v22;
	v22 =	vmul.f32 v50, v48  }
0x24f: {  	v56 =	vld [tilespmem:s14+$0xE8C0];
	[tilespmem:s14+$0xD8B0] =	vst v23;
	v23 =	vmul.f32 v49, v48  }
0x250: {  	v59 =	vld [tilespmem:s14+$0xE8E0];
	[tilespmem:s14+$0xD8E0] =	vst v22;
	v22 =	vmul.f32 v52, v57  }
0x251: {  	v58 =	vld [tilespmem:s14+$0xE8D0];
	[tilespmem:s14+$0xD8D0] =	vst v23;
	v23 =	vmul.f32 v51, v48  }
0x252: {  	v61 =	vld [tilespmem:s14+$0xF880];
	[tilespmem:s14+$0xE880] =	vst v22;
	v22 =	vmul.f32 v54, v57  }
0x253: {  	v62 =	vld [tilespmem:s14+$0xF890];
	[tilespmem:s14+$0xD8F0] =	vst v23;
	v23 =	vmul.f32 v53, v57  }
0x254: {  	v63 =	vld [tilespmem:s14+$0xF8A0];
	[tilespmem:s14+$0xE8A0] =	vst v22;
	v22 =	vmul.f32 v56, v57  }
0x255: {  	v36 =	vld [tilespmem:s14+$0xF8B0];
	[tilespmem:s14+$0xE890] =	vst v23;
	v23 =	vmul.f32 v55, v57  }
0x256: {  	v37 =	vld [tilespmem:s14+$0xF8C0];
	[tilespmem:s14+$0xE8C0] =	vst v22;
	v22 =	vmul.f32 v59, v57  }
0x257: {  	v40 =	vld [tilespmem:s14+$0xF8F0];
	[tilespmem:s14+$0xE8B0] =	vst v23;
	v23 =	vmul.f32 v58, v57  }
0x258: {  	v21 =	vld [tilespmem:s14+$0x10900];
	[tilespmem:s14+$0xE8E0] =	vst v22;
	v22 =	vmul.f32 v61, v38  }
0x259: {  	v41 =	vmul.f32 v62, v38;
	[tilespmem:s14+$0xE8D0] =	vst v23;
	v23 =	vld [tilespmem:s14+$0xF8E0]  }
0x25a: {  	v39 =	vld [tilespmem:s14+$0xF8D0];
	[tilespmem:s14+$0xF880] =	vst v22;
	v22 =	vmul.f32 v63, v38  }
0x25b: {  	v42 =	vld [tilespmem:s14+$0x8900];
	[tilespmem:s14+$0xF890] =	vst v41;
	v43 =	vmul.f32 v36, v38  }
0x25c: {  	v44 =	vld [tilespmem:s14+$0x8910];
	[tilespmem:s14+$0xF8A0] =	vst v22;
	v22 =	vmul.f32 v37, v38  }
0x25d: {  	v24 =	vmul.f32 v40, v38;
	v45 =	vld [tilespmem:s14+$0x8920];
	[tilespmem:s14+$0xF8B0] =	vst v43  }
0x25e: {  	v47 =	vld [tilespmem:s14+$0x8930];
	[tilespmem:s14+$0xF8C0] =	vst v22;
	v22 =	vmul.f32 v23, v38;
	v23 =	vbroadcast v21, $0x0  }
0x25f: {  	v46 =	vmul.f32 v39, v38;
	[tilespmem:s14+$0xF8F0] =	vst v24;
	v48 =	vld [tilespmem:s14+$0x8940]  }
0x260: {  	v49 =	vld [tilespmem:s14+$0x8950];
	[tilespmem:s14+$0xF8E0] =	vst v22;
	v22 =	vmul.f32 v23, v42  }
0x261: {  	[tilespmem:s14+$0xF8D0] =	vst v46;
	v50 =	vld [tilespmem:s14+$0x8960];
	v51 =	vmul.f32 v44, v23  }
0x262: {  	v52 =	vld [tilespmem:s14+$0x8970];
	[tilespmem:s14+$0x8900] =	vst v22;
	v22 =	vmul.f32 v45, v23  }
0x263: {  	v53 =	vld [tilespmem:s14+$0x9900];
	v54 =	vmul.f32 v47, v23;
	[tilespmem:s14+$0x8910] =	vst v51  }
0x264: {  	v55 =	vld [tilespmem:s14+$0x9910];
	[tilespmem:s14+$0x8920] =	vst v22;
	v22 =	vmul.f32 v48, v23  }
0x265: {  	v56 =	vld [tilespmem:s14+$0x9920];
	v57 =	vmul.f32 v49, v23;
	[tilespmem:s14+$0x8930] =	vst v54  }
0x266: {  	v58 =	vld [tilespmem:s14+$0x9930];
	v59 =	vbroadcast v21, $0x1;
	[tilespmem:s14+$0x8940] =	vst v22;
	v22 =	vmul.f32 v50, v23  }
0x267: {  	v60 =	vld [tilespmem:s14+$0x9940];
	[tilespmem:s14+$0x8950] =	vst v57;
	v23 =	vmul.f32 v52, v23  }
0x268: {  	v61 =	vld [tilespmem:s14+$0x9950];
	[tilespmem:s14+$0x8960] =	vst v22;
	v22 =	vmul.f32 v53, v59  }
0x269: {  	v62 =	vld [tilespmem:s14+$0x9960];
	[tilespmem:s14+$0x8970] =	vst v23;
	v23 =	vmul.f32 v55, v59  }
0x26a: {  	v63 =	vld [tilespmem:s14+$0x9970];
	[tilespmem:s14+$0x9900] =	vst v22;
	v22 =	vmul.f32 v56, v59  }
0x26b: {  	v33 =	vld [tilespmem:s14+$0xA900];
	[tilespmem:s14+$0x9910] =	vst v23;
	v23 =	vmul.f32 v58, v59  }
0x26c: {  	v35 =	vld [tilespmem:s14+$0xA920];
	[tilespmem:s14+$0x9920] =	vst v22;
	v22 =	vmul.f32 v60, v59  }
0x26d: {  	v36 =	vld [tilespmem:s14+$0xA930];
	[tilespmem:s14+$0x9930] =	vst v23;
	v23 =	vmul.f32 v61, v59  }
0x26e: {  	v41 =	vld [tilespmem:s14+$0xA970];
	v37 =	vbroadcast v21, $0x2;
	[tilespmem:s14+$0x9940] =	vst v22;
	v22 =	vmul.f32 v62, v59  }
0x26f: {  	v38 =	vld [tilespmem:s14+$0xA940];
	[tilespmem:s14+$0x9950] =	vst v23;
	v23 =	vmul.f32 v63, v59  }
0x270: {  	v39 =	vld [tilespmem:s14+$0xA950];
	[tilespmem:s14+$0x9960] =	vst v22;
	v22 =	vmul.f32 v33, v37  }
0x271: {  	v40 =	vld [tilespmem:s14+$0xA960];
	[tilespmem:s14+$0x9970] =	vst v23;
	v23 =	vmul.f32 v34, v37  }
0x272: {  	v43 =	vld [tilespmem:s14+$0xB910];
	[tilespmem:s14+$0xA900] =	vst v22;
	v22 =	vmul.f32 v35, v37  }
0x273: {  	v42 =	vld [tilespmem:s14+$0xB900];
	[tilespmem:s14+$0xA910] =	vst v23;
	v23 =	vmul.f32 v36, v37  }
0x274: {  	v44 =	vld [tilespmem:s14+$0xB920];
	[tilespmem:s14+$0xA920] =	vst v22;
	v22 =	vmul.f32 v38, v37  }
0x275: {  	v47 =	vld [tilespmem:s14+$0xB940];
	[tilespmem:s14+$0xA930] =	vst v23;
	v23 =	vmul.f32 v39, v37  }
0x276: {  	v46 =	vbroadcast v21, $0x3;
	v45 =	vld [tilespmem:s14+$0xB930];
	[tilespmem:s14+$0xA940] =	vst v22;
	v22 =	vmul.f32 v40, v37  }
0x277: {  	v49 =	vld [tilespmem:s14+$0xB960];
	[tilespmem:s14+$0xA950] =	vst v23;
	v23 =	vmul.f32 v41, v37  }
0x278: {  	v48 =	vld [tilespmem:s14+$0xB950];
	[tilespmem:s14+$0xA960] =	vst v22;
	v22 =	vmul.f32 v42, v46  }
0x279: {  	v51 =	vld [tilespmem:s14+$0xC900];
	[tilespmem:s14+$0xA970] =	vst v23;
	v23 =	vmul.f32 v43, v46  }
0x27a: {  	v50 =	vld [tilespmem:s14+$0xB970];
	[tilespmem:s14+$0xB900] =	vst v22;
	v22 =	vmul.f32 v44, v46  }
0x27b: {  	v54 =	vld [tilespmem:s14+$0xC930];
	[tilespmem:s14+$0xB910] =	vst v23;
	v23 =	vmul.f32 v45, v46  }
0x27c: {  	v52 =	vld [tilespmem:s14+$0xC910];
	[tilespmem:s14+$0xB920] =	vst v22;
	v22 =	vmul.f32 v47, v46  }
0x27d: {  	v53 =	vld [tilespmem:s14+$0xC920];
	[tilespmem:s14+$0xB930] =	vst v23;
	v23 =	vmul.f32 v48, v46  }
0x27e: {  	v57 =	vld [tilespmem:s14+$0xC950];
	v55 =	vbroadcast v21, $0x4;
	[tilespmem:s14+$0xB940] =	vst v22;
	v22 =	vmul.f32 v49, v46  }
0x27f: {  	v56 =	vld [tilespmem:s14+$0xC940];
	[tilespmem:s14+$0xB950] =	vst v23;
	v23 =	vmul.f32 v50, v46  }
0x280: {  	v58 =	vld [tilespmem:s14+$0xC960];
	[tilespmem:s14+$0xB960] =	vst v22;
	v22 =	vmul.f32 v51, v55  }
0x281: {  	v60 =	vld [tilespmem:s14+$0xD900];
	[tilespmem:s14+$0xB970] =	vst v23;
	v23 =	vmul.f32 v52, v55  }
0x282: {  	v59 =	vld [tilespmem:s14+$0xC970];
	[tilespmem:s14+$0xC900] =	vst v22;
	v22 =	vmul.f32 v53, v55  }
0x283: {  	v61 =	vld [tilespmem:s14+$0xD910];
	[tilespmem:s14+$0xC910] =	vst v23;
	v23 =	vmul.f32 v54, v55  }
0x284: {  	v62 =	vld [tilespmem:s14+$0xD920];
	[tilespmem:s14+$0xC920] =	vst v22;
	v22 =	vmul.f32 v56, v55  }
0x285: {  	v63 =	vld [tilespmem:s14+$0xD930];
	[tilespmem:s14+$0xC930] =	vst v23;
	v23 =	vmul.f32 v57, v55  }
0x286: {  	v33 =	vbroadcast v21, $0x5;
	v34 =	vld [tilespmem:s14+$0xD940];
	[tilespmem:s14+$0xC940] =	vst v22;
	v22 =	vmul.f32 v58, v55  }
0x287: {  	v35 =	vld [tilespmem:s14+$0xD950];
	[tilespmem:s14+$0xC950] =	vst v23;
	v23 =	vmul.f32 v59, v55  }
0x288: {  	v36 =	vld [tilespmem:s14+$0xD960];
	[tilespmem:s14+$0xC960] =	vst v22;
	v22 =	vmul.f32 v60, v33  }
0x289: {  	v38 =	vld [tilespmem:s14+$0xE900];
	[tilespmem:s14+$0xC970] =	vst v23;
	v23 =	vmul.f32 v61, v33  }
0x28a: {  	v37 =	vld [tilespmem:s14+$0xD970];
	[tilespmem:s14+$0xD900] =	vst v22;
	v22 =	vmul.f32 v62, v33  }
0x28b: {  	v39 =	vld [tilespmem:s14+$0xE910];
	[tilespmem:s14+$0xD910] =	vst v23;
	v23 =	vmul.f32 v63, v33  }
0x28c: {  	v40 =	vld [tilespmem:s14+$0xE920];
	[tilespmem:s14+$0xD920] =	vst v22;
	v22 =	vmul.f32 v34, v33  }
0x28d: {  	v41 =	vld [tilespmem:s14+$0xE930];
	[tilespmem:s14+$0xD930] =	vst v23;
	v23 =	vmul.f32 v35, v33  }
0x28e: {  	v42 =	vbroadcast v21, $0x6;
	v43 =	vld [tilespmem:s14+$0xE940];
	[tilespmem:s14+$0xD940] =	vst v22;
	v22 =	vmul.f32 v36, v33  }
0x28f: {  	v44 =	vld [tilespmem:s14+$0xE950];
	[tilespmem:s14+$0xD950] =	vst v23;
	v23 =	vmul.f32 v37, v33  }
0x290: {  	v45 =	vld [tilespmem:s14+$0xE960];
	[tilespmem:s14+$0xD960] =	vst v22;
	v22 =	vmul.f32 v38, v42  }
0x291: {  	v47 =	vld [tilespmem:s14+$0xF900];
	[tilespmem:s14+$0xD970] =	vst v23;
	v23 =	vmul.f32 v39, v42  }
0x292: {  	v46 =	vld [tilespmem:s14+$0xE970];
	[tilespmem:s14+$0xE900] =	vst v22;
	v22 =	vmul.f32 v40, v42  }
0x293: {  	v48 =	vld [tilespmem:s14+$0xF910];
	[tilespmem:s14+$0xE910] =	vst v23;
	v23 =	vmul.f32 v41, v42  }
0x294: {  	v49 =	vld [tilespmem:s14+$0xF920];
	[tilespmem:s14+$0xE920] =	vst v22;
	v22 =	vmul.f32 v43, v42  }
0x295: {  	v50 =	vld [tilespmem:s14+$0xF930];
	[tilespmem:s14+$0xE930] =	vst v23;
	v23 =	vmul.f32 v44, v42  }
0x296: {  	v51 =	vbroadcast v21, $0x7;
	v52 =	vld [tilespmem:s14+$0xF940];
	[tilespmem:s14+$0xE940] =	vst v22;
	v22 =	vmul.f32 v45, v42  }
0x297: {  	v53 =	vld [tilespmem:s14+$0xF960];
	v21 =	vmul.f32 v46, v42;
	[tilespmem:s14+$0xE950] =	vst v23  }
0x298: {  	v23 =	vld [tilespmem:s14+$0xF950];
	[tilespmem:s14+$0xE960] =	vst v22;
	v22 =	vmul.f32 v47, v51  }
0x299: {  	v26 =	vmul.f32 v48, v51;
	[tilespmem:s14+$0xE970] =	vst v21;
	v21 =	vld [tilespmem:s14+$0x10980]  }
0x29a: {  	v54 =	vld [tilespmem:s14+$0xF970];
	[tilespmem:s14+$0xF900] =	vst v22;
	v22 =	vmul.f32 v49, v51  }
0x29b: {  	v25 =	vmul.f32 v50, v51;
	[tilespmem:s14+$0xF910] =	vst v26;
	v55 =	vld [tilespmem:s14+$0x8980]  }
0x29c: {  	v56 =	vld [tilespmem:s14+$0x8990];
	[tilespmem:s14+$0xF920] =	vst v22;
	v22 =	vmul.f32 v52, v51  }
0x29d: {  	v57 =	vld [tilespmem:s14+$0x89A0];
	[tilespmem:s14+$0xF930] =	vst v25;
	v23 =	vmul.f32 v23, v51  }
0x29e: {  	v59 =	vld [tilespmem:s14+$0x89B0];
	v58 =	vbroadcast v21, $0x0;
	[tilespmem:s14+$0xF940] =	vst v22;
	v22 =	vmul.f32 v53, v51  }
0x29f: {  	v60 =	vld [tilespmem:s14+$0x89C0];
	[tilespmem:s14+$0xF950] =	vst v23;
	v23 =	vmul.f32 v54, v51  }
0x2a0: {  	v61 =	vld [tilespmem:s14+$0x89D0];
	[tilespmem:s14+$0xF960] =	vst v22;
	v22 =	vmul.f32 v58, v55  }
0x2a1: {  	v62 =	vld [tilespmem:s14+$0x89E0];
	[tilespmem:s14+$0xF970] =	vst v23;
	v23 =	vmul.f32 v56, v58  }
0x2a2: {  	v63 =	vld [tilespmem:s14+$0x89F0];
	[tilespmem:s14+$0x8980] =	vst v22;
	v22 =	vmul.f32 v57, v58  }
0x2a3: {  	v33 =	vld [tilespmem:s14+$0x9980];
	[tilespmem:s14+$0x8990] =	vst v23;
	v23 =	vmul.f32 v59, v58  }
0x2a4: {  	v34 =	vld [tilespmem:s14+$0x9990];
	[tilespmem:s14+$0x89A0] =	vst v22;
	v22 =	vmul.f32 v60, v58  }
0x2a5: {  	v35 =	vld [tilespmem:s14+$0x99A0];
	[tilespmem:s14+$0x89B0] =	vst v23;
	v23 =	vmul.f32 v61, v58  }
0x2a6: {  	v36 =	vbroadcast v21, $0x1;
	v37 =	vld [tilespmem:s14+$0x99B0];
	[tilespmem:s14+$0x89C0] =	vst v22;
	v22 =	vmul.f32 v62, v58  }
0x2a7: {  	v38 =	vld [tilespmem:s14+$0x99C0];
	[tilespmem:s14+$0x89D0] =	vst v23;
	v23 =	vmul.f32 v63, v58  }
0x2a8: {  	v39 =	vld [tilespmem:s14+$0x99D0];
	[tilespmem:s14+$0x89E0] =	vst v22;
	v22 =	vmul.f32 v33, v36  }
0x2a9: {  	v40 =	vld [tilespmem:s14+$0x99E0];
	[tilespmem:s14+$0x89F0] =	vst v23;
	v23 =	vmul.f32 v34, v36  }
0x2aa: {  	v41 =	vld [tilespmem:s14+$0x99F0];
	[tilespmem:s14+$0x9980] =	vst v22;
	v22 =	vmul.f32 v35, v36  }
0x2ab: {  	v42 =	vld [tilespmem:s14+$0xA980];
	[tilespmem:s14+$0x9990] =	vst v23;
	v23 =	vmul.f32 v37, v36  }
0x2ac: {  	v43 =	vld [tilespmem:s14+$0xA990];
	[tilespmem:s14+$0x99A0] =	vst v22;
	v22 =	vmul.f32 v38, v36  }
0x2ad: {  	v44 =	vld [tilespmem:s14+$0xA9A0];
	[tilespmem:s14+$0x99B0] =	vst v23;
	v23 =	vmul.f32 v39, v36  }
0x2ae: {  	v46 =	vld [tilespmem:s14+$0xA9B0];
	v45 =	vbroadcast v21, $0x2;
	[tilespmem:s14+$0x99C0] =	vst v22;
	v22 =	vmul.f32 v40, v36  }
0x2af: {  	v47 =	vld [tilespmem:s14+$0xA9C0];
	[tilespmem:s14+$0x99D0] =	vst v23;
	v23 =	vmul.f32 v41, v36  }
0x2b0: {  	v48 =	vld [tilespmem:s14+$0xA9D0];
	[tilespmem:s14+$0x99E0] =	vst v22;
	v22 =	vmul.f32 v42, v45  }
0x2b1: {  	v49 =	vld [tilespmem:s14+$0xA9E0];
	[tilespmem:s14+$0x99F0] =	vst v23;
	v23 =	vmul.f32 v43, v45  }
0x2b2: {  	v50 =	vld [tilespmem:s14+$0xA9F0];
	[tilespmem:s14+$0xA980] =	vst v22;
	v22 =	vmul.f32 v44, v45  }
0x2b3: {  	v51 =	vld [tilespmem:s14+$0xB980];
	[tilespmem:s14+$0xA990] =	vst v23;
	v23 =	vmul.f32 v46, v45  }
0x2b4: {  	v52 =	vld [tilespmem:s14+$0xB990];
	[tilespmem:s14+$0xA9A0] =	vst v22;
	v22 =	vmul.f32 v47, v45  }
0x2b5: {  	v53 =	vld [tilespmem:s14+$0xB9A0];
	[tilespmem:s14+$0xA9B0] =	vst v23;
	v23 =	vmul.f32 v48, v45  }
0x2b6: {  	v54 =	vbroadcast v21, $0x3;
	v55 =	vld [tilespmem:s14+$0xB9B0];
	[tilespmem:s14+$0xA9C0] =	vst v22;
	v22 =	vmul.f32 v49, v45  }
0x2b7: {  	v56 =	vld [tilespmem:s14+$0xB9C0];
	[tilespmem:s14+$0xA9D0] =	vst v23;
	v23 =	vmul.f32 v50, v45  }
0x2b8: {  	v57 =	vld [tilespmem:s14+$0xB9D0];
	[tilespmem:s14+$0xA9E0] =	vst v22;
	v22 =	vmul.f32 v51, v54  }
0x2b9: {  	v58 =	vld [tilespmem:s14+$0xB9E0];
	[tilespmem:s14+$0xA9F0] =	vst v23;
	v23 =	vmul.f32 v52, v54  }
0x2ba: {  	v59 =	vld [tilespmem:s14+$0xB9F0];
	[tilespmem:s14+$0xB980] =	vst v22;
	v22 =	vmul.f32 v53, v54  }
0x2bb: {  	v60 =	vld [tilespmem:s14+$0xC980];
	[tilespmem:s14+$0xB990] =	vst v23;
	v23 =	vmul.f32 v55, v54  }
0x2bc: {  	v61 =	vld [tilespmem:s14+$0xC990];
	[tilespmem:s14+$0xB9A0] =	vst v22;
	v22 =	vmul.f32 v56, v54  }
0x2bd: {  	v62 =	vld [tilespmem:s14+$0xC9A0];
	[tilespmem:s14+$0xB9B0] =	vst v23;
	v23 =	vmul.f32 v57, v54  }
0x2be: {  	v63 =	vbroadcast v21, $0x4;
	v33 =	vld [tilespmem:s14+$0xC9B0];
	[tilespmem:s14+$0xB9C0] =	vst v22;
	v22 =	vmul.f32 v58, v54  }
0x2bf: {  	v34 =	vld [tilespmem:s14+$0xC9C0];
	[tilespmem:s14+$0xB9D0] =	vst v23;
	v23 =	vmul.f32 v59, v54  }
0x2c0: {  	v35 =	vld [tilespmem:s14+$0xC9D0];
	[tilespmem:s14+$0xB9E0] =	vst v22;
	v22 =	vmul.f32 v60, v63  }
0x2c1: {  	v36 =	vld [tilespmem:s14+$0xC9E0];
	[tilespmem:s14+$0xB9F0] =	vst v23;
	v23 =	vmul.f32 v61, v63  }
0x2c2: {  	v37 =	vld [tilespmem:s14+$0xC9F0];
	[tilespmem:s14+$0xC980] =	vst v22;
	v22 =	vmul.f32 v62, v63  }
0x2c3: {  	v38 =	vld [tilespmem:s14+$0xD980];
	[tilespmem:s14+$0xC990] =	vst v23;
	v23 =	vmul.f32 v33, v63  }
0x2c4: {  	v39 =	vld [tilespmem:s14+$0xD990];
	[tilespmem:s14+$0xC9A0] =	vst v22;
	v22 =	vmul.f32 v34, v63  }
0x2c5: {  	v40 =	vld [tilespmem:s14+$0xD9A0];
	[tilespmem:s14+$0xC9B0] =	vst v23;
	v23 =	vmul.f32 v35, v63  }
0x2c6: {  	v41 =	vbroadcast v21, $0x5;
	v42 =	vld [tilespmem:s14+$0xD9B0];
	[tilespmem:s14+$0xC9C0] =	vst v22;
	v22 =	vmul.f32 v36, v63  }
0x2c7: {  	v43 =	vld [tilespmem:s14+$0xD9C0];
	[tilespmem:s14+$0xC9D0] =	vst v23;
	v23 =	vmul.f32 v37, v63  }
0x2c8: {  	v44 =	vld [tilespmem:s14+$0xD9D0];
	[tilespmem:s14+$0xC9E0] =	vst v22;
	v22 =	vmul.f32 v38, v41  }
0x2c9: {  	v45 =	vld [tilespmem:s14+$0xD9E0];
	[tilespmem:s14+$0xC9F0] =	vst v23;
	v23 =	vmul.f32 v39, v41  }
0x2ca: {  	v46 =	vld [tilespmem:s14+$0xD9F0];
	[tilespmem:s14+$0xD980] =	vst v22;
	v22 =	vmul.f32 v40, v41  }
0x2cb: {  	v47 =	vld [tilespmem:s14+$0xE980];
	[tilespmem:s14+$0xD990] =	vst v23;
	v23 =	vmul.f32 v42, v41  }
0x2cc: {  	v48 =	vld [tilespmem:s14+$0xE990];
	[tilespmem:s14+$0xD9A0] =	vst v22;
	v22 =	vmul.f32 v43, v41  }
0x2cd: {  	v49 =	vld [tilespmem:s14+$0xE9A0];
	[tilespmem:s14+$0xD9B0] =	vst v23;
	v23 =	vmul.f32 v44, v41  }
0x2ce: {  	v50 =	vbroadcast v21, $0x6;
	v51 =	vld [tilespmem:s14+$0xE9B0];
	[tilespmem:s14+$0xD9C0] =	vst v22;
	v22 =	vmul.f32 v45, v41  }
0x2cf: {  	v52 =	vld [tilespmem:s14+$0xE9C0];
	[tilespmem:s14+$0xD9D0] =	vst v23;
	v23 =	vmul.f32 v46, v41  }
0x2d0: {  	v53 =	vld [tilespmem:s14+$0xE9D0];
	[tilespmem:s14+$0xD9E0] =	vst v22;
	v22 =	vmul.f32 v47, v50  }
0x2d1: {  	v54 =	vld [tilespmem:s14+$0xE9E0];
	[tilespmem:s14+$0xD9F0] =	vst v23;
	v23 =	vmul.f32 v48, v50  }
0x2d2: {  	v55 =	vld [tilespmem:s14+$0xE9F0];
	[tilespmem:s14+$0xE980] =	vst v22;
	v22 =	vmul.f32 v49, v50  }
0x2d3: {  	v56 =	vld [tilespmem:s14+$0xF980];
	[tilespmem:s14+$0xE990] =	vst v23;
	v23 =	vmul.f32 v51, v50  }
0x2d4: {  	v57 =	vld [tilespmem:s14+$0xF990];
	[tilespmem:s14+$0xE9A0] =	vst v22;
	v22 =	vmul.f32 v52, v50  }
0x2d5: {  	v58 =	vld [tilespmem:s14+$0xF9A0];
	[tilespmem:s14+$0xE9B0] =	vst v23;
	v23 =	vmul.f32 v53, v50  }
0x2d6: {  	v21 =	vbroadcast v21, $0x7;
	v59 =	vld [tilespmem:s14+$0xF9B0];
	[tilespmem:s14+$0xE9C0] =	vst v22;
	v22 =	vmul.f32 v54, v50  }
0x2d7: {  	v60 =	vld [tilespmem:s14+$0xF9C0];
	[tilespmem:s14+$0xE9D0] =	vst v23;
	v23 =	vmul.f32 v55, v50  }
0x2d8: {  	v61 =	vld [tilespmem:s14+$0xF9D0];
	[tilespmem:s14+$0xE9E0] =	vst v22;
	v22 =	vmul.f32 v56, v21  }
0x2d9: {  	v62 =	vld [tilespmem:s14+$0xF9E0];
	[tilespmem:s14+$0xE9F0] =	vst v23;
	v23 =	vmul.f32 v57, v21  }
0x2da: {  	v63 =	vld [tilespmem:s14+$0xF9F0];
	[tilespmem:s14+$0xF980] =	vst v22;
	v22 =	vmul.f32 v58, v21  }
0x2db: {  	[tilespmem:s14+$0xF990] =	vst v23;
	v23 =	vmul.f32 v59, v21  }
0x2dc: {  	p0 =	slt.u32 s13, $0x1C;
	[tilespmem:s14+$0xF9A0] =	vst v22;
	v22 =	vmul.f32 v60, v21  }
.Ltmp6:
0x2dd: {  	[tilespmem:s14+$0xF9B0] =	vst v23;
	v23 =	vmul.f32 v61, v21;
	(pc) =	sbr.rel @p0 .LBB2_7-.Ltmp6, $4  }
0x2de: {  	[tilespmem:s14+$0xF9C0] =	vst v22;
	v22 =	vmul.f32 v62, v21  }
0x2df: {  	[tilespmem:s14+$0xF9D0] =	vst v23;
	v21 =	vmul.f32 v63, v21  }
0x2e0: {  	[tilespmem:s14+$0xF9E0] =	vst v22  }
0x2e1: {  	s13 =	sadd.s32 $0x4, s13;
	[tilespmem:s14+$0xF9F0] =	vst v21  }
0x2e2: {  	s13 =	rddreg [dreg:$0x2]  }
0x2e3: {  	[spmem:s13] =	stream.indirect.scatter.add.f32 [tilespmem:s29], [sflag:$0x3], $0x80, s8, s24, $0xb8;
	[tilespmem:$0x13C00] =	vst v63  }
0x2e4: {  	s14 =	rddreg [dreg:$0x3]  }
0x2e5: {  	[spmem:s14] =	stream.indirect.scatter.add.f32 [tilespmem:s30], [sflag:$0x3], $0x80, s8, s24, $0xb8;
	[tilespmem:$0x13C00] =	vst v63  }
0x2e6: {  	s14 =	rddreg [dreg:$0x4]  }
0x2e7: {  	[spmem:s14] =	stream.indirect.scatter.add.f32 [tilespmem:s31], [sflag:$0x3], $0x80, s8, s24, $0xb8;
	[tilespmem:$0x13C00] =	vst v63  }
0x2e8: {  	s14 =	rddreg [dreg:$0x5]  }
0x2e9: {  	[spmem:s14] =	stream.indirect.scatter.add.f32 [tilespmem:s12], [sflag:$0x3], $0x80, s8, s24, $0xb8;
	[tilespmem:$0x13C00] =	vst v63  }
0x2ea: {  	s14 =	rddreg [dreg:$0x6]  }
0x2eb: {  	[spmem:s14] =	stream.indirect.scatter.add.f32 [tilespmem:s0], [sflag:$0x3], $0x80, s8, s24, $0xb8;
	[tilespmem:$0x13C00] =	vst v63  }
0x2ec: {  	s14 =	rddreg [dreg:$0x7]  }
0x2ed: {  	[spmem:s14] =	stream.indirect.scatter.add.f32 [tilespmem:s1], [sflag:$0x3], $0x80, s8, s24, $0xb8;
	[tilespmem:$0x13C00] =	vst v63  }
0x2ee: {  	s14 =	rddreg [dreg:$0x8]  }
0x2ef: {  	[spmem:s14] =	stream.indirect.scatter.add.f32 [tilespmem:s2], [sflag:$0x3], $0x80, s8, s24, $0xb8;
	[tilespmem:$0x13C00] =	vst v63  }
0x2f0: {  	s14 =	rddreg [dreg:$0x9]  }
0x2f1: {  	[spmem:s14] =	stream.indirect.scatter.add.f32 [tilespmem:s3], [sflag:$0x3], $0x80, s8, s24, $0xb8;
	[tilespmem:$0x13C00] =	vst v63  }
0x2f2: {  	s14 =	rddreg [dreg:$0xa]  }
0x2f3: {  	[spmem:s14] =	stream.indirect.scatter.add.f32 [tilespmem:s4], [sflag:$0x3], $0x80, s8, s24, $0xb8;
	[tilespmem:$0x13C00] =	vst v63  }
0x2f4: {  	_ =	swait.ge [sflag:s9], $0x1000  }
0x2f5: {  	[sflag:s9] =	ssyncset.done $0x0  }
0x2f6: {  	[sflag:s9] =	ssyncadd.s32 $0xFFFFF000  }
0x2f7: {  	_ =	swait.ge [sflag:s9], $0x1000  }
0x2f8: {  	[sflag:s9] =	ssyncset.done $0x0  }
0x2f9: {  	[sflag:s9] =	ssyncadd.s32 $0xFFFFF000  }
0x2fa: {  	_ =	swait.ge [sflag:s9], $0x1000  }
0x2fb: {  	[sflag:s9] =	ssyncset.done $0x0  }
0x2fc: {  	[sflag:s9] =	ssyncadd.s32 $0xFFFFF000  }
0x2fd: {  	_ =	swait.ge [sflag:s9], $0x1000  }
0x2fe: {  	[sflag:s9] =	ssyncset.done $0x0  }
0x2ff: {  	[sflag:s9] =	ssyncadd.s32 $0xFFFFF000  }
0x300: {  	_ =	swait.ge [sflag:s9], $0x1000  }
0x301: {  	[sflag:s9] =	ssyncset.done $0x0  }
0x302: {  	[sflag:s9] =	ssyncadd.s32 $0xFFFFF000  }
0x303: {  	_ =	swait.ge [sflag:s9], $0x1000  }
0x304: {  	[sflag:s9] =	ssyncset.done $0x0  }
0x305: {  	[sflag:s9] =	ssyncadd.s32 $0xFFFFF000  }
0x306: {  	_ =	swait.ge [sflag:s9], $0x1000  }
0x307: {  	[sflag:s9] =	ssyncset.done $0x0  }
0x308: {  	s10 =	sadd.s32 $0x1, s10;
	[sflag:s9] =	ssyncadd.s32 $0xFFFFF000  }
0x309: {  	p0 =	sne.s32 s10, s11;
	_ =	swait.ge [sflag:s9], $0x1000  }
.Ltmp7:
0x30a: {  	[sflag:s9] =	ssyncset.done $0x0;
	(pc) =	sbr.rel @p0 .LBB2_6-.Ltmp7, $4  }
.Ltmp8:
0x30b: {  	[sflag:s9] =	ssyncadd.s32 $0xFFFFF000;
	(pc) =	sbr.rel @!p0 .LBB2_9-.Ltmp8, $4  }
0x30c: {  	_ =	swait.ge [sflag:s9], $0x1000  }
0x30d: {  	[sflag:s9] =	ssyncset.done $0x0  }
0x30e: {  	[sflag:s9] =	ssyncadd.s32 $0xFFFFF000  }
0x30f: {  	_ = 	snop  }
.LBB2_11:
0x310: {  	_ =	sfence.sel $0x180000  }
0x311: {  	[bflag:$0x0] =	sbarrier.arrive $0xFFFF  }
0x312: {  	_ =	strace $0x90000047  }
0x313: {  	s0 =	stileid.u32;
	[bflag:$0x2] =	sbarrier.arrive $0xFFFF  }
0x314: {  	p0 =	sne.s32 s0, $0x0;
	s0 =	rddreg [dreg:$0xb]  }
0x315: {  	s0 =	sadd.s32 @!p0 $0x100000, s0  }
0x316: {  	[sflag:s0] =	ssyncadd.tile.s32 @!p0 $0x1;
	_ =	shalt  }
.Lfunc_end2:
_tile_overlayer_lowered:
.L_overlay_start_2:
0x317: {  	(tag) =	ssettag $0x2  }
0x318: {  	s0 =	rddreg [dreg:$0x0];
	s2 =	stileid.u32  }
0x319: {  	s1 =	rddreg [dreg:$0x1];
	p0 =	sne.s32 s2, $0x0  }
0x31a: {  	s3 =	rddreg [dreg:$0x2];
	[bflag:$0x3] =	sbarrier.arrive $0xFFFF;
	s2 =	simm.s32 @!p0 $0x1C04  }
0x31b: {  	[timem:s3], [sflag:s2] =	dma.local @!p0 [hbm:s0], s1  }
0x31c: {  	s0 =	simm.s32 @!p0 $0x4  }
0x31d: {  	_ =	swait.ge @!p0 [sflag:s0], s1  }
0x31e: {  	s1 =	ssub.s32 @!p0 $0x0, s1;
	[sflag:s0] =	ssyncset.done @!p0 $0x0  }
0x31f: {  	[sflag:s0] =	ssyncadd.s32 @!p0 s1  }
0x320: {  	[bflag:$0x3] =	sbarrier.arrive $0xFFFF  }
0x321: {  	_ =	shalt  }

</sc_bundles>
